<compile_context>
chip_gen: v7x
topology: tpu7x:2x2x1
jax: 0.10.2.dev20260603
libtpu: 0.0.44.dev20260713+nightly
codegen_flags: <defaults>
</compile_context>

<pallas_src>
import jax
import jax.numpy as jnp
from jax import lax
from jax.experimental import pallas as pl
from jax.experimental.pallas import tpu as pltpu
from jax.experimental.pallas import tpu_sc as plsc

N_NODES = 10000
N_EDGES = 320000
D = 128
DH = 64
N_PAD = 10112
CHUNK = 128
NT = 16
ROWS_PER_TILE = N_PAD // NT

E_PAD = 327680
DEG_CHUNKS = 80
AGG_CHUNKS = 160
NBUF = 5

_MESH = plsc.VectorSubcoreMesh(core_axis_name="c", subcore_axis_name="s")


def _tile_1d_ranges(s, fn):
    @pl.when(s < NT - 1)
    def _():
        fn(s * 640, 640)

    @pl.when(s == NT - 1)
    def _():
        fn((NT - 1) * 640, N_PAD - (NT - 1) * 640)


def _deg_body(dst_hbm, zeros_hbm, ones_hbm, deg_out_a, deg_out_b,
              dst_v, ones_v, deg_sh, deg_sem):
    c = lax.axis_index("c")
    s = lax.axis_index("s")
    w = c * NT + s
    _tile_1d_ranges(s, lambda lo, n: pltpu.sync_copy(
        zeros_hbm.at[pl.ds(lo, n)], deg_sh.at[pl.ds(lo, n)]))
    pltpu.sync_copy(ones_hbm, ones_v)
    pltpu.sync_copy(dst_hbm.at[w], dst_v)
    plsc.subcore_barrier()

    def body(j, carry):
        pltpu.async_copy(ones_v, deg_sh.at[dst_v.at[j]], deg_sem, add=True)
        return carry

    lax.fori_loop(0, DEG_CHUNKS, body, 0)

    def drain(j, carry):
        pltpu.make_async_copy(ones_v, deg_sh.at[dst_v.at[j]], deg_sem).wait()
        return carry

    lax.fori_loop(0, DEG_CHUNKS, drain, 0)
    plsc.subcore_barrier()

    @pl.when(c == 0)
    def _():
        _tile_1d_ranges(s, lambda lo, n: pltpu.sync_copy(
            deg_sh.at[pl.ds(lo, n)], deg_out_a.at[pl.ds(lo, n)]))

    @pl.when(c == 1)
    def _():
        _tile_1d_ranges(s, lambda lo, n: pltpu.sync_copy(
            deg_sh.at[pl.ds(lo, n)], deg_out_b.at[pl.ds(lo, n)]))


_deg_call = pl.kernel(
    _deg_body,
    out_type=(jax.ShapeDtypeStruct((N_PAD,), jnp.float32),
              jax.ShapeDtypeStruct((N_PAD,), jnp.float32)),
    mesh=_MESH,
    scratch_types=[
        pltpu.VMEM((DEG_CHUNKS, CHUNK), jnp.int32),
        pltpu.VMEM((CHUNK,), jnp.float32),
        pltpu.VMEM_SHARED((N_PAD,), jnp.float32),
        pltpu.SemaphoreType.DMA,
    ],
)


def _agg_body(h0_hbm, h1_hbm, src_hbm, dst_hbm, deg_a_hbm, deg_b_hbm, b_hbm,
              out_hbm, src_v, dst_v, rows0, rows1, rows2, rows3, rows4,
              deg_va, deg_vb, dis_v, b_v, agg_sh, *sems):
    rows = (rows0, rows1, rows2, rows3, rows4)
    gsem = sems[:NBUF]
    ssem = sems[NBUF:]
    c = lax.axis_index("c")
    s = lax.axis_index("s")

    def zbody(i, carry):
        for j in range(DH // 16):
            rows0[i, pl.ds(j * 16, 16)] = jnp.zeros((16,), jnp.float32)
        return carry

    lax.fori_loop(0, CHUNK, zbody, 0)
    r0 = s * ROWS_PER_TILE
    nfull = ROWS_PER_TILE // CHUNK
    for k in range(nfull):
        pltpu.sync_copy(rows0, agg_sh.at[pl.ds(r0 + k * CHUNK, CHUNK)])
    rem = ROWS_PER_TILE % CHUNK
    if rem:
        pltpu.sync_copy(rows0.at[pl.ds(0, rem)],
                        agg_sh.at[pl.ds(r0 + nfull * CHUNK, rem)])
    pltpu.sync_copy(src_hbm.at[s], src_v)
    pltpu.sync_copy(dst_hbm.at[s], dst_v)
    plsc.subcore_barrier()

    def edge_loop(h_hbm):
        def start_g(t, b):
            pltpu.async_copy(h_hbm.at[src_v.at[t]], rows[b], gsem[b])

        def wait_g(t, b):
            pltpu.make_async_copy(h_hbm.at[src_v.at[t]], rows[b],
                                  gsem[b]).wait()

        def start_s(t, b):
            pltpu.async_copy(rows[b], agg_sh.at[dst_v.at[t]], ssem[b],
                             add=True)

        def wait_s(t, b):
            pltpu.make_async_copy(rows[b], agg_sh.at[dst_v.at[t]],
                                  ssem[b]).wait()

        def slot(t, b, with_ws, with_sg):
            wait_g(t, b)
            start_s(t, b)
            if with_ws:
                wait_s(t - 2, (b + 3) % NBUF)
            if with_sg:
                start_g(t + 3, (b + 3) % NBUF)

        start_g(0, 0)
        start_g(1, 1)
        start_g(2, 2)
        slot(0, 0, False, True)
        slot(1, 1, False, True)
        slot(2, 2, True, True)
        slot(3, 3, True, True)
        slot(4, 4, True, True)

        def round_body(g, carry):
            t0 = g * NBUF
            for b in range(NBUF):
                slot(t0 + b, b, True, True)
            return carry

        lax.fori_loop(1, AGG_CHUNKS // NBUF - 1, round_body, 0)
        t0 = AGG_CHUNKS - NBUF
        slot(t0 + 0, 0, True, True)
        slot(t0 + 1, 1, True, True)
        slot(t0 + 2, 2, True, False)
        slot(t0 + 3, 3, True, False)
        slot(t0 + 4, 4, True, False)
        wait_s(AGG_CHUNKS - 2, (AGG_CHUNKS - 2) % NBUF)
        wait_s(AGG_CHUNKS - 1, (AGG_CHUNKS - 1) % NBUF)

    @pl.when(c == 0)
    def _():
        edge_loop(h0_hbm)

    @pl.when(c == 1)
    def _():
        edge_loop(h1_hbm)

    plsc.subcore_barrier()

    off = jnp.where(s == NT - 1, 8, 0)
    lo = r0 - off
    pltpu.sync_copy(deg_a_hbm.at[pl.ds(lo, 640)], deg_va)
    pltpu.sync_copy(deg_b_hbm.at[pl.ds(lo, 640)], deg_vb)
    pltpu.sync_copy(b_hbm, b_v)

    def newton(k, carry):
        da = deg_va[pl.ds(k * 16, 16)] + deg_vb[pl.ds(k * 16, 16)]
        xi = plsc.bitcast(da, jnp.int32)
        yi = jnp.int32(0x5F3759DF) - lax.shift_right_logical(xi, 1)
        y = plsc.bitcast(yi, jnp.float32)
        for _ in range(4):
            y = y * (1.5 - 0.5 * da * y * y)
        dis_v[pl.ds(k * 16, 16)] = jnp.where(da > 0, y, 0.0)
        return carry

    lax.fori_loop(0, 640 // 16, newton, 0)
    bvs = [b_v[pl.ds(c * DH + j * 16, 16)] for j in range(DH // 16)]

    FB = 79

    def wr(start, rows_n):
        @pl.when(c == 0)
        def _():
            pltpu.sync_copy(rows0.at[pl.ds(0, rows_n)],
                            out_hbm.at[pl.ds(start, rows_n), pl.ds(0, DH)])

        @pl.when(c == 1)
        def _():
            pltpu.sync_copy(rows0.at[pl.ds(0, rows_n)],
                            out_hbm.at[pl.ds(start, rows_n), pl.ds(DH, DH)])

    for blk in range(ROWS_PER_TILE // FB):
        row_off = blk * FB
        start = r0 + row_off
        pltpu.sync_copy(agg_sh.at[pl.ds(start, FB)], rows0.at[pl.ds(0, FB)])

        def rowfix(r, carry):
            db = plsc.load_gather(
                dis_v, [jnp.full((16,), off + row_off, jnp.int32) + r])
            for j in range(DH // 16):
                v = rows0[r, pl.ds(j * 16, 16)]
                rows0[r, pl.ds(j * 16, 16)] = jnp.maximum(v * db + bvs[j], 0.0)
            return carry

        lax.fori_loop(0, FB, rowfix, 0)

        @pl.when(start + FB <= N_NODES)
        def _():
            wr(start, FB)

        @pl.when(jnp.logical_and(start < N_NODES, start + FB > N_NODES))
        def _():
            wr(start, N_NODES - (15 * ROWS_PER_TILE + 6 * FB))


_agg_call = pl.kernel(
    _agg_body,
    out_type=jax.ShapeDtypeStruct((N_NODES, D), jnp.float32),
    mesh=_MESH,
    scratch_types=[
        pltpu.VMEM((AGG_CHUNKS, CHUNK), jnp.int32),
        pltpu.VMEM((AGG_CHUNKS, CHUNK), jnp.int32),
        pltpu.VMEM((CHUNK, DH), jnp.float32),
        pltpu.VMEM((CHUNK, DH), jnp.float32),
        pltpu.VMEM((CHUNK, DH), jnp.float32),
        pltpu.VMEM((CHUNK, DH), jnp.float32),
        pltpu.VMEM((CHUNK, DH), jnp.float32),
        pltpu.VMEM((640,), jnp.float32),
        pltpu.VMEM((640,), jnp.float32),
        pltpu.VMEM((640,), jnp.float32),
        pltpu.VMEM((D,), jnp.float32),
        pltpu.VMEM_SHARED((N_PAD, DH), jnp.float32),
    ] + [pltpu.SemaphoreType.DMA] * (2 * NBUF),
    compiler_params=pltpu.CompilerParams(use_tc_tiling_on_sc=False,
                                         needs_layout_passes=False),
)

BLK = N_PAD


def _mm_body(x_ref, w_ref, deg_a_ref, deg_b_ref, h0_ref, h1_ref):
    h = jnp.dot(x_ref[...], w_ref[...], preferred_element_type=jnp.float32)
    deg = deg_a_ref[pl.ds(0, N_NODES)] + deg_b_ref[pl.ds(0, N_NODES)]
    dis = jnp.where(deg > 0, lax.rsqrt(jnp.maximum(deg, 1e-12)), 0.0)
    hp = h * dis[:, None]
    h0_ref[pl.ds(0, N_NODES), :] = hp[:, :DH]
    h1_ref[pl.ds(0, N_NODES), :] = hp[:, DH:]
    pad = jnp.zeros((N_PAD - N_NODES, DH), jnp.float32)
    h0_ref[pl.ds(N_NODES, N_PAD - N_NODES), :] = pad
    h1_ref[pl.ds(N_NODES, N_PAD - N_NODES), :] = pad


def _mm_call(x, W, deg_a, deg_b):
    return pl.pallas_call(
        _mm_body,
        grid=(1,),
        in_specs=[
            pl.BlockSpec((N_NODES, D), lambda i: (0, 0)),
            pl.BlockSpec((D, D), lambda i: (0, 0)),
            pl.BlockSpec((N_PAD,), lambda i: (0,)),
            pl.BlockSpec((N_PAD,), lambda i: (0,)),
        ],
        out_specs=[
            pl.BlockSpec((N_PAD, DH), lambda i: (0, 0)),
            pl.BlockSpec((N_PAD, DH), lambda i: (0, 0)),
        ],
        out_shape=[
            jax.ShapeDtypeStruct((N_PAD, DH), jnp.float32),
            jax.ShapeDtypeStruct((N_PAD, DH), jnp.float32),
        ],
    )(x, W, deg_a, deg_b)


def kernel(x, edge_index, W, b):
    src = edge_index[0]
    dst = edge_index[1]
    pad_n = E_PAD - N_EDGES
    pad_idx = N_NODES + (jnp.arange(pad_n, dtype=jnp.int32) % (N_PAD - N_NODES))
    srcp = jnp.concatenate([src, pad_idx])
    dstp = jnp.concatenate([dst, pad_idx])
    dst_deg = dstp.reshape(32, DEG_CHUNKS, CHUNK)
    src_agg = srcp.reshape(NT, AGG_CHUNKS, CHUNK)
    dst_agg = dstp.reshape(NT, AGG_CHUNKS, CHUNK)
    zeros_n = jnp.zeros((N_PAD,), jnp.float32)
    ones_c = jnp.ones((CHUNK,), jnp.float32)

    deg_a, deg_b = _deg_call(dst_deg, zeros_n, ones_c)
    h0, h1 = _mm_call(x, W, deg_a, deg_b)
    return _agg_call(h0, h1, src_agg, dst_agg, deg_a, deg_b, b)

# --- scband reference (transcript-rebuilt; emitter-appended) ---
"""Pipeline reference for scband-gnnagg-on-disk-54288386621531 (READ-ONLY COPY).

The authoritative reference and input builder live on the scoring server;
editing this copy changes nothing except your own understanding.
"""

import jax, jax.numpy as jnp
import numpy as np

N_NODES = 10000
N_EDGES = 320000
D_FEAT = 128


def setup_inputs(seed: int = 0) -> dict:
    key = jax.random.key(seed)
    k1, k2, k3 = jax.random.split(key, 3)
    x = jax.random.normal(k1, (N_NODES, D_FEAT), dtype=jnp.float32)
    edge_index = jax.random.randint(k2, (2, N_EDGES), 0, N_NODES, dtype=jnp.int32)
    W = jax.random.normal(k3, (D_FEAT, D_FEAT), dtype=jnp.float32) * 0.05
    b = jnp.zeros((D_FEAT,), dtype=jnp.float32)
    return {"x": x, "edge_index": edge_index, "W": W, "b": b}


def reference(x, edge_index, W, b):
    # GCN aggregator layer (the core compute of GNNAggOnDisk.aggregator):
    # symmetric-normalized message passing: out = relu(D^-1/2 A D^-1/2 (X W) + b)
    src = edge_index[0]
    dst = edge_index[1]
    n = x.shape[0]
    # degree via scatter-add
    deg = jnp.zeros((n,), dtype=x.dtype).at[dst].add(1.0)
    deg_inv_sqrt = jnp.where(deg > 0, 1.0 / jnp.sqrt(jnp.maximum(deg, 1e-12)), 0.0)
    h = x @ W  # linear transform
    norm = (deg_inv_sqrt[src] * deg_inv_sqrt[dst])[:, None]
    msgs = jnp.take(h, src, axis=0) * norm  # gather
    agg = jax.ops.segment_sum(msgs, dst, num_segments=n)  # scatter-add
    return jax.nn.relu(agg + b)

if __name__ == "__main__":
    import jax
    _d = setup_inputs()
    print(jax.jit(kernel)(*tuple(_d.values())))

</pallas_src>

<mosaic_0001>
#map = affine_map<(d0, d1) -> (0, 0, 0)>
#map1 = affine_map<(d0, d1) -> (0)>
module attributes {stable_mosaic.version = 14 : i64} {
  func.func @_deg_body(%arg0: i32, %arg1: i32, %arg2: memref<32x80x128xi32, #tpu.memory_space<hbm>>, %arg3: memref<10112xf32, #tpu.memory_space<hbm>>, %arg4: memref<128xf32, #tpu.memory_space<hbm>>, %arg5: memref<10112xf32, #tpu.memory_space<hbm>>, %arg6: memref<10112xf32, #tpu.memory_space<hbm>>, %arg7: memref<80x128xi32, #tpu.memory_space<vmem>>, %arg8: memref<128xf32, #tpu.memory_space<vmem>>, %arg9: memref<10112xf32, #tpu.memory_space<vmem_shared>>, %arg10: memref<!tpu.dma_semaphore, #tpu.memory_space<semaphore_mem>>) attributes {dimension_semantics = [#tpu.dimension_semantics<core_parallel>, #tpu.dimension_semantics<subcore_parallel>], iteration_bounds = array<i64: 2, 16>, scalar_prefetch = 0 : i64, scratch_operands = 4 : i64, tpu.core_type = #tpu.core_type<sc_vector_subcore>, window_params = [{transform_indices = #map}, {transform_indices = #map1}, {transform_indices = #map1}, {transform_indices = #map1}, {transform_indices = #map1}]} {
    %mul3A = arith.constant 16 : i32
    %mul3A_0 = arith.muli %arg0, %mul3A : i32
    %add3A = arith.addi %mul3A_0, %arg1 : i32
    %lt3A = arith.constant 15 : i32
    %lt3A_1 = arith.cmpi slt, %arg1, %lt3A : i32
    %convert_element_type3A = arith.extui %lt3A_1 : i1 to i32
    %cond3A = arith.constant 0 : i32
    %cond3A_2 = arith.cmpi ne, %convert_element_type3A, %cond3A : i32
    scf.if %cond3A_2 {
      %mul3A_29 = arith.constant 640 : i32
      %mul3A_30 = arith.muli %arg1, %mul3A_29 : i32
      "tpu.region"() ({
        %run_scoped3A = tpu.sem_alloc : memref<!tpu.dma_semaphore, #tpu.memory_space<semaphore_mem>>
        %dma_start3A = tpu.memref_slice %arg9[%mul3A_30] : memref<10112xf32, #tpu.memory_space<vmem_shared>> -> memref<640xf32, #tpu.memory_space<vmem_shared>>
        %dma_start3A_31 = tpu.memref_slice %arg3[%mul3A_30] : memref<10112xf32, #tpu.memory_space<hbm>> -> memref<640xf32, #tpu.memory_space<hbm>>
        tpu.enqueue_dma source(%dma_start3A_31 : memref<640xf32, #tpu.memory_space<hbm>>) target(%dma_start3A : memref<640xf32, #tpu.memory_space<vmem_shared>>) target_semaphore(%run_scoped3A : memref<!tpu.dma_semaphore, #tpu.memory_space<semaphore_mem>>)
        %dma_wait3A = tpu.memref_slice %arg9[%mul3A_30] : memref<10112xf32, #tpu.memory_space<vmem_shared>> -> memref<640xf32, #tpu.memory_space<vmem_shared>>
        %dma_wait3A_32 = tpu.memref_slice %arg3[%mul3A_30] : memref<10112xf32, #tpu.memory_space<hbm>> -> memref<640xf32, #tpu.memory_space<hbm>>
        tpu.wait_dma2 semaphore(%run_scoped3A : memref<!tpu.dma_semaphore, #tpu.memory_space<semaphore_mem>>) src(%dma_wait3A_32 : memref<640xf32, #tpu.memory_space<hbm>>) dst(%dma_wait3A : memref<640xf32, #tpu.memory_space<vmem_shared>>)
        tpu.yield
      }) : () -> ()
    } else {
    }
    %eq3A = arith.constant 15 : i32
    %eq3A_3 = arith.cmpi eq, %arg1, %eq3A : i32
    %convert_element_type3A_4 = arith.extui %eq3A_3 : i1 to i32
    %cond3A_5 = arith.constant 0 : i32
    %cond3A_6 = arith.cmpi ne, %convert_element_type3A_4, %cond3A_5 : i32
    scf.if %cond3A_6 {
      "tpu.region"() ({
        %run_scoped3A = tpu.sem_alloc : memref<!tpu.dma_semaphore, #tpu.memory_space<semaphore_mem>>
        %dma_start3A = arith.constant 9600 : i32
        %dma_start3A_29 = tpu.memref_slice %arg9[%dma_start3A] : memref<10112xf32, #tpu.memory_space<vmem_shared>> -> memref<512xf32, #tpu.memory_space<vmem_shared>>
        %dma_start3A_30 = arith.constant 9600 : i32
        %dma_start3A_31 = tpu.memref_slice %arg3[%dma_start3A_30] : memref<10112xf32, #tpu.memory_space<hbm>> -> memref<512xf32, #tpu.memory_space<hbm>>
        tpu.enqueue_dma source(%dma_start3A_31 : memref<512xf32, #tpu.memory_space<hbm>>) target(%dma_start3A_29 : memref<512xf32, #tpu.memory_space<vmem_shared>>) target_semaphore(%run_scoped3A : memref<!tpu.dma_semaphore, #tpu.memory_space<semaphore_mem>>)
        %dma_wait3A = arith.constant 9600 : i32
        %dma_wait3A_32 = tpu.memref_slice %arg9[%dma_wait3A] : memref<10112xf32, #tpu.memory_space<vmem_shared>> -> memref<512xf32, #tpu.memory_space<vmem_shared>>
        %dma_wait3A_33 = arith.constant 9600 : i32
        %dma_wait3A_34 = tpu.memref_slice %arg3[%dma_wait3A_33] : memref<10112xf32, #tpu.memory_space<hbm>> -> memref<512xf32, #tpu.memory_space<hbm>>
        tpu.wait_dma2 semaphore(%run_scoped3A : memref<!tpu.dma_semaphore, #tpu.memory_space<semaphore_mem>>) src(%dma_wait3A_34 : memref<512xf32, #tpu.memory_space<hbm>>) dst(%dma_wait3A_32 : memref<512xf32, #tpu.memory_space<vmem_shared>>)
        tpu.yield
      }) : () -> ()
    } else {
    }
    "tpu.region"() ({
      %run_scoped3A = tpu.sem_alloc : memref<!tpu.dma_semaphore, #tpu.memory_space<semaphore_mem>>
      tpu.enqueue_dma source(%arg4 : memref<128xf32, #tpu.memory_space<hbm>>) target(%arg8 : memref<128xf32, #tpu.memory_space<vmem>>) target_semaphore(%run_scoped3A : memref<!tpu.dma_semaphore, #tpu.memory_space<semaphore_mem>>)
      tpu.wait_dma2 semaphore(%run_scoped3A : memref<!tpu.dma_semaphore, #tpu.memory_space<semaphore_mem>>) src(%arg4 : memref<128xf32, #tpu.memory_space<hbm>>) dst(%arg8 : memref<128xf32, #tpu.memory_space<vmem>>)
      tpu.yield
    }) : () -> ()
    "tpu.region"() ({
      %run_scoped3A = tpu.sem_alloc : memref<!tpu.dma_semaphore, #tpu.memory_space<semaphore_mem>>
      %dma_start3A = arith.constant 0 : i32
      %dma_start3A_29 = arith.constant 0 : i32
      %dma_start3A_30 = tpu.memref_slice %arg2[%add3A, %dma_start3A, %dma_start3A_29] : memref<32x80x128xi32, #tpu.memory_space<hbm>> -> memref<1x80x128xi32, #tpu.memory_space<hbm>>
      %dma_start3A_31 = tpu.memref_squeeze %dma_start3A_30 : memref<1x80x128xi32, #tpu.memory_space<hbm>> -> memref<80x128xi32, #tpu.memory_space<hbm>>
      %dma_start3A_32 = arith.constant 0 : i32
      %dma_start3A_33 = arith.constant 0 : i32
      %dma_start3A_34 = tpu.memref_slice %arg2[%add3A, %dma_start3A_32, %dma_start3A_33] : memref<32x80x128xi32, #tpu.memory_space<hbm>> -> memref<1x80x128xi32, #tpu.memory_space<hbm>>
      %dma_start3A_35 = tpu.memref_squeeze %dma_start3A_34 : memref<1x80x128xi32, #tpu.memory_space<hbm>> -> memref<80x128xi32, #tpu.memory_space<hbm>>
      tpu.enqueue_dma source(%dma_start3A_35 : memref<80x128xi32, #tpu.memory_space<hbm>>) target(%arg7 : memref<80x128xi32, #tpu.memory_space<vmem>>) target_semaphore(%run_scoped3A : memref<!tpu.dma_semaphore, #tpu.memory_space<semaphore_mem>>)
      %dma_wait3A = arith.constant 0 : i32
      %dma_wait3A_36 = arith.constant 0 : i32
      %dma_wait3A_37 = tpu.memref_slice %arg2[%add3A, %dma_wait3A, %dma_wait3A_36] : memref<32x80x128xi32, #tpu.memory_space<hbm>> -> memref<1x80x128xi32, #tpu.memory_space<hbm>>
      %dma_wait3A_38 = tpu.memref_squeeze %dma_wait3A_37 : memref<1x80x128xi32, #tpu.memory_space<hbm>> -> memref<80x128xi32, #tpu.memory_space<hbm>>
      %dma_wait3A_39 = arith.constant 0 : i32
      %dma_wait3A_40 = arith.constant 0 : i32
      %dma_wait3A_41 = tpu.memref_slice %arg2[%add3A, %dma_wait3A_39, %dma_wait3A_40] : memref<32x80x128xi32, #tpu.memory_space<hbm>> -> memref<1x80x128xi32, #tpu.memory_space<hbm>>
      %dma_wait3A_42 = tpu.memref_squeeze %dma_wait3A_41 : memref<1x80x128xi32, #tpu.memory_space<hbm>> -> memref<80x128xi32, #tpu.memory_space<hbm>>
      tpu.wait_dma2 semaphore(%run_scoped3A : memref<!tpu.dma_semaphore, #tpu.memory_space<semaphore_mem>>) src(%dma_wait3A_42 : memref<80x128xi32, #tpu.memory_space<hbm>>) dst(%arg7 : memref<80x128xi32, #tpu.memory_space<vmem>>)
      tpu.yield
    }) : () -> ()
    %barrier3A = arith.constant 0 : index
    tpu.barrier barrier_id(%barrier3A)
    %scan3A = arith.constant 0 : i32
    %scan3A_7 = arith.constant 0 : i32
    %scan3A_8 = arith.constant 80 : i32
    %scan3A_9 = arith.addi %scan3A_7, %scan3A_8 : i32
    %scan3A_10 = arith.constant 1 : i32
    scf.for %scan3A_29 = %scan3A_7 to %scan3A_9 step %scan3A_10  : i32 {
      %dma_start3A = arith.constant 0 : i32
      %dma_start3A_30 = tpu.memref_slice %arg7[%scan3A_29, %dma_start3A] : memref<80x128xi32, #tpu.memory_space<vmem>> -> memref<1x128xi32, #tpu.memory_space<vmem>>
      %dma_start3A_31 = tpu.memref_squeeze %dma_start3A_30 : memref<1x128xi32, #tpu.memory_space<vmem>> -> memref<128xi32, #tpu.memory_space<vmem>>
      %dma_start3A_32 = arith.constant 0 : i32
      %dma_start3A_33 = tpu.memref_slice %arg9[%dma_start3A_32] : memref<10112xf32, #tpu.memory_space<vmem_shared>> -> memref<10112xf32, #tpu.memory_space<vmem_shared>>
      tpu.enqueue_indirect_dma source(%arg8 : memref<128xf32, #tpu.memory_space<vmem>>) target(%dma_start3A_33 : memref<10112xf32, #tpu.memory_space<vmem_shared>>) offsets(%dma_start3A_31 : memref<128xi32, #tpu.memory_space<vmem>>) semaphore(%arg10 : memref<!tpu.dma_semaphore, #tpu.memory_space<semaphore_mem>>) {add = true}
    }
    %scan3A_11 = arith.constant 80 : i32
    %scan3A_12 = arith.constant 0 : i32
    %scan3A_13 = arith.constant 0 : i32
    %scan3A_14 = arith.constant 80 : i32
    %scan3A_15 = arith.addi %scan3A_13, %scan3A_14 : i32
    %scan3A_16 = arith.constant 1 : i32
    scf.for %scan3A_29 = %scan3A_13 to %scan3A_15 step %scan3A_16  : i32 {
      %dma_wait3A = arith.constant 0 : i32
      %dma_wait3A_30 = tpu.memref_slice %arg7[%scan3A_29, %dma_wait3A] : memref<80x128xi32, #tpu.memory_space<vmem>> -> memref<1x128xi32, #tpu.memory_space<vmem>>
      %dma_wait3A_31 = tpu.memref_squeeze %dma_wait3A_30 : memref<1x128xi32, #tpu.memory_space<vmem>> -> memref<128xi32, #tpu.memory_space<vmem>>
      %dma_wait3A_32 = arith.constant 0 : i32
      %dma_wait3A_33 = tpu.memref_slice %arg9[%dma_wait3A_32] : memref<10112xf32, #tpu.memory_space<vmem_shared>> -> memref<10112xf32, #tpu.memory_space<vmem_shared>>
      tpu.wait_indirect_dma semaphore(%arg10 : memref<!tpu.dma_semaphore, #tpu.memory_space<semaphore_mem>>) src(%arg8 : memref<128xf32, #tpu.memory_space<vmem>>) dst(%dma_wait3A_33 : memref<10112xf32, #tpu.memory_space<vmem_shared>>)
    }
    %scan3A_17 = arith.constant 80 : i32
    %barrier3A_18 = arith.constant 0 : index
    tpu.barrier barrier_id(%barrier3A_18)
    %eq3A_19 = arith.constant 0 : i32
    %eq3A_20 = arith.cmpi eq, %arg0, %eq3A_19 : i32
    %convert_element_type3A_21 = arith.extui %eq3A_20 : i1 to i32
    %cond3A_22 = arith.constant 0 : i32
    %cond3A_23 = arith.cmpi ne, %convert_element_type3A_21, %cond3A_22 : i32
    scf.if %cond3A_23 {
      %lt3A_29 = arith.constant 15 : i32
      %lt3A_30 = arith.cmpi slt, %arg1, %lt3A_29 : i32
      %convert_element_type3A_31 = arith.extui %lt3A_30 : i1 to i32
      %cond3A_32 = arith.constant 0 : i32
      %cond3A_33 = arith.cmpi ne, %convert_element_type3A_31, %cond3A_32 : i32
      scf.if %cond3A_33 {
        %mul3A_39 = arith.constant 640 : i32
        %mul3A_40 = arith.muli %arg1, %mul3A_39 : i32
        "tpu.region"() ({
          %run_scoped3A = tpu.sem_alloc : memref<!tpu.dma_semaphore, #tpu.memory_space<semaphore_mem>>
          %dma_start3A = tpu.memref_slice %arg5[%mul3A_40] : memref<10112xf32, #tpu.memory_space<hbm>> -> memref<640xf32, #tpu.memory_space<hbm>>
          %dma_start3A_41 = tpu.memref_slice %arg9[%mul3A_40] : memref<10112xf32, #tpu.memory_space<vmem_shared>> -> memref<640xf32, #tpu.memory_space<vmem_shared>>
          tpu.enqueue_dma source(%dma_start3A_41 : memref<640xf32, #tpu.memory_space<vmem_shared>>) target(%dma_start3A : memref<640xf32, #tpu.memory_space<hbm>>) target_semaphore(%run_scoped3A : memref<!tpu.dma_semaphore, #tpu.memory_space<semaphore_mem>>)
          %dma_wait3A = tpu.memref_slice %arg5[%mul3A_40] : memref<10112xf32, #tpu.memory_space<hbm>> -> memref<640xf32, #tpu.memory_space<hbm>>
          %dma_wait3A_42 = tpu.memref_slice %arg9[%mul3A_40] : memref<10112xf32, #tpu.memory_space<vmem_shared>> -> memref<640xf32, #tpu.memory_space<vmem_shared>>
          tpu.wait_dma2 semaphore(%run_scoped3A : memref<!tpu.dma_semaphore, #tpu.memory_space<semaphore_mem>>) src(%dma_wait3A_42 : memref<640xf32, #tpu.memory_space<vmem_shared>>) dst(%dma_wait3A : memref<640xf32, #tpu.memory_space<hbm>>)
          tpu.yield
        }) : () -> ()
      } else {
      }
      %eq3A_34 = arith.constant 15 : i32
      %eq3A_35 = arith.cmpi eq, %arg1, %eq3A_34 : i32
      %convert_element_type3A_36 = arith.extui %eq3A_35 : i1 to i32
      %cond3A_37 = arith.constant 0 : i32
      %cond3A_38 = arith.cmpi ne, %convert_element_type3A_36, %cond3A_37 : i32
      scf.if %cond3A_38 {
        "tpu.region"() ({
          %run_scoped3A = tpu.sem_alloc : memref<!tpu.dma_semaphore, #tpu.memory_space<semaphore_mem>>
          %dma_start3A = arith.constant 9600 : i32
          %dma_start3A_39 = tpu.memref_slice %arg5[%dma_start3A] : memref<10112xf32, #tpu.memory_space<hbm>> -> memref<512xf32, #tpu.memory_space<hbm>>
          %dma_start3A_40 = arith.constant 9600 : i32
          %dma_start3A_41 = tpu.memref_slice %arg9[%dma_start3A_40] : memref<10112xf32, #tpu.memory_space<vmem_shared>> -> memref<512xf32, #tpu.memory_space<vmem_shared>>
          tpu.enqueue_dma source(%dma_start3A_41 : memref<512xf32, #tpu.memory_space<vmem_shared>>) target(%dma_start3A_39 : memref<512xf32, #tpu.memory_space<hbm>>) target_semaphore(%run_scoped3A : memref<!tpu.dma_semaphore, #tpu.memory_space<semaphore_mem>>)
          %dma_wait3A = arith.constant 9600 : i32
          %dma_wait3A_42 = tpu.memref_slice %arg5[%dma_wait3A] : memref<10112xf32, #tpu.memory_space<hbm>> -> memref<512xf32, #tpu.memory_space<hbm>>
          %dma_wait3A_43 = arith.constant 9600 : i32
          %dma_wait3A_44 = tpu.memref_slice %arg9[%dma_wait3A_43] : memref<10112xf32, #tpu.memory_space<vmem_shared>> -> memref<512xf32, #tpu.memory_space<vmem_shared>>
          tpu.wait_dma2 semaphore(%run_scoped3A : memref<!tpu.dma_semaphore, #tpu.memory_space<semaphore_mem>>) src(%dma_wait3A_44 : memref<512xf32, #tpu.memory_space<vmem_shared>>) dst(%dma_wait3A_42 : memref<512xf32, #tpu.memory_space<hbm>>)
          tpu.yield
        }) : () -> ()
      } else {
      }
    } else {
    }
    %eq3A_24 = arith.constant 1 : i32
    %eq3A_25 = arith.cmpi eq, %arg0, %eq3A_24 : i32
    %convert_element_type3A_26 = arith.extui %eq3A_25 : i1 to i32
    %cond3A_27 = arith.constant 0 : i32
    %cond3A_28 = arith.cmpi ne, %convert_element_type3A_26, %cond3A_27 : i32
    scf.if %cond3A_28 {
      %lt3A_29 = arith.constant 15 : i32
      %lt3A_30 = arith.cmpi slt, %arg1, %lt3A_29 : i32
      %convert_element_type3A_31 = arith.extui %lt3A_30 : i1 to i32
      %cond3A_32 = arith.constant 0 : i32
      %cond3A_33 = arith.cmpi ne, %convert_element_type3A_31, %cond3A_32 : i32
      scf.if %cond3A_33 {
        %mul3A_39 = arith.constant 640 : i32
        %mul3A_40 = arith.muli %arg1, %mul3A_39 : i32
        "tpu.region"() ({
          %run_scoped3A = tpu.sem_alloc : memref<!tpu.dma_semaphore, #tpu.memory_space<semaphore_mem>>
          %dma_start3A = tpu.memref_slice %arg6[%mul3A_40] : memref<10112xf32, #tpu.memory_space<hbm>> -> memref<640xf32, #tpu.memory_space<hbm>>
          %dma_start3A_41 = tpu.memref_slice %arg9[%mul3A_40] : memref<10112xf32, #tpu.memory_space<vmem_shared>> -> memref<640xf32, #tpu.memory_space<vmem_shared>>
          tpu.enqueue_dma source(%dma_start3A_41 : memref<640xf32, #tpu.memory_space<vmem_shared>>) target(%dma_start3A : memref<640xf32, #tpu.memory_space<hbm>>) target_semaphore(%run_scoped3A : memref<!tpu.dma_semaphore, #tpu.memory_space<semaphore_mem>>)
          %dma_wait3A = tpu.memref_slice %arg6[%mul3A_40] : memref<10112xf32, #tpu.memory_space<hbm>> -> memref<640xf32, #tpu.memory_space<hbm>>
          %dma_wait3A_42 = tpu.memref_slice %arg9[%mul3A_40] : memref<10112xf32, #tpu.memory_space<vmem_shared>> -> memref<640xf32, #tpu.memory_space<vmem_shared>>
          tpu.wait_dma2 semaphore(%run_scoped3A : memref<!tpu.dma_semaphore, #tpu.memory_space<semaphore_mem>>) src(%dma_wait3A_42 : memref<640xf32, #tpu.memory_space<vmem_shared>>) dst(%dma_wait3A : memref<640xf32, #tpu.memory_space<hbm>>)
          tpu.yield
        }) : () -> ()
      } else {
      }
      %eq3A_34 = arith.constant 15 : i32
      %eq3A_35 = arith.cmpi eq, %arg1, %eq3A_34 : i32
      %convert_element_type3A_36 = arith.extui %eq3A_35 : i1 to i32
      %cond3A_37 = arith.constant 0 : i32
      %cond3A_38 = arith.cmpi ne, %convert_element_type3A_36, %cond3A_37 : i32
      scf.if %cond3A_38 {
        "tpu.region"() ({
          %run_scoped3A = tpu.sem_alloc : memref<!tpu.dma_semaphore, #tpu.memory_space<semaphore_mem>>
          %dma_start3A = arith.constant 9600 : i32
          %dma_start3A_39 = tpu.memref_slice %arg6[%dma_start3A] : memref<10112xf32, #tpu.memory_space<hbm>> -> memref<512xf32, #tpu.memory_space<hbm>>
          %dma_start3A_40 = arith.constant 9600 : i32
          %dma_start3A_41 = tpu.memref_slice %arg9[%dma_start3A_40] : memref<10112xf32, #tpu.memory_space<vmem_shared>> -> memref<512xf32, #tpu.memory_space<vmem_shared>>
          tpu.enqueue_dma source(%dma_start3A_41 : memref<512xf32, #tpu.memory_space<vmem_shared>>) target(%dma_start3A_39 : memref<512xf32, #tpu.memory_space<hbm>>) target_semaphore(%run_scoped3A : memref<!tpu.dma_semaphore, #tpu.memory_space<semaphore_mem>>)
          %dma_wait3A = arith.constant 9600 : i32
          %dma_wait3A_42 = tpu.memref_slice %arg6[%dma_wait3A] : memref<10112xf32, #tpu.memory_space<hbm>> -> memref<512xf32, #tpu.memory_space<hbm>>
          %dma_wait3A_43 = arith.constant 9600 : i32
          %dma_wait3A_44 = tpu.memref_slice %arg9[%dma_wait3A_43] : memref<10112xf32, #tpu.memory_space<vmem_shared>> -> memref<512xf32, #tpu.memory_space<vmem_shared>>
          tpu.wait_dma2 semaphore(%run_scoped3A : memref<!tpu.dma_semaphore, #tpu.memory_space<semaphore_mem>>) src(%dma_wait3A_44 : memref<512xf32, #tpu.memory_space<vmem_shared>>) dst(%dma_wait3A_42 : memref<512xf32, #tpu.memory_space<hbm>>)
          tpu.yield
        }) : () -> ()
      } else {
      }
    } else {
    }
    return
  }
}

#map = affine_map<(d0, d1) -> (0, 0)>
#map1 = affine_map<(d0, d1) -> (0, 0, 0)>
#map2 = affine_map<(d0, d1) -> (0)>
module attributes {stable_mosaic.version = 14 : i64} {
  func.func @_agg_body(%arg0: i32, %arg1: i32, %arg2: memref<10112x64xf32, #tpu.memory_space<hbm>>, %arg3: memref<10112x64xf32, #tpu.memory_space<hbm>>, %arg4: memref<16x160x128xi32, #tpu.memory_space<hbm>>, %arg5: memref<16x160x128xi32, #tpu.memory_space<hbm>>, %arg6: memref<10112xf32, #tpu.memory_space<hbm>>, %arg7: memref<10112xf32, #tpu.memory_space<hbm>>, %arg8: memref<128xf32, #tpu.memory_space<hbm>>, %arg9: memref<10000x128xf32, #tpu.memory_space<hbm>>, %arg10: memref<160x128xi32, #tpu.memory_space<vmem>>, %arg11: memref<160x128xi32, #tpu.memory_space<vmem>>, %arg12: memref<128x64xf32, #tpu.memory_space<vmem>>, %arg13: memref<128x64xf32, #tpu.memory_space<vmem>>, %arg14: memref<128x64xf32, #tpu.memory_space<vmem>>, %arg15: memref<128x64xf32, #tpu.memory_space<vmem>>, %arg16: memref<128x64xf32, #tpu.memory_space<vmem>>, %arg17: memref<640xf32, #tpu.memory_space<vmem>>, %arg18: memref<640xf32, #tpu.memory_space<vmem>>, %arg19: memref<640xf32, #tpu.memory_space<vmem>>, %arg20: memref<128xf32, #tpu.memory_space<vmem>>, %arg21: memref<10112x64xf32, #tpu.memory_space<vmem_shared>>, %arg22: memref<!tpu.dma_semaphore, #tpu.memory_space<semaphore_mem>>, %arg23: memref<!tpu.dma_semaphore, #tpu.memory_space<semaphore_mem>>, %arg24: memref<!tpu.dma_semaphore, #tpu.memory_space<semaphore_mem>>, %arg25: memref<!tpu.dma_semaphore, #tpu.memory_space<semaphore_mem>>, %arg26: memref<!tpu.dma_semaphore, #tpu.memory_space<semaphore_mem>>, %arg27: memref<!tpu.dma_semaphore, #tpu.memory_space<semaphore_mem>>, %arg28: memref<!tpu.dma_semaphore, #tpu.memory_space<semaphore_mem>>, %arg29: memref<!tpu.dma_semaphore, #tpu.memory_space<semaphore_mem>>, %arg30: memref<!tpu.dma_semaphore, #tpu.memory_space<semaphore_mem>>, %arg31: memref<!tpu.dma_semaphore, #tpu.memory_space<semaphore_mem>>) attributes {dimension_semantics = [#tpu.dimension_semantics<core_parallel>, #tpu.dimension_semantics<subcore_parallel>], iteration_bounds = array<i64: 2, 16>, scalar_prefetch = 0 : i64, scratch_operands = 22 : i64, tpu.core_type = #tpu.core_type<sc_vector_subcore>, window_params = [{transform_indices = #map}, {transform_indices = #map}, {transform_indices = #map1}, {transform_indices = #map1}, {transform_indices = #map2}, {transform_indices = #map2}, {transform_indices = #map2}, {transform_indices = #map}]} {
    %scan3A = arith.constant 0 : i32
    %scan3A_0 = arith.constant 0 : i32
    %scan3A_1 = arith.constant 128 : i32
    %scan3A_2 = arith.addi %scan3A_0, %scan3A_1 : i32
    %scan3A_3 = arith.constant 1 : i32
    scf.for %scan3A_251 = %scan3A_0 to %scan3A_2 step %scan3A_3  : i32 {
      %broadcast_in_dim3A = arith.constant 0.000000e+00 : f32
      %broadcast_in_dim3A_252 = vector.broadcast %broadcast_in_dim3A : f32 to vector<16xf32>
      %swap3A = arith.index_cast %scan3A_251 : i32 to index
      %swap3A_253 = arith.constant 0 : index
      %swap3A_254 = tpu.vector_load %arg12[%swap3A, %swap3A_253] {strides = array<i32>} : memref<128x64xf32, #tpu.memory_space<vmem>>, vector<16xf32>,
      tpu.vector_store %arg12[%swap3A, %swap3A_253], %broadcast_in_dim3A_252 {strides = array<i32>} : memref<128x64xf32, #tpu.memory_space<vmem>>, vector<16xf32>,
      %broadcast_in_dim3A_255 = arith.constant 0.000000e+00 : f32
      %broadcast_in_dim3A_256 = vector.broadcast %broadcast_in_dim3A_255 : f32 to vector<16xf32>
      %swap3A_257 = arith.index_cast %scan3A_251 : i32 to index
      %swap3A_258 = arith.constant 16 : index
      %swap3A_259 = tpu.vector_load %arg12[%swap3A_257, %swap3A_258] {strides = array<i32>} : memref<128x64xf32, #tpu.memory_space<vmem>>, vector<16xf32>,
      tpu.vector_store %arg12[%swap3A_257, %swap3A_258], %broadcast_in_dim3A_256 {strides = array<i32>} : memref<128x64xf32, #tpu.memory_space<vmem>>, vector<16xf32>,
      %broadcast_in_dim3A_260 = arith.constant 0.000000e+00 : f32
      %broadcast_in_dim3A_261 = vector.broadcast %broadcast_in_dim3A_260 : f32 to vector<16xf32>
      %swap3A_262 = arith.index_cast %scan3A_251 : i32 to index
      %swap3A_263 = arith.constant 32 : index
      %swap3A_264 = tpu.vector_load %arg12[%swap3A_262, %swap3A_263] {strides = array<i32>} : memref<128x64xf32, #tpu.memory_space<vmem>>, vector<16xf32>,
      tpu.vector_store %arg12[%swap3A_262, %swap3A_263], %broadcast_in_dim3A_261 {strides = array<i32>} : memref<128x64xf32, #tpu.memory_space<vmem>>, vector<16xf32>,
      %broadcast_in_dim3A_265 = arith.constant 0.000000e+00 : f32
      %broadcast_in_dim3A_266 = vector.broadcast %broadcast_in_dim3A_265 : f32 to vector<16xf32>
      %swap3A_267 = arith.index_cast %scan3A_251 : i32 to index
      %swap3A_268 = arith.constant 48 : index
      %swap3A_269 = tpu.vector_load %arg12[%swap3A_267, %swap3A_268] {strides = array<i32>} : memref<128x64xf32, #tpu.memory_space<vmem>>, vector<16xf32>,
      tpu.vector_store %arg12[%swap3A_267, %swap3A_268], %broadcast_in_dim3A_266 {strides = array<i32>} : memref<128x64xf32, #tpu.memory_space<vmem>>, vector<16xf32>,
    }
    %scan3A_4 = arith.constant 128 : i32
    %mul3A = arith.constant 632 : i32
    %mul3A_5 = arith.muli %arg1, %mul3A : i32
    %add3A = arith.constant 0 : i32
    %add3A_6 = arith.addi %mul3A_5, %add3A : i32
    "tpu.region"() ({
      %run_scoped3A = tpu.sem_alloc : memref<!tpu.dma_semaphore, #tpu.memory_space<semaphore_mem>>
      %dma_start3A = arith.constant 0 : i32
      %dma_start3A_251 = tpu.memref_slice %arg21[%add3A_6, %dma_start3A] : memref<10112x64xf32, #tpu.memory_space<vmem_shared>> -> memref<128x64xf32, #tpu.memory_space<vmem_shared>>
      %dma_start3A_252 = arith.constant 0 : i32
      %dma_start3A_253 = tpu.memref_slice %arg21[%add3A_6, %dma_start3A_252] : memref<10112x64xf32, #tpu.memory_space<vmem_shared>> -> memref<128x64xf32, #tpu.memory_space<vmem_shared>>
      tpu.enqueue_dma source(%arg12 : memref<128x64xf32, #tpu.memory_space<vmem>>) target(%dma_start3A_253 : memref<128x64xf32, #tpu.memory_space<vmem_shared>>) target_semaphore(%run_scoped3A : memref<!tpu.dma_semaphore, #tpu.memory_space<semaphore_mem>>)
      %dma_wait3A = arith.constant 0 : i32
      %dma_wait3A_254 = tpu.memref_slice %arg21[%add3A_6, %dma_wait3A] : memref<10112x64xf32, #tpu.memory_space<vmem_shared>> -> memref<128x64xf32, #tpu.memory_space<vmem_shared>>
      %dma_wait3A_255 = arith.constant 0 : i32
      %dma_wait3A_256 = tpu.memref_slice %arg21[%add3A_6, %dma_wait3A_255] : memref<10112x64xf32, #tpu.memory_space<vmem_shared>> -> memref<128x64xf32, #tpu.memory_space<vmem_shared>>
      tpu.wait_dma2 semaphore(%run_scoped3A : memref<!tpu.dma_semaphore, #tpu.memory_space<semaphore_mem>>) src(%arg12 : memref<128x64xf32, #tpu.memory_space<vmem>>) dst(%dma_wait3A_256 : memref<128x64xf32, #tpu.memory_space<vmem_shared>>)
      tpu.yield
    }) : () -> ()
    %add3A_7 = arith.constant 128 : i32
    %add3A_8 = arith.addi %mul3A_5, %add3A_7 : i32
    "tpu.region"() ({
      %run_scoped3A = tpu.sem_alloc : memref<!tpu.dma_semaphore, #tpu.memory_space<semaphore_mem>>
      %dma_start3A = arith.constant 0 : i32
      %dma_start3A_251 = tpu.memref_slice %arg21[%add3A_8, %dma_start3A] : memref<10112x64xf32, #tpu.memory_space<vmem_shared>> -> memref<128x64xf32, #tpu.memory_space<vmem_shared>>
      %dma_start3A_252 = arith.constant 0 : i32
      %dma_start3A_253 = tpu.memref_slice %arg21[%add3A_8, %dma_start3A_252] : memref<10112x64xf32, #tpu.memory_space<vmem_shared>> -> memref<128x64xf32, #tpu.memory_space<vmem_shared>>
      tpu.enqueue_dma source(%arg12 : memref<128x64xf32, #tpu.memory_space<vmem>>) target(%dma_start3A_253 : memref<128x64xf32, #tpu.memory_space<vmem_shared>>) target_semaphore(%run_scoped3A : memref<!tpu.dma_semaphore, #tpu.memory_space<semaphore_mem>>)
      %dma_wait3A = arith.constant 0 : i32
      %dma_wait3A_254 = tpu.memref_slice %arg21[%add3A_8, %dma_wait3A] : memref<10112x64xf32, #tpu.memory_space<vmem_shared>> -> memref<128x64xf32, #tpu.memory_space<vmem_shared>>
      %dma_wait3A_255 = arith.constant 0 : i32
      %dma_wait3A_256 = tpu.memref_slice %arg21[%add3A_8, %dma_wait3A_255] : memref<10112x64xf32, #tpu.memory_space<vmem_shared>> -> memref<128x64xf32, #tpu.memory_space<vmem_shared>>
      tpu.wait_dma2 semaphore(%run_scoped3A : memref<!tpu.dma_semaphore, #tpu.memory_space<semaphore_mem>>) src(%arg12 : memref<128x64xf32, #tpu.memory_space<vmem>>) dst(%dma_wait3A_256 : memref<128x64xf32, #tpu.memory_space<vmem_shared>>)
      tpu.yield
    }) : () -> ()
    %add3A_9 = arith.constant 256 : i32
    %add3A_10 = arith.addi %mul3A_5, %add3A_9 : i32
    "tpu.region"() ({
      %run_scoped3A = tpu.sem_alloc : memref<!tpu.dma_semaphore, #tpu.memory_space<semaphore_mem>>
      %dma_start3A = arith.constant 0 : i32
      %dma_start3A_251 = tpu.memref_slice %arg21[%add3A_10, %dma_start3A] : memref<10112x64xf32, #tpu.memory_space<vmem_shared>> -> memref<128x64xf32, #tpu.memory_space<vmem_shared>>
      %dma_start3A_252 = arith.constant 0 : i32
      %dma_start3A_253 = tpu.memref_slice %arg21[%add3A_10, %dma_start3A_252] : memref<10112x64xf32, #tpu.memory_space<vmem_shared>> -> memref<128x64xf32, #tpu.memory_space<vmem_shared>>
      tpu.enqueue_dma source(%arg12 : memref<128x64xf32, #tpu.memory_space<vmem>>) target(%dma_start3A_253 : memref<128x64xf32, #tpu.memory_space<vmem_shared>>) target_semaphore(%run_scoped3A : memref<!tpu.dma_semaphore, #tpu.memory_space<semaphore_mem>>)
      %dma_wait3A = arith.constant 0 : i32
      %dma_wait3A_254 = tpu.memref_slice %arg21[%add3A_10, %dma_wait3A] : memref<10112x64xf32, #tpu.memory_space<vmem_shared>> -> memref<128x64xf32, #tpu.memory_space<vmem_shared>>
      %dma_wait3A_255 = arith.constant 0 : i32
      %dma_wait3A_256 = tpu.memref_slice %arg21[%add3A_10, %dma_wait3A_255] : memref<10112x64xf32, #tpu.memory_space<vmem_shared>> -> memref<128x64xf32, #tpu.memory_space<vmem_shared>>
      tpu.wait_dma2 semaphore(%run_scoped3A : memref<!tpu.dma_semaphore, #tpu.memory_space<semaphore_mem>>) src(%arg12 : memref<128x64xf32, #tpu.memory_space<vmem>>) dst(%dma_wait3A_256 : memref<128x64xf32, #tpu.memory_space<vmem_shared>>)
      tpu.yield
    }) : () -> ()
    %add3A_11 = arith.constant 384 : i32
    %add3A_12 = arith.addi %mul3A_5, %add3A_11 : i32
    "tpu.region"() ({
      %run_scoped3A = tpu.sem_alloc : memref<!tpu.dma_semaphore, #tpu.memory_space<semaphore_mem>>
      %dma_start3A = arith.constant 0 : i32
      %dma_start3A_251 = tpu.memref_slice %arg21[%add3A_12, %dma_start3A] : memref<10112x64xf32, #tpu.memory_space<vmem_shared>> -> memref<128x64xf32, #tpu.memory_space<vmem_shared>>
      %dma_start3A_252 = arith.constant 0 : i32
      %dma_start3A_253 = tpu.memref_slice %arg21[%add3A_12, %dma_start3A_252] : memref<10112x64xf32, #tpu.memory_space<vmem_shared>> -> memref<128x64xf32, #tpu.memory_space<vmem_shared>>
      tpu.enqueue_dma source(%arg12 : memref<128x64xf32, #tpu.memory_space<vmem>>) target(%dma_start3A_253 : memref<128x64xf32, #tpu.memory_space<vmem_shared>>) target_semaphore(%run_scoped3A : memref<!tpu.dma_semaphore, #tpu.memory_space<semaphore_mem>>)
      %dma_wait3A = arith.constant 0 : i32
      %dma_wait3A_254 = tpu.memref_slice %arg21[%add3A_12, %dma_wait3A] : memref<10112x64xf32, #tpu.memory_space<vmem_shared>> -> memref<128x64xf32, #tpu.memory_space<vmem_shared>>
      %dma_wait3A_255 = arith.constant 0 : i32
      %dma_wait3A_256 = tpu.memref_slice %arg21[%add3A_12, %dma_wait3A_255] : memref<10112x64xf32, #tpu.memory_space<vmem_shared>> -> memref<128x64xf32, #tpu.memory_space<vmem_shared>>
      tpu.wait_dma2 semaphore(%run_scoped3A : memref<!tpu.dma_semaphore, #tpu.memory_space<semaphore_mem>>) src(%arg12 : memref<128x64xf32, #tpu.memory_space<vmem>>) dst(%dma_wait3A_256 : memref<128x64xf32, #tpu.memory_space<vmem_shared>>)
      tpu.yield
    }) : () -> ()
    %add3A_13 = arith.constant 512 : i32
    %add3A_14 = arith.addi %mul3A_5, %add3A_13 : i32
    "tpu.region"() ({
      %run_scoped3A = tpu.sem_alloc : memref<!tpu.dma_semaphore, #tpu.memory_space<semaphore_mem>>
      %dma_start3A = arith.constant 0 : i32
      %dma_start3A_251 = arith.constant 0 : i32
      %dma_start3A_252 = tpu.memref_slice %arg12[%dma_start3A, %dma_start3A_251] : memref<128x64xf32, #tpu.memory_space<vmem>> -> memref<120x64xf32, #tpu.memory_space<vmem>>
      %dma_start3A_253 = arith.constant 0 : i32
      %dma_start3A_254 = tpu.memref_slice %arg21[%add3A_14, %dma_start3A_253] : memref<10112x64xf32, #tpu.memory_space<vmem_shared>> -> memref<120x64xf32, #tpu.memory_space<vmem_shared>>
      %dma_start3A_255 = arith.constant 0 : i32
      %dma_start3A_256 = tpu.memref_slice %arg21[%add3A_14, %dma_start3A_255] : memref<10112x64xf32, #tpu.memory_space<vmem_shared>> -> memref<120x64xf32, #tpu.memory_space<vmem_shared>>
      %dma_start3A_257 = arith.constant 0 : i32
      %dma_start3A_258 = arith.constant 0 : i32
      %dma_start3A_259 = tpu.memref_slice %arg12[%dma_start3A_257, %dma_start3A_258] : memref<128x64xf32, #tpu.memory_space<vmem>> -> memref<120x64xf32, #tpu.memory_space<vmem>>
      tpu.enqueue_dma source(%dma_start3A_259 : memref<120x64xf32, #tpu.memory_space<vmem>>) target(%dma_start3A_256 : memref<120x64xf32, #tpu.memory_space<vmem_shared>>) target_semaphore(%run_scoped3A : memref<!tpu.dma_semaphore, #tpu.memory_space<semaphore_mem>>)
      %dma_wait3A = arith.constant 0 : i32
      %dma_wait3A_260 = arith.constant 0 : i32
      %dma_wait3A_261 = tpu.memref_slice %arg12[%dma_wait3A, %dma_wait3A_260] : memref<128x64xf32, #tpu.memory_space<vmem>> -> memref<120x64xf32, #tpu.memory_space<vmem>>
      %dma_wait3A_262 = arith.constant 0 : i32
      %dma_wait3A_263 = tpu.memref_slice %arg21[%add3A_14, %dma_wait3A_262] : memref<10112x64xf32, #tpu.memory_space<vmem_shared>> -> memref<120x64xf32, #tpu.memory_space<vmem_shared>>
      %dma_wait3A_264 = arith.constant 0 : i32
      %dma_wait3A_265 = tpu.memref_slice %arg21[%add3A_14, %dma_wait3A_264] : memref<10112x64xf32, #tpu.memory_space<vmem_shared>> -> memref<120x64xf32, #tpu.memory_space<vmem_shared>>
      %dma_wait3A_266 = arith.constant 0 : i32
      %dma_wait3A_267 = arith.constant 0 : i32
      %dma_wait3A_268 = tpu.memref_slice %arg12[%dma_wait3A_266, %dma_wait3A_267] : memref<128x64xf32, #tpu.memory_space<vmem>> -> memref<120x64xf32, #tpu.memory_space<vmem>>
      tpu.wait_dma2 semaphore(%run_scoped3A : memref<!tpu.dma_semaphore, #tpu.memory_space<semaphore_mem>>) src(%dma_wait3A_268 : memref<120x64xf32, #tpu.memory_space<vmem>>) dst(%dma_wait3A_265 : memref<120x64xf32, #tpu.memory_space<vmem_shared>>)
      tpu.yield
    }) : () -> ()
    "tpu.region"() ({
      %run_scoped3A = tpu.sem_alloc : memref<!tpu.dma_semaphore, #tpu.memory_space<semaphore_mem>>
      %dma_start3A = arith.constant 0 : i32
      %dma_start3A_251 = arith.constant 0 : i32
      %dma_start3A_252 = tpu.memref_slice %arg4[%arg1, %dma_start3A, %dma_start3A_251] : memref<16x160x128xi32, #tpu.memory_space<hbm>> -> memref<1x160x128xi32, #tpu.memory_space<hbm>>
      %dma_start3A_253 = tpu.memref_squeeze %dma_start3A_252 : memref<1x160x128xi32, #tpu.memory_space<hbm>> -> memref<160x128xi32, #tpu.memory_space<hbm>>
      %dma_start3A_254 = arith.constant 0 : i32
      %dma_start3A_255 = arith.constant 0 : i32
      %dma_start3A_256 = tpu.memref_slice %arg4[%arg1, %dma_start3A_254, %dma_start3A_255] : memref<16x160x128xi32, #tpu.memory_space<hbm>> -> memref<1x160x128xi32, #tpu.memory_space<hbm>>
      %dma_start3A_257 = tpu.memref_squeeze %dma_start3A_256 : memref<1x160x128xi32, #tpu.memory_space<hbm>> -> memref<160x128xi32, #tpu.memory_space<hbm>>
      tpu.enqueue_dma source(%dma_start3A_257 : memref<160x128xi32, #tpu.memory_space<hbm>>) target(%arg10 : memref<160x128xi32, #tpu.memory_space<vmem>>) target_semaphore(%run_scoped3A : memref<!tpu.dma_semaphore, #tpu.memory_space<semaphore_mem>>)
      %dma_wait3A = arith.constant 0 : i32
      %dma_wait3A_258 = arith.constant 0 : i32
      %dma_wait3A_259 = tpu.memref_slice %arg4[%arg1, %dma_wait3A, %dma_wait3A_258] : memref<16x160x128xi32, #tpu.memory_space<hbm>> -> memref<1x160x128xi32, #tpu.memory_space<hbm>>
      %dma_wait3A_260 = tpu.memref_squeeze %dma_wait3A_259 : memref<1x160x128xi32, #tpu.memory_space<hbm>> -> memref<160x128xi32, #tpu.memory_space<hbm>>
      %dma_wait3A_261 = arith.constant 0 : i32
      %dma_wait3A_262 = arith.constant 0 : i32
      %dma_wait3A_263 = tpu.memref_slice %arg4[%arg1, %dma_wait3A_261, %dma_wait3A_262] : memref<16x160x128xi32, #tpu.memory_space<hbm>> -> memref<1x160x128xi32, #tpu.memory_space<hbm>>
      %dma_wait3A_264 = tpu.memref_squeeze %dma_wait3A_263 : memref<1x160x128xi32, #tpu.memory_space<hbm>> -> memref<160x128xi32, #tpu.memory_space<hbm>>
      tpu.wait_dma2 semaphore(%run_scoped3A : memref<!tpu.dma_semaphore, #tpu.memory_space<semaphore_mem>>) src(%dma_wait3A_264 : memref<160x128xi32, #tpu.memory_space<hbm>>) dst(%arg10 : memref<160x128xi32, #tpu.memory_space<vmem>>)
      tpu.yield
    }) : () -> ()
    "tpu.region"() ({
      %run_scoped3A = tpu.sem_alloc : memref<!tpu.dma_semaphore, #tpu.memory_space<semaphore_mem>>
      %dma_start3A = arith.constant 0 : i32
      %dma_start3A_251 = arith.constant 0 : i32
      %dma_start3A_252 = tpu.memref_slice %arg5[%arg1, %dma_start3A, %dma_start3A_251] : memref<16x160x128xi32, #tpu.memory_space<hbm>> -> memref<1x160x128xi32, #tpu.memory_space<hbm>>
      %dma_start3A_253 = tpu.memref_squeeze %dma_start3A_252 : memref<1x160x128xi32, #tpu.memory_space<hbm>> -> memref<160x128xi32, #tpu.memory_space<hbm>>
      %dma_start3A_254 = arith.constant 0 : i32
      %dma_start3A_255 = arith.constant 0 : i32
      %dma_start3A_256 = tpu.memref_slice %arg5[%arg1, %dma_start3A_254, %dma_start3A_255] : memref<16x160x128xi32, #tpu.memory_space<hbm>> -> memref<1x160x128xi32, #tpu.memory_space<hbm>>
      %dma_start3A_257 = tpu.memref_squeeze %dma_start3A_256 : memref<1x160x128xi32, #tpu.memory_space<hbm>> -> memref<160x128xi32, #tpu.memory_space<hbm>>
      tpu.enqueue_dma source(%dma_start3A_257 : memref<160x128xi32, #tpu.memory_space<hbm>>) target(%arg11 : memref<160x128xi32, #tpu.memory_space<vmem>>) target_semaphore(%run_scoped3A : memref<!tpu.dma_semaphore, #tpu.memory_space<semaphore_mem>>)
      %dma_wait3A = arith.constant 0 : i32
      %dma_wait3A_258 = arith.constant 0 : i32
      %dma_wait3A_259 = tpu.memref_slice %arg5[%arg1, %dma_wait3A, %dma_wait3A_258] : memref<16x160x128xi32, #tpu.memory_space<hbm>> -> memref<1x160x128xi32, #tpu.memory_space<hbm>>
      %dma_wait3A_260 = tpu.memref_squeeze %dma_wait3A_259 : memref<1x160x128xi32, #tpu.memory_space<hbm>> -> memref<160x128xi32, #tpu.memory_space<hbm>>
      %dma_wait3A_261 = arith.constant 0 : i32
      %dma_wait3A_262 = arith.constant 0 : i32
      %dma_wait3A_263 = tpu.memref_slice %arg5[%arg1, %dma_wait3A_261, %dma_wait3A_262] : memref<16x160x128xi32, #tpu.memory_space<hbm>> -> memref<1x160x128xi32, #tpu.memory_space<hbm>>
      %dma_wait3A_264 = tpu.memref_squeeze %dma_wait3A_263 : memref<1x160x128xi32, #tpu.memory_space<hbm>> -> memref<160x128xi32, #tpu.memory_space<hbm>>
      tpu.wait_dma2 semaphore(%run_scoped3A : memref<!tpu.dma_semaphore, #tpu.memory_space<semaphore_mem>>) src(%dma_wait3A_264 : memref<160x128xi32, #tpu.memory_space<hbm>>) dst(%arg11 : memref<160x128xi32, #tpu.memory_space<vmem>>)
      tpu.yield
    }) : () -> ()
    %barrier3A = arith.constant 0 : index
    tpu.barrier barrier_id(%barrier3A)
    %eq3A = arith.constant 0 : i32
    %eq3A_15 = arith.cmpi eq, %arg0, %eq3A : i32
    %convert_element_type3A = arith.extui %eq3A_15 : i1 to i32
    %cond3A = arith.constant 0 : i32
    %cond3A_16 = arith.cmpi ne, %convert_element_type3A, %cond3A : i32
    scf.if %cond3A_16 {
      %dma_start3A = arith.constant 0 : i32
      %dma_start3A_251 = arith.constant 0 : i32
      %dma_start3A_252 = tpu.memref_slice %arg10[%dma_start3A, %dma_start3A_251] : memref<160x128xi32, #tpu.memory_space<vmem>> -> memref<1x128xi32, #tpu.memory_space<vmem>>
      %dma_start3A_253 = tpu.memref_squeeze %dma_start3A_252 : memref<1x128xi32, #tpu.memory_space<vmem>> -> memref<128xi32, #tpu.memory_space<vmem>>
      %dma_start3A_254 = arith.constant 0 : i32
      %dma_start3A_255 = arith.constant 0 : i32
      %dma_start3A_256 = tpu.memref_slice %arg2[%dma_start3A_254, %dma_start3A_255] : memref<10112x64xf32, #tpu.memory_space<hbm>> -> memref<10112x64xf32, #tpu.memory_space<hbm>>
      tpu.enqueue_indirect_dma source(%dma_start3A_256 : memref<10112x64xf32, #tpu.memory_space<hbm>>) target(%arg12 : memref<128x64xf32, #tpu.memory_space<vmem>>) offsets(%dma_start3A_253 : memref<128xi32, #tpu.memory_space<vmem>>) semaphore(%arg22 : memref<!tpu.dma_semaphore, #tpu.memory_space<semaphore_mem>>)
      %dma_start3A_257 = arith.constant 1 : i32
      %dma_start3A_258 = arith.constant 0 : i32
      %dma_start3A_259 = tpu.memref_slice %arg10[%dma_start3A_257, %dma_start3A_258] : memref<160x128xi32, #tpu.memory_space<vmem>> -> memref<1x128xi32, #tpu.memory_space<vmem>>
      %dma_start3A_260 = tpu.memref_squeeze %dma_start3A_259 : memref<1x128xi32, #tpu.memory_space<vmem>> -> memref<128xi32, #tpu.memory_space<vmem>>
      %dma_start3A_261 = arith.constant 0 : i32
      %dma_start3A_262 = arith.constant 0 : i32
      %dma_start3A_263 = tpu.memref_slice %arg2[%dma_start3A_261, %dma_start3A_262] : memref<10112x64xf32, #tpu.memory_space<hbm>> -> memref<10112x64xf32, #tpu.memory_space<hbm>>
      tpu.enqueue_indirect_dma source(%dma_start3A_263 : memref<10112x64xf32, #tpu.memory_space<hbm>>) target(%arg13 : memref<128x64xf32, #tpu.memory_space<vmem>>) offsets(%dma_start3A_260 : memref<128xi32, #tpu.memory_space<vmem>>) semaphore(%arg23 : memref<!tpu.dma_semaphore, #tpu.memory_space<semaphore_mem>>)
      %dma_start3A_264 = arith.constant 2 : i32
      %dma_start3A_265 = arith.constant 0 : i32
      %dma_start3A_266 = tpu.memref_slice %arg10[%dma_start3A_264, %dma_start3A_265] : memref<160x128xi32, #tpu.memory_space<vmem>> -> memref<1x128xi32, #tpu.memory_space<vmem>>
      %dma_start3A_267 = tpu.memref_squeeze %dma_start3A_266 : memref<1x128xi32, #tpu.memory_space<vmem>> -> memref<128xi32, #tpu.memory_space<vmem>>
      %dma_start3A_268 = arith.constant 0 : i32
      %dma_start3A_269 = arith.constant 0 : i32
      %dma_start3A_270 = tpu.memref_slice %arg2[%dma_start3A_268, %dma_start3A_269] : memref<10112x64xf32, #tpu.memory_space<hbm>> -> memref<10112x64xf32, #tpu.memory_space<hbm>>
      tpu.enqueue_indirect_dma source(%dma_start3A_270 : memref<10112x64xf32, #tpu.memory_space<hbm>>) target(%arg14 : memref<128x64xf32, #tpu.memory_space<vmem>>) offsets(%dma_start3A_267 : memref<128xi32, #tpu.memory_space<vmem>>) semaphore(%arg24 : memref<!tpu.dma_semaphore, #tpu.memory_space<semaphore_mem>>)
      %dma_wait3A = arith.constant 0 : i32
      %dma_wait3A_271 = arith.constant 0 : i32
      %dma_wait3A_272 = tpu.memref_slice %arg10[%dma_wait3A, %dma_wait3A_271] : memref<160x128xi32, #tpu.memory_space<vmem>> -> memref<1x128xi32, #tpu.memory_space<vmem>>
      %dma_wait3A_273 = tpu.memref_squeeze %dma_wait3A_272 : memref<1x128xi32, #tpu.memory_space<vmem>> -> memref<128xi32, #tpu.memory_space<vmem>>
      %dma_wait3A_274 = arith.constant 0 : i32
      %dma_wait3A_275 = arith.constant 0 : i32
      %dma_wait3A_276 = tpu.memref_slice %arg2[%dma_wait3A_274, %dma_wait3A_275] : memref<10112x64xf32, #tpu.memory_space<hbm>> -> memref<10112x64xf32, #tpu.memory_space<hbm>>
      tpu.wait_indirect_dma semaphore(%arg22 : memref<!tpu.dma_semaphore, #tpu.memory_space<semaphore_mem>>) src(%dma_wait3A_276 : memref<10112x64xf32, #tpu.memory_space<hbm>>) dst(%arg12 : memref<128x64xf32, #tpu.memory_space<vmem>>)
      %dma_start3A_277 = arith.constant 0 : i32
      %dma_start3A_278 = arith.constant 0 : i32
      %dma_start3A_279 = tpu.memref_slice %arg11[%dma_start3A_277, %dma_start3A_278] : memref<160x128xi32, #tpu.memory_space<vmem>> -> memref<1x128xi32, #tpu.memory_space<vmem>>
      %dma_start3A_280 = tpu.memref_squeeze %dma_start3A_279 : memref<1x128xi32, #tpu.memory_space<vmem>> -> memref<128xi32, #tpu.memory_space<vmem>>
      %dma_start3A_281 = arith.constant 0 : i32
      %dma_start3A_282 = arith.constant 0 : i32
      %dma_start3A_283 = tpu.memref_slice %arg21[%dma_start3A_281, %dma_start3A_282] : memref<10112x64xf32, #tpu.memory_space<vmem_shared>> -> memref<10112x64xf32, #tpu.memory_space<vmem_shared>>
      tpu.enqueue_indirect_dma source(%arg12 : memref<128x64xf32, #tpu.memory_space<vmem>>) target(%dma_start3A_283 : memref<10112x64xf32, #tpu.memory_space<vmem_shared>>) offsets(%dma_start3A_280 : memref<128xi32, #tpu.memory_space<vmem>>) semaphore(%arg27 : memref<!tpu.dma_semaphore, #tpu.memory_space<semaphore_mem>>) {add = true}
      %dma_start3A_284 = arith.constant 3 : i32
      %dma_start3A_285 = arith.constant 0 : i32
      %dma_start3A_286 = tpu.memref_slice %arg10[%dma_start3A_284, %dma_start3A_285] : memref<160x128xi32, #tpu.memory_space<vmem>> -> memref<1x128xi32, #tpu.memory_space<vmem>>
      %dma_start3A_287 = tpu.memref_squeeze %dma_start3A_286 : memref<1x128xi32, #tpu.memory_space<vmem>> -> memref<128xi32, #tpu.memory_space<vmem>>
      %dma_start3A_288 = arith.constant 0 : i32
      %dma_start3A_289 = arith.constant 0 : i32
      %dma_start3A_290 = tpu.memref_slice %arg2[%dma_start3A_288, %dma_start3A_289] : memref<10112x64xf32, #tpu.memory_space<hbm>> -> memref<10112x64xf32, #tpu.memory_space<hbm>>
      tpu.enqueue_indirect_dma source(%dma_start3A_290 : memref<10112x64xf32, #tpu.memory_space<hbm>>) target(%arg15 : memref<128x64xf32, #tpu.memory_space<vmem>>) offsets(%dma_start3A_287 : memref<128xi32, #tpu.memory_space<vmem>>) semaphore(%arg25 : memref<!tpu.dma_semaphore, #tpu.memory_space<semaphore_mem>>)
      %dma_wait3A_291 = arith.constant 1 : i32
      %dma_wait3A_292 = arith.constant 0 : i32
      %dma_wait3A_293 = tpu.memref_slice %arg10[%dma_wait3A_291, %dma_wait3A_292] : memref<160x128xi32, #tpu.memory_space<vmem>> -> memref<1x128xi32, #tpu.memory_space<vmem>>
      %dma_wait3A_294 = tpu.memref_squeeze %dma_wait3A_293 : memref<1x128xi32, #tpu.memory_space<vmem>> -> memref<128xi32, #tpu.memory_space<vmem>>
      %dma_wait3A_295 = arith.constant 0 : i32
      %dma_wait3A_296 = arith.constant 0 : i32
      %dma_wait3A_297 = tpu.memref_slice %arg2[%dma_wait3A_295, %dma_wait3A_296] : memref<10112x64xf32, #tpu.memory_space<hbm>> -> memref<10112x64xf32, #tpu.memory_space<hbm>>
      tpu.wait_indirect_dma semaphore(%arg23 : memref<!tpu.dma_semaphore, #tpu.memory_space<semaphore_mem>>) src(%dma_wait3A_297 : memref<10112x64xf32, #tpu.memory_space<hbm>>) dst(%arg13 : memref<128x64xf32, #tpu.memory_space<vmem>>)
      %dma_start3A_298 = arith.constant 1 : i32
      %dma_start3A_299 = arith.constant 0 : i32
      %dma_start3A_300 = tpu.memref_slice %arg11[%dma_start3A_298, %dma_start3A_299] : memref<160x128xi32, #tpu.memory_space<vmem>> -> memref<1x128xi32, #tpu.memory_space<vmem>>
      %dma_start3A_301 = tpu.memref_squeeze %dma_start3A_300 : memref<1x128xi32, #tpu.memory_space<vmem>> -> memref<128xi32, #tpu.memory_space<vmem>>
      %dma_start3A_302 = arith.constant 0 : i32
      %dma_start3A_303 = arith.constant 0 : i32
      %dma_start3A_304 = tpu.memref_slice %arg21[%dma_start3A_302, %dma_start3A_303] : memref<10112x64xf32, #tpu.memory_space<vmem_shared>> -> memref<10112x64xf32, #tpu.memory_space<vmem_shared>>
      tpu.enqueue_indirect_dma source(%arg13 : memref<128x64xf32, #tpu.memory_space<vmem>>) target(%dma_start3A_304 : memref<10112x64xf32, #tpu.memory_space<vmem_shared>>) offsets(%dma_start3A_301 : memref<128xi32, #tpu.memory_space<vmem>>) semaphore(%arg28 : memref<!tpu.dma_semaphore, #tpu.memory_space<semaphore_mem>>) {add = true}
      %dma_start3A_305 = arith.constant 4 : i32
      %dma_start3A_306 = arith.constant 0 : i32
      %dma_start3A_307 = tpu.memref_slice %arg10[%dma_start3A_305, %dma_start3A_306] : memref<160x128xi32, #tpu.memory_space<vmem>> -> memref<1x128xi32, #tpu.memory_space<vmem>>
      %dma_start3A_308 = tpu.memref_squeeze %dma_start3A_307 : memref<1x128xi32, #tpu.memory_space<vmem>> -> memref<128xi32, #tpu.memory_space<vmem>>
      %dma_start3A_309 = arith.constant 0 : i32
      %dma_start3A_310 = arith.constant 0 : i32
      %dma_start3A_311 = tpu.memref_slice %arg2[%dma_start3A_309, %dma_start3A_310] : memref<10112x64xf32, #tpu.memory_space<hbm>> -> memref<10112x64xf32, #tpu.memory_space<hbm>>
      tpu.enqueue_indirect_dma source(%dma_start3A_311 : memref<10112x64xf32, #tpu.memory_space<hbm>>) target(%arg16 : memref<128x64xf32, #tpu.memory_space<vmem>>) offsets(%dma_start3A_308 : memref<128xi32, #tpu.memory_space<vmem>>) semaphore(%arg26 : memref<!tpu.dma_semaphore, #tpu.memory_space<semaphore_mem>>)
      %dma_wait3A_312 = arith.constant 2 : i32
      %dma_wait3A_313 = arith.constant 0 : i32
      %dma_wait3A_314 = tpu.memref_slice %arg10[%dma_wait3A_312, %dma_wait3A_313] : memref<160x128xi32, #tpu.memory_space<vmem>> -> memref<1x128xi32, #tpu.memory_space<vmem>>
      %dma_wait3A_315 = tpu.memref_squeeze %dma_wait3A_314 : memref<1x128xi32, #tpu.memory_space<vmem>> -> memref<128xi32, #tpu.memory_space<vmem>>
      %dma_wait3A_316 = arith.constant 0 : i32
      %dma_wait3A_317 = arith.constant 0 : i32
      %dma_wait3A_318 = tpu.memref_slice %arg2[%dma_wait3A_316, %dma_wait3A_317] : memref<10112x64xf32, #tpu.memory_space<hbm>> -> memref<10112x64xf32, #tpu.memory_space<hbm>>
      tpu.wait_indirect_dma semaphore(%arg24 : memref<!tpu.dma_semaphore, #tpu.memory_space<semaphore_mem>>) src(%dma_wait3A_318 : memref<10112x64xf32, #tpu.memory_space<hbm>>) dst(%arg14 : memref<128x64xf32, #tpu.memory_space<vmem>>)
      %dma_start3A_319 = arith.constant 2 : i32
      %dma_start3A_320 = arith.constant 0 : i32
      %dma_start3A_321 = tpu.memref_slice %arg11[%dma_start3A_319, %dma_start3A_320] : memref<160x128xi32, #tpu.memory_space<vmem>> -> memref<1x128xi32, #tpu.memory_space<vmem>>
      %dma_start3A_322 = tpu.memref_squeeze %dma_start3A_321 : memref<1x128xi32, #tpu.memory_space<vmem>> -> memref<128xi32, #tpu.memory_space<vmem>>
      %dma_start3A_323 = arith.constant 0 : i32
      %dma_start3A_324 = arith.constant 0 : i32
      %dma_start3A_325 = tpu.memref_slice %arg21[%dma_start3A_323, %dma_start3A_324] : memref<10112x64xf32, #tpu.memory_space<vmem_shared>> -> memref<10112x64xf32, #tpu.memory_space<vmem_shared>>
      tpu.enqueue_indirect_dma source(%arg14 : memref<128x64xf32, #tpu.memory_space<vmem>>) target(%dma_start3A_325 : memref<10112x64xf32, #tpu.memory_space<vmem_shared>>) offsets(%dma_start3A_322 : memref<128xi32, #tpu.memory_space<vmem>>) semaphore(%arg29 : memref<!tpu.dma_semaphore, #tpu.memory_space<semaphore_mem>>) {add = true}
      %dma_wait3A_326 = arith.constant 0 : i32
      %dma_wait3A_327 = arith.constant 0 : i32
      %dma_wait3A_328 = tpu.memref_slice %arg11[%dma_wait3A_326, %dma_wait3A_327] : memref<160x128xi32, #tpu.memory_space<vmem>> -> memref<1x128xi32, #tpu.memory_space<vmem>>
      %dma_wait3A_329 = tpu.memref_squeeze %dma_wait3A_328 : memref<1x128xi32, #tpu.memory_space<vmem>> -> memref<128xi32, #tpu.memory_space<vmem>>
      %dma_wait3A_330 = arith.constant 0 : i32
      %dma_wait3A_331 = arith.constant 0 : i32
      %dma_wait3A_332 = tpu.memref_slice %arg21[%dma_wait3A_330, %dma_wait3A_331] : memref<10112x64xf32, #tpu.memory_space<vmem_shared>> -> memref<10112x64xf32, #tpu.memory_space<vmem_shared>>
      tpu.wait_indirect_dma semaphore(%arg27 : memref<!tpu.dma_semaphore, #tpu.memory_space<semaphore_mem>>) src(%arg12 : memref<128x64xf32, #tpu.memory_space<vmem>>) dst(%dma_wait3A_332 : memref<10112x64xf32, #tpu.memory_space<vmem_shared>>)
      %dma_start3A_333 = arith.constant 5 : i32
      %dma_start3A_334 = arith.constant 0 : i32
      %dma_start3A_335 = tpu.memref_slice %arg10[%dma_start3A_333, %dma_start3A_334] : memref<160x128xi32, #tpu.memory_space<vmem>> -> memref<1x128xi32, #tpu.memory_space<vmem>>
      %dma_start3A_336 = tpu.memref_squeeze %dma_start3A_335 : memref<1x128xi32, #tpu.memory_space<vmem>> -> memref<128xi32, #tpu.memory_space<vmem>>
      %dma_start3A_337 = arith.constant 0 : i32
      %dma_start3A_338 = arith.constant 0 : i32
      %dma_start3A_339 = tpu.memref_slice %arg2[%dma_start3A_337, %dma_start3A_338] : memref<10112x64xf32, #tpu.memory_space<hbm>> -> memref<10112x64xf32, #tpu.memory_space<hbm>>
      tpu.enqueue_indirect_dma source(%dma_start3A_339 : memref<10112x64xf32, #tpu.memory_space<hbm>>) target(%arg12 : memref<128x64xf32, #tpu.memory_space<vmem>>) offsets(%dma_start3A_336 : memref<128xi32, #tpu.memory_space<vmem>>) semaphore(%arg22 : memref<!tpu.dma_semaphore, #tpu.memory_space<semaphore_mem>>)
      %dma_wait3A_340 = arith.constant 3 : i32
      %dma_wait3A_341 = arith.constant 0 : i32
      %dma_wait3A_342 = tpu.memref_slice %arg10[%dma_wait3A_340, %dma_wait3A_341] : memref<160x128xi32, #tpu.memory_space<vmem>> -> memref<1x128xi32, #tpu.memory_space<vmem>>
      %dma_wait3A_343 = tpu.memref_squeeze %dma_wait3A_342 : memref<1x128xi32, #tpu.memory_space<vmem>> -> memref<128xi32, #tpu.memory_space<vmem>>
      %dma_wait3A_344 = arith.constant 0 : i32
      %dma_wait3A_345 = arith.constant 0 : i32
      %dma_wait3A_346 = tpu.memref_slice %arg2[%dma_wait3A_344, %dma_wait3A_345] : memref<10112x64xf32, #tpu.memory_space<hbm>> -> memref<10112x64xf32, #tpu.memory_space<hbm>>
      tpu.wait_indirect_dma semaphore(%arg25 : memref<!tpu.dma_semaphore, #tpu.memory_space<semaphore_mem>>) src(%dma_wait3A_346 : memref<10112x64xf32, #tpu.memory_space<hbm>>) dst(%arg15 : memref<128x64xf32, #tpu.memory_space<vmem>>)
      %dma_start3A_347 = arith.constant 3 : i32
      %dma_start3A_348 = arith.constant 0 : i32
      %dma_start3A_349 = tpu.memref_slice %arg11[%dma_start3A_347, %dma_start3A_348] : memref<160x128xi32, #tpu.memory_space<vmem>> -> memref<1x128xi32, #tpu.memory_space<vmem>>
      %dma_start3A_350 = tpu.memref_squeeze %dma_start3A_349 : memref<1x128xi32, #tpu.memory_space<vmem>> -> memref<128xi32, #tpu.memory_space<vmem>>
      %dma_start3A_351 = arith.constant 0 : i32
      %dma_start3A_352 = arith.constant 0 : i32
      %dma_start3A_353 = tpu.memref_slice %arg21[%dma_start3A_351, %dma_start3A_352] : memref<10112x64xf32, #tpu.memory_space<vmem_shared>> -> memref<10112x64xf32, #tpu.memory_space<vmem_shared>>
      tpu.enqueue_indirect_dma source(%arg15 : memref<128x64xf32, #tpu.memory_space<vmem>>) target(%dma_start3A_353 : memref<10112x64xf32, #tpu.memory_space<vmem_shared>>) offsets(%dma_start3A_350 : memref<128xi32, #tpu.memory_space<vmem>>) semaphore(%arg30 : memref<!tpu.dma_semaphore, #tpu.memory_space<semaphore_mem>>) {add = true}
      %dma_wait3A_354 = arith.constant 1 : i32
      %dma_wait3A_355 = arith.constant 0 : i32
      %dma_wait3A_356 = tpu.memref_slice %arg11[%dma_wait3A_354, %dma_wait3A_355] : memref<160x128xi32, #tpu.memory_space<vmem>> -> memref<1x128xi32, #tpu.memory_space<vmem>>
      %dma_wait3A_357 = tpu.memref_squeeze %dma_wait3A_356 : memref<1x128xi32, #tpu.memory_space<vmem>> -> memref<128xi32, #tpu.memory_space<vmem>>
      %dma_wait3A_358 = arith.constant 0 : i32
      %dma_wait3A_359 = arith.constant 0 : i32
      %dma_wait3A_360 = tpu.memref_slice %arg21[%dma_wait3A_358, %dma_wait3A_359] : memref<10112x64xf32, #tpu.memory_space<vmem_shared>> -> memref<10112x64xf32, #tpu.memory_space<vmem_shared>>
      tpu.wait_indirect_dma semaphore(%arg28 : memref<!tpu.dma_semaphore, #tpu.memory_space<semaphore_mem>>) src(%arg13 : memref<128x64xf32, #tpu.memory_space<vmem>>) dst(%dma_wait3A_360 : memref<10112x64xf32, #tpu.memory_space<vmem_shared>>)
      %dma_start3A_361 = arith.constant 6 : i32
      %dma_start3A_362 = arith.constant 0 : i32
      %dma_start3A_363 = tpu.memref_slice %arg10[%dma_start3A_361, %dma_start3A_362] : memref<160x128xi32, #tpu.memory_space<vmem>> -> memref<1x128xi32, #tpu.memory_space<vmem>>
      %dma_start3A_364 = tpu.memref_squeeze %dma_start3A_363 : memref<1x128xi32, #tpu.memory_space<vmem>> -> memref<128xi32, #tpu.memory_space<vmem>>
      %dma_start3A_365 = arith.constant 0 : i32
      %dma_start3A_366 = arith.constant 0 : i32
      %dma_start3A_367 = tpu.memref_slice %arg2[%dma_start3A_365, %dma_start3A_366] : memref<10112x64xf32, #tpu.memory_space<hbm>> -> memref<10112x64xf32, #tpu.memory_space<hbm>>
      tpu.enqueue_indirect_dma source(%dma_start3A_367 : memref<10112x64xf32, #tpu.memory_space<hbm>>) target(%arg13 : memref<128x64xf32, #tpu.memory_space<vmem>>) offsets(%dma_start3A_364 : memref<128xi32, #tpu.memory_space<vmem>>) semaphore(%arg23 : memref<!tpu.dma_semaphore, #tpu.memory_space<semaphore_mem>>)
      %dma_wait3A_368 = arith.constant 4 : i32
      %dma_wait3A_369 = arith.constant 0 : i32
      %dma_wait3A_370 = tpu.memref_slice %arg10[%dma_wait3A_368, %dma_wait3A_369] : memref<160x128xi32, #tpu.memory_space<vmem>> -> memref<1x128xi32, #tpu.memory_space<vmem>>
      %dma_wait3A_371 = tpu.memref_squeeze %dma_wait3A_370 : memref<1x128xi32, #tpu.memory_space<vmem>> -> memref<128xi32, #tpu.memory_space<vmem>>
      %dma_wait3A_372 = arith.constant 0 : i32
      %dma_wait3A_373 = arith.constant 0 : i32
      %dma_wait3A_374 = tpu.memref_slice %arg2[%dma_wait3A_372, %dma_wait3A_373] : memref<10112x64xf32, #tpu.memory_space<hbm>> -> memref<10112x64xf32, #tpu.memory_space<hbm>>
      tpu.wait_indirect_dma semaphore(%arg26 : memref<!tpu.dma_semaphore, #tpu.memory_space<semaphore_mem>>) src(%dma_wait3A_374 : memref<10112x64xf32, #tpu.memory_space<hbm>>) dst(%arg16 : memref<128x64xf32, #tpu.memory_space<vmem>>)
      %dma_start3A_375 = arith.constant 4 : i32
      %dma_start3A_376 = arith.constant 0 : i32
      %dma_start3A_377 = tpu.memref_slice %arg11[%dma_start3A_375, %dma_start3A_376] : memref<160x128xi32, #tpu.memory_space<vmem>> -> memref<1x128xi32, #tpu.memory_space<vmem>>
      %dma_start3A_378 = tpu.memref_squeeze %dma_start3A_377 : memref<1x128xi32, #tpu.memory_space<vmem>> -> memref<128xi32, #tpu.memory_space<vmem>>
      %dma_start3A_379 = arith.constant 0 : i32
      %dma_start3A_380 = arith.constant 0 : i32
      %dma_start3A_381 = tpu.memref_slice %arg21[%dma_start3A_379, %dma_start3A_380] : memref<10112x64xf32, #tpu.memory_space<vmem_shared>> -> memref<10112x64xf32, #tpu.memory_space<vmem_shared>>
      tpu.enqueue_indirect_dma source(%arg16 : memref<128x64xf32, #tpu.memory_space<vmem>>) target(%dma_start3A_381 : memref<10112x64xf32, #tpu.memory_space<vmem_shared>>) offsets(%dma_start3A_378 : memref<128xi32, #tpu.memory_space<vmem>>) semaphore(%arg31 : memref<!tpu.dma_semaphore, #tpu.memory_space<semaphore_mem>>) {add = true}
      %dma_wait3A_382 = arith.constant 2 : i32
      %dma_wait3A_383 = arith.constant 0 : i32
      %dma_wait3A_384 = tpu.memref_slice %arg11[%dma_wait3A_382, %dma_wait3A_383] : memref<160x128xi32, #tpu.memory_space<vmem>> -> memref<1x128xi32, #tpu.memory_space<vmem>>
      %dma_wait3A_385 = tpu.memref_squeeze %dma_wait3A_384 : memref<1x128xi32, #tpu.memory_space<vmem>> -> memref<128xi32, #tpu.memory_space<vmem>>
      %dma_wait3A_386 = arith.constant 0 : i32
      %dma_wait3A_387 = arith.constant 0 : i32
      %dma_wait3A_388 = tpu.memref_slice %arg21[%dma_wait3A_386, %dma_wait3A_387] : memref<10112x64xf32, #tpu.memory_space<vmem_shared>> -> memref<10112x64xf32, #tpu.memory_space<vmem_shared>>
      tpu.wait_indirect_dma semaphore(%arg29 : memref<!tpu.dma_semaphore, #tpu.memory_space<semaphore_mem>>) src(%arg14 : memref<128x64xf32, #tpu.memory_space<vmem>>) dst(%dma_wait3A_388 : memref<10112x64xf32, #tpu.memory_space<vmem_shared>>)
      %dma_start3A_389 = arith.constant 7 : i32
      %dma_start3A_390 = arith.constant 0 : i32
      %dma_start3A_391 = tpu.memref_slice %arg10[%dma_start3A_389, %dma_start3A_390] : memref<160x128xi32, #tpu.memory_space<vmem>> -> memref<1x128xi32, #tpu.memory_space<vmem>>
      %dma_start3A_392 = tpu.memref_squeeze %dma_start3A_391 : memref<1x128xi32, #tpu.memory_space<vmem>> -> memref<128xi32, #tpu.memory_space<vmem>>
      %dma_start3A_393 = arith.constant 0 : i32
      %dma_start3A_394 = arith.constant 0 : i32
      %dma_start3A_395 = tpu.memref_slice %arg2[%dma_start3A_393, %dma_start3A_394] : memref<10112x64xf32, #tpu.memory_space<hbm>> -> memref<10112x64xf32, #tpu.memory_space<hbm>>
      tpu.enqueue_indirect_dma source(%dma_start3A_395 : memref<10112x64xf32, #tpu.memory_space<hbm>>) target(%arg14 : memref<128x64xf32, #tpu.memory_space<vmem>>) offsets(%dma_start3A_392 : memref<128xi32, #tpu.memory_space<vmem>>) semaphore(%arg24 : memref<!tpu.dma_semaphore, #tpu.memory_space<semaphore_mem>>)
      %scan3A_396 = arith.constant 0 : i32
      %scan3A_397 = arith.constant 1 : i32
      %scan3A_398 = arith.constant 30 : i32
      %scan3A_399 = arith.addi %scan3A_397, %scan3A_398 : i32
      %scan3A_400 = arith.constant 1 : i32
      scf.for %scan3A_535 = %scan3A_397 to %scan3A_399 step %scan3A_400  : i32 {
        %mul3A_536 = arith.constant 5 : i32
        %mul3A_537 = arith.muli %scan3A_535, %mul3A_536 : i32
        %add3A_538 = arith.constant 0 : i32
        %add3A_539 = arith.addi %mul3A_537, %add3A_538 : i32
        %dma_wait3A_540 = arith.constant 0 : i32
        %dma_wait3A_541 = tpu.memref_slice %arg10[%add3A_539, %dma_wait3A_540] : memref<160x128xi32, #tpu.memory_space<vmem>> -> memref<1x128xi32, #tpu.memory_space<vmem>>
        %dma_wait3A_542 = tpu.memref_squeeze %dma_wait3A_541 : memref<1x128xi32, #tpu.memory_space<vmem>> -> memref<128xi32, #tpu.memory_space<vmem>>
        %dma_wait3A_543 = arith.constant 0 : i32
        %dma_wait3A_544 = arith.constant 0 : i32
        %dma_wait3A_545 = tpu.memref_slice %arg2[%dma_wait3A_543, %dma_wait3A_544] : memref<10112x64xf32, #tpu.memory_space<hbm>> -> memref<10112x64xf32, #tpu.memory_space<hbm>>
        tpu.wait_indirect_dma semaphore(%arg22 : memref<!tpu.dma_semaphore, #tpu.memory_space<semaphore_mem>>) src(%dma_wait3A_545 : memref<10112x64xf32, #tpu.memory_space<hbm>>) dst(%arg12 : memref<128x64xf32, #tpu.memory_space<vmem>>)
        %dma_start3A_546 = arith.constant 0 : i32
        %dma_start3A_547 = tpu.memref_slice %arg11[%add3A_539, %dma_start3A_546] : memref<160x128xi32, #tpu.memory_space<vmem>> -> memref<1x128xi32, #tpu.memory_space<vmem>>
        %dma_start3A_548 = tpu.memref_squeeze %dma_start3A_547 : memref<1x128xi32, #tpu.memory_space<vmem>> -> memref<128xi32, #tpu.memory_space<vmem>>
        %dma_start3A_549 = arith.constant 0 : i32
        %dma_start3A_550 = arith.constant 0 : i32
        %dma_start3A_551 = tpu.memref_slice %arg21[%dma_start3A_549, %dma_start3A_550] : memref<10112x64xf32, #tpu.memory_space<vmem_shared>> -> memref<10112x64xf32, #tpu.memory_space<vmem_shared>>
        tpu.enqueue_indirect_dma source(%arg12 : memref<128x64xf32, #tpu.memory_space<vmem>>) target(%dma_start3A_551 : memref<10112x64xf32, #tpu.memory_space<vmem_shared>>) offsets(%dma_start3A_548 : memref<128xi32, #tpu.memory_space<vmem>>) semaphore(%arg27 : memref<!tpu.dma_semaphore, #tpu.memory_space<semaphore_mem>>) {add = true}
        %sub3A_552 = arith.constant 2 : i32
        %sub3A_553 = arith.subi %add3A_539, %sub3A_552 : i32
        %dma_wait3A_554 = arith.constant 0 : i32
        %dma_wait3A_555 = tpu.memref_slice %arg11[%sub3A_553, %dma_wait3A_554] : memref<160x128xi32, #tpu.memory_space<vmem>> -> memref<1x128xi32, #tpu.memory_space<vmem>>
        %dma_wait3A_556 = tpu.memref_squeeze %dma_wait3A_555 : memref<1x128xi32, #tpu.memory_space<vmem>> -> memref<128xi32, #tpu.memory_space<vmem>>
        %dma_wait3A_557 = arith.constant 0 : i32
        %dma_wait3A_558 = arith.constant 0 : i32
        %dma_wait3A_559 = tpu.memref_slice %arg21[%dma_wait3A_557, %dma_wait3A_558] : memref<10112x64xf32, #tpu.memory_space<vmem_shared>> -> memref<10112x64xf32, #tpu.memory_space<vmem_shared>>
        tpu.wait_indirect_dma semaphore(%arg30 : memref<!tpu.dma_semaphore, #tpu.memory_space<semaphore_mem>>) src(%arg15 : memref<128x64xf32, #tpu.memory_space<vmem>>) dst(%dma_wait3A_559 : memref<10112x64xf32, #tpu.memory_space<vmem_shared>>)
        %add3A_560 = arith.constant 3 : i32
        %add3A_561 = arith.addi %add3A_539, %add3A_560 : i32
        %dma_start3A_562 = arith.constant 0 : i32
        %dma_start3A_563 = tpu.memref_slice %arg10[%add3A_561, %dma_start3A_562] : memref<160x128xi32, #tpu.memory_space<vmem>> -> memref<1x128xi32, #tpu.memory_space<vmem>>
        %dma_start3A_564 = tpu.memref_squeeze %dma_start3A_563 : memref<1x128xi32, #tpu.memory_space<vmem>> -> memref<128xi32, #tpu.memory_space<vmem>>
        %dma_start3A_565 = arith.constant 0 : i32
        %dma_start3A_566 = arith.constant 0 : i32
        %dma_start3A_567 = tpu.memref_slice %arg2[%dma_start3A_565, %dma_start3A_566] : memref<10112x64xf32, #tpu.memory_space<hbm>> -> memref<10112x64xf32, #tpu.memory_space<hbm>>
        tpu.enqueue_indirect_dma source(%dma_start3A_567 : memref<10112x64xf32, #tpu.memory_space<hbm>>) target(%arg15 : memref<128x64xf32, #tpu.memory_space<vmem>>) offsets(%dma_start3A_564 : memref<128xi32, #tpu.memory_space<vmem>>) semaphore(%arg25 : memref<!tpu.dma_semaphore, #tpu.memory_space<semaphore_mem>>)
        %add3A_568 = arith.constant 1 : i32
        %add3A_569 = arith.addi %mul3A_537, %add3A_568 : i32
        %dma_wait3A_570 = arith.constant 0 : i32
        %dma_wait3A_571 = tpu.memref_slice %arg10[%add3A_569, %dma_wait3A_570] : memref<160x128xi32, #tpu.memory_space<vmem>> -> memref<1x128xi32, #tpu.memory_space<vmem>>
        %dma_wait3A_572 = tpu.memref_squeeze %dma_wait3A_571 : memref<1x128xi32, #tpu.memory_space<vmem>> -> memref<128xi32, #tpu.memory_space<vmem>>
        %dma_wait3A_573 = arith.constant 0 : i32
        %dma_wait3A_574 = arith.constant 0 : i32
        %dma_wait3A_575 = tpu.memref_slice %arg2[%dma_wait3A_573, %dma_wait3A_574] : memref<10112x64xf32, #tpu.memory_space<hbm>> -> memref<10112x64xf32, #tpu.memory_space<hbm>>
        tpu.wait_indirect_dma semaphore(%arg23 : memref<!tpu.dma_semaphore, #tpu.memory_space<semaphore_mem>>) src(%dma_wait3A_575 : memref<10112x64xf32, #tpu.memory_space<hbm>>) dst(%arg13 : memref<128x64xf32, #tpu.memory_space<vmem>>)
        %dma_start3A_576 = arith.constant 0 : i32
        %dma_start3A_577 = tpu.memref_slice %arg11[%add3A_569, %dma_start3A_576] : memref<160x128xi32, #tpu.memory_space<vmem>> -> memref<1x128xi32, #tpu.memory_space<vmem>>
        %dma_start3A_578 = tpu.memref_squeeze %dma_start3A_577 : memref<1x128xi32, #tpu.memory_space<vmem>> -> memref<128xi32, #tpu.memory_space<vmem>>
        %dma_start3A_579 = arith.constant 0 : i32
        %dma_start3A_580 = arith.constant 0 : i32
        %dma_start3A_581 = tpu.memref_slice %arg21[%dma_start3A_579, %dma_start3A_580] : memref<10112x64xf32, #tpu.memory_space<vmem_shared>> -> memref<10112x64xf32, #tpu.memory_space<vmem_shared>>
        tpu.enqueue_indirect_dma source(%arg13 : memref<128x64xf32, #tpu.memory_space<vmem>>) target(%dma_start3A_581 : memref<10112x64xf32, #tpu.memory_space<vmem_shared>>) offsets(%dma_start3A_578 : memref<128xi32, #tpu.memory_space<vmem>>) semaphore(%arg28 : memref<!tpu.dma_semaphore, #tpu.memory_space<semaphore_mem>>) {add = true}
        %sub3A_582 = arith.constant 2 : i32
        %sub3A_583 = arith.subi %add3A_569, %sub3A_582 : i32
        %dma_wait3A_584 = arith.constant 0 : i32
        %dma_wait3A_585 = tpu.memref_slice %arg11[%sub3A_583, %dma_wait3A_584] : memref<160x128xi32, #tpu.memory_space<vmem>> -> memref<1x128xi32, #tpu.memory_space<vmem>>
        %dma_wait3A_586 = tpu.memref_squeeze %dma_wait3A_585 : memref<1x128xi32, #tpu.memory_space<vmem>> -> memref<128xi32, #tpu.memory_space<vmem>>
        %dma_wait3A_587 = arith.constant 0 : i32
        %dma_wait3A_588 = arith.constant 0 : i32
        %dma_wait3A_589 = tpu.memref_slice %arg21[%dma_wait3A_587, %dma_wait3A_588] : memref<10112x64xf32, #tpu.memory_space<vmem_shared>> -> memref<10112x64xf32, #tpu.memory_space<vmem_shared>>
        tpu.wait_indirect_dma semaphore(%arg31 : memref<!tpu.dma_semaphore, #tpu.memory_space<semaphore_mem>>) src(%arg16 : memref<128x64xf32, #tpu.memory_space<vmem>>) dst(%dma_wait3A_589 : memref<10112x64xf32, #tpu.memory_space<vmem_shared>>)
        %add3A_590 = arith.constant 3 : i32
        %add3A_591 = arith.addi %add3A_569, %add3A_590 : i32
        %dma_start3A_592 = arith.constant 0 : i32
        %dma_start3A_593 = tpu.memref_slice %arg10[%add3A_591, %dma_start3A_592] : memref<160x128xi32, #tpu.memory_space<vmem>> -> memref<1x128xi32, #tpu.memory_space<vmem>>
        %dma_start3A_594 = tpu.memref_squeeze %dma_start3A_593 : memref<1x128xi32, #tpu.memory_space<vmem>> -> memref<128xi32, #tpu.memory_space<vmem>>
        %dma_start3A_595 = arith.constant 0 : i32
        %dma_start3A_596 = arith.constant 0 : i32
        %dma_start3A_597 = tpu.memref_slice %arg2[%dma_start3A_595, %dma_start3A_596] : memref<10112x64xf32, #tpu.memory_space<hbm>> -> memref<10112x64xf32, #tpu.memory_space<hbm>>
        tpu.enqueue_indirect_dma source(%dma_start3A_597 : memref<10112x64xf32, #tpu.memory_space<hbm>>) target(%arg16 : memref<128x64xf32, #tpu.memory_space<vmem>>) offsets(%dma_start3A_594 : memref<128xi32, #tpu.memory_space<vmem>>) semaphore(%arg26 : memref<!tpu.dma_semaphore, #tpu.memory_space<semaphore_mem>>)
        %add3A_598 = arith.constant 2 : i32
        %add3A_599 = arith.addi %mul3A_537, %add3A_598 : i32
        %dma_wait3A_600 = arith.constant 0 : i32
        %dma_wait3A_601 = tpu.memref_slice %arg10[%add3A_599, %dma_wait3A_600] : memref<160x128xi32, #tpu.memory_space<vmem>> -> memref<1x128xi32, #tpu.memory_space<vmem>>
        %dma_wait3A_602 = tpu.memref_squeeze %dma_wait3A_601 : memref<1x128xi32, #tpu.memory_space<vmem>> -> memref<128xi32, #tpu.memory_space<vmem>>
        %dma_wait3A_603 = arith.constant 0 : i32
        %dma_wait3A_604 = arith.constant 0 : i32
        %dma_wait3A_605 = tpu.memref_slice %arg2[%dma_wait3A_603, %dma_wait3A_604] : memref<10112x64xf32, #tpu.memory_space<hbm>> -> memref<10112x64xf32, #tpu.memory_space<hbm>>
        tpu.wait_indirect_dma semaphore(%arg24 : memref<!tpu.dma_semaphore, #tpu.memory_space<semaphore_mem>>) src(%dma_wait3A_605 : memref<10112x64xf32, #tpu.memory_space<hbm>>) dst(%arg14 : memref<128x64xf32, #tpu.memory_space<vmem>>)
        %dma_start3A_606 = arith.constant 0 : i32
        %dma_start3A_607 = tpu.memref_slice %arg11[%add3A_599, %dma_start3A_606] : memref<160x128xi32, #tpu.memory_space<vmem>> -> memref<1x128xi32, #tpu.memory_space<vmem>>
        %dma_start3A_608 = tpu.memref_squeeze %dma_start3A_607 : memref<1x128xi32, #tpu.memory_space<vmem>> -> memref<128xi32, #tpu.memory_space<vmem>>
        %dma_start3A_609 = arith.constant 0 : i32
        %dma_start3A_610 = arith.constant 0 : i32
        %dma_start3A_611 = tpu.memref_slice %arg21[%dma_start3A_609, %dma_start3A_610] : memref<10112x64xf32, #tpu.memory_space<vmem_shared>> -> memref<10112x64xf32, #tpu.memory_space<vmem_shared>>
        tpu.enqueue_indirect_dma source(%arg14 : memref<128x64xf32, #tpu.memory_space<vmem>>) target(%dma_start3A_611 : memref<10112x64xf32, #tpu.memory_space<vmem_shared>>) offsets(%dma_start3A_608 : memref<128xi32, #tpu.memory_space<vmem>>) semaphore(%arg29 : memref<!tpu.dma_semaphore, #tpu.memory_space<semaphore_mem>>) {add = true}
        %sub3A_612 = arith.constant 2 : i32
        %sub3A_613 = arith.subi %add3A_599, %sub3A_612 : i32
        %dma_wait3A_614 = arith.constant 0 : i32
        %dma_wait3A_615 = tpu.memref_slice %arg11[%sub3A_613, %dma_wait3A_614] : memref<160x128xi32, #tpu.memory_space<vmem>> -> memref<1x128xi32, #tpu.memory_space<vmem>>
        %dma_wait3A_616 = tpu.memref_squeeze %dma_wait3A_615 : memref<1x128xi32, #tpu.memory_space<vmem>> -> memref<128xi32, #tpu.memory_space<vmem>>
        %dma_wait3A_617 = arith.constant 0 : i32
        %dma_wait3A_618 = arith.constant 0 : i32
        %dma_wait3A_619 = tpu.memref_slice %arg21[%dma_wait3A_617, %dma_wait3A_618] : memref<10112x64xf32, #tpu.memory_space<vmem_shared>> -> memref<10112x64xf32, #tpu.memory_space<vmem_shared>>
        tpu.wait_indirect_dma semaphore(%arg27 : memref<!tpu.dma_semaphore, #tpu.memory_space<semaphore_mem>>) src(%arg12 : memref<128x64xf32, #tpu.memory_space<vmem>>) dst(%dma_wait3A_619 : memref<10112x64xf32, #tpu.memory_space<vmem_shared>>)
        %add3A_620 = arith.constant 3 : i32
        %add3A_621 = arith.addi %add3A_599, %add3A_620 : i32
        %dma_start3A_622 = arith.constant 0 : i32
        %dma_start3A_623 = tpu.memref_slice %arg10[%add3A_621, %dma_start3A_622] : memref<160x128xi32, #tpu.memory_space<vmem>> -> memref<1x128xi32, #tpu.memory_space<vmem>>
        %dma_start3A_624 = tpu.memref_squeeze %dma_start3A_623 : memref<1x128xi32, #tpu.memory_space<vmem>> -> memref<128xi32, #tpu.memory_space<vmem>>
        %dma_start3A_625 = arith.constant 0 : i32
        %dma_start3A_626 = arith.constant 0 : i32
        %dma_start3A_627 = tpu.memref_slice %arg2[%dma_start3A_625, %dma_start3A_626] : memref<10112x64xf32, #tpu.memory_space<hbm>> -> memref<10112x64xf32, #tpu.memory_space<hbm>>
        tpu.enqueue_indirect_dma source(%dma_start3A_627 : memref<10112x64xf32, #tpu.memory_space<hbm>>) target(%arg12 : memref<128x64xf32, #tpu.memory_space<vmem>>) offsets(%dma_start3A_624 : memref<128xi32, #tpu.memory_space<vmem>>) semaphore(%arg22 : memref<!tpu.dma_semaphore, #tpu.memory_space<semaphore_mem>>)
        %add3A_628 = arith.constant 3 : i32
        %add3A_629 = arith.addi %mul3A_537, %add3A_628 : i32
        %dma_wait3A_630 = arith.constant 0 : i32
        %dma_wait3A_631 = tpu.memref_slice %arg10[%add3A_629, %dma_wait3A_630] : memref<160x128xi32, #tpu.memory_space<vmem>> -> memref<1x128xi32, #tpu.memory_space<vmem>>
        %dma_wait3A_632 = tpu.memref_squeeze %dma_wait3A_631 : memref<1x128xi32, #tpu.memory_space<vmem>> -> memref<128xi32, #tpu.memory_space<vmem>>
        %dma_wait3A_633 = arith.constant 0 : i32
        %dma_wait3A_634 = arith.constant 0 : i32
        %dma_wait3A_635 = tpu.memref_slice %arg2[%dma_wait3A_633, %dma_wait3A_634] : memref<10112x64xf32, #tpu.memory_space<hbm>> -> memref<10112x64xf32, #tpu.memory_space<hbm>>
        tpu.wait_indirect_dma semaphore(%arg25 : memref<!tpu.dma_semaphore, #tpu.memory_space<semaphore_mem>>) src(%dma_wait3A_635 : memref<10112x64xf32, #tpu.memory_space<hbm>>) dst(%arg15 : memref<128x64xf32, #tpu.memory_space<vmem>>)
        %dma_start3A_636 = arith.constant 0 : i32
        %dma_start3A_637 = tpu.memref_slice %arg11[%add3A_629, %dma_start3A_636] : memref<160x128xi32, #tpu.memory_space<vmem>> -> memref<1x128xi32, #tpu.memory_space<vmem>>
        %dma_start3A_638 = tpu.memref_squeeze %dma_start3A_637 : memref<1x128xi32, #tpu.memory_space<vmem>> -> memref<128xi32, #tpu.memory_space<vmem>>
        %dma_start3A_639 = arith.constant 0 : i32
        %dma_start3A_640 = arith.constant 0 : i32
        %dma_start3A_641 = tpu.memref_slice %arg21[%dma_start3A_639, %dma_start3A_640] : memref<10112x64xf32, #tpu.memory_space<vmem_shared>> -> memref<10112x64xf32, #tpu.memory_space<vmem_shared>>
        tpu.enqueue_indirect_dma source(%arg15 : memref<128x64xf32, #tpu.memory_space<vmem>>) target(%dma_start3A_641 : memref<10112x64xf32, #tpu.memory_space<vmem_shared>>) offsets(%dma_start3A_638 : memref<128xi32, #tpu.memory_space<vmem>>) semaphore(%arg30 : memref<!tpu.dma_semaphore, #tpu.memory_space<semaphore_mem>>) {add = true}
        %sub3A_642 = arith.constant 2 : i32
        %sub3A_643 = arith.subi %add3A_629, %sub3A_642 : i32
        %dma_wait3A_644 = arith.constant 0 : i32
        %dma_wait3A_645 = tpu.memref_slice %arg11[%sub3A_643, %dma_wait3A_644] : memref<160x128xi32, #tpu.memory_space<vmem>> -> memref<1x128xi32, #tpu.memory_space<vmem>>
        %dma_wait3A_646 = tpu.memref_squeeze %dma_wait3A_645 : memref<1x128xi32, #tpu.memory_space<vmem>> -> memref<128xi32, #tpu.memory_space<vmem>>
        %dma_wait3A_647 = arith.constant 0 : i32
        %dma_wait3A_648 = arith.constant 0 : i32
        %dma_wait3A_649 = tpu.memref_slice %arg21[%dma_wait3A_647, %dma_wait3A_648] : memref<10112x64xf32, #tpu.memory_space<vmem_shared>> -> memref<10112x64xf32, #tpu.memory_space<vmem_shared>>
        tpu.wait_indirect_dma semaphore(%arg28 : memref<!tpu.dma_semaphore, #tpu.memory_space<semaphore_mem>>) src(%arg13 : memref<128x64xf32, #tpu.memory_space<vmem>>) dst(%dma_wait3A_649 : memref<10112x64xf32, #tpu.memory_space<vmem_shared>>)
        %add3A_650 = arith.constant 3 : i32
        %add3A_651 = arith.addi %add3A_629, %add3A_650 : i32
        %dma_start3A_652 = arith.constant 0 : i32
        %dma_start3A_653 = tpu.memref_slice %arg10[%add3A_651, %dma_start3A_652] : memref<160x128xi32, #tpu.memory_space<vmem>> -> memref<1x128xi32, #tpu.memory_space<vmem>>
        %dma_start3A_654 = tpu.memref_squeeze %dma_start3A_653 : memref<1x128xi32, #tpu.memory_space<vmem>> -> memref<128xi32, #tpu.memory_space<vmem>>
        %dma_start3A_655 = arith.constant 0 : i32
        %dma_start3A_656 = arith.constant 0 : i32
        %dma_start3A_657 = tpu.memref_slice %arg2[%dma_start3A_655, %dma_start3A_656] : memref<10112x64xf32, #tpu.memory_space<hbm>> -> memref<10112x64xf32, #tpu.memory_space<hbm>>
        tpu.enqueue_indirect_dma source(%dma_start3A_657 : memref<10112x64xf32, #tpu.memory_space<hbm>>) target(%arg13 : memref<128x64xf32, #tpu.memory_space<vmem>>) offsets(%dma_start3A_654 : memref<128xi32, #tpu.memory_space<vmem>>) semaphore(%arg23 : memref<!tpu.dma_semaphore, #tpu.memory_space<semaphore_mem>>)
        %add3A_658 = arith.constant 4 : i32
        %add3A_659 = arith.addi %mul3A_537, %add3A_658 : i32
        %dma_wait3A_660 = arith.constant 0 : i32
        %dma_wait3A_661 = tpu.memref_slice %arg10[%add3A_659, %dma_wait3A_660] : memref<160x128xi32, #tpu.memory_space<vmem>> -> memref<1x128xi32, #tpu.memory_space<vmem>>
        %dma_wait3A_662 = tpu.memref_squeeze %dma_wait3A_661 : memref<1x128xi32, #tpu.memory_space<vmem>> -> memref<128xi32, #tpu.memory_space<vmem>>
        %dma_wait3A_663 = arith.constant 0 : i32
        %dma_wait3A_664 = arith.constant 0 : i32
        %dma_wait3A_665 = tpu.memref_slice %arg2[%dma_wait3A_663, %dma_wait3A_664] : memref<10112x64xf32, #tpu.memory_space<hbm>> -> memref<10112x64xf32, #tpu.memory_space<hbm>>
        tpu.wait_indirect_dma semaphore(%arg26 : memref<!tpu.dma_semaphore, #tpu.memory_space<semaphore_mem>>) src(%dma_wait3A_665 : memref<10112x64xf32, #tpu.memory_space<hbm>>) dst(%arg16 : memref<128x64xf32, #tpu.memory_space<vmem>>)
        %dma_start3A_666 = arith.constant 0 : i32
        %dma_start3A_667 = tpu.memref_slice %arg11[%add3A_659, %dma_start3A_666] : memref<160x128xi32, #tpu.memory_space<vmem>> -> memref<1x128xi32, #tpu.memory_space<vmem>>
        %dma_start3A_668 = tpu.memref_squeeze %dma_start3A_667 : memref<1x128xi32, #tpu.memory_space<vmem>> -> memref<128xi32, #tpu.memory_space<vmem>>
        %dma_start3A_669 = arith.constant 0 : i32
        %dma_start3A_670 = arith.constant 0 : i32
        %dma_start3A_671 = tpu.memref_slice %arg21[%dma_start3A_669, %dma_start3A_670] : memref<10112x64xf32, #tpu.memory_space<vmem_shared>> -> memref<10112x64xf32, #tpu.memory_space<vmem_shared>>
        tpu.enqueue_indirect_dma source(%arg16 : memref<128x64xf32, #tpu.memory_space<vmem>>) target(%dma_start3A_671 : memref<10112x64xf32, #tpu.memory_space<vmem_shared>>) offsets(%dma_start3A_668 : memref<128xi32, #tpu.memory_space<vmem>>) semaphore(%arg31 : memref<!tpu.dma_semaphore, #tpu.memory_space<semaphore_mem>>) {add = true}
        %sub3A_672 = arith.constant 2 : i32
        %sub3A_673 = arith.subi %add3A_659, %sub3A_672 : i32
        %dma_wait3A_674 = arith.constant 0 : i32
        %dma_wait3A_675 = tpu.memref_slice %arg11[%sub3A_673, %dma_wait3A_674] : memref<160x128xi32, #tpu.memory_space<vmem>> -> memref<1x128xi32, #tpu.memory_space<vmem>>
        %dma_wait3A_676 = tpu.memref_squeeze %dma_wait3A_675 : memref<1x128xi32, #tpu.memory_space<vmem>> -> memref<128xi32, #tpu.memory_space<vmem>>
        %dma_wait3A_677 = arith.constant 0 : i32
        %dma_wait3A_678 = arith.constant 0 : i32
        %dma_wait3A_679 = tpu.memref_slice %arg21[%dma_wait3A_677, %dma_wait3A_678] : memref<10112x64xf32, #tpu.memory_space<vmem_shared>> -> memref<10112x64xf32, #tpu.memory_space<vmem_shared>>
        tpu.wait_indirect_dma semaphore(%arg29 : memref<!tpu.dma_semaphore, #tpu.memory_space<semaphore_mem>>) src(%arg14 : memref<128x64xf32, #tpu.memory_space<vmem>>) dst(%dma_wait3A_679 : memref<10112x64xf32, #tpu.memory_space<vmem_shared>>)
        %add3A_680 = arith.constant 3 : i32
        %add3A_681 = arith.addi %add3A_659, %add3A_680 : i32
        %dma_start3A_682 = arith.constant 0 : i32
        %dma_start3A_683 = tpu.memref_slice %arg10[%add3A_681, %dma_start3A_682] : memref<160x128xi32, #tpu.memory_space<vmem>> -> memref<1x128xi32, #tpu.memory_space<vmem>>
        %dma_start3A_684 = tpu.memref_squeeze %dma_start3A_683 : memref<1x128xi32, #tpu.memory_space<vmem>> -> memref<128xi32, #tpu.memory_space<vmem>>
        %dma_start3A_685 = arith.constant 0 : i32
        %dma_start3A_686 = arith.constant 0 : i32
        %dma_start3A_687 = tpu.memref_slice %arg2[%dma_start3A_685, %dma_start3A_686] : memref<10112x64xf32, #tpu.memory_space<hbm>> -> memref<10112x64xf32, #tpu.memory_space<hbm>>
        tpu.enqueue_indirect_dma source(%dma_start3A_687 : memref<10112x64xf32, #tpu.memory_space<hbm>>) target(%arg14 : memref<128x64xf32, #tpu.memory_space<vmem>>) offsets(%dma_start3A_684 : memref<128xi32, #tpu.memory_space<vmem>>) semaphore(%arg24 : memref<!tpu.dma_semaphore, #tpu.memory_space<semaphore_mem>>)
      }
      %scan3A_401 = arith.constant 30 : i32
      %dma_wait3A_402 = arith.constant 155 : i32
      %dma_wait3A_403 = arith.constant 0 : i32
      %dma_wait3A_404 = tpu.memref_slice %arg10[%dma_wait3A_402, %dma_wait3A_403] : memref<160x128xi32, #tpu.memory_space<vmem>> -> memref<1x128xi32, #tpu.memory_space<vmem>>
      %dma_wait3A_405 = tpu.memref_squeeze %dma_wait3A_404 : memref<1x128xi32, #tpu.memory_space<vmem>> -> memref<128xi32, #tpu.memory_space<vmem>>
      %dma_wait3A_406 = arith.constant 0 : i32
      %dma_wait3A_407 = arith.constant 0 : i32
      %dma_wait3A_408 = tpu.memref_slice %arg2[%dma_wait3A_406, %dma_wait3A_407] : memref<10112x64xf32, #tpu.memory_space<hbm>> -> memref<10112x64xf32, #tpu.memory_space<hbm>>
      tpu.wait_indirect_dma semaphore(%arg22 : memref<!tpu.dma_semaphore, #tpu.memory_space<semaphore_mem>>) src(%dma_wait3A_408 : memref<10112x64xf32, #tpu.memory_space<hbm>>) dst(%arg12 : memref<128x64xf32, #tpu.memory_space<vmem>>)
      %dma_start3A_409 = arith.constant 155 : i32
      %dma_start3A_410 = arith.constant 0 : i32
      %dma_start3A_411 = tpu.memref_slice %arg11[%dma_start3A_409, %dma_start3A_410] : memref<160x128xi32, #tpu.memory_space<vmem>> -> memref<1x128xi32, #tpu.memory_space<vmem>>
      %dma_start3A_412 = tpu.memref_squeeze %dma_start3A_411 : memref<1x128xi32, #tpu.memory_space<vmem>> -> memref<128xi32, #tpu.memory_space<vmem>>
      %dma_start3A_413 = arith.constant 0 : i32
      %dma_start3A_414 = arith.constant 0 : i32
      %dma_start3A_415 = tpu.memref_slice %arg21[%dma_start3A_413, %dma_start3A_414] : memref<10112x64xf32, #tpu.memory_space<vmem_shared>> -> memref<10112x64xf32, #tpu.memory_space<vmem_shared>>
      tpu.enqueue_indirect_dma source(%arg12 : memref<128x64xf32, #tpu.memory_space<vmem>>) target(%dma_start3A_415 : memref<10112x64xf32, #tpu.memory_space<vmem_shared>>) offsets(%dma_start3A_412 : memref<128xi32, #tpu.memory_space<vmem>>) semaphore(%arg27 : memref<!tpu.dma_semaphore, #tpu.memory_space<semaphore_mem>>) {add = true}
      %dma_wait3A_416 = arith.constant 153 : i32
      %dma_wait3A_417 = arith.constant 0 : i32
      %dma_wait3A_418 = tpu.memref_slice %arg11[%dma_wait3A_416, %dma_wait3A_417] : memref<160x128xi32, #tpu.memory_space<vmem>> -> memref<1x128xi32, #tpu.memory_space<vmem>>
      %dma_wait3A_419 = tpu.memref_squeeze %dma_wait3A_418 : memref<1x128xi32, #tpu.memory_space<vmem>> -> memref<128xi32, #tpu.memory_space<vmem>>
      %dma_wait3A_420 = arith.constant 0 : i32
      %dma_wait3A_421 = arith.constant 0 : i32
      %dma_wait3A_422 = tpu.memref_slice %arg21[%dma_wait3A_420, %dma_wait3A_421] : memref<10112x64xf32, #tpu.memory_space<vmem_shared>> -> memref<10112x64xf32, #tpu.memory_space<vmem_shared>>
      tpu.wait_indirect_dma semaphore(%arg30 : memref<!tpu.dma_semaphore, #tpu.memory_space<semaphore_mem>>) src(%arg15 : memref<128x64xf32, #tpu.memory_space<vmem>>) dst(%dma_wait3A_422 : memref<10112x64xf32, #tpu.memory_space<vmem_shared>>)
      %dma_start3A_423 = arith.constant 158 : i32
      %dma_start3A_424 = arith.constant 0 : i32
      %dma_start3A_425 = tpu.memref_slice %arg10[%dma_start3A_423, %dma_start3A_424] : memref<160x128xi32, #tpu.memory_space<vmem>> -> memref<1x128xi32, #tpu.memory_space<vmem>>
      %dma_start3A_426 = tpu.memref_squeeze %dma_start3A_425 : memref<1x128xi32, #tpu.memory_space<vmem>> -> memref<128xi32, #tpu.memory_space<vmem>>
      %dma_start3A_427 = arith.constant 0 : i32
      %dma_start3A_428 = arith.constant 0 : i32
      %dma_start3A_429 = tpu.memref_slice %arg2[%dma_start3A_427, %dma_start3A_428] : memref<10112x64xf32, #tpu.memory_space<hbm>> -> memref<10112x64xf32, #tpu.memory_space<hbm>>
      tpu.enqueue_indirect_dma source(%dma_start3A_429 : memref<10112x64xf32, #tpu.memory_space<hbm>>) target(%arg15 : memref<128x64xf32, #tpu.memory_space<vmem>>) offsets(%dma_start3A_426 : memref<128xi32, #tpu.memory_space<vmem>>) semaphore(%arg25 : memref<!tpu.dma_semaphore, #tpu.memory_space<semaphore_mem>>)
      %dma_wait3A_430 = arith.constant 156 : i32
      %dma_wait3A_431 = arith.constant 0 : i32
      %dma_wait3A_432 = tpu.memref_slice %arg10[%dma_wait3A_430, %dma_wait3A_431] : memref<160x128xi32, #tpu.memory_space<vmem>> -> memref<1x128xi32, #tpu.memory_space<vmem>>
      %dma_wait3A_433 = tpu.memref_squeeze %dma_wait3A_432 : memref<1x128xi32, #tpu.memory_space<vmem>> -> memref<128xi32, #tpu.memory_space<vmem>>
      %dma_wait3A_434 = arith.constant 0 : i32
      %dma_wait3A_435 = arith.constant 0 : i32
      %dma_wait3A_436 = tpu.memref_slice %arg2[%dma_wait3A_434, %dma_wait3A_435] : memref<10112x64xf32, #tpu.memory_space<hbm>> -> memref<10112x64xf32, #tpu.memory_space<hbm>>
      tpu.wait_indirect_dma semaphore(%arg23 : memref<!tpu.dma_semaphore, #tpu.memory_space<semaphore_mem>>) src(%dma_wait3A_436 : memref<10112x64xf32, #tpu.memory_space<hbm>>) dst(%arg13 : memref<128x64xf32, #tpu.memory_space<vmem>>)
      %dma_start3A_437 = arith.constant 156 : i32
      %dma_start3A_438 = arith.constant 0 : i32
      %dma_start3A_439 = tpu.memref_slice %arg11[%dma_start3A_437, %dma_start3A_438] : memref<160x128xi32, #tpu.memory_space<vmem>> -> memref<1x128xi32, #tpu.memory_space<vmem>>
      %dma_start3A_440 = tpu.memref_squeeze %dma_start3A_439 : memref<1x128xi32, #tpu.memory_space<vmem>> -> memref<128xi32, #tpu.memory_space<vmem>>
      %dma_start3A_441 = arith.constant 0 : i32
      %dma_start3A_442 = arith.constant 0 : i32
      %dma_start3A_443 = tpu.memref_slice %arg21[%dma_start3A_441, %dma_start3A_442] : memref<10112x64xf32, #tpu.memory_space<vmem_shared>> -> memref<10112x64xf32, #tpu.memory_space<vmem_shared>>
      tpu.enqueue_indirect_dma source(%arg13 : memref<128x64xf32, #tpu.memory_space<vmem>>) target(%dma_start3A_443 : memref<10112x64xf32, #tpu.memory_space<vmem_shared>>) offsets(%dma_start3A_440 : memref<128xi32, #tpu.memory_space<vmem>>) semaphore(%arg28 : memref<!tpu.dma_semaphore, #tpu.memory_space<semaphore_mem>>) {add = true}
      %dma_wait3A_444 = arith.constant 154 : i32
      %dma_wait3A_445 = arith.constant 0 : i32
      %dma_wait3A_446 = tpu.memref_slice %arg11[%dma_wait3A_444, %dma_wait3A_445] : memref<160x128xi32, #tpu.memory_space<vmem>> -> memref<1x128xi32, #tpu.memory_space<vmem>>
      %dma_wait3A_447 = tpu.memref_squeeze %dma_wait3A_446 : memref<1x128xi32, #tpu.memory_space<vmem>> -> memref<128xi32, #tpu.memory_space<vmem>>
      %dma_wait3A_448 = arith.constant 0 : i32
      %dma_wait3A_449 = arith.constant 0 : i32
      %dma_wait3A_450 = tpu.memref_slice %arg21[%dma_wait3A_448, %dma_wait3A_449] : memref<10112x64xf32, #tpu.memory_space<vmem_shared>> -> memref<10112x64xf32, #tpu.memory_space<vmem_shared>>
      tpu.wait_indirect_dma semaphore(%arg31 : memref<!tpu.dma_semaphore, #tpu.memory_space<semaphore_mem>>) src(%arg16 : memref<128x64xf32, #tpu.memory_space<vmem>>) dst(%dma_wait3A_450 : memref<10112x64xf32, #tpu.memory_space<vmem_shared>>)
      %dma_start3A_451 = arith.constant 159 : i32
      %dma_start3A_452 = arith.constant 0 : i32
      %dma_start3A_453 = tpu.memref_slice %arg10[%dma_start3A_451, %dma_start3A_452] : memref<160x128xi32, #tpu.memory_space<vmem>> -> memref<1x128xi32, #tpu.memory_space<vmem>>
      %dma_start3A_454 = tpu.memref_squeeze %dma_start3A_453 : memref<1x128xi32, #tpu.memory_space<vmem>> -> memref<128xi32, #tpu.memory_space<vmem>>
      %dma_start3A_455 = arith.constant 0 : i32
      %dma_start3A_456 = arith.constant 0 : i32
      %dma_start3A_457 = tpu.memref_slice %arg2[%dma_start3A_455, %dma_start3A_456] : memref<10112x64xf32, #tpu.memory_space<hbm>> -> memref<10112x64xf32, #tpu.memory_space<hbm>>
      tpu.enqueue_indirect_dma source(%dma_start3A_457 : memref<10112x64xf32, #tpu.memory_space<hbm>>) target(%arg16 : memref<128x64xf32, #tpu.memory_space<vmem>>) offsets(%dma_start3A_454 : memref<128xi32, #tpu.memory_space<vmem>>) semaphore(%arg26 : memref<!tpu.dma_semaphore, #tpu.memory_space<semaphore_mem>>)
      %dma_wait3A_458 = arith.constant 157 : i32
      %dma_wait3A_459 = arith.constant 0 : i32
      %dma_wait3A_460 = tpu.memref_slice %arg10[%dma_wait3A_458, %dma_wait3A_459] : memref<160x128xi32, #tpu.memory_space<vmem>> -> memref<1x128xi32, #tpu.memory_space<vmem>>
      %dma_wait3A_461 = tpu.memref_squeeze %dma_wait3A_460 : memref<1x128xi32, #tpu.memory_space<vmem>> -> memref<128xi32, #tpu.memory_space<vmem>>
      %dma_wait3A_462 = arith.constant 0 : i32
      %dma_wait3A_463 = arith.constant 0 : i32
      %dma_wait3A_464 = tpu.memref_slice %arg2[%dma_wait3A_462, %dma_wait3A_463] : memref<10112x64xf32, #tpu.memory_space<hbm>> -> memref<10112x64xf32, #tpu.memory_space<hbm>>
      tpu.wait_indirect_dma semaphore(%arg24 : memref<!tpu.dma_semaphore, #tpu.memory_space<semaphore_mem>>) src(%dma_wait3A_464 : memref<10112x64xf32, #tpu.memory_space<hbm>>) dst(%arg14 : memref<128x64xf32, #tpu.memory_space<vmem>>)
      %dma_start3A_465 = arith.constant 157 : i32
      %dma_start3A_466 = arith.constant 0 : i32
      %dma_start3A_467 = tpu.memref_slice %arg11[%dma_start3A_465, %dma_start3A_466] : memref<160x128xi32, #tpu.memory_space<vmem>> -> memref<1x128xi32, #tpu.memory_space<vmem>>
      %dma_start3A_468 = tpu.memref_squeeze %dma_start3A_467 : memref<1x128xi32, #tpu.memory_space<vmem>> -> memref<128xi32, #tpu.memory_space<vmem>>
      %dma_start3A_469 = arith.constant 0 : i32
      %dma_start3A_470 = arith.constant 0 : i32
      %dma_start3A_471 = tpu.memref_slice %arg21[%dma_start3A_469, %dma_start3A_470] : memref<10112x64xf32, #tpu.memory_space<vmem_shared>> -> memref<10112x64xf32, #tpu.memory_space<vmem_shared>>
      tpu.enqueue_indirect_dma source(%arg14 : memref<128x64xf32, #tpu.memory_space<vmem>>) target(%dma_start3A_471 : memref<10112x64xf32, #tpu.memory_space<vmem_shared>>) offsets(%dma_start3A_468 : memref<128xi32, #tpu.memory_space<vmem>>) semaphore(%arg29 : memref<!tpu.dma_semaphore, #tpu.memory_space<semaphore_mem>>) {add = true}
      %dma_wait3A_472 = arith.constant 155 : i32
      %dma_wait3A_473 = arith.constant 0 : i32
      %dma_wait3A_474 = tpu.memref_slice %arg11[%dma_wait3A_472, %dma_wait3A_473] : memref<160x128xi32, #tpu.memory_space<vmem>> -> memref<1x128xi32, #tpu.memory_space<vmem>>
      %dma_wait3A_475 = tpu.memref_squeeze %dma_wait3A_474 : memref<1x128xi32, #tpu.memory_space<vmem>> -> memref<128xi32, #tpu.memory_space<vmem>>
      %dma_wait3A_476 = arith.constant 0 : i32
      %dma_wait3A_477 = arith.constant 0 : i32
      %dma_wait3A_478 = tpu.memref_slice %arg21[%dma_wait3A_476, %dma_wait3A_477] : memref<10112x64xf32, #tpu.memory_space<vmem_shared>> -> memref<10112x64xf32, #tpu.memory_space<vmem_shared>>
      tpu.wait_indirect_dma semaphore(%arg27 : memref<!tpu.dma_semaphore, #tpu.memory_space<semaphore_mem>>) src(%arg12 : memref<128x64xf32, #tpu.memory_space<vmem>>) dst(%dma_wait3A_478 : memref<10112x64xf32, #tpu.memory_space<vmem_shared>>)
      %dma_wait3A_479 = arith.constant 158 : i32
      %dma_wait3A_480 = arith.constant 0 : i32
      %dma_wait3A_481 = tpu.memref_slice %arg10[%dma_wait3A_479, %dma_wait3A_480] : memref<160x128xi32, #tpu.memory_space<vmem>> -> memref<1x128xi32, #tpu.memory_space<vmem>>
      %dma_wait3A_482 = tpu.memref_squeeze %dma_wait3A_481 : memref<1x128xi32, #tpu.memory_space<vmem>> -> memref<128xi32, #tpu.memory_space<vmem>>
      %dma_wait3A_483 = arith.constant 0 : i32
      %dma_wait3A_484 = arith.constant 0 : i32
      %dma_wait3A_485 = tpu.memref_slice %arg2[%dma_wait3A_483, %dma_wait3A_484] : memref<10112x64xf32, #tpu.memory_space<hbm>> -> memref<10112x64xf32, #tpu.memory_space<hbm>>
      tpu.wait_indirect_dma semaphore(%arg25 : memref<!tpu.dma_semaphore, #tpu.memory_space<semaphore_mem>>) src(%dma_wait3A_485 : memref<10112x64xf32, #tpu.memory_space<hbm>>) dst(%arg15 : memref<128x64xf32, #tpu.memory_space<vmem>>)
      %dma_start3A_486 = arith.constant 158 : i32
      %dma_start3A_487 = arith.constant 0 : i32
      %dma_start3A_488 = tpu.memref_slice %arg11[%dma_start3A_486, %dma_start3A_487] : memref<160x128xi32, #tpu.memory_space<vmem>> -> memref<1x128xi32, #tpu.memory_space<vmem>>
      %dma_start3A_489 = tpu.memref_squeeze %dma_start3A_488 : memref<1x128xi32, #tpu.memory_space<vmem>> -> memref<128xi32, #tpu.memory_space<vmem>>
      %dma_start3A_490 = arith.constant 0 : i32
      %dma_start3A_491 = arith.constant 0 : i32
      %dma_start3A_492 = tpu.memref_slice %arg21[%dma_start3A_490, %dma_start3A_491] : memref<10112x64xf32, #tpu.memory_space<vmem_shared>> -> memref<10112x64xf32, #tpu.memory_space<vmem_shared>>
      tpu.enqueue_indirect_dma source(%arg15 : memref<128x64xf32, #tpu.memory_space<vmem>>) target(%dma_start3A_492 : memref<10112x64xf32, #tpu.memory_space<vmem_shared>>) offsets(%dma_start3A_489 : memref<128xi32, #tpu.memory_space<vmem>>) semaphore(%arg30 : memref<!tpu.dma_semaphore, #tpu.memory_space<semaphore_mem>>) {add = true}
      %dma_wait3A_493 = arith.constant 156 : i32
      %dma_wait3A_494 = arith.constant 0 : i32
      %dma_wait3A_495 = tpu.memref_slice %arg11[%dma_wait3A_493, %dma_wait3A_494] : memref<160x128xi32, #tpu.memory_space<vmem>> -> memref<1x128xi32, #tpu.memory_space<vmem>>
      %dma_wait3A_496 = tpu.memref_squeeze %dma_wait3A_495 : memref<1x128xi32, #tpu.memory_space<vmem>> -> memref<128xi32, #tpu.memory_space<vmem>>
      %dma_wait3A_497 = arith.constant 0 : i32
      %dma_wait3A_498 = arith.constant 0 : i32
      %dma_wait3A_499 = tpu.memref_slice %arg21[%dma_wait3A_497, %dma_wait3A_498] : memref<10112x64xf32, #tpu.memory_space<vmem_shared>> -> memref<10112x64xf32, #tpu.memory_space<vmem_shared>>
      tpu.wait_indirect_dma semaphore(%arg28 : memref<!tpu.dma_semaphore, #tpu.memory_space<semaphore_mem>>) src(%arg13 : memref<128x64xf32, #tpu.memory_space<vmem>>) dst(%dma_wait3A_499 : memref<10112x64xf32, #tpu.memory_space<vmem_shared>>)
      %dma_wait3A_500 = arith.constant 159 : i32
      %dma_wait3A_501 = arith.constant 0 : i32
      %dma_wait3A_502 = tpu.memref_slice %arg10[%dma_wait3A_500, %dma_wait3A_501] : memref<160x128xi32, #tpu.memory_space<vmem>> -> memref<1x128xi32, #tpu.memory_space<vmem>>
      %dma_wait3A_503 = tpu.memref_squeeze %dma_wait3A_502 : memref<1x128xi32, #tpu.memory_space<vmem>> -> memref<128xi32, #tpu.memory_space<vmem>>
      %dma_wait3A_504 = arith.constant 0 : i32
      %dma_wait3A_505 = arith.constant 0 : i32
      %dma_wait3A_506 = tpu.memref_slice %arg2[%dma_wait3A_504, %dma_wait3A_505] : memref<10112x64xf32, #tpu.memory_space<hbm>> -> memref<10112x64xf32, #tpu.memory_space<hbm>>
      tpu.wait_indirect_dma semaphore(%arg26 : memref<!tpu.dma_semaphore, #tpu.memory_space<semaphore_mem>>) src(%dma_wait3A_506 : memref<10112x64xf32, #tpu.memory_space<hbm>>) dst(%arg16 : memref<128x64xf32, #tpu.memory_space<vmem>>)
      %dma_start3A_507 = arith.constant 159 : i32
      %dma_start3A_508 = arith.constant 0 : i32
      %dma_start3A_509 = tpu.memref_slice %arg11[%dma_start3A_507, %dma_start3A_508] : memref<160x128xi32, #tpu.memory_space<vmem>> -> memref<1x128xi32, #tpu.memory_space<vmem>>
      %dma_start3A_510 = tpu.memref_squeeze %dma_start3A_509 : memref<1x128xi32, #tpu.memory_space<vmem>> -> memref<128xi32, #tpu.memory_space<vmem>>
      %dma_start3A_511 = arith.constant 0 : i32
      %dma_start3A_512 = arith.constant 0 : i32
      %dma_start3A_513 = tpu.memref_slice %arg21[%dma_start3A_511, %dma_start3A_512] : memref<10112x64xf32, #tpu.memory_space<vmem_shared>> -> memref<10112x64xf32, #tpu.memory_space<vmem_shared>>
      tpu.enqueue_indirect_dma source(%arg16 : memref<128x64xf32, #tpu.memory_space<vmem>>) target(%dma_start3A_513 : memref<10112x64xf32, #tpu.memory_space<vmem_shared>>) offsets(%dma_start3A_510 : memref<128xi32, #tpu.memory_space<vmem>>) semaphore(%arg31 : memref<!tpu.dma_semaphore, #tpu.memory_space<semaphore_mem>>) {add = true}
      %dma_wait3A_514 = arith.constant 157 : i32
      %dma_wait3A_515 = arith.constant 0 : i32
      %dma_wait3A_516 = tpu.memref_slice %arg11[%dma_wait3A_514, %dma_wait3A_515] : memref<160x128xi32, #tpu.memory_space<vmem>> -> memref<1x128xi32, #tpu.memory_space<vmem>>
      %dma_wait3A_517 = tpu.memref_squeeze %dma_wait3A_516 : memref<1x128xi32, #tpu.memory_space<vmem>> -> memref<128xi32, #tpu.memory_space<vmem>>
      %dma_wait3A_518 = arith.constant 0 : i32
      %dma_wait3A_519 = arith.constant 0 : i32
      %dma_wait3A_520 = tpu.memref_slice %arg21[%dma_wait3A_518, %dma_wait3A_519] : memref<10112x64xf32, #tpu.memory_space<vmem_shared>> -> memref<10112x64xf32, #tpu.memory_space<vmem_shared>>
      tpu.wait_indirect_dma semaphore(%arg29 : memref<!tpu.dma_semaphore, #tpu.memory_space<semaphore_mem>>) src(%arg14 : memref<128x64xf32, #tpu.memory_space<vmem>>) dst(%dma_wait3A_520 : memref<10112x64xf32, #tpu.memory_space<vmem_shared>>)
      %dma_wait3A_521 = arith.constant 158 : i32
      %dma_wait3A_522 = arith.constant 0 : i32
      %dma_wait3A_523 = tpu.memref_slice %arg11[%dma_wait3A_521, %dma_wait3A_522] : memref<160x128xi32, #tpu.memory_space<vmem>> -> memref<1x128xi32, #tpu.memory_space<vmem>>
      %dma_wait3A_524 = tpu.memref_squeeze %dma_wait3A_523 : memref<1x128xi32, #tpu.memory_space<vmem>> -> memref<128xi32, #tpu.memory_space<vmem>>
      %dma_wait3A_525 = arith.constant 0 : i32
      %dma_wait3A_526 = arith.constant 0 : i32
      %dma_wait3A_527 = tpu.memref_slice %arg21[%dma_wait3A_525, %dma_wait3A_526] : memref<10112x64xf32, #tpu.memory_space<vmem_shared>> -> memref<10112x64xf32, #tpu.memory_space<vmem_shared>>
      tpu.wait_indirect_dma semaphore(%arg30 : memref<!tpu.dma_semaphore, #tpu.memory_space<semaphore_mem>>) src(%arg15 : memref<128x64xf32, #tpu.memory_space<vmem>>) dst(%dma_wait3A_527 : memref<10112x64xf32, #tpu.memory_space<vmem_shared>>)
      %dma_wait3A_528 = arith.constant 159 : i32
      %dma_wait3A_529 = arith.constant 0 : i32
      %dma_wait3A_530 = tpu.memref_slice %arg11[%dma_wait3A_528, %dma_wait3A_529] : memref<160x128xi32, #tpu.memory_space<vmem>> -> memref<1x128xi32, #tpu.memory_space<vmem>>
      %dma_wait3A_531 = tpu.memref_squeeze %dma_wait3A_530 : memref<1x128xi32, #tpu.memory_space<vmem>> -> memref<128xi32, #tpu.memory_space<vmem>>
      %dma_wait3A_532 = arith.constant 0 : i32
      %dma_wait3A_533 = arith.constant 0 : i32
      %dma_wait3A_534 = tpu.memref_slice %arg21[%dma_wait3A_532, %dma_wait3A_533] : memref<10112x64xf32, #tpu.memory_space<vmem_shared>> -> memref<10112x64xf32, #tpu.memory_space<vmem_shared>>
      tpu.wait_indirect_dma semaphore(%arg31 : memref<!tpu.dma_semaphore, #tpu.memory_space<semaphore_mem>>) src(%arg16 : memref<128x64xf32, #tpu.memory_space<vmem>>) dst(%dma_wait3A_534 : memref<10112x64xf32, #tpu.memory_space<vmem_shared>>)
    } else {
    }
    %eq3A_17 = arith.constant 1 : i32
    %eq3A_18 = arith.cmpi eq, %arg0, %eq3A_17 : i32
    %convert_element_type3A_19 = arith.extui %eq3A_18 : i1 to i32
    %cond3A_20 = arith.constant 0 : i32
    %cond3A_21 = arith.cmpi ne, %convert_element_type3A_19, %cond3A_20 : i32
    scf.if %cond3A_21 {
      %dma_start3A = arith.constant 0 : i32
      %dma_start3A_251 = arith.constant 0 : i32
      %dma_start3A_252 = tpu.memref_slice %arg10[%dma_start3A, %dma_start3A_251] : memref<160x128xi32, #tpu.memory_space<vmem>> -> memref<1x128xi32, #tpu.memory_space<vmem>>
      %dma_start3A_253 = tpu.memref_squeeze %dma_start3A_252 : memref<1x128xi32, #tpu.memory_space<vmem>> -> memref<128xi32, #tpu.memory_space<vmem>>
      %dma_start3A_254 = arith.constant 0 : i32
      %dma_start3A_255 = arith.constant 0 : i32
      %dma_start3A_256 = tpu.memref_slice %arg3[%dma_start3A_254, %dma_start3A_255] : memref<10112x64xf32, #tpu.memory_space<hbm>> -> memref<10112x64xf32, #tpu.memory_space<hbm>>
      tpu.enqueue_indirect_dma source(%dma_start3A_256 : memref<10112x64xf32, #tpu.memory_space<hbm>>) target(%arg12 : memref<128x64xf32, #tpu.memory_space<vmem>>) offsets(%dma_start3A_253 : memref<128xi32, #tpu.memory_space<vmem>>) semaphore(%arg22 : memref<!tpu.dma_semaphore, #tpu.memory_space<semaphore_mem>>)
      %dma_start3A_257 = arith.constant 1 : i32
      %dma_start3A_258 = arith.constant 0 : i32
      %dma_start3A_259 = tpu.memref_slice %arg10[%dma_start3A_257, %dma_start3A_258] : memref<160x128xi32, #tpu.memory_space<vmem>> -> memref<1x128xi32, #tpu.memory_space<vmem>>
      %dma_start3A_260 = tpu.memref_squeeze %dma_start3A_259 : memref<1x128xi32, #tpu.memory_space<vmem>> -> memref<128xi32, #tpu.memory_space<vmem>>
      %dma_start3A_261 = arith.constant 0 : i32
      %dma_start3A_262 = arith.constant 0 : i32
      %dma_start3A_263 = tpu.memref_slice %arg3[%dma_start3A_261, %dma_start3A_262] : memref<10112x64xf32, #tpu.memory_space<hbm>> -> memref<10112x64xf32, #tpu.memory_space<hbm>>
      tpu.enqueue_indirect_dma source(%dma_start3A_263 : memref<10112x64xf32, #tpu.memory_space<hbm>>) target(%arg13 : memref<128x64xf32, #tpu.memory_space<vmem>>) offsets(%dma_start3A_260 : memref<128xi32, #tpu.memory_space<vmem>>) semaphore(%arg23 : memref<!tpu.dma_semaphore, #tpu.memory_space<semaphore_mem>>)
      %dma_start3A_264 = arith.constant 2 : i32
      %dma_start3A_265 = arith.constant 0 : i32
      %dma_start3A_266 = tpu.memref_slice %arg10[%dma_start3A_264, %dma_start3A_265] : memref<160x128xi32, #tpu.memory_space<vmem>> -> memref<1x128xi32, #tpu.memory_space<vmem>>
      %dma_start3A_267 = tpu.memref_squeeze %dma_start3A_266 : memref<1x128xi32, #tpu.memory_space<vmem>> -> memref<128xi32, #tpu.memory_space<vmem>>
      %dma_start3A_268 = arith.constant 0 : i32
      %dma_start3A_269 = arith.constant 0 : i32
      %dma_start3A_270 = tpu.memref_slice %arg3[%dma_start3A_268, %dma_start3A_269] : memref<10112x64xf32, #tpu.memory_space<hbm>> -> memref<10112x64xf32, #tpu.memory_space<hbm>>
      tpu.enqueue_indirect_dma source(%dma_start3A_270 : memref<10112x64xf32, #tpu.memory_space<hbm>>) target(%arg14 : memref<128x64xf32, #tpu.memory_space<vmem>>) offsets(%dma_start3A_267 : memref<128xi32, #tpu.memory_space<vmem>>) semaphore(%arg24 : memref<!tpu.dma_semaphore, #tpu.memory_space<semaphore_mem>>)
      %dma_wait3A = arith.constant 0 : i32
      %dma_wait3A_271 = arith.constant 0 : i32
      %dma_wait3A_272 = tpu.memref_slice %arg10[%dma_wait3A, %dma_wait3A_271] : memref<160x128xi32, #tpu.memory_space<vmem>> -> memref<1x128xi32, #tpu.memory_space<vmem>>
      %dma_wait3A_273 = tpu.memref_squeeze %dma_wait3A_272 : memref<1x128xi32, #tpu.memory_space<vmem>> -> memref<128xi32, #tpu.memory_space<vmem>>
      %dma_wait3A_274 = arith.constant 0 : i32
      %dma_wait3A_275 = arith.constant 0 : i32
      %dma_wait3A_276 = tpu.memref_slice %arg3[%dma_wait3A_274, %dma_wait3A_275] : memref<10112x64xf32, #tpu.memory_space<hbm>> -> memref<10112x64xf32, #tpu.memory_space<hbm>>
      tpu.wait_indirect_dma semaphore(%arg22 : memref<!tpu.dma_semaphore, #tpu.memory_space<semaphore_mem>>) src(%dma_wait3A_276 : memref<10112x64xf32, #tpu.memory_space<hbm>>) dst(%arg12 : memref<128x64xf32, #tpu.memory_space<vmem>>)
      %dma_start3A_277 = arith.constant 0 : i32
      %dma_start3A_278 = arith.constant 0 : i32
      %dma_start3A_279 = tpu.memref_slice %arg11[%dma_start3A_277, %dma_start3A_278] : memref<160x128xi32, #tpu.memory_space<vmem>> -> memref<1x128xi32, #tpu.memory_space<vmem>>
      %dma_start3A_280 = tpu.memref_squeeze %dma_start3A_279 : memref<1x128xi32, #tpu.memory_space<vmem>> -> memref<128xi32, #tpu.memory_space<vmem>>
      %dma_start3A_281 = arith.constant 0 : i32
      %dma_start3A_282 = arith.constant 0 : i32
      %dma_start3A_283 = tpu.memref_slice %arg21[%dma_start3A_281, %dma_start3A_282] : memref<10112x64xf32, #tpu.memory_space<vmem_shared>> -> memref<10112x64xf32, #tpu.memory_space<vmem_shared>>
      tpu.enqueue_indirect_dma source(%arg12 : memref<128x64xf32, #tpu.memory_space<vmem>>) target(%dma_start3A_283 : memref<10112x64xf32, #tpu.memory_space<vmem_shared>>) offsets(%dma_start3A_280 : memref<128xi32, #tpu.memory_space<vmem>>) semaphore(%arg27 : memref<!tpu.dma_semaphore, #tpu.memory_space<semaphore_mem>>) {add = true}
      %dma_start3A_284 = arith.constant 3 : i32
      %dma_start3A_285 = arith.constant 0 : i32
      %dma_start3A_286 = tpu.memref_slice %arg10[%dma_start3A_284, %dma_start3A_285] : memref<160x128xi32, #tpu.memory_space<vmem>> -> memref<1x128xi32, #tpu.memory_space<vmem>>
      %dma_start3A_287 = tpu.memref_squeeze %dma_start3A_286 : memref<1x128xi32, #tpu.memory_space<vmem>> -> memref<128xi32, #tpu.memory_space<vmem>>
      %dma_start3A_288 = arith.constant 0 : i32
      %dma_start3A_289 = arith.constant 0 : i32
      %dma_start3A_290 = tpu.memref_slice %arg3[%dma_start3A_288, %dma_start3A_289] : memref<10112x64xf32, #tpu.memory_space<hbm>> -> memref<10112x64xf32, #tpu.memory_space<hbm>>
      tpu.enqueue_indirect_dma source(%dma_start3A_290 : memref<10112x64xf32, #tpu.memory_space<hbm>>) target(%arg15 : memref<128x64xf32, #tpu.memory_space<vmem>>) offsets(%dma_start3A_287 : memref<128xi32, #tpu.memory_space<vmem>>) semaphore(%arg25 : memref<!tpu.dma_semaphore, #tpu.memory_space<semaphore_mem>>)
      %dma_wait3A_291 = arith.constant 1 : i32
      %dma_wait3A_292 = arith.constant 0 : i32
      %dma_wait3A_293 = tpu.memref_slice %arg10[%dma_wait3A_291, %dma_wait3A_292] : memref<160x128xi32, #tpu.memory_space<vmem>> -> memref<1x128xi32, #tpu.memory_space<vmem>>
      %dma_wait3A_294 = tpu.memref_squeeze %dma_wait3A_293 : memref<1x128xi32, #tpu.memory_space<vmem>> -> memref<128xi32, #tpu.memory_space<vmem>>
      %dma_wait3A_295 = arith.constant 0 : i32
      %dma_wait3A_296 = arith.constant 0 : i32
      %dma_wait3A_297 = tpu.memref_slice %arg3[%dma_wait3A_295, %dma_wait3A_296] : memref<10112x64xf32, #tpu.memory_space<hbm>> -> memref<10112x64xf32, #tpu.memory_space<hbm>>
      tpu.wait_indirect_dma semaphore(%arg23 : memref<!tpu.dma_semaphore, #tpu.memory_space<semaphore_mem>>) src(%dma_wait3A_297 : memref<10112x64xf32, #tpu.memory_space<hbm>>) dst(%arg13 : memref<128x64xf32, #tpu.memory_space<vmem>>)
      %dma_start3A_298 = arith.constant 1 : i32
      %dma_start3A_299 = arith.constant 0 : i32
      %dma_start3A_300 = tpu.memref_slice %arg11[%dma_start3A_298, %dma_start3A_299] : memref<160x128xi32, #tpu.memory_space<vmem>> -> memref<1x128xi32, #tpu.memory_space<vmem>>
      %dma_start3A_301 = tpu.memref_squeeze %dma_start3A_300 : memref<1x128xi32, #tpu.memory_space<vmem>> -> memref<128xi32, #tpu.memory_space<vmem>>
      %dma_start3A_302 = arith.constant 0 : i32
      %dma_start3A_303 = arith.constant 0 : i32
      %dma_start3A_304 = tpu.memref_slice %arg21[%dma_start3A_302, %dma_start3A_303] : memref<10112x64xf32, #tpu.memory_space<vmem_shared>> -> memref<10112x64xf32, #tpu.memory_space<vmem_shared>>
      tpu.enqueue_indirect_dma source(%arg13 : memref<128x64xf32, #tpu.memory_space<vmem>>) target(%dma_start3A_304 : memref<10112x64xf32, #tpu.memory_space<vmem_shared>>) offsets(%dma_start3A_301 : memref<128xi32, #tpu.memory_space<vmem>>) semaphore(%arg28 : memref<!tpu.dma_semaphore, #tpu.memory_space<semaphore_mem>>) {add = true}
      %dma_start3A_305 = arith.constant 4 : i32
      %dma_start3A_306 = arith.constant 0 : i32
      %dma_start3A_307 = tpu.memref_slice %arg10[%dma_start3A_305, %dma_start3A_306] : memref<160x128xi32, #tpu.memory_space<vmem>> -> memref<1x128xi32, #tpu.memory_space<vmem>>
      %dma_start3A_308 = tpu.memref_squeeze %dma_start3A_307 : memref<1x128xi32, #tpu.memory_space<vmem>> -> memref<128xi32, #tpu.memory_space<vmem>>
      %dma_start3A_309 = arith.constant 0 : i32
      %dma_start3A_310 = arith.constant 0 : i32
      %dma_start3A_311 = tpu.memref_slice %arg3[%dma_start3A_309, %dma_start3A_310] : memref<10112x64xf32, #tpu.memory_space<hbm>> -> memref<10112x64xf32, #tpu.memory_space<hbm>>
      tpu.enqueue_indirect_dma source(%dma_start3A_311 : memref<10112x64xf32, #tpu.memory_space<hbm>>) target(%arg16 : memref<128x64xf32, #tpu.memory_space<vmem>>) offsets(%dma_start3A_308 : memref<128xi32, #tpu.memory_space<vmem>>) semaphore(%arg26 : memref<!tpu.dma_semaphore, #tpu.memory_space<semaphore_mem>>)
      %dma_wait3A_312 = arith.constant 2 : i32
      %dma_wait3A_313 = arith.constant 0 : i32
      %dma_wait3A_314 = tpu.memref_slice %arg10[%dma_wait3A_312, %dma_wait3A_313] : memref<160x128xi32, #tpu.memory_space<vmem>> -> memref<1x128xi32, #tpu.memory_space<vmem>>
      %dma_wait3A_315 = tpu.memref_squeeze %dma_wait3A_314 : memref<1x128xi32, #tpu.memory_space<vmem>> -> memref<128xi32, #tpu.memory_space<vmem>>
      %dma_wait3A_316 = arith.constant 0 : i32
      %dma_wait3A_317 = arith.constant 0 : i32
      %dma_wait3A_318 = tpu.memref_slice %arg3[%dma_wait3A_316, %dma_wait3A_317] : memref<10112x64xf32, #tpu.memory_space<hbm>> -> memref<10112x64xf32, #tpu.memory_space<hbm>>
      tpu.wait_indirect_dma semaphore(%arg24 : memref<!tpu.dma_semaphore, #tpu.memory_space<semaphore_mem>>) src(%dma_wait3A_318 : memref<10112x64xf32, #tpu.memory_space<hbm>>) dst(%arg14 : memref<128x64xf32, #tpu.memory_space<vmem>>)
      %dma_start3A_319 = arith.constant 2 : i32
      %dma_start3A_320 = arith.constant 0 : i32
      %dma_start3A_321 = tpu.memref_slice %arg11[%dma_start3A_319, %dma_start3A_320] : memref<160x128xi32, #tpu.memory_space<vmem>> -> memref<1x128xi32, #tpu.memory_space<vmem>>
      %dma_start3A_322 = tpu.memref_squeeze %dma_start3A_321 : memref<1x128xi32, #tpu.memory_space<vmem>> -> memref<128xi32, #tpu.memory_space<vmem>>
      %dma_start3A_323 = arith.constant 0 : i32
      %dma_start3A_324 = arith.constant 0 : i32
      %dma_start3A_325 = tpu.memref_slice %arg21[%dma_start3A_323, %dma_start3A_324] : memref<10112x64xf32, #tpu.memory_space<vmem_shared>> -> memref<10112x64xf32, #tpu.memory_space<vmem_shared>>
      tpu.enqueue_indirect_dma source(%arg14 : memref<128x64xf32, #tpu.memory_space<vmem>>) target(%dma_start3A_325 : memref<10112x64xf32, #tpu.memory_space<vmem_shared>>) offsets(%dma_start3A_322 : memref<128xi32, #tpu.memory_space<vmem>>) semaphore(%arg29 : memref<!tpu.dma_semaphore, #tpu.memory_space<semaphore_mem>>) {add = true}
      %dma_wait3A_326 = arith.constant 0 : i32
      %dma_wait3A_327 = arith.constant 0 : i32
      %dma_wait3A_328 = tpu.memref_slice %arg11[%dma_wait3A_326, %dma_wait3A_327] : memref<160x128xi32, #tpu.memory_space<vmem>> -> memref<1x128xi32, #tpu.memory_space<vmem>>
      %dma_wait3A_329 = tpu.memref_squeeze %dma_wait3A_328 : memref<1x128xi32, #tpu.memory_space<vmem>> -> memref<128xi32, #tpu.memory_space<vmem>>
      %dma_wait3A_330 = arith.constant 0 : i32
      %dma_wait3A_331 = arith.constant 0 : i32
      %dma_wait3A_332 = tpu.memref_slice %arg21[%dma_wait3A_330, %dma_wait3A_331] : memref<10112x64xf32, #tpu.memory_space<vmem_shared>> -> memref<10112x64xf32, #tpu.memory_space<vmem_shared>>
      tpu.wait_indirect_dma semaphore(%arg27 : memref<!tpu.dma_semaphore, #tpu.memory_space<semaphore_mem>>) src(%arg12 : memref<128x64xf32, #tpu.memory_space<vmem>>) dst(%dma_wait3A_332 : memref<10112x64xf32, #tpu.memory_space<vmem_shared>>)
      %dma_start3A_333 = arith.constant 5 : i32
      %dma_start3A_334 = arith.constant 0 : i32
      %dma_start3A_335 = tpu.memref_slice %arg10[%dma_start3A_333, %dma_start3A_334] : memref<160x128xi32, #tpu.memory_space<vmem>> -> memref<1x128xi32, #tpu.memory_space<vmem>>
      %dma_start3A_336 = tpu.memref_squeeze %dma_start3A_335 : memref<1x128xi32, #tpu.memory_space<vmem>> -> memref<128xi32, #tpu.memory_space<vmem>>
      %dma_start3A_337 = arith.constant 0 : i32
      %dma_start3A_338 = arith.constant 0 : i32
      %dma_start3A_339 = tpu.memref_slice %arg3[%dma_start3A_337, %dma_start3A_338] : memref<10112x64xf32, #tpu.memory_space<hbm>> -> memref<10112x64xf32, #tpu.memory_space<hbm>>
      tpu.enqueue_indirect_dma source(%dma_start3A_339 : memref<10112x64xf32, #tpu.memory_space<hbm>>) target(%arg12 : memref<128x64xf32, #tpu.memory_space<vmem>>) offsets(%dma_start3A_336 : memref<128xi32, #tpu.memory_space<vmem>>) semaphore(%arg22 : memref<!tpu.dma_semaphore, #tpu.memory_space<semaphore_mem>>)
      %dma_wait3A_340 = arith.constant 3 : i32
      %dma_wait3A_341 = arith.constant 0 : i32
      %dma_wait3A_342 = tpu.memref_slice %arg10[%dma_wait3A_340, %dma_wait3A_341] : memref<160x128xi32, #tpu.memory_space<vmem>> -> memref<1x128xi32, #tpu.memory_space<vmem>>
      %dma_wait3A_343 = tpu.memref_squeeze %dma_wait3A_342 : memref<1x128xi32, #tpu.memory_space<vmem>> -> memref<128xi32, #tpu.memory_space<vmem>>
      %dma_wait3A_344 = arith.constant 0 : i32
      %dma_wait3A_345 = arith.constant 0 : i32
      %dma_wait3A_346 = tpu.memref_slice %arg3[%dma_wait3A_344, %dma_wait3A_345] : memref<10112x64xf32, #tpu.memory_space<hbm>> -> memref<10112x64xf32, #tpu.memory_space<hbm>>
      tpu.wait_indirect_dma semaphore(%arg25 : memref<!tpu.dma_semaphore, #tpu.memory_space<semaphore_mem>>) src(%dma_wait3A_346 : memref<10112x64xf32, #tpu.memory_space<hbm>>) dst(%arg15 : memref<128x64xf32, #tpu.memory_space<vmem>>)
      %dma_start3A_347 = arith.constant 3 : i32
      %dma_start3A_348 = arith.constant 0 : i32
      %dma_start3A_349 = tpu.memref_slice %arg11[%dma_start3A_347, %dma_start3A_348] : memref<160x128xi32, #tpu.memory_space<vmem>> -> memref<1x128xi32, #tpu.memory_space<vmem>>
      %dma_start3A_350 = tpu.memref_squeeze %dma_start3A_349 : memref<1x128xi32, #tpu.memory_space<vmem>> -> memref<128xi32, #tpu.memory_space<vmem>>
      %dma_start3A_351 = arith.constant 0 : i32
      %dma_start3A_352 = arith.constant 0 : i32
      %dma_start3A_353 = tpu.memref_slice %arg21[%dma_start3A_351, %dma_start3A_352] : memref<10112x64xf32, #tpu.memory_space<vmem_shared>> -> memref<10112x64xf32, #tpu.memory_space<vmem_shared>>
      tpu.enqueue_indirect_dma source(%arg15 : memref<128x64xf32, #tpu.memory_space<vmem>>) target(%dma_start3A_353 : memref<10112x64xf32, #tpu.memory_space<vmem_shared>>) offsets(%dma_start3A_350 : memref<128xi32, #tpu.memory_space<vmem>>) semaphore(%arg30 : memref<!tpu.dma_semaphore, #tpu.memory_space<semaphore_mem>>) {add = true}
      %dma_wait3A_354 = arith.constant 1 : i32
      %dma_wait3A_355 = arith.constant 0 : i32
      %dma_wait3A_356 = tpu.memref_slice %arg11[%dma_wait3A_354, %dma_wait3A_355] : memref<160x128xi32, #tpu.memory_space<vmem>> -> memref<1x128xi32, #tpu.memory_space<vmem>>
      %dma_wait3A_357 = tpu.memref_squeeze %dma_wait3A_356 : memref<1x128xi32, #tpu.memory_space<vmem>> -> memref<128xi32, #tpu.memory_space<vmem>>
      %dma_wait3A_358 = arith.constant 0 : i32
      %dma_wait3A_359 = arith.constant 0 : i32
      %dma_wait3A_360 = tpu.memref_slice %arg21[%dma_wait3A_358, %dma_wait3A_359] : memref<10112x64xf32, #tpu.memory_space<vmem_shared>> -> memref<10112x64xf32, #tpu.memory_space<vmem_shared>>
      tpu.wait_indirect_dma semaphore(%arg28 : memref<!tpu.dma_semaphore, #tpu.memory_space<semaphore_mem>>) src(%arg13 : memref<128x64xf32, #tpu.memory_space<vmem>>) dst(%dma_wait3A_360 : memref<10112x64xf32, #tpu.memory_space<vmem_shared>>)
      %dma_start3A_361 = arith.constant 6 : i32
      %dma_start3A_362 = arith.constant 0 : i32
      %dma_start3A_363 = tpu.memref_slice %arg10[%dma_start3A_361, %dma_start3A_362] : memref<160x128xi32, #tpu.memory_space<vmem>> -> memref<1x128xi32, #tpu.memory_space<vmem>>
      %dma_start3A_364 = tpu.memref_squeeze %dma_start3A_363 : memref<1x128xi32, #tpu.memory_space<vmem>> -> memref<128xi32, #tpu.memory_space<vmem>>
      %dma_start3A_365 = arith.constant 0 : i32
      %dma_start3A_366 = arith.constant 0 : i32
      %dma_start3A_367 = tpu.memref_slice %arg3[%dma_start3A_365, %dma_start3A_366] : memref<10112x64xf32, #tpu.memory_space<hbm>> -> memref<10112x64xf32, #tpu.memory_space<hbm>>
      tpu.enqueue_indirect_dma source(%dma_start3A_367 : memref<10112x64xf32, #tpu.memory_space<hbm>>) target(%arg13 : memref<128x64xf32, #tpu.memory_space<vmem>>) offsets(%dma_start3A_364 : memref<128xi32, #tpu.memory_space<vmem>>) semaphore(%arg23 : memref<!tpu.dma_semaphore, #tpu.memory_space<semaphore_mem>>)
      %dma_wait3A_368 = arith.constant 4 : i32
      %dma_wait3A_369 = arith.constant 0 : i32
      %dma_wait3A_370 = tpu.memref_slice %arg10[%dma_wait3A_368, %dma_wait3A_369] : memref<160x128xi32, #tpu.memory_space<vmem>> -> memref<1x128xi32, #tpu.memory_space<vmem>>
      %dma_wait3A_371 = tpu.memref_squeeze %dma_wait3A_370 : memref<1x128xi32, #tpu.memory_space<vmem>> -> memref<128xi32, #tpu.memory_space<vmem>>
      %dma_wait3A_372 = arith.constant 0 : i32
      %dma_wait3A_373 = arith.constant 0 : i32
      %dma_wait3A_374 = tpu.memref_slice %arg3[%dma_wait3A_372, %dma_wait3A_373] : memref<10112x64xf32, #tpu.memory_space<hbm>> -> memref<10112x64xf32, #tpu.memory_space<hbm>>
      tpu.wait_indirect_dma semaphore(%arg26 : memref<!tpu.dma_semaphore, #tpu.memory_space<semaphore_mem>>) src(%dma_wait3A_374 : memref<10112x64xf32, #tpu.memory_space<hbm>>) dst(%arg16 : memref<128x64xf32, #tpu.memory_space<vmem>>)
      %dma_start3A_375 = arith.constant 4 : i32
      %dma_start3A_376 = arith.constant 0 : i32
      %dma_start3A_377 = tpu.memref_slice %arg11[%dma_start3A_375, %dma_start3A_376] : memref<160x128xi32, #tpu.memory_space<vmem>> -> memref<1x128xi32, #tpu.memory_space<vmem>>
      %dma_start3A_378 = tpu.memref_squeeze %dma_start3A_377 : memref<1x128xi32, #tpu.memory_space<vmem>> -> memref<128xi32, #tpu.memory_space<vmem>>
      %dma_start3A_379 = arith.constant 0 : i32
      %dma_start3A_380 = arith.constant 0 : i32
      %dma_start3A_381 = tpu.memref_slice %arg21[%dma_start3A_379, %dma_start3A_380] : memref<10112x64xf32, #tpu.memory_space<vmem_shared>> -> memref<10112x64xf32, #tpu.memory_space<vmem_shared>>
      tpu.enqueue_indirect_dma source(%arg16 : memref<128x64xf32, #tpu.memory_space<vmem>>) target(%dma_start3A_381 : memref<10112x64xf32, #tpu.memory_space<vmem_shared>>) offsets(%dma_start3A_378 : memref<128xi32, #tpu.memory_space<vmem>>) semaphore(%arg31 : memref<!tpu.dma_semaphore, #tpu.memory_space<semaphore_mem>>) {add = true}
      %dma_wait3A_382 = arith.constant 2 : i32
      %dma_wait3A_383 = arith.constant 0 : i32
      %dma_wait3A_384 = tpu.memref_slice %arg11[%dma_wait3A_382, %dma_wait3A_383] : memref<160x128xi32, #tpu.memory_space<vmem>> -> memref<1x128xi32, #tpu.memory_space<vmem>>
      %dma_wait3A_385 = tpu.memref_squeeze %dma_wait3A_384 : memref<1x128xi32, #tpu.memory_space<vmem>> -> memref<128xi32, #tpu.memory_space<vmem>>
      %dma_wait3A_386 = arith.constant 0 : i32
      %dma_wait3A_387 = arith.constant 0 : i32
      %dma_wait3A_388 = tpu.memref_slice %arg21[%dma_wait3A_386, %dma_wait3A_387] : memref<10112x64xf32, #tpu.memory_space<vmem_shared>> -> memref<10112x64xf32, #tpu.memory_space<vmem_shared>>
      tpu.wait_indirect_dma semaphore(%arg29 : memref<!tpu.dma_semaphore, #tpu.memory_space<semaphore_mem>>) src(%arg14 : memref<128x64xf32, #tpu.memory_space<vmem>>) dst(%dma_wait3A_388 : memref<10112x64xf32, #tpu.memory_space<vmem_shared>>)
      %dma_start3A_389 = arith.constant 7 : i32
      %dma_start3A_390 = arith.constant 0 : i32
      %dma_start3A_391 = tpu.memref_slice %arg10[%dma_start3A_389, %dma_start3A_390] : memref<160x128xi32, #tpu.memory_space<vmem>> -> memref<1x128xi32, #tpu.memory_space<vmem>>
      %dma_start3A_392 = tpu.memref_squeeze %dma_start3A_391 : memref<1x128xi32, #tpu.memory_space<vmem>> -> memref<128xi32, #tpu.memory_space<vmem>>
      %dma_start3A_393 = arith.constant 0 : i32
      %dma_start3A_394 = arith.constant 0 : i32
      %dma_start3A_395 = tpu.memref_slice %arg3[%dma_start3A_393, %dma_start3A_394] : memref<10112x64xf32, #tpu.memory_space<hbm>> -> memref<10112x64xf32, #tpu.memory_space<hbm>>
      tpu.enqueue_indirect_dma source(%dma_start3A_395 : memref<10112x64xf32, #tpu.memory_space<hbm>>) target(%arg14 : memref<128x64xf32, #tpu.memory_space<vmem>>) offsets(%dma_start3A_392 : memref<128xi32, #tpu.memory_space<vmem>>) semaphore(%arg24 : memref<!tpu.dma_semaphore, #tpu.memory_space<semaphore_mem>>)
      %scan3A_396 = arith.constant 0 : i32
      %scan3A_397 = arith.constant 1 : i32
      %scan3A_398 = arith.constant 30 : i32
      %scan3A_399 = arith.addi %scan3A_397, %scan3A_398 : i32
      %scan3A_400 = arith.constant 1 : i32
      scf.for %scan3A_535 = %scan3A_397 to %scan3A_399 step %scan3A_400  : i32 {
        %mul3A_536 = arith.constant 5 : i32
        %mul3A_537 = arith.muli %scan3A_535, %mul3A_536 : i32
        %add3A_538 = arith.constant 0 : i32
        %add3A_539 = arith.addi %mul3A_537, %add3A_538 : i32
        %dma_wait3A_540 = arith.constant 0 : i32
        %dma_wait3A_541 = tpu.memref_slice %arg10[%add3A_539, %dma_wait3A_540] : memref<160x128xi32, #tpu.memory_space<vmem>> -> memref<1x128xi32, #tpu.memory_space<vmem>>
        %dma_wait3A_542 = tpu.memref_squeeze %dma_wait3A_541 : memref<1x128xi32, #tpu.memory_space<vmem>> -> memref<128xi32, #tpu.memory_space<vmem>>
        %dma_wait3A_543 = arith.constant 0 : i32
        %dma_wait3A_544 = arith.constant 0 : i32
        %dma_wait3A_545 = tpu.memref_slice %arg3[%dma_wait3A_543, %dma_wait3A_544] : memref<10112x64xf32, #tpu.memory_space<hbm>> -> memref<10112x64xf32, #tpu.memory_space<hbm>>
        tpu.wait_indirect_dma semaphore(%arg22 : memref<!tpu.dma_semaphore, #tpu.memory_space<semaphore_mem>>) src(%dma_wait3A_545 : memref<10112x64xf32, #tpu.memory_space<hbm>>) dst(%arg12 : memref<128x64xf32, #tpu.memory_space<vmem>>)
        %dma_start3A_546 = arith.constant 0 : i32
        %dma_start3A_547 = tpu.memref_slice %arg11[%add3A_539, %dma_start3A_546] : memref<160x128xi32, #tpu.memory_space<vmem>> -> memref<1x128xi32, #tpu.memory_space<vmem>>
        %dma_start3A_548 = tpu.memref_squeeze %dma_start3A_547 : memref<1x128xi32, #tpu.memory_space<vmem>> -> memref<128xi32, #tpu.memory_space<vmem>>
        %dma_start3A_549 = arith.constant 0 : i32
        %dma_start3A_550 = arith.constant 0 : i32
        %dma_start3A_551 = tpu.memref_slice %arg21[%dma_start3A_549, %dma_start3A_550] : memref<10112x64xf32, #tpu.memory_space<vmem_shared>> -> memref<10112x64xf32, #tpu.memory_space<vmem_shared>>
        tpu.enqueue_indirect_dma source(%arg12 : memref<128x64xf32, #tpu.memory_space<vmem>>) target(%dma_start3A_551 : memref<10112x64xf32, #tpu.memory_space<vmem_shared>>) offsets(%dma_start3A_548 : memref<128xi32, #tpu.memory_space<vmem>>) semaphore(%arg27 : memref<!tpu.dma_semaphore, #tpu.memory_space<semaphore_mem>>) {add = true}
        %sub3A_552 = arith.constant 2 : i32
        %sub3A_553 = arith.subi %add3A_539, %sub3A_552 : i32
        %dma_wait3A_554 = arith.constant 0 : i32
        %dma_wait3A_555 = tpu.memref_slice %arg11[%sub3A_553, %dma_wait3A_554] : memref<160x128xi32, #tpu.memory_space<vmem>> -> memref<1x128xi32, #tpu.memory_space<vmem>>
        %dma_wait3A_556 = tpu.memref_squeeze %dma_wait3A_555 : memref<1x128xi32, #tpu.memory_space<vmem>> -> memref<128xi32, #tpu.memory_space<vmem>>
        %dma_wait3A_557 = arith.constant 0 : i32
        %dma_wait3A_558 = arith.constant 0 : i32
        %dma_wait3A_559 = tpu.memref_slice %arg21[%dma_wait3A_557, %dma_wait3A_558] : memref<10112x64xf32, #tpu.memory_space<vmem_shared>> -> memref<10112x64xf32, #tpu.memory_space<vmem_shared>>
        tpu.wait_indirect_dma semaphore(%arg30 : memref<!tpu.dma_semaphore, #tpu.memory_space<semaphore_mem>>) src(%arg15 : memref<128x64xf32, #tpu.memory_space<vmem>>) dst(%dma_wait3A_559 : memref<10112x64xf32, #tpu.memory_space<vmem_shared>>)
        %add3A_560 = arith.constant 3 : i32
        %add3A_561 = arith.addi %add3A_539, %add3A_560 : i32
        %dma_start3A_562 = arith.constant 0 : i32
        %dma_start3A_563 = tpu.memref_slice %arg10[%add3A_561, %dma_start3A_562] : memref<160x128xi32, #tpu.memory_space<vmem>> -> memref<1x128xi32, #tpu.memory_space<vmem>>
        %dma_start3A_564 = tpu.memref_squeeze %dma_start3A_563 : memref<1x128xi32, #tpu.memory_space<vmem>> -> memref<128xi32, #tpu.memory_space<vmem>>
        %dma_start3A_565 = arith.constant 0 : i32
        %dma_start3A_566 = arith.constant 0 : i32
        %dma_start3A_567 = tpu.memref_slice %arg3[%dma_start3A_565, %dma_start3A_566] : memref<10112x64xf32, #tpu.memory_space<hbm>> -> memref<10112x64xf32, #tpu.memory_space<hbm>>
        tpu.enqueue_indirect_dma source(%dma_start3A_567 : memref<10112x64xf32, #tpu.memory_space<hbm>>) target(%arg15 : memref<128x64xf32, #tpu.memory_space<vmem>>) offsets(%dma_start3A_564 : memref<128xi32, #tpu.memory_space<vmem>>) semaphore(%arg25 : memref<!tpu.dma_semaphore, #tpu.memory_space<semaphore_mem>>)
        %add3A_568 = arith.constant 1 : i32
        %add3A_569 = arith.addi %mul3A_537, %add3A_568 : i32
        %dma_wait3A_570 = arith.constant 0 : i32
        %dma_wait3A_571 = tpu.memref_slice %arg10[%add3A_569, %dma_wait3A_570] : memref<160x128xi32, #tpu.memory_space<vmem>> -> memref<1x128xi32, #tpu.memory_space<vmem>>
        %dma_wait3A_572 = tpu.memref_squeeze %dma_wait3A_571 : memref<1x128xi32, #tpu.memory_space<vmem>> -> memref<128xi32, #tpu.memory_space<vmem>>
        %dma_wait3A_573 = arith.constant 0 : i32
        %dma_wait3A_574 = arith.constant 0 : i32
        %dma_wait3A_575 = tpu.memref_slice %arg3[%dma_wait3A_573, %dma_wait3A_574] : memref<10112x64xf32, #tpu.memory_space<hbm>> -> memref<10112x64xf32, #tpu.memory_space<hbm>>
        tpu.wait_indirect_dma semaphore(%arg23 : memref<!tpu.dma_semaphore, #tpu.memory_space<semaphore_mem>>) src(%dma_wait3A_575 : memref<10112x64xf32, #tpu.memory_space<hbm>>) dst(%arg13 : memref<128x64xf32, #tpu.memory_space<vmem>>)
        %dma_start3A_576 = arith.constant 0 : i32
        %dma_start3A_577 = tpu.memref_slice %arg11[%add3A_569, %dma_start3A_576] : memref<160x128xi32, #tpu.memory_space<vmem>> -> memref<1x128xi32, #tpu.memory_space<vmem>>
        %dma_start3A_578 = tpu.memref_squeeze %dma_start3A_577 : memref<1x128xi32, #tpu.memory_space<vmem>> -> memref<128xi32, #tpu.memory_space<vmem>>
        %dma_start3A_579 = arith.constant 0 : i32
        %dma_start3A_580 = arith.constant 0 : i32
        %dma_start3A_581 = tpu.memref_slice %arg21[%dma_start3A_579, %dma_start3A_580] : memref<10112x64xf32, #tpu.memory_space<vmem_shared>> -> memref<10112x64xf32, #tpu.memory_space<vmem_shared>>
        tpu.enqueue_indirect_dma source(%arg13 : memref<128x64xf32, #tpu.memory_space<vmem>>) target(%dma_start3A_581 : memref<10112x64xf32, #tpu.memory_space<vmem_shared>>) offsets(%dma_start3A_578 : memref<128xi32, #tpu.memory_space<vmem>>) semaphore(%arg28 : memref<!tpu.dma_semaphore, #tpu.memory_space<semaphore_mem>>) {add = true}
        %sub3A_582 = arith.constant 2 : i32
        %sub3A_583 = arith.subi %add3A_569, %sub3A_582 : i32
        %dma_wait3A_584 = arith.constant 0 : i32
        %dma_wait3A_585 = tpu.memref_slice %arg11[%sub3A_583, %dma_wait3A_584] : memref<160x128xi32, #tpu.memory_space<vmem>> -> memref<1x128xi32, #tpu.memory_space<vmem>>
        %dma_wait3A_586 = tpu.memref_squeeze %dma_wait3A_585 : memref<1x128xi32, #tpu.memory_space<vmem>> -> memref<128xi32, #tpu.memory_space<vmem>>
        %dma_wait3A_587 = arith.constant 0 : i32
        %dma_wait3A_588 = arith.constant 0 : i32
        %dma_wait3A_589 = tpu.memref_slice %arg21[%dma_wait3A_587, %dma_wait3A_588] : memref<10112x64xf32, #tpu.memory_space<vmem_shared>> -> memref<10112x64xf32, #tpu.memory_space<vmem_shared>>
        tpu.wait_indirect_dma semaphore(%arg31 : memref<!tpu.dma_semaphore, #tpu.memory_space<semaphore_mem>>) src(%arg16 : memref<128x64xf32, #tpu.memory_space<vmem>>) dst(%dma_wait3A_589 : memref<10112x64xf32, #tpu.memory_space<vmem_shared>>)
        %add3A_590 = arith.constant 3 : i32
        %add3A_591 = arith.addi %add3A_569, %add3A_590 : i32
        %dma_start3A_592 = arith.constant 0 : i32
        %dma_start3A_593 = tpu.memref_slice %arg10[%add3A_591, %dma_start3A_592] : memref<160x128xi32, #tpu.memory_space<vmem>> -> memref<1x128xi32, #tpu.memory_space<vmem>>
        %dma_start3A_594 = tpu.memref_squeeze %dma_start3A_593 : memref<1x128xi32, #tpu.memory_space<vmem>> -> memref<128xi32, #tpu.memory_space<vmem>>
        %dma_start3A_595 = arith.constant 0 : i32
        %dma_start3A_596 = arith.constant 0 : i32
        %dma_start3A_597 = tpu.memref_slice %arg3[%dma_start3A_595, %dma_start3A_596] : memref<10112x64xf32, #tpu.memory_space<hbm>> -> memref<10112x64xf32, #tpu.memory_space<hbm>>
        tpu.enqueue_indirect_dma source(%dma_start3A_597 : memref<10112x64xf32, #tpu.memory_space<hbm>>) target(%arg16 : memref<128x64xf32, #tpu.memory_space<vmem>>) offsets(%dma_start3A_594 : memref<128xi32, #tpu.memory_space<vmem>>) semaphore(%arg26 : memref<!tpu.dma_semaphore, #tpu.memory_space<semaphore_mem>>)
        %add3A_598 = arith.constant 2 : i32
        %add3A_599 = arith.addi %mul3A_537, %add3A_598 : i32
        %dma_wait3A_600 = arith.constant 0 : i32
        %dma_wait3A_601 = tpu.memref_slice %arg10[%add3A_599, %dma_wait3A_600] : memref<160x128xi32, #tpu.memory_space<vmem>> -> memref<1x128xi32, #tpu.memory_space<vmem>>
        %dma_wait3A_602 = tpu.memref_squeeze %dma_wait3A_601 : memref<1x128xi32, #tpu.memory_space<vmem>> -> memref<128xi32, #tpu.memory_space<vmem>>
        %dma_wait3A_603 = arith.constant 0 : i32
        %dma_wait3A_604 = arith.constant 0 : i32
        %dma_wait3A_605 = tpu.memref_slice %arg3[%dma_wait3A_603, %dma_wait3A_604] : memref<10112x64xf32, #tpu.memory_space<hbm>> -> memref<10112x64xf32, #tpu.memory_space<hbm>>
        tpu.wait_indirect_dma semaphore(%arg24 : memref<!tpu.dma_semaphore, #tpu.memory_space<semaphore_mem>>) src(%dma_wait3A_605 : memref<10112x64xf32, #tpu.memory_space<hbm>>) dst(%arg14 : memref<128x64xf32, #tpu.memory_space<vmem>>)
        %dma_start3A_606 = arith.constant 0 : i32
        %dma_start3A_607 = tpu.memref_slice %arg11[%add3A_599, %dma_start3A_606] : memref<160x128xi32, #tpu.memory_space<vmem>> -> memref<1x128xi32, #tpu.memory_space<vmem>>
        %dma_start3A_608 = tpu.memref_squeeze %dma_start3A_607 : memref<1x128xi32, #tpu.memory_space<vmem>> -> memref<128xi32, #tpu.memory_space<vmem>>
        %dma_start3A_609 = arith.constant 0 : i32
        %dma_start3A_610 = arith.constant 0 : i32
        %dma_start3A_611 = tpu.memref_slice %arg21[%dma_start3A_609, %dma_start3A_610] : memref<10112x64xf32, #tpu.memory_space<vmem_shared>> -> memref<10112x64xf32, #tpu.memory_space<vmem_shared>>
        tpu.enqueue_indirect_dma source(%arg14 : memref<128x64xf32, #tpu.memory_space<vmem>>) target(%dma_start3A_611 : memref<10112x64xf32, #tpu.memory_space<vmem_shared>>) offsets(%dma_start3A_608 : memref<128xi32, #tpu.memory_space<vmem>>) semaphore(%arg29 : memref<!tpu.dma_semaphore, #tpu.memory_space<semaphore_mem>>) {add = true}
        %sub3A_612 = arith.constant 2 : i32
        %sub3A_613 = arith.subi %add3A_599, %sub3A_612 : i32
        %dma_wait3A_614 = arith.constant 0 : i32
        %dma_wait3A_615 = tpu.memref_slice %arg11[%sub3A_613, %dma_wait3A_614] : memref<160x128xi32, #tpu.memory_space<vmem>> -> memref<1x128xi32, #tpu.memory_space<vmem>>
        %dma_wait3A_616 = tpu.memref_squeeze %dma_wait3A_615 : memref<1x128xi32, #tpu.memory_space<vmem>> -> memref<128xi32, #tpu.memory_space<vmem>>
        %dma_wait3A_617 = arith.constant 0 : i32
        %dma_wait3A_618 = arith.constant 0 : i32
        %dma_wait3A_619 = tpu.memref_slice %arg21[%dma_wait3A_617, %dma_wait3A_618] : memref<10112x64xf32, #tpu.memory_space<vmem_shared>> -> memref<10112x64xf32, #tpu.memory_space<vmem_shared>>
        tpu.wait_indirect_dma semaphore(%arg27 : memref<!tpu.dma_semaphore, #tpu.memory_space<semaphore_mem>>) src(%arg12 : memref<128x64xf32, #tpu.memory_space<vmem>>) dst(%dma_wait3A_619 : memref<10112x64xf32, #tpu.memory_space<vmem_shared>>)
        %add3A_620 = arith.constant 3 : i32
        %add3A_621 = arith.addi %add3A_599, %add3A_620 : i32
        %dma_start3A_622 = arith.constant 0 : i32
        %dma_start3A_623 = tpu.memref_slice %arg10[%add3A_621, %dma_start3A_622] : memref<160x128xi32, #tpu.memory_space<vmem>> -> memref<1x128xi32, #tpu.memory_space<vmem>>
        %dma_start3A_624 = tpu.memref_squeeze %dma_start3A_623 : memref<1x128xi32, #tpu.memory_space<vmem>> -> memref<128xi32, #tpu.memory_space<vmem>>
        %dma_start3A_625 = arith.constant 0 : i32
        %dma_start3A_626 = arith.constant 0 : i32
        %dma_start3A_627 = tpu.memref_slice %arg3[%dma_start3A_625, %dma_start3A_626] : memref<10112x64xf32, #tpu.memory_space<hbm>> -> memref<10112x64xf32, #tpu.memory_space<hbm>>
        tpu.enqueue_indirect_dma source(%dma_start3A_627 : memref<10112x64xf32, #tpu.memory_space<hbm>>) target(%arg12 : memref<128x64xf32, #tpu.memory_space<vmem>>) offsets(%dma_start3A_624 : memref<128xi32, #tpu.memory_space<vmem>>) semaphore(%arg22 : memref<!tpu.dma_semaphore, #tpu.memory_space<semaphore_mem>>)
        %add3A_628 = arith.constant 3 : i32
        %add3A_629 = arith.addi %mul3A_537, %add3A_628 : i32
        %dma_wait3A_630 = arith.constant 0 : i32
        %dma_wait3A_631 = tpu.memref_slice %arg10[%add3A_629, %dma_wait3A_630] : memref<160x128xi32, #tpu.memory_space<vmem>> -> memref<1x128xi32, #tpu.memory_space<vmem>>
        %dma_wait3A_632 = tpu.memref_squeeze %dma_wait3A_631 : memref<1x128xi32, #tpu.memory_space<vmem>> -> memref<128xi32, #tpu.memory_space<vmem>>
        %dma_wait3A_633 = arith.constant 0 : i32
        %dma_wait3A_634 = arith.constant 0 : i32
        %dma_wait3A_635 = tpu.memref_slice %arg3[%dma_wait3A_633, %dma_wait3A_634] : memref<10112x64xf32, #tpu.memory_space<hbm>> -> memref<10112x64xf32, #tpu.memory_space<hbm>>
        tpu.wait_indirect_dma semaphore(%arg25 : memref<!tpu.dma_semaphore, #tpu.memory_space<semaphore_mem>>) src(%dma_wait3A_635 : memref<10112x64xf32, #tpu.memory_space<hbm>>) dst(%arg15 : memref<128x64xf32, #tpu.memory_space<vmem>>)
        %dma_start3A_636 = arith.constant 0 : i32
        %dma_start3A_637 = tpu.memref_slice %arg11[%add3A_629, %dma_start3A_636] : memref<160x128xi32, #tpu.memory_space<vmem>> -> memref<1x128xi32, #tpu.memory_space<vmem>>
        %dma_start3A_638 = tpu.memref_squeeze %dma_start3A_637 : memref<1x128xi32, #tpu.memory_space<vmem>> -> memref<128xi32, #tpu.memory_space<vmem>>
        %dma_start3A_639 = arith.constant 0 : i32
        %dma_start3A_640 = arith.constant 0 : i32
        %dma_start3A_641 = tpu.memref_slice %arg21[%dma_start3A_639, %dma_start3A_640] : memref<10112x64xf32, #tpu.memory_space<vmem_shared>> -> memref<10112x64xf32, #tpu.memory_space<vmem_shared>>
        tpu.enqueue_indirect_dma source(%arg15 : memref<128x64xf32, #tpu.memory_space<vmem>>) target(%dma_start3A_641 : memref<10112x64xf32, #tpu.memory_space<vmem_shared>>) offsets(%dma_start3A_638 : memref<128xi32, #tpu.memory_space<vmem>>) semaphore(%arg30 : memref<!tpu.dma_semaphore, #tpu.memory_space<semaphore_mem>>) {add = true}
        %sub3A_642 = arith.constant 2 : i32
        %sub3A_643 = arith.subi %add3A_629, %sub3A_642 : i32
        %dma_wait3A_644 = arith.constant 0 : i32
        %dma_wait3A_645 = tpu.memref_slice %arg11[%sub3A_643, %dma_wait3A_644] : memref<160x128xi32, #tpu.memory_space<vmem>> -> memref<1x128xi32, #tpu.memory_space<vmem>>
        %dma_wait3A_646 = tpu.memref_squeeze %dma_wait3A_645 : memref<1x128xi32, #tpu.memory_space<vmem>> -> memref<128xi32, #tpu.memory_space<vmem>>
        %dma_wait3A_647 = arith.constant 0 : i32
        %dma_wait3A_648 = arith.constant 0 : i32
        %dma_wait3A_649 = tpu.memref_slice %arg21[%dma_wait3A_647, %dma_wait3A_648] : memref<10112x64xf32, #tpu.memory_space<vmem_shared>> -> memref<10112x64xf32, #tpu.memory_space<vmem_shared>>
        tpu.wait_indirect_dma semaphore(%arg28 : memref<!tpu.dma_semaphore, #tpu.memory_space<semaphore_mem>>) src(%arg13 : memref<128x64xf32, #tpu.memory_space<vmem>>) dst(%dma_wait3A_649 : memref<10112x64xf32, #tpu.memory_space<vmem_shared>>)
        %add3A_650 = arith.constant 3 : i32
        %add3A_651 = arith.addi %add3A_629, %add3A_650 : i32
        %dma_start3A_652 = arith.constant 0 : i32
        %dma_start3A_653 = tpu.memref_slice %arg10[%add3A_651, %dma_start3A_652] : memref<160x128xi32, #tpu.memory_space<vmem>> -> memref<1x128xi32, #tpu.memory_space<vmem>>
        %dma_start3A_654 = tpu.memref_squeeze %dma_start3A_653 : memref<1x128xi32, #tpu.memory_space<vmem>> -> memref<128xi32, #tpu.memory_space<vmem>>
        %dma_start3A_655 = arith.constant 0 : i32
        %dma_start3A_656 = arith.constant 0 : i32
        %dma_start3A_657 = tpu.memref_slice %arg3[%dma_start3A_655, %dma_start3A_656] : memref<10112x64xf32, #tpu.memory_space<hbm>> -> memref<10112x64xf32, #tpu.memory_space<hbm>>
        tpu.enqueue_indirect_dma source(%dma_start3A_657 : memref<10112x64xf32, #tpu.memory_space<hbm>>) target(%arg13 : memref<128x64xf32, #tpu.memory_space<vmem>>) offsets(%dma_start3A_654 : memref<128xi32, #tpu.memory_space<vmem>>) semaphore(%arg23 : memref<!tpu.dma_semaphore, #tpu.memory_space<semaphore_mem>>)
        %add3A_658 = arith.constant 4 : i32
        %add3A_659 = arith.addi %mul3A_537, %add3A_658 : i32
        %dma_wait3A_660 = arith.constant 0 : i32
        %dma_wait3A_661 = tpu.memref_slice %arg10[%add3A_659, %dma_wait3A_660] : memref<160x128xi32, #tpu.memory_space<vmem>> -> memref<1x128xi32, #tpu.memory_space<vmem>>
        %dma_wait3A_662 = tpu.memref_squeeze %dma_wait3A_661 : memref<1x128xi32, #tpu.memory_space<vmem>> -> memref<128xi32, #tpu.memory_space<vmem>>
        %dma_wait3A_663 = arith.constant 0 : i32
        %dma_wait3A_664 = arith.constant 0 : i32
        %dma_wait3A_665 = tpu.memref_slice %arg3[%dma_wait3A_663, %dma_wait3A_664] : memref<10112x64xf32, #tpu.memory_space<hbm>> -> memref<10112x64xf32, #tpu.memory_space<hbm>>
        tpu.wait_indirect_dma semaphore(%arg26 : memref<!tpu.dma_semaphore, #tpu.memory_space<semaphore_mem>>) src(%dma_wait3A_665 : memref<10112x64xf32, #tpu.memory_space<hbm>>) dst(%arg16 : memref<128x64xf32, #tpu.memory_space<vmem>>)
        %dma_start3A_666 = arith.constant 0 : i32
        %dma_start3A_667 = tpu.memref_slice %arg11[%add3A_659, %dma_start3A_666] : memref<160x128xi32, #tpu.memory_space<vmem>> -> memref<1x128xi32, #tpu.memory_space<vmem>>
        %dma_start3A_668 = tpu.memref_squeeze %dma_start3A_667 : memref<1x128xi32, #tpu.memory_space<vmem>> -> memref<128xi32, #tpu.memory_space<vmem>>
        %dma_start3A_669 = arith.constant 0 : i32
        %dma_start3A_670 = arith.constant 0 : i32
        %dma_start3A_671 = tpu.memref_slice %arg21[%dma_start3A_669, %dma_start3A_670] : memref<10112x64xf32, #tpu.memory_space<vmem_shared>> -> memref<10112x64xf32, #tpu.memory_space<vmem_shared>>
        tpu.enqueue_indirect_dma source(%arg16 : memref<128x64xf32, #tpu.memory_space<vmem>>) target(%dma_start3A_671 : memref<10112x64xf32, #tpu.memory_space<vmem_shared>>) offsets(%dma_start3A_668 : memref<128xi32, #tpu.memory_space<vmem>>) semaphore(%arg31 : memref<!tpu.dma_semaphore, #tpu.memory_space<semaphore_mem>>) {add = true}
        %sub3A_672 = arith.constant 2 : i32
        %sub3A_673 = arith.subi %add3A_659, %sub3A_672 : i32
        %dma_wait3A_674 = arith.constant 0 : i32
        %dma_wait3A_675 = tpu.memref_slice %arg11[%sub3A_673, %dma_wait3A_674] : memref<160x128xi32, #tpu.memory_space<vmem>> -> memref<1x128xi32, #tpu.memory_space<vmem>>
        %dma_wait3A_676 = tpu.memref_squeeze %dma_wait3A_675 : memref<1x128xi32, #tpu.memory_space<vmem>> -> memref<128xi32, #tpu.memory_space<vmem>>
        %dma_wait3A_677 = arith.constant 0 : i32
        %dma_wait3A_678 = arith.constant 0 : i32
        %dma_wait3A_679 = tpu.memref_slice %arg21[%dma_wait3A_677, %dma_wait3A_678] : memref<10112x64xf32, #tpu.memory_space<vmem_shared>> -> memref<10112x64xf32, #tpu.memory_space<vmem_shared>>
        tpu.wait_indirect_dma semaphore(%arg29 : memref<!tpu.dma_semaphore, #tpu.memory_space<semaphore_mem>>) src(%arg14 : memref<128x64xf32, #tpu.memory_space<vmem>>) dst(%dma_wait3A_679 : memref<10112x64xf32, #tpu.memory_space<vmem_shared>>)
        %add3A_680 = arith.constant 3 : i32
        %add3A_681 = arith.addi %add3A_659, %add3A_680 : i32
        %dma_start3A_682 = arith.constant 0 : i32
        %dma_start3A_683 = tpu.memref_slice %arg10[%add3A_681, %dma_start3A_682] : memref<160x128xi32, #tpu.memory_space<vmem>> -> memref<1x128xi32, #tpu.memory_space<vmem>>
        %dma_start3A_684 = tpu.memref_squeeze %dma_start3A_683 : memref<1x128xi32, #tpu.memory_space<vmem>> -> memref<128xi32, #tpu.memory_space<vmem>>
        %dma_start3A_685 = arith.constant 0 : i32
        %dma_start3A_686 = arith.constant 0 : i32
        %dma_start3A_687 = tpu.memref_slice %arg3[%dma_start3A_685, %dma_start3A_686] : memref<10112x64xf32, #tpu.memory_space<hbm>> -> memref<10112x64xf32, #tpu.memory_space<hbm>>
        tpu.enqueue_indirect_dma source(%dma_start3A_687 : memref<10112x64xf32, #tpu.memory_space<hbm>>) target(%arg14 : memref<128x64xf32, #tpu.memory_space<vmem>>) offsets(%dma_start3A_684 : memref<128xi32, #tpu.memory_space<vmem>>) semaphore(%arg24 : memref<!tpu.dma_semaphore, #tpu.memory_space<semaphore_mem>>)
      }
      %scan3A_401 = arith.constant 30 : i32
      %dma_wait3A_402 = arith.constant 155 : i32
      %dma_wait3A_403 = arith.constant 0 : i32
      %dma_wait3A_404 = tpu.memref_slice %arg10[%dma_wait3A_402, %dma_wait3A_403] : memref<160x128xi32, #tpu.memory_space<vmem>> -> memref<1x128xi32, #tpu.memory_space<vmem>>
      %dma_wait3A_405 = tpu.memref_squeeze %dma_wait3A_404 : memref<1x128xi32, #tpu.memory_space<vmem>> -> memref<128xi32, #tpu.memory_space<vmem>>
      %dma_wait3A_406 = arith.constant 0 : i32
      %dma_wait3A_407 = arith.constant 0 : i32
      %dma_wait3A_408 = tpu.memref_slice %arg3[%dma_wait3A_406, %dma_wait3A_407] : memref<10112x64xf32, #tpu.memory_space<hbm>> -> memref<10112x64xf32, #tpu.memory_space<hbm>>
      tpu.wait_indirect_dma semaphore(%arg22 : memref<!tpu.dma_semaphore, #tpu.memory_space<semaphore_mem>>) src(%dma_wait3A_408 : memref<10112x64xf32, #tpu.memory_space<hbm>>) dst(%arg12 : memref<128x64xf32, #tpu.memory_space<vmem>>)
      %dma_start3A_409 = arith.constant 155 : i32
      %dma_start3A_410 = arith.constant 0 : i32
      %dma_start3A_411 = tpu.memref_slice %arg11[%dma_start3A_409, %dma_start3A_410] : memref<160x128xi32, #tpu.memory_space<vmem>> -> memref<1x128xi32, #tpu.memory_space<vmem>>
      %dma_start3A_412 = tpu.memref_squeeze %dma_start3A_411 : memref<1x128xi32, #tpu.memory_space<vmem>> -> memref<128xi32, #tpu.memory_space<vmem>>
      %dma_start3A_413 = arith.constant 0 : i32
      %dma_start3A_414 = arith.constant 0 : i32
      %dma_start3A_415 = tpu.memref_slice %arg21[%dma_start3A_413, %dma_start3A_414] : memref<10112x64xf32, #tpu.memory_space<vmem_shared>> -> memref<10112x64xf32, #tpu.memory_space<vmem_shared>>
      tpu.enqueue_indirect_dma source(%arg12 : memref<128x64xf32, #tpu.memory_space<vmem>>) target(%dma_start3A_415 : memref<10112x64xf32, #tpu.memory_space<vmem_shared>>) offsets(%dma_start3A_412 : memref<128xi32, #tpu.memory_space<vmem>>) semaphore(%arg27 : memref<!tpu.dma_semaphore, #tpu.memory_space<semaphore_mem>>) {add = true}
      %dma_wait3A_416 = arith.constant 153 : i32
      %dma_wait3A_417 = arith.constant 0 : i32
      %dma_wait3A_418 = tpu.memref_slice %arg11[%dma_wait3A_416, %dma_wait3A_417] : memref<160x128xi32, #tpu.memory_space<vmem>> -> memref<1x128xi32, #tpu.memory_space<vmem>>
      %dma_wait3A_419 = tpu.memref_squeeze %dma_wait3A_418 : memref<1x128xi32, #tpu.memory_space<vmem>> -> memref<128xi32, #tpu.memory_space<vmem>>
      %dma_wait3A_420 = arith.constant 0 : i32
      %dma_wait3A_421 = arith.constant 0 : i32
      %dma_wait3A_422 = tpu.memref_slice %arg21[%dma_wait3A_420, %dma_wait3A_421] : memref<10112x64xf32, #tpu.memory_space<vmem_shared>> -> memref<10112x64xf32, #tpu.memory_space<vmem_shared>>
      tpu.wait_indirect_dma semaphore(%arg30 : memref<!tpu.dma_semaphore, #tpu.memory_space<semaphore_mem>>) src(%arg15 : memref<128x64xf32, #tpu.memory_space<vmem>>) dst(%dma_wait3A_422 : memref<10112x64xf32, #tpu.memory_space<vmem_shared>>)
      %dma_start3A_423 = arith.constant 158 : i32
      %dma_start3A_424 = arith.constant 0 : i32
      %dma_start3A_425 = tpu.memref_slice %arg10[%dma_start3A_423, %dma_start3A_424] : memref<160x128xi32, #tpu.memory_space<vmem>> -> memref<1x128xi32, #tpu.memory_space<vmem>>
      %dma_start3A_426 = tpu.memref_squeeze %dma_start3A_425 : memref<1x128xi32, #tpu.memory_space<vmem>> -> memref<128xi32, #tpu.memory_space<vmem>>
      %dma_start3A_427 = arith.constant 0 : i32
      %dma_start3A_428 = arith.constant 0 : i32
      %dma_start3A_429 = tpu.memref_slice %arg3[%dma_start3A_427, %dma_start3A_428] : memref<10112x64xf32, #tpu.memory_space<hbm>> -> memref<10112x64xf32, #tpu.memory_space<hbm>>
      tpu.enqueue_indirect_dma source(%dma_start3A_429 : memref<10112x64xf32, #tpu.memory_space<hbm>>) target(%arg15 : memref<128x64xf32, #tpu.memory_space<vmem>>) offsets(%dma_start3A_426 : memref<128xi32, #tpu.memory_space<vmem>>) semaphore(%arg25 : memref<!tpu.dma_semaphore, #tpu.memory_space<semaphore_mem>>)
      %dma_wait3A_430 = arith.constant 156 : i32
      %dma_wait3A_431 = arith.constant 0 : i32
      %dma_wait3A_432 = tpu.memref_slice %arg10[%dma_wait3A_430, %dma_wait3A_431] : memref<160x128xi32, #tpu.memory_space<vmem>> -> memref<1x128xi32, #tpu.memory_space<vmem>>
      %dma_wait3A_433 = tpu.memref_squeeze %dma_wait3A_432 : memref<1x128xi32, #tpu.memory_space<vmem>> -> memref<128xi32, #tpu.memory_space<vmem>>
      %dma_wait3A_434 = arith.constant 0 : i32
      %dma_wait3A_435 = arith.constant 0 : i32
      %dma_wait3A_436 = tpu.memref_slice %arg3[%dma_wait3A_434, %dma_wait3A_435] : memref<10112x64xf32, #tpu.memory_space<hbm>> -> memref<10112x64xf32, #tpu.memory_space<hbm>>
      tpu.wait_indirect_dma semaphore(%arg23 : memref<!tpu.dma_semaphore, #tpu.memory_space<semaphore_mem>>) src(%dma_wait3A_436 : memref<10112x64xf32, #tpu.memory_space<hbm>>) dst(%arg13 : memref<128x64xf32, #tpu.memory_space<vmem>>)
      %dma_start3A_437 = arith.constant 156 : i32
      %dma_start3A_438 = arith.constant 0 : i32
      %dma_start3A_439 = tpu.memref_slice %arg11[%dma_start3A_437, %dma_start3A_438] : memref<160x128xi32, #tpu.memory_space<vmem>> -> memref<1x128xi32, #tpu.memory_space<vmem>>
      %dma_start3A_440 = tpu.memref_squeeze %dma_start3A_439 : memref<1x128xi32, #tpu.memory_space<vmem>> -> memref<128xi32, #tpu.memory_space<vmem>>
      %dma_start3A_441 = arith.constant 0 : i32
      %dma_start3A_442 = arith.constant 0 : i32
      %dma_start3A_443 = tpu.memref_slice %arg21[%dma_start3A_441, %dma_start3A_442] : memref<10112x64xf32, #tpu.memory_space<vmem_shared>> -> memref<10112x64xf32, #tpu.memory_space<vmem_shared>>
      tpu.enqueue_indirect_dma source(%arg13 : memref<128x64xf32, #tpu.memory_space<vmem>>) target(%dma_start3A_443 : memref<10112x64xf32, #tpu.memory_space<vmem_shared>>) offsets(%dma_start3A_440 : memref<128xi32, #tpu.memory_space<vmem>>) semaphore(%arg28 : memref<!tpu.dma_semaphore, #tpu.memory_space<semaphore_mem>>) {add = true}
      %dma_wait3A_444 = arith.constant 154 : i32
      %dma_wait3A_445 = arith.constant 0 : i32
      %dma_wait3A_446 = tpu.memref_slice %arg11[%dma_wait3A_444, %dma_wait3A_445] : memref<160x128xi32, #tpu.memory_space<vmem>> -> memref<1x128xi32, #tpu.memory_space<vmem>>
      %dma_wait3A_447 = tpu.memref_squeeze %dma_wait3A_446 : memref<1x128xi32, #tpu.memory_space<vmem>> -> memref<128xi32, #tpu.memory_space<vmem>>
      %dma_wait3A_448 = arith.constant 0 : i32
      %dma_wait3A_449 = arith.constant 0 : i32
      %dma_wait3A_450 = tpu.memref_slice %arg21[%dma_wait3A_448, %dma_wait3A_449] : memref<10112x64xf32, #tpu.memory_space<vmem_shared>> -> memref<10112x64xf32, #tpu.memory_space<vmem_shared>>
      tpu.wait_indirect_dma semaphore(%arg31 : memref<!tpu.dma_semaphore, #tpu.memory_space<semaphore_mem>>) src(%arg16 : memref<128x64xf32, #tpu.memory_space<vmem>>) dst(%dma_wait3A_450 : memref<10112x64xf32, #tpu.memory_space<vmem_shared>>)
      %dma_start3A_451 = arith.constant 159 : i32
      %dma_start3A_452 = arith.constant 0 : i32
      %dma_start3A_453 = tpu.memref_slice %arg10[%dma_start3A_451, %dma_start3A_452] : memref<160x128xi32, #tpu.memory_space<vmem>> -> memref<1x128xi32, #tpu.memory_space<vmem>>
      %dma_start3A_454 = tpu.memref_squeeze %dma_start3A_453 : memref<1x128xi32, #tpu.memory_space<vmem>> -> memref<128xi32, #tpu.memory_space<vmem>>
      %dma_start3A_455 = arith.constant 0 : i32
      %dma_start3A_456 = arith.constant 0 : i32
      %dma_start3A_457 = tpu.memref_slice %arg3[%dma_start3A_455, %dma_start3A_456] : memref<10112x64xf32, #tpu.memory_space<hbm>> -> memref<10112x64xf32, #tpu.memory_space<hbm>>
      tpu.enqueue_indirect_dma source(%dma_start3A_457 : memref<10112x64xf32, #tpu.memory_space<hbm>>) target(%arg16 : memref<128x64xf32, #tpu.memory_space<vmem>>) offsets(%dma_start3A_454 : memref<128xi32, #tpu.memory_space<vmem>>) semaphore(%arg26 : memref<!tpu.dma_semaphore, #tpu.memory_space<semaphore_mem>>)
      %dma_wait3A_458 = arith.constant 157 : i32
      %dma_wait3A_459 = arith.constant 0 : i32
      %dma_wait3A_460 = tpu.memref_slice %arg10[%dma_wait3A_458, %dma_wait3A_459] : memref<160x128xi32, #tpu.memory_space<vmem>> -> memref<1x128xi32, #tpu.memory_space<vmem>>
      %dma_wait3A_461 = tpu.memref_squeeze %dma_wait3A_460 : memref<1x128xi32, #tpu.memory_space<vmem>> -> memref<128xi32, #tpu.memory_space<vmem>>
      %dma_wait3A_462 = arith.constant 0 : i32
      %dma_wait3A_463 = arith.constant 0 : i32
      %dma_wait3A_464 = tpu.memref_slice %arg3[%dma_wait3A_462, %dma_wait3A_463] : memref<10112x64xf32, #tpu.memory_space<hbm>> -> memref<10112x64xf32, #tpu.memory_space<hbm>>
      tpu.wait_indirect_dma semaphore(%arg24 : memref<!tpu.dma_semaphore, #tpu.memory_space<semaphore_mem>>) src(%dma_wait3A_464 : memref<10112x64xf32, #tpu.memory_space<hbm>>) dst(%arg14 : memref<128x64xf32, #tpu.memory_space<vmem>>)
      %dma_start3A_465 = arith.constant 157 : i32
      %dma_start3A_466 = arith.constant 0 : i32
      %dma_start3A_467 = tpu.memref_slice %arg11[%dma_start3A_465, %dma_start3A_466] : memref<160x128xi32, #tpu.memory_space<vmem>> -> memref<1x128xi32, #tpu.memory_space<vmem>>
      %dma_start3A_468 = tpu.memref_squeeze %dma_start3A_467 : memref<1x128xi32, #tpu.memory_space<vmem>> -> memref<128xi32, #tpu.memory_space<vmem>>
      %dma_start3A_469 = arith.constant 0 : i32
      %dma_start3A_470 = arith.constant 0 : i32
      %dma_start3A_471 = tpu.memref_slice %arg21[%dma_start3A_469, %dma_start3A_470] : memref<10112x64xf32, #tpu.memory_space<vmem_shared>> -> memref<10112x64xf32, #tpu.memory_space<vmem_shared>>
      tpu.enqueue_indirect_dma source(%arg14 : memref<128x64xf32, #tpu.memory_space<vmem>>) target(%dma_start3A_471 : memref<10112x64xf32, #tpu.memory_space<vmem_shared>>) offsets(%dma_start3A_468 : memref<128xi32, #tpu.memory_space<vmem>>) semaphore(%arg29 : memref<!tpu.dma_semaphore, #tpu.memory_space<semaphore_mem>>) {add = true}
      %dma_wait3A_472 = arith.constant 155 : i32
      %dma_wait3A_473 = arith.constant 0 : i32
      %dma_wait3A_474 = tpu.memref_slice %arg11[%dma_wait3A_472, %dma_wait3A_473] : memref<160x128xi32, #tpu.memory_space<vmem>> -> memref<1x128xi32, #tpu.memory_space<vmem>>
      %dma_wait3A_475 = tpu.memref_squeeze %dma_wait3A_474 : memref<1x128xi32, #tpu.memory_space<vmem>> -> memref<128xi32, #tpu.memory_space<vmem>>
      %dma_wait3A_476 = arith.constant 0 : i32
      %dma_wait3A_477 = arith.constant 0 : i32
      %dma_wait3A_478 = tpu.memref_slice %arg21[%dma_wait3A_476, %dma_wait3A_477] : memref<10112x64xf32, #tpu.memory_space<vmem_shared>> -> memref<10112x64xf32, #tpu.memory_space<vmem_shared>>
      tpu.wait_indirect_dma semaphore(%arg27 : memref<!tpu.dma_semaphore, #tpu.memory_space<semaphore_mem>>) src(%arg12 : memref<128x64xf32, #tpu.memory_space<vmem>>) dst(%dma_wait3A_478 : memref<10112x64xf32, #tpu.memory_space<vmem_shared>>)
      %dma_wait3A_479 = arith.constant 158 : i32
      %dma_wait3A_480 = arith.constant 0 : i32
      %dma_wait3A_481 = tpu.memref_slice %arg10[%dma_wait3A_479, %dma_wait3A_480] : memref<160x128xi32, #tpu.memory_space<vmem>> -> memref<1x128xi32, #tpu.memory_space<vmem>>
      %dma_wait3A_482 = tpu.memref_squeeze %dma_wait3A_481 : memref<1x128xi32, #tpu.memory_space<vmem>> -> memref<128xi32, #tpu.memory_space<vmem>>
      %dma_wait3A_483 = arith.constant 0 : i32
      %dma_wait3A_484 = arith.constant 0 : i32
      %dma_wait3A_485 = tpu.memref_slice %arg3[%dma_wait3A_483, %dma_wait3A_484] : memref<10112x64xf32, #tpu.memory_space<hbm>> -> memref<10112x64xf32, #tpu.memory_space<hbm>>
      tpu.wait_indirect_dma semaphore(%arg25 : memref<!tpu.dma_semaphore, #tpu.memory_space<semaphore_mem>>) src(%dma_wait3A_485 : memref<10112x64xf32, #tpu.memory_space<hbm>>) dst(%arg15 : memref<128x64xf32, #tpu.memory_space<vmem>>)
      %dma_start3A_486 = arith.constant 158 : i32
      %dma_start3A_487 = arith.constant 0 : i32
      %dma_start3A_488 = tpu.memref_slice %arg11[%dma_start3A_486, %dma_start3A_487] : memref<160x128xi32, #tpu.memory_space<vmem>> -> memref<1x128xi32, #tpu.memory_space<vmem>>
      %dma_start3A_489 = tpu.memref_squeeze %dma_start3A_488 : memref<1x128xi32, #tpu.memory_space<vmem>> -> memref<128xi32, #tpu.memory_space<vmem>>
      %dma_start3A_490 = arith.constant 0 : i32
      %dma_start3A_491 = arith.constant 0 : i32
      %dma_start3A_492 = tpu.memref_slice %arg21[%dma_start3A_490, %dma_start3A_491] : memref<10112x64xf32, #tpu.memory_space<vmem_shared>> -> memref<10112x64xf32, #tpu.memory_space<vmem_shared>>
      tpu.enqueue_indirect_dma source(%arg15 : memref<128x64xf32, #tpu.memory_space<vmem>>) target(%dma_start3A_492 : memref<10112x64xf32, #tpu.memory_space<vmem_shared>>) offsets(%dma_start3A_489 : memref<128xi32, #tpu.memory_space<vmem>>) semaphore(%arg30 : memref<!tpu.dma_semaphore, #tpu.memory_space<semaphore_mem>>) {add = true}
      %dma_wait3A_493 = arith.constant 156 : i32
      %dma_wait3A_494 = arith.constant 0 : i32
      %dma_wait3A_495 = tpu.memref_slice %arg11[%dma_wait3A_493, %dma_wait3A_494] : memref<160x128xi32, #tpu.memory_space<vmem>> -> memref<1x128xi32, #tpu.memory_space<vmem>>
      %dma_wait3A_496 = tpu.memref_squeeze %dma_wait3A_495 : memref<1x128xi32, #tpu.memory_space<vmem>> -> memref<128xi32, #tpu.memory_space<vmem>>
      %dma_wait3A_497 = arith.constant 0 : i32
      %dma_wait3A_498 = arith.constant 0 : i32
      %dma_wait3A_499 = tpu.memref_slice %arg21[%dma_wait3A_497, %dma_wait3A_498] : memref<10112x64xf32, #tpu.memory_space<vmem_shared>> -> memref<10112x64xf32, #tpu.memory_space<vmem_shared>>
      tpu.wait_indirect_dma semaphore(%arg28 : memref<!tpu.dma_semaphore, #tpu.memory_space<semaphore_mem>>) src(%arg13 : memref<128x64xf32, #tpu.memory_space<vmem>>) dst(%dma_wait3A_499 : memref<10112x64xf32, #tpu.memory_space<vmem_shared>>)
      %dma_wait3A_500 = arith.constant 159 : i32
      %dma_wait3A_501 = arith.constant 0 : i32
      %dma_wait3A_502 = tpu.memref_slice %arg10[%dma_wait3A_500, %dma_wait3A_501] : memref<160x128xi32, #tpu.memory_space<vmem>> -> memref<1x128xi32, #tpu.memory_space<vmem>>
      %dma_wait3A_503 = tpu.memref_squeeze %dma_wait3A_502 : memref<1x128xi32, #tpu.memory_space<vmem>> -> memref<128xi32, #tpu.memory_space<vmem>>
      %dma_wait3A_504 = arith.constant 0 : i32
      %dma_wait3A_505 = arith.constant 0 : i32
      %dma_wait3A_506 = tpu.memref_slice %arg3[%dma_wait3A_504, %dma_wait3A_505] : memref<10112x64xf32, #tpu.memory_space<hbm>> -> memref<10112x64xf32, #tpu.memory_space<hbm>>
      tpu.wait_indirect_dma semaphore(%arg26 : memref<!tpu.dma_semaphore, #tpu.memory_space<semaphore_mem>>) src(%dma_wait3A_506 : memref<10112x64xf32, #tpu.memory_space<hbm>>) dst(%arg16 : memref<128x64xf32, #tpu.memory_space<vmem>>)
      %dma_start3A_507 = arith.constant 159 : i32
      %dma_start3A_508 = arith.constant 0 : i32
      %dma_start3A_509 = tpu.memref_slice %arg11[%dma_start3A_507, %dma_start3A_508] : memref<160x128xi32, #tpu.memory_space<vmem>> -> memref<1x128xi32, #tpu.memory_space<vmem>>
      %dma_start3A_510 = tpu.memref_squeeze %dma_start3A_509 : memref<1x128xi32, #tpu.memory_space<vmem>> -> memref<128xi32, #tpu.memory_space<vmem>>
      %dma_start3A_511 = arith.constant 0 : i32
      %dma_start3A_512 = arith.constant 0 : i32
      %dma_start3A_513 = tpu.memref_slice %arg21[%dma_start3A_511, %dma_start3A_512] : memref<10112x64xf32, #tpu.memory_space<vmem_shared>> -> memref<10112x64xf32, #tpu.memory_space<vmem_shared>>
      tpu.enqueue_indirect_dma source(%arg16 : memref<128x64xf32, #tpu.memory_space<vmem>>) target(%dma_start3A_513 : memref<10112x64xf32, #tpu.memory_space<vmem_shared>>) offsets(%dma_start3A_510 : memref<128xi32, #tpu.memory_space<vmem>>) semaphore(%arg31 : memref<!tpu.dma_semaphore, #tpu.memory_space<semaphore_mem>>) {add = true}
      %dma_wait3A_514 = arith.constant 157 : i32
      %dma_wait3A_515 = arith.constant 0 : i32
      %dma_wait3A_516 = tpu.memref_slice %arg11[%dma_wait3A_514, %dma_wait3A_515] : memref<160x128xi32, #tpu.memory_space<vmem>> -> memref<1x128xi32, #tpu.memory_space<vmem>>
      %dma_wait3A_517 = tpu.memref_squeeze %dma_wait3A_516 : memref<1x128xi32, #tpu.memory_space<vmem>> -> memref<128xi32, #tpu.memory_space<vmem>>
      %dma_wait3A_518 = arith.constant 0 : i32
      %dma_wait3A_519 = arith.constant 0 : i32
      %dma_wait3A_520 = tpu.memref_slice %arg21[%dma_wait3A_518, %dma_wait3A_519] : memref<10112x64xf32, #tpu.memory_space<vmem_shared>> -> memref<10112x64xf32, #tpu.memory_space<vmem_shared>>
      tpu.wait_indirect_dma semaphore(%arg29 : memref<!tpu.dma_semaphore, #tpu.memory_space<semaphore_mem>>) src(%arg14 : memref<128x64xf32, #tpu.memory_space<vmem>>) dst(%dma_wait3A_520 : memref<10112x64xf32, #tpu.memory_space<vmem_shared>>)
      %dma_wait3A_521 = arith.constant 158 : i32
      %dma_wait3A_522 = arith.constant 0 : i32
      %dma_wait3A_523 = tpu.memref_slice %arg11[%dma_wait3A_521, %dma_wait3A_522] : memref<160x128xi32, #tpu.memory_space<vmem>> -> memref<1x128xi32, #tpu.memory_space<vmem>>
      %dma_wait3A_524 = tpu.memref_squeeze %dma_wait3A_523 : memref<1x128xi32, #tpu.memory_space<vmem>> -> memref<128xi32, #tpu.memory_space<vmem>>
      %dma_wait3A_525 = arith.constant 0 : i32
      %dma_wait3A_526 = arith.constant 0 : i32
      %dma_wait3A_527 = tpu.memref_slice %arg21[%dma_wait3A_525, %dma_wait3A_526] : memref<10112x64xf32, #tpu.memory_space<vmem_shared>> -> memref<10112x64xf32, #tpu.memory_space<vmem_shared>>
      tpu.wait_indirect_dma semaphore(%arg30 : memref<!tpu.dma_semaphore, #tpu.memory_space<semaphore_mem>>) src(%arg15 : memref<128x64xf32, #tpu.memory_space<vmem>>) dst(%dma_wait3A_527 : memref<10112x64xf32, #tpu.memory_space<vmem_shared>>)
      %dma_wait3A_528 = arith.constant 159 : i32
      %dma_wait3A_529 = arith.constant 0 : i32
      %dma_wait3A_530 = tpu.memref_slice %arg11[%dma_wait3A_528, %dma_wait3A_529] : memref<160x128xi32, #tpu.memory_space<vmem>> -> memref<1x128xi32, #tpu.memory_space<vmem>>
      %dma_wait3A_531 = tpu.memref_squeeze %dma_wait3A_530 : memref<1x128xi32, #tpu.memory_space<vmem>> -> memref<128xi32, #tpu.memory_space<vmem>>
      %dma_wait3A_532 = arith.constant 0 : i32
      %dma_wait3A_533 = arith.constant 0 : i32
      %dma_wait3A_534 = tpu.memref_slice %arg21[%dma_wait3A_532, %dma_wait3A_533] : memref<10112x64xf32, #tpu.memory_space<vmem_shared>> -> memref<10112x64xf32, #tpu.memory_space<vmem_shared>>
      tpu.wait_indirect_dma semaphore(%arg31 : memref<!tpu.dma_semaphore, #tpu.memory_space<semaphore_mem>>) src(%arg16 : memref<128x64xf32, #tpu.memory_space<vmem>>) dst(%dma_wait3A_534 : memref<10112x64xf32, #tpu.memory_space<vmem_shared>>)
    } else {
    }
    %barrier3A_22 = arith.constant 0 : index
    tpu.barrier barrier_id(%barrier3A_22)
    %eq3A_23 = arith.constant 15 : i32
    %eq3A_24 = arith.cmpi eq, %arg1, %eq3A_23 : i32
    %jit3A = arith.constant 8 : i32
    %jit3A_25 = arith.constant 0 : i32
    %select_n3A = arith.select %eq3A_24, %jit3A, %jit3A_25 : i32
    %sub3A = arith.subi %mul3A_5, %select_n3A : i32
    "tpu.region"() ({
      %run_scoped3A = tpu.sem_alloc : memref<!tpu.dma_semaphore, #tpu.memory_space<semaphore_mem>>
      %dma_start3A = tpu.memref_slice %arg6[%sub3A] : memref<10112xf32, #tpu.memory_space<hbm>> -> memref<640xf32, #tpu.memory_space<hbm>>
      %dma_start3A_251 = tpu.memref_slice %arg6[%sub3A] : memref<10112xf32, #tpu.memory_space<hbm>> -> memref<640xf32, #tpu.memory_space<hbm>>
      tpu.enqueue_dma source(%dma_start3A_251 : memref<640xf32, #tpu.memory_space<hbm>>) target(%arg17 : memref<640xf32, #tpu.memory_space<vmem>>) target_semaphore(%run_scoped3A : memref<!tpu.dma_semaphore, #tpu.memory_space<semaphore_mem>>)
      %dma_wait3A = tpu.memref_slice %arg6[%sub3A] : memref<10112xf32, #tpu.memory_space<hbm>> -> memref<640xf32, #tpu.memory_space<hbm>>
      %dma_wait3A_252 = tpu.memref_slice %arg6[%sub3A] : memref<10112xf32, #tpu.memory_space<hbm>> -> memref<640xf32, #tpu.memory_space<hbm>>
      tpu.wait_dma2 semaphore(%run_scoped3A : memref<!tpu.dma_semaphore, #tpu.memory_space<semaphore_mem>>) src(%dma_wait3A_252 : memref<640xf32, #tpu.memory_space<hbm>>) dst(%arg17 : memref<640xf32, #tpu.memory_space<vmem>>)
      tpu.yield
    }) : () -> ()
    "tpu.region"() ({
      %run_scoped3A = tpu.sem_alloc : memref<!tpu.dma_semaphore, #tpu.memory_space<semaphore_mem>>
      %dma_start3A = tpu.memref_slice %arg7[%sub3A] : memref<10112xf32, #tpu.memory_space<hbm>> -> memref<640xf32, #tpu.memory_space<hbm>>
      %dma_start3A_251 = tpu.memref_slice %arg7[%sub3A] : memref<10112xf32, #tpu.memory_space<hbm>> -> memref<640xf32, #tpu.memory_space<hbm>>
      tpu.enqueue_dma source(%dma_start3A_251 : memref<640xf32, #tpu.memory_space<hbm>>) target(%arg18 : memref<640xf32, #tpu.memory_space<vmem>>) target_semaphore(%run_scoped3A : memref<!tpu.dma_semaphore, #tpu.memory_space<semaphore_mem>>)
      %dma_wait3A = tpu.memref_slice %arg7[%sub3A] : memref<10112xf32, #tpu.memory_space<hbm>> -> memref<640xf32, #tpu.memory_space<hbm>>
      %dma_wait3A_252 = tpu.memref_slice %arg7[%sub3A] : memref<10112xf32, #tpu.memory_space<hbm>> -> memref<640xf32, #tpu.memory_space<hbm>>
      tpu.wait_dma2 semaphore(%run_scoped3A : memref<!tpu.dma_semaphore, #tpu.memory_space<semaphore_mem>>) src(%dma_wait3A_252 : memref<640xf32, #tpu.memory_space<hbm>>) dst(%arg18 : memref<640xf32, #tpu.memory_space<vmem>>)
      tpu.yield
    }) : () -> ()
    "tpu.region"() ({
      %run_scoped3A = tpu.sem_alloc : memref<!tpu.dma_semaphore, #tpu.memory_space<semaphore_mem>>
      tpu.enqueue_dma source(%arg8 : memref<128xf32, #tpu.memory_space<hbm>>) target(%arg20 : memref<128xf32, #tpu.memory_space<vmem>>) target_semaphore(%run_scoped3A : memref<!tpu.dma_semaphore, #tpu.memory_space<semaphore_mem>>)
      tpu.wait_dma2 semaphore(%run_scoped3A : memref<!tpu.dma_semaphore, #tpu.memory_space<semaphore_mem>>) src(%arg8 : memref<128xf32, #tpu.memory_space<hbm>>) dst(%arg20 : memref<128xf32, #tpu.memory_space<vmem>>)
      tpu.yield
    }) : () -> ()
    %scan3A_26 = arith.constant 0 : i32
    %scan3A_27 = arith.constant 0 : i32
    %scan3A_28 = arith.constant 40 : i32
    %scan3A_29 = arith.addi %scan3A_27, %scan3A_28 : i32
    %scan3A_30 = arith.constant 1 : i32
    scf.for %scan3A_251 = %scan3A_27 to %scan3A_29 step %scan3A_30  : i32 {
      %mul3A_252 = arith.constant 16 : i32
      %mul3A_253 = arith.muli %scan3A_251, %mul3A_252 : i32
      %get3A_254 = arith.index_cast %mul3A_253 : i32 to index
      %get3A_255 = tpu.vector_load %arg17[%get3A_254] {strides = array<i32>} : memref<640xf32, #tpu.memory_space<vmem>>, vector<16xf32>,
      %mul3A_256 = arith.constant 16 : i32
      %mul3A_257 = arith.muli %scan3A_251, %mul3A_256 : i32
      %get3A_258 = arith.index_cast %mul3A_257 : i32 to index
      %get3A_259 = tpu.vector_load %arg18[%get3A_258] {strides = array<i32>} : memref<640xf32, #tpu.memory_space<vmem>>, vector<16xf32>,
      %add3A_260 = arith.addf %get3A_255, %get3A_259 : vector<16xf32>
      %bitcast3A = vector.bitcast %add3A_260 : vector<16xf32> to vector<16xi32>
      %shift_right_logical3A = arith.constant 1 : i32
      %shift_right_logical3A_261 = vector.broadcast %shift_right_logical3A : i32 to vector<16xi32>
      %shift_right_logical3A_262 = arith.shrui %bitcast3A, %shift_right_logical3A_261 : vector<16xi32>
      %sub3A_263 = arith.constant 1597463007 : i32
      %sub3A_264 = vector.broadcast %sub3A_263 : i32 to vector<16xi32>
      %sub3A_265 = arith.subi %sub3A_264, %shift_right_logical3A_262 : vector<16xi32>
      %bitcast3A_266 = vector.bitcast %sub3A_265 : vector<16xi32> to vector<16xf32>
      %mul3A_267 = arith.constant 5.000000e-01 : f32
      %mul3A_268 = vector.broadcast %mul3A_267 : f32 to vector<16xf32>
      %mul3A_269 = arith.mulf %mul3A_268, %add3A_260 : vector<16xf32>
      %mul3A_270 = arith.mulf %mul3A_269, %bitcast3A_266 : vector<16xf32>
      %mul3A_271 = arith.mulf %mul3A_270, %bitcast3A_266 : vector<16xf32>
      %sub3A_272 = arith.constant 1.500000e+00 : f32
      %sub3A_273 = vector.broadcast %sub3A_272 : f32 to vector<16xf32>
      %sub3A_274 = arith.subf %sub3A_273, %mul3A_271 : vector<16xf32>
      %mul3A_275 = arith.mulf %bitcast3A_266, %sub3A_274 : vector<16xf32>
      %mul3A_276 = arith.constant 5.000000e-01 : f32
      %mul3A_277 = vector.broadcast %mul3A_276 : f32 to vector<16xf32>
      %mul3A_278 = arith.mulf %mul3A_277, %add3A_260 : vector<16xf32>
      %mul3A_279 = arith.mulf %mul3A_278, %mul3A_275 : vector<16xf32>
      %mul3A_280 = arith.mulf %mul3A_279, %mul3A_275 : vector<16xf32>
      %sub3A_281 = arith.constant 1.500000e+00 : f32
      %sub3A_282 = vector.broadcast %sub3A_281 : f32 to vector<16xf32>
      %sub3A_283 = arith.subf %sub3A_282, %mul3A_280 : vector<16xf32>
      %mul3A_284 = arith.mulf %mul3A_275, %sub3A_283 : vector<16xf32>
      %mul3A_285 = arith.constant 5.000000e-01 : f32
      %mul3A_286 = vector.broadcast %mul3A_285 : f32 to vector<16xf32>
      %mul3A_287 = arith.mulf %mul3A_286, %add3A_260 : vector<16xf32>
      %mul3A_288 = arith.mulf %mul3A_287, %mul3A_284 : vector<16xf32>
      %mul3A_289 = arith.mulf %mul3A_288, %mul3A_284 : vector<16xf32>
      %sub3A_290 = arith.constant 1.500000e+00 : f32
      %sub3A_291 = vector.broadcast %sub3A_290 : f32 to vector<16xf32>
      %sub3A_292 = arith.subf %sub3A_291, %mul3A_289 : vector<16xf32>
      %mul3A_293 = arith.mulf %mul3A_284, %sub3A_292 : vector<16xf32>
      %mul3A_294 = arith.constant 5.000000e-01 : f32
      %mul3A_295 = vector.broadcast %mul3A_294 : f32 to vector<16xf32>
      %mul3A_296 = arith.mulf %mul3A_295, %add3A_260 : vector<16xf32>
      %mul3A_297 = arith.mulf %mul3A_296, %mul3A_293 : vector<16xf32>
      %mul3A_298 = arith.mulf %mul3A_297, %mul3A_293 : vector<16xf32>
      %sub3A_299 = arith.constant 1.500000e+00 : f32
      %sub3A_300 = vector.broadcast %sub3A_299 : f32 to vector<16xf32>
      %sub3A_301 = arith.subf %sub3A_300, %mul3A_298 : vector<16xf32>
      %mul3A_302 = arith.mulf %mul3A_293, %sub3A_301 : vector<16xf32>
      %gt3A_303 = arith.constant 0.000000e+00 : f32
      %gt3A_304 = vector.broadcast %gt3A_303 : f32 to vector<16xf32>
      %gt3A_305 = arith.cmpf ogt, %add3A_260, %gt3A_304 : vector<16xf32>
      %jit3A_306 = arith.constant 0.000000e+00 : f32
      %broadcast_in_dim3A = vector.broadcast %jit3A_306 : f32 to vector<16xf32>
      %select_n3A_307 = arith.select %gt3A_305, %mul3A_302, %broadcast_in_dim3A : vector<16xi1>, vector<16xf32>
      %mul3A_308 = arith.constant 16 : i32
      %mul3A_309 = arith.muli %scan3A_251, %mul3A_308 : i32
      %swap3A = arith.index_cast %mul3A_309 : i32 to index
      %swap3A_310 = tpu.vector_load %arg19[%swap3A] {strides = array<i32>} : memref<640xf32, #tpu.memory_space<vmem>>, vector<16xf32>,
      tpu.vector_store %arg19[%swap3A], %select_n3A_307 {strides = array<i32>} : memref<640xf32, #tpu.memory_space<vmem>>, vector<16xf32>,
    }
    %scan3A_31 = arith.constant 40 : i32
    %mul3A_32 = arith.constant 64 : i32
    %mul3A_33 = arith.muli %arg0, %mul3A_32 : i32
    %add3A_34 = arith.constant 0 : i32
    %add3A_35 = arith.addi %mul3A_33, %add3A_34 : i32
    %get3A = arith.index_cast %add3A_35 : i32 to index
    %get3A_36 = tpu.vector_load %arg20[%get3A] {strides = array<i32>} : memref<128xf32, #tpu.memory_space<vmem>>, vector<16xf32>,
    %mul3A_37 = arith.constant 64 : i32
    %mul3A_38 = arith.muli %arg0, %mul3A_37 : i32
    %add3A_39 = arith.constant 16 : i32
    %add3A_40 = arith.addi %mul3A_38, %add3A_39 : i32
    %get3A_41 = arith.index_cast %add3A_40 : i32 to index
    %get3A_42 = tpu.vector_load %arg20[%get3A_41] {strides = array<i32>} : memref<128xf32, #tpu.memory_space<vmem>>, vector<16xf32>,
    %mul3A_43 = arith.constant 64 : i32
    %mul3A_44 = arith.muli %arg0, %mul3A_43 : i32
    %add3A_45 = arith.constant 32 : i32
    %add3A_46 = arith.addi %mul3A_44, %add3A_45 : i32
    %get3A_47 = arith.index_cast %add3A_46 : i32 to index
    %get3A_48 = tpu.vector_load %arg20[%get3A_47] {strides = array<i32>} : memref<128xf32, #tpu.memory_space<vmem>>, vector<16xf32>,
    %mul3A_49 = arith.constant 64 : i32
    %mul3A_50 = arith.muli %arg0, %mul3A_49 : i32
    %add3A_51 = arith.constant 48 : i32
    %add3A_52 = arith.addi %mul3A_50, %add3A_51 : i32
    %get3A_53 = arith.index_cast %add3A_52 : i32 to index
    %get3A_54 = tpu.vector_load %arg20[%get3A_53] {strides = array<i32>} : memref<128xf32, #tpu.memory_space<vmem>>, vector<16xf32>,
    %add3A_55 = arith.constant 0 : i32
    %add3A_56 = arith.addi %mul3A_5, %add3A_55 : i32
    "tpu.region"() ({
      %run_scoped3A = tpu.sem_alloc : memref<!tpu.dma_semaphore, #tpu.memory_space<semaphore_mem>>
      %dma_start3A = arith.constant 0 : i32
      %dma_start3A_251 = arith.constant 0 : i32
      %dma_start3A_252 = tpu.memref_slice %arg12[%dma_start3A, %dma_start3A_251] : memref<128x64xf32, #tpu.memory_space<vmem>> -> memref<79x64xf32, #tpu.memory_space<vmem>>
      %dma_start3A_253 = arith.constant 0 : i32
      %dma_start3A_254 = tpu.memref_slice %arg21[%add3A_56, %dma_start3A_253] : memref<10112x64xf32, #tpu.memory_space<vmem_shared>> -> memref<79x64xf32, #tpu.memory_space<vmem_shared>>
      %dma_start3A_255 = arith.constant 0 : i32
      %dma_start3A_256 = arith.constant 0 : i32
      %dma_start3A_257 = tpu.memref_slice %arg12[%dma_start3A_255, %dma_start3A_256] : memref<128x64xf32, #tpu.memory_space<vmem>> -> memref<79x64xf32, #tpu.memory_space<vmem>>
      %dma_start3A_258 = arith.constant 0 : i32
      %dma_start3A_259 = tpu.memref_slice %arg21[%add3A_56, %dma_start3A_258] : memref<10112x64xf32, #tpu.memory_space<vmem_shared>> -> memref<79x64xf32, #tpu.memory_space<vmem_shared>>
      tpu.enqueue_dma source(%dma_start3A_259 : memref<79x64xf32, #tpu.memory_space<vmem_shared>>) target(%dma_start3A_257 : memref<79x64xf32, #tpu.memory_space<vmem>>) target_semaphore(%run_scoped3A : memref<!tpu.dma_semaphore, #tpu.memory_space<semaphore_mem>>)
      %dma_wait3A = arith.constant 0 : i32
      %dma_wait3A_260 = arith.constant 0 : i32
      %dma_wait3A_261 = tpu.memref_slice %arg12[%dma_wait3A, %dma_wait3A_260] : memref<128x64xf32, #tpu.memory_space<vmem>> -> memref<79x64xf32, #tpu.memory_space<vmem>>
      %dma_wait3A_262 = arith.constant 0 : i32
      %dma_wait3A_263 = tpu.memref_slice %arg21[%add3A_56, %dma_wait3A_262] : memref<10112x64xf32, #tpu.memory_space<vmem_shared>> -> memref<79x64xf32, #tpu.memory_space<vmem_shared>>
      %dma_wait3A_264 = arith.constant 0 : i32
      %dma_wait3A_265 = arith.constant 0 : i32
      %dma_wait3A_266 = tpu.memref_slice %arg12[%dma_wait3A_264, %dma_wait3A_265] : memref<128x64xf32, #tpu.memory_space<vmem>> -> memref<79x64xf32, #tpu.memory_space<vmem>>
      %dma_wait3A_267 = arith.constant 0 : i32
      %dma_wait3A_268 = tpu.memref_slice %arg21[%add3A_56, %dma_wait3A_267] : memref<10112x64xf32, #tpu.memory_space<vmem_shared>> -> memref<79x64xf32, #tpu.memory_space<vmem_shared>>
      tpu.wait_dma2 semaphore(%run_scoped3A : memref<!tpu.dma_semaphore, #tpu.memory_space<semaphore_mem>>) src(%dma_wait3A_268 : memref<79x64xf32, #tpu.memory_space<vmem_shared>>) dst(%dma_wait3A_266 : memref<79x64xf32, #tpu.memory_space<vmem>>)
      tpu.yield
    }) : () -> ()
    %scan3A_57 = arith.constant 0 : i32
    %scan3A_58 = arith.constant 0 : i32
    %scan3A_59 = arith.constant 79 : i32
    %scan3A_60 = arith.addi %scan3A_58, %scan3A_59 : i32
    %scan3A_61 = arith.constant 1 : i32
    scf.for %scan3A_251 = %scan3A_58 to %scan3A_60 step %scan3A_61  : i32 {
      %add3A_252 = arith.constant 0 : i32
      %add3A_253 = arith.addi %select_n3A, %add3A_252 : i32
      %broadcast_in_dim3A = vector.broadcast %add3A_253 : i32 to vector<16xi32>
      %add3A_254 = vector.broadcast %scan3A_251 : i32 to vector<16xi32>
      %add3A_255 = arith.addi %broadcast_in_dim3A, %add3A_254 : vector<16xi32>
      %gather3A = tpu.vector_load_idx %arg19[%add3A_255] : memref<640xf32, #tpu.memory_space<vmem>>[vector<16xi32>], vector<16xf32>,
      %get3A_256 = arith.index_cast %scan3A_251 : i32 to index
      %get3A_257 = arith.constant 0 : index
      %get3A_258 = tpu.vector_load %arg12[%get3A_256, %get3A_257] {strides = array<i32>} : memref<128x64xf32, #tpu.memory_space<vmem>>, vector<16xf32>,
      %mul3A_259 = arith.mulf %get3A_258, %gather3A : vector<16xf32>
      %add3A_260 = arith.addf %mul3A_259, %get3A_36 : vector<16xf32>
      %max3A = arith.constant 0.000000e+00 : f32
      %max3A_261 = vector.broadcast %max3A : f32 to vector<16xf32>
      %max3A_262 = arith.maximumf %add3A_260, %max3A_261 : vector<16xf32>
      %swap3A = arith.index_cast %scan3A_251 : i32 to index
      %swap3A_263 = arith.constant 0 : index
      %swap3A_264 = tpu.vector_load %arg12[%swap3A, %swap3A_263] {strides = array<i32>} : memref<128x64xf32, #tpu.memory_space<vmem>>, vector<16xf32>,
      tpu.vector_store %arg12[%swap3A, %swap3A_263], %max3A_262 {strides = array<i32>} : memref<128x64xf32, #tpu.memory_space<vmem>>, vector<16xf32>,
      %get3A_265 = arith.index_cast %scan3A_251 : i32 to index
      %get3A_266 = arith.constant 16 : index
      %get3A_267 = tpu.vector_load %arg12[%get3A_265, %get3A_266] {strides = array<i32>} : memref<128x64xf32, #tpu.memory_space<vmem>>, vector<16xf32>,
      %mul3A_268 = arith.mulf %get3A_267, %gather3A : vector<16xf32>
      %add3A_269 = arith.addf %mul3A_268, %get3A_42 : vector<16xf32>
      %max3A_270 = arith.constant 0.000000e+00 : f32
      %max3A_271 = vector.broadcast %max3A_270 : f32 to vector<16xf32>
      %max3A_272 = arith.maximumf %add3A_269, %max3A_271 : vector<16xf32>
      %swap3A_273 = arith.index_cast %scan3A_251 : i32 to index
      %swap3A_274 = arith.constant 16 : index
      %swap3A_275 = tpu.vector_load %arg12[%swap3A_273, %swap3A_274] {strides = array<i32>} : memref<128x64xf32, #tpu.memory_space<vmem>>, vector<16xf32>,
      tpu.vector_store %arg12[%swap3A_273, %swap3A_274], %max3A_272 {strides = array<i32>} : memref<128x64xf32, #tpu.memory_space<vmem>>, vector<16xf32>,
      %get3A_276 = arith.index_cast %scan3A_251 : i32 to index
      %get3A_277 = arith.constant 32 : index
      %get3A_278 = tpu.vector_load %arg12[%get3A_276, %get3A_277] {strides = array<i32>} : memref<128x64xf32, #tpu.memory_space<vmem>>, vector<16xf32>,
      %mul3A_279 = arith.mulf %get3A_278, %gather3A : vector<16xf32>
      %add3A_280 = arith.addf %mul3A_279, %get3A_48 : vector<16xf32>
      %max3A_281 = arith.constant 0.000000e+00 : f32
      %max3A_282 = vector.broadcast %max3A_281 : f32 to vector<16xf32>
      %max3A_283 = arith.maximumf %add3A_280, %max3A_282 : vector<16xf32>
      %swap3A_284 = arith.index_cast %scan3A_251 : i32 to index
      %swap3A_285 = arith.constant 32 : index
      %swap3A_286 = tpu.vector_load %arg12[%swap3A_284, %swap3A_285] {strides = array<i32>} : memref<128x64xf32, #tpu.memory_space<vmem>>, vector<16xf32>,
      tpu.vector_store %arg12[%swap3A_284, %swap3A_285], %max3A_283 {strides = array<i32>} : memref<128x64xf32, #tpu.memory_space<vmem>>, vector<16xf32>,
      %get3A_287 = arith.index_cast %scan3A_251 : i32 to index
      %get3A_288 = arith.constant 48 : index
      %get3A_289 = tpu.vector_load %arg12[%get3A_287, %get3A_288] {strides = array<i32>} : memref<128x64xf32, #tpu.memory_space<vmem>>, vector<16xf32>,
      %mul3A_290 = arith.mulf %get3A_289, %gather3A : vector<16xf32>
      %add3A_291 = arith.addf %mul3A_290, %get3A_54 : vector<16xf32>
      %max3A_292 = arith.constant 0.000000e+00 : f32
      %max3A_293 = vector.broadcast %max3A_292 : f32 to vector<16xf32>
      %max3A_294 = arith.maximumf %add3A_291, %max3A_293 : vector<16xf32>
      %swap3A_295 = arith.index_cast %scan3A_251 : i32 to index
      %swap3A_296 = arith.constant 48 : index
      %swap3A_297 = tpu.vector_load %arg12[%swap3A_295, %swap3A_296] {strides = array<i32>} : memref<128x64xf32, #tpu.memory_space<vmem>>, vector<16xf32>,
      tpu.vector_store %arg12[%swap3A_295, %swap3A_296], %max3A_294 {strides = array<i32>} : memref<128x64xf32, #tpu.memory_space<vmem>>, vector<16xf32>,
    }
    %scan3A_62 = arith.constant 79 : i32
    %add3A_63 = arith.constant 79 : i32
    %add3A_64 = arith.addi %add3A_56, %add3A_63 : i32
    %le3A = arith.constant 10000 : i32
    %le3A_65 = arith.cmpi sle, %add3A_64, %le3A : i32
    %convert_element_type3A_66 = arith.extui %le3A_65 : i1 to i32
    %cond3A_67 = arith.constant 0 : i32
    %cond3A_68 = arith.cmpi ne, %convert_element_type3A_66, %cond3A_67 : i32
    scf.if %cond3A_68 {
      %eq3A_251 = arith.constant 0 : i32
      %eq3A_252 = arith.cmpi eq, %arg0, %eq3A_251 : i32
      %convert_element_type3A_253 = arith.extui %eq3A_252 : i1 to i32
      %cond3A_254 = arith.constant 0 : i32
      %cond3A_255 = arith.cmpi ne, %convert_element_type3A_253, %cond3A_254 : i32
      scf.if %cond3A_255 {
        "tpu.region"() ({
          %run_scoped3A = tpu.sem_alloc : memref<!tpu.dma_semaphore, #tpu.memory_space<semaphore_mem>>
          %dma_start3A = arith.constant 0 : i32
          %dma_start3A_261 = arith.constant 0 : i32
          %dma_start3A_262 = tpu.memref_slice %arg12[%dma_start3A, %dma_start3A_261] : memref<128x64xf32, #tpu.memory_space<vmem>> -> memref<79x64xf32, #tpu.memory_space<vmem>>
          %dma_start3A_263 = arith.constant 0 : i32
          %dma_start3A_264 = tpu.memref_slice %arg9[%add3A_56, %dma_start3A_263] : memref<10000x128xf32, #tpu.memory_space<hbm>> -> memref<79x64xf32, #tpu.memory_space<hbm>>
          %dma_start3A_265 = arith.constant 0 : i32
          %dma_start3A_266 = tpu.memref_slice %arg9[%add3A_56, %dma_start3A_265] : memref<10000x128xf32, #tpu.memory_space<hbm>> -> memref<79x64xf32, #tpu.memory_space<hbm>>
          %dma_start3A_267 = arith.constant 0 : i32
          %dma_start3A_268 = arith.constant 0 : i32
          %dma_start3A_269 = tpu.memref_slice %arg12[%dma_start3A_267, %dma_start3A_268] : memref<128x64xf32, #tpu.memory_space<vmem>> -> memref<79x64xf32, #tpu.memory_space<vmem>>
          tpu.enqueue_dma source(%dma_start3A_269 : memref<79x64xf32, #tpu.memory_space<vmem>>) target(%dma_start3A_266 : memref<79x64xf32, #tpu.memory_space<hbm>>) target_semaphore(%run_scoped3A : memref<!tpu.dma_semaphore, #tpu.memory_space<semaphore_mem>>)
          %dma_wait3A = arith.constant 0 : i32
          %dma_wait3A_270 = arith.constant 0 : i32
          %dma_wait3A_271 = tpu.memref_slice %arg12[%dma_wait3A, %dma_wait3A_270] : memref<128x64xf32, #tpu.memory_space<vmem>> -> memref<79x64xf32, #tpu.memory_space<vmem>>
          %dma_wait3A_272 = arith.constant 0 : i32
          %dma_wait3A_273 = tpu.memref_slice %arg9[%add3A_56, %dma_wait3A_272] : memref<10000x128xf32, #tpu.memory_space<hbm>> -> memref<79x64xf32, #tpu.memory_space<hbm>>
          %dma_wait3A_274 = arith.constant 0 : i32
          %dma_wait3A_275 = tpu.memref_slice %arg9[%add3A_56, %dma_wait3A_274] : memref<10000x128xf32, #tpu.memory_space<hbm>> -> memref<79x64xf32, #tpu.memory_space<hbm>>
          %dma_wait3A_276 = arith.constant 0 : i32
          %dma_wait3A_277 = arith.constant 0 : i32
          %dma_wait3A_278 = tpu.memref_slice %arg12[%dma_wait3A_276, %dma_wait3A_277] : memref<128x64xf32, #tpu.memory_space<vmem>> -> memref<79x64xf32, #tpu.memory_space<vmem>>
          tpu.wait_dma2 semaphore(%run_scoped3A : memref<!tpu.dma_semaphore, #tpu.memory_space<semaphore_mem>>) src(%dma_wait3A_278 : memref<79x64xf32, #tpu.memory_space<vmem>>) dst(%dma_wait3A_275 : memref<79x64xf32, #tpu.memory_space<hbm>>)
          tpu.yield
        }) : () -> ()
      } else {
      }
      %eq3A_256 = arith.constant 1 : i32
      %eq3A_257 = arith.cmpi eq, %arg0, %eq3A_256 : i32
      %convert_element_type3A_258 = arith.extui %eq3A_257 : i1 to i32
      %cond3A_259 = arith.constant 0 : i32
      %cond3A_260 = arith.cmpi ne, %convert_element_type3A_258, %cond3A_259 : i32
      scf.if %cond3A_260 {
        "tpu.region"() ({
          %run_scoped3A = tpu.sem_alloc : memref<!tpu.dma_semaphore, #tpu.memory_space<semaphore_mem>>
          %dma_start3A = arith.constant 0 : i32
          %dma_start3A_261 = arith.constant 0 : i32
          %dma_start3A_262 = tpu.memref_slice %arg12[%dma_start3A, %dma_start3A_261] : memref<128x64xf32, #tpu.memory_space<vmem>> -> memref<79x64xf32, #tpu.memory_space<vmem>>
          %dma_start3A_263 = arith.constant 64 : i32
          %dma_start3A_264 = tpu.memref_slice %arg9[%add3A_56, %dma_start3A_263] : memref<10000x128xf32, #tpu.memory_space<hbm>> -> memref<79x64xf32, #tpu.memory_space<hbm>>
          %dma_start3A_265 = arith.constant 64 : i32
          %dma_start3A_266 = tpu.memref_slice %arg9[%add3A_56, %dma_start3A_265] : memref<10000x128xf32, #tpu.memory_space<hbm>> -> memref<79x64xf32, #tpu.memory_space<hbm>>
          %dma_start3A_267 = arith.constant 0 : i32
          %dma_start3A_268 = arith.constant 0 : i32
          %dma_start3A_269 = tpu.memref_slice %arg12[%dma_start3A_267, %dma_start3A_268] : memref<128x64xf32, #tpu.memory_space<vmem>> -> memref<79x64xf32, #tpu.memory_space<vmem>>
          tpu.enqueue_dma source(%dma_start3A_269 : memref<79x64xf32, #tpu.memory_space<vmem>>) target(%dma_start3A_266 : memref<79x64xf32, #tpu.memory_space<hbm>>) target_semaphore(%run_scoped3A : memref<!tpu.dma_semaphore, #tpu.memory_space<semaphore_mem>>)
          %dma_wait3A = arith.constant 0 : i32
          %dma_wait3A_270 = arith.constant 0 : i32
          %dma_wait3A_271 = tpu.memref_slice %arg12[%dma_wait3A, %dma_wait3A_270] : memref<128x64xf32, #tpu.memory_space<vmem>> -> memref<79x64xf32, #tpu.memory_space<vmem>>
          %dma_wait3A_272 = arith.constant 64 : i32
          %dma_wait3A_273 = tpu.memref_slice %arg9[%add3A_56, %dma_wait3A_272] : memref<10000x128xf32, #tpu.memory_space<hbm>> -> memref<79x64xf32, #tpu.memory_space<hbm>>
          %dma_wait3A_274 = arith.constant 64 : i32
          %dma_wait3A_275 = tpu.memref_slice %arg9[%add3A_56, %dma_wait3A_274] : memref<10000x128xf32, #tpu.memory_space<hbm>> -> memref<79x64xf32, #tpu.memory_space<hbm>>
          %dma_wait3A_276 = arith.constant 0 : i32
          %dma_wait3A_277 = arith.constant 0 : i32
          %dma_wait3A_278 = tpu.memref_slice %arg12[%dma_wait3A_276, %dma_wait3A_277] : memref<128x64xf32, #tpu.memory_space<vmem>> -> memref<79x64xf32, #tpu.memory_space<vmem>>
          tpu.wait_dma2 semaphore(%run_scoped3A : memref<!tpu.dma_semaphore, #tpu.memory_space<semaphore_mem>>) src(%dma_wait3A_278 : memref<79x64xf32, #tpu.memory_space<vmem>>) dst(%dma_wait3A_275 : memref<79x64xf32, #tpu.memory_space<hbm>>)
          tpu.yield
        }) : () -> ()
      } else {
      }
    } else {
    }
    %lt3A = arith.constant 10000 : i32
    %lt3A_69 = arith.cmpi slt, %add3A_56, %lt3A : i32
    %add3A_70 = arith.constant 79 : i32
    %add3A_71 = arith.addi %add3A_56, %add3A_70 : i32
    %gt3A = arith.constant 10000 : i32
    %gt3A_72 = arith.cmpi sgt, %add3A_71, %gt3A : i32
    %and3A = arith.andi %lt3A_69, %gt3A_72 : i1
    %convert_element_type3A_73 = arith.extui %and3A : i1 to i32
    %cond3A_74 = arith.constant 0 : i32
    %cond3A_75 = arith.cmpi ne, %convert_element_type3A_73, %cond3A_74 : i32
    scf.if %cond3A_75 {
      %eq3A_251 = arith.constant 0 : i32
      %eq3A_252 = arith.cmpi eq, %arg0, %eq3A_251 : i32
      %convert_element_type3A_253 = arith.extui %eq3A_252 : i1 to i32
      %cond3A_254 = arith.constant 0 : i32
      %cond3A_255 = arith.cmpi ne, %convert_element_type3A_253, %cond3A_254 : i32
      scf.if %cond3A_255 {
        "tpu.region"() ({
          %run_scoped3A = tpu.sem_alloc : memref<!tpu.dma_semaphore, #tpu.memory_space<semaphore_mem>>
          %dma_start3A = arith.constant 0 : i32
          %dma_start3A_261 = arith.constant 0 : i32
          %dma_start3A_262 = tpu.memref_slice %arg12[%dma_start3A, %dma_start3A_261] : memref<128x64xf32, #tpu.memory_space<vmem>> -> memref<46x64xf32, #tpu.memory_space<vmem>>
          %dma_start3A_263 = arith.constant 0 : i32
          %dma_start3A_264 = tpu.memref_slice %arg9[%add3A_56, %dma_start3A_263] : memref<10000x128xf32, #tpu.memory_space<hbm>> -> memref<46x64xf32, #tpu.memory_space<hbm>>
          %dma_start3A_265 = arith.constant 0 : i32
          %dma_start3A_266 = tpu.memref_slice %arg9[%add3A_56, %dma_start3A_265] : memref<10000x128xf32, #tpu.memory_space<hbm>> -> memref<46x64xf32, #tpu.memory_space<hbm>>
          %dma_start3A_267 = arith.constant 0 : i32
          %dma_start3A_268 = arith.constant 0 : i32
          %dma_start3A_269 = tpu.memref_slice %arg12[%dma_start3A_267, %dma_start3A_268] : memref<128x64xf32, #tpu.memory_space<vmem>> -> memref<46x64xf32, #tpu.memory_space<vmem>>
          tpu.enqueue_dma source(%dma_start3A_269 : memref<46x64xf32, #tpu.memory_space<vmem>>) target(%dma_start3A_266 : memref<46x64xf32, #tpu.memory_space<hbm>>) target_semaphore(%run_scoped3A : memref<!tpu.dma_semaphore, #tpu.memory_space<semaphore_mem>>)
          %dma_wait3A = arith.constant 0 : i32
          %dma_wait3A_270 = arith.constant 0 : i32
          %dma_wait3A_271 = tpu.memref_slice %arg12[%dma_wait3A, %dma_wait3A_270] : memref<128x64xf32, #tpu.memory_space<vmem>> -> memref<46x64xf32, #tpu.memory_space<vmem>>
          %dma_wait3A_272 = arith.constant 0 : i32
          %dma_wait3A_273 = tpu.memref_slice %arg9[%add3A_56, %dma_wait3A_272] : memref<10000x128xf32, #tpu.memory_space<hbm>> -> memref<46x64xf32, #tpu.memory_space<hbm>>
          %dma_wait3A_274 = arith.constant 0 : i32
          %dma_wait3A_275 = tpu.memref_slice %arg9[%add3A_56, %dma_wait3A_274] : memref<10000x128xf32, #tpu.memory_space<hbm>> -> memref<46x64xf32, #tpu.memory_space<hbm>>
          %dma_wait3A_276 = arith.constant 0 : i32
          %dma_wait3A_277 = arith.constant 0 : i32
          %dma_wait3A_278 = tpu.memref_slice %arg12[%dma_wait3A_276, %dma_wait3A_277] : memref<128x64xf32, #tpu.memory_space<vmem>> -> memref<46x64xf32, #tpu.memory_space<vmem>>
          tpu.wait_dma2 semaphore(%run_scoped3A : memref<!tpu.dma_semaphore, #tpu.memory_space<semaphore_mem>>) src(%dma_wait3A_278 : memref<46x64xf32, #tpu.memory_space<vmem>>) dst(%dma_wait3A_275 : memref<46x64xf32, #tpu.memory_space<hbm>>)
          tpu.yield
        }) : () -> ()
      } else {
      }
      %eq3A_256 = arith.constant 1 : i32
      %eq3A_257 = arith.cmpi eq, %arg0, %eq3A_256 : i32
      %convert_element_type3A_258 = arith.extui %eq3A_257 : i1 to i32
      %cond3A_259 = arith.constant 0 : i32
      %cond3A_260 = arith.cmpi ne, %convert_element_type3A_258, %cond3A_259 : i32
      scf.if %cond3A_260 {
        "tpu.region"() ({
          %run_scoped3A = tpu.sem_alloc : memref<!tpu.dma_semaphore, #tpu.memory_space<semaphore_mem>>
          %dma_start3A = arith.constant 0 : i32
          %dma_start3A_261 = arith.constant 0 : i32
          %dma_start3A_262 = tpu.memref_slice %arg12[%dma_start3A, %dma_start3A_261] : memref<128x64xf32, #tpu.memory_space<vmem>> -> memref<46x64xf32, #tpu.memory_space<vmem>>
          %dma_start3A_263 = arith.constant 64 : i32
          %dma_start3A_264 = tpu.memref_slice %arg9[%add3A_56, %dma_start3A_263] : memref<10000x128xf32, #tpu.memory_space<hbm>> -> memref<46x64xf32, #tpu.memory_space<hbm>>
          %dma_start3A_265 = arith.constant 64 : i32
          %dma_start3A_266 = tpu.memref_slice %arg9[%add3A_56, %dma_start3A_265] : memref<10000x128xf32, #tpu.memory_space<hbm>> -> memref<46x64xf32, #tpu.memory_space<hbm>>
          %dma_start3A_267 = arith.constant 0 : i32
          %dma_start3A_268 = arith.constant 0 : i32
          %dma_start3A_269 = tpu.memref_slice %arg12[%dma_start3A_267, %dma_start3A_268] : memref<128x64xf32, #tpu.memory_space<vmem>> -> memref<46x64xf32, #tpu.memory_space<vmem>>
          tpu.enqueue_dma source(%dma_start3A_269 : memref<46x64xf32, #tpu.memory_space<vmem>>) target(%dma_start3A_266 : memref<46x64xf32, #tpu.memory_space<hbm>>) target_semaphore(%run_scoped3A : memref<!tpu.dma_semaphore, #tpu.memory_space<semaphore_mem>>)
          %dma_wait3A = arith.constant 0 : i32
          %dma_wait3A_270 = arith.constant 0 : i32
          %dma_wait3A_271 = tpu.memref_slice %arg12[%dma_wait3A, %dma_wait3A_270] : memref<128x64xf32, #tpu.memory_space<vmem>> -> memref<46x64xf32, #tpu.memory_space<vmem>>
          %dma_wait3A_272 = arith.constant 64 : i32
          %dma_wait3A_273 = tpu.memref_slice %arg9[%add3A_56, %dma_wait3A_272] : memref<10000x128xf32, #tpu.memory_space<hbm>> -> memref<46x64xf32, #tpu.memory_space<hbm>>
          %dma_wait3A_274 = arith.constant 64 : i32
          %dma_wait3A_275 = tpu.memref_slice %arg9[%add3A_56, %dma_wait3A_274] : memref<10000x128xf32, #tpu.memory_space<hbm>> -> memref<46x64xf32, #tpu.memory_space<hbm>>
          %dma_wait3A_276 = arith.constant 0 : i32
          %dma_wait3A_277 = arith.constant 0 : i32
          %dma_wait3A_278 = tpu.memref_slice %arg12[%dma_wait3A_276, %dma_wait3A_277] : memref<128x64xf32, #tpu.memory_space<vmem>> -> memref<46x64xf32, #tpu.memory_space<vmem>>
          tpu.wait_dma2 semaphore(%run_scoped3A : memref<!tpu.dma_semaphore, #tpu.memory_space<semaphore_mem>>) src(%dma_wait3A_278 : memref<46x64xf32, #tpu.memory_space<vmem>>) dst(%dma_wait3A_275 : memref<46x64xf32, #tpu.memory_space<hbm>>)
          tpu.yield
        }) : () -> ()
      } else {
      }
    } else {
    }
    %add3A_76 = arith.constant 79 : i32
    %add3A_77 = arith.addi %mul3A_5, %add3A_76 : i32
    "tpu.region"() ({
      %run_scoped3A = tpu.sem_alloc : memref<!tpu.dma_semaphore, #tpu.memory_space<semaphore_mem>>
      %dma_start3A = arith.constant 0 : i32
      %dma_start3A_251 = arith.constant 0 : i32
      %dma_start3A_252 = tpu.memref_slice %arg12[%dma_start3A, %dma_start3A_251] : memref<128x64xf32, #tpu.memory_space<vmem>> -> memref<79x64xf32, #tpu.memory_space<vmem>>
      %dma_start3A_253 = arith.constant 0 : i32
      %dma_start3A_254 = tpu.memref_slice %arg21[%add3A_77, %dma_start3A_253] : memref<10112x64xf32, #tpu.memory_space<vmem_shared>> -> memref<79x64xf32, #tpu.memory_space<vmem_shared>>
      %dma_start3A_255 = arith.constant 0 : i32
      %dma_start3A_256 = arith.constant 0 : i32
      %dma_start3A_257 = tpu.memref_slice %arg12[%dma_start3A_255, %dma_start3A_256] : memref<128x64xf32, #tpu.memory_space<vmem>> -> memref<79x64xf32, #tpu.memory_space<vmem>>
      %dma_start3A_258 = arith.constant 0 : i32
      %dma_start3A_259 = tpu.memref_slice %arg21[%add3A_77, %dma_start3A_258] : memref<10112x64xf32, #tpu.memory_space<vmem_shared>> -> memref<79x64xf32, #tpu.memory_space<vmem_shared>>
      tpu.enqueue_dma source(%dma_start3A_259 : memref<79x64xf32, #tpu.memory_space<vmem_shared>>) target(%dma_start3A_257 : memref<79x64xf32, #tpu.memory_space<vmem>>) target_semaphore(%run_scoped3A : memref<!tpu.dma_semaphore, #tpu.memory_space<semaphore_mem>>)
      %dma_wait3A = arith.constant 0 : i32
      %dma_wait3A_260 = arith.constant 0 : i32
      %dma_wait3A_261 = tpu.memref_slice %arg12[%dma_wait3A, %dma_wait3A_260] : memref<128x64xf32, #tpu.memory_space<vmem>> -> memref<79x64xf32, #tpu.memory_space<vmem>>
      %dma_wait3A_262 = arith.constant 0 : i32
      %dma_wait3A_263 = tpu.memref_slice %arg21[%add3A_77, %dma_wait3A_262] : memref<10112x64xf32, #tpu.memory_space<vmem_shared>> -> memref<79x64xf32, #tpu.memory_space<vmem_shared>>
      %dma_wait3A_264 = arith.constant 0 : i32
      %dma_wait3A_265 = arith.constant 0 : i32
      %dma_wait3A_266 = tpu.memref_slice %arg12[%dma_wait3A_264, %dma_wait3A_265] : memref<128x64xf32, #tpu.memory_space<vmem>> -> memref<79x64xf32, #tpu.memory_space<vmem>>
      %dma_wait3A_267 = arith.constant 0 : i32
      %dma_wait3A_268 = tpu.memref_slice %arg21[%add3A_77, %dma_wait3A_267] : memref<10112x64xf32, #tpu.memory_space<vmem_shared>> -> memref<79x64xf32, #tpu.memory_space<vmem_shared>>
      tpu.wait_dma2 semaphore(%run_scoped3A : memref<!tpu.dma_semaphore, #tpu.memory_space<semaphore_mem>>) src(%dma_wait3A_268 : memref<79x64xf32, #tpu.memory_space<vmem_shared>>) dst(%dma_wait3A_266 : memref<79x64xf32, #tpu.memory_space<vmem>>)
      tpu.yield
    }) : () -> ()
    %scan3A_78 = arith.constant 0 : i32
    %scan3A_79 = arith.constant 0 : i32
    %scan3A_80 = arith.constant 79 : i32
    %scan3A_81 = arith.addi %scan3A_79, %scan3A_80 : i32
    %scan3A_82 = arith.constant 1 : i32
    scf.for %scan3A_251 = %scan3A_79 to %scan3A_81 step %scan3A_82  : i32 {
      %add3A_252 = arith.constant 79 : i32
      %add3A_253 = arith.addi %select_n3A, %add3A_252 : i32
      %broadcast_in_dim3A = vector.broadcast %add3A_253 : i32 to vector<16xi32>
      %add3A_254 = vector.broadcast %scan3A_251 : i32 to vector<16xi32>
      %add3A_255 = arith.addi %broadcast_in_dim3A, %add3A_254 : vector<16xi32>
      %gather3A = tpu.vector_load_idx %arg19[%add3A_255] : memref<640xf32, #tpu.memory_space<vmem>>[vector<16xi32>], vector<16xf32>,
      %get3A_256 = arith.index_cast %scan3A_251 : i32 to index
      %get3A_257 = arith.constant 0 : index
      %get3A_258 = tpu.vector_load %arg12[%get3A_256, %get3A_257] {strides = array<i32>} : memref<128x64xf32, #tpu.memory_space<vmem>>, vector<16xf32>,
      %mul3A_259 = arith.mulf %get3A_258, %gather3A : vector<16xf32>
      %add3A_260 = arith.addf %mul3A_259, %get3A_36 : vector<16xf32>
      %max3A = arith.constant 0.000000e+00 : f32
      %max3A_261 = vector.broadcast %max3A : f32 to vector<16xf32>
      %max3A_262 = arith.maximumf %add3A_260, %max3A_261 : vector<16xf32>
      %swap3A = arith.index_cast %scan3A_251 : i32 to index
      %swap3A_263 = arith.constant 0 : index
      %swap3A_264 = tpu.vector_load %arg12[%swap3A, %swap3A_263] {strides = array<i32>} : memref<128x64xf32, #tpu.memory_space<vmem>>, vector<16xf32>,
      tpu.vector_store %arg12[%swap3A, %swap3A_263], %max3A_262 {strides = array<i32>} : memref<128x64xf32, #tpu.memory_space<vmem>>, vector<16xf32>,
      %get3A_265 = arith.index_cast %scan3A_251 : i32 to index
      %get3A_266 = arith.constant 16 : index
      %get3A_267 = tpu.vector_load %arg12[%get3A_265, %get3A_266] {strides = array<i32>} : memref<128x64xf32, #tpu.memory_space<vmem>>, vector<16xf32>,
      %mul3A_268 = arith.mulf %get3A_267, %gather3A : vector<16xf32>
      %add3A_269 = arith.addf %mul3A_268, %get3A_42 : vector<16xf32>
      %max3A_270 = arith.constant 0.000000e+00 : f32
      %max3A_271 = vector.broadcast %max3A_270 : f32 to vector<16xf32>
      %max3A_272 = arith.maximumf %add3A_269, %max3A_271 : vector<16xf32>
      %swap3A_273 = arith.index_cast %scan3A_251 : i32 to index
      %swap3A_274 = arith.constant 16 : index
      %swap3A_275 = tpu.vector_load %arg12[%swap3A_273, %swap3A_274] {strides = array<i32>} : memref<128x64xf32, #tpu.memory_space<vmem>>, vector<16xf32>,
      tpu.vector_store %arg12[%swap3A_273, %swap3A_274], %max3A_272 {strides = array<i32>} : memref<128x64xf32, #tpu.memory_space<vmem>>, vector<16xf32>,
      %get3A_276 = arith.index_cast %scan3A_251 : i32 to index
      %get3A_277 = arith.constant 32 : index
      %get3A_278 = tpu.vector_load %arg12[%get3A_276, %get3A_277] {strides = array<i32>} : memref<128x64xf32, #tpu.memory_space<vmem>>, vector<16xf32>,
      %mul3A_279 = arith.mulf %get3A_278, %gather3A : vector<16xf32>
      %add3A_280 = arith.addf %mul3A_279, %get3A_48 : vector<16xf32>
      %max3A_281 = arith.constant 0.000000e+00 : f32
      %max3A_282 = vector.broadcast %max3A_281 : f32 to vector<16xf32>
      %max3A_283 = arith.maximumf %add3A_280, %max3A_282 : vector<16xf32>
      %swap3A_284 = arith.index_cast %scan3A_251 : i32 to index
      %swap3A_285 = arith.constant 32 : index
      %swap3A_286 = tpu.vector_load %arg12[%swap3A_284, %swap3A_285] {strides = array<i32>} : memref<128x64xf32, #tpu.memory_space<vmem>>, vector<16xf32>,
      tpu.vector_store %arg12[%swap3A_284, %swap3A_285], %max3A_283 {strides = array<i32>} : memref<128x64xf32, #tpu.memory_space<vmem>>, vector<16xf32>,
      %get3A_287 = arith.index_cast %scan3A_251 : i32 to index
      %get3A_288 = arith.constant 48 : index
      %get3A_289 = tpu.vector_load %arg12[%get3A_287, %get3A_288] {strides = array<i32>} : memref<128x64xf32, #tpu.memory_space<vmem>>, vector<16xf32>,
      %mul3A_290 = arith.mulf %get3A_289, %gather3A : vector<16xf32>
      %add3A_291 = arith.addf %mul3A_290, %get3A_54 : vector<16xf32>
      %max3A_292 = arith.constant 0.000000e+00 : f32
      %max3A_293 = vector.broadcast %max3A_292 : f32 to vector<16xf32>
      %max3A_294 = arith.maximumf %add3A_291, %max3A_293 : vector<16xf32>
      %swap3A_295 = arith.index_cast %scan3A_251 : i32 to index
      %swap3A_296 = arith.constant 48 : index
      %swap3A_297 = tpu.vector_load %arg12[%swap3A_295, %swap3A_296] {strides = array<i32>} : memref<128x64xf32, #tpu.memory_space<vmem>>, vector<16xf32>,
      tpu.vector_store %arg12[%swap3A_295, %swap3A_296], %max3A_294 {strides = array<i32>} : memref<128x64xf32, #tpu.memory_space<vmem>>, vector<16xf32>,
    }
    %scan3A_83 = arith.constant 79 : i32
    %add3A_84 = arith.constant 79 : i32
    %add3A_85 = arith.addi %add3A_77, %add3A_84 : i32
    %le3A_86 = arith.constant 10000 : i32
    %le3A_87 = arith.cmpi sle, %add3A_85, %le3A_86 : i32
    %convert_element_type3A_88 = arith.extui %le3A_87 : i1 to i32
    %cond3A_89 = arith.constant 0 : i32
    %cond3A_90 = arith.cmpi ne, %convert_element_type3A_88, %cond3A_89 : i32
    scf.if %cond3A_90 {
      %eq3A_251 = arith.constant 0 : i32
      %eq3A_252 = arith.cmpi eq, %arg0, %eq3A_251 : i32
      %convert_element_type3A_253 = arith.extui %eq3A_252 : i1 to i32
      %cond3A_254 = arith.constant 0 : i32
      %cond3A_255 = arith.cmpi ne, %convert_element_type3A_253, %cond3A_254 : i32
      scf.if %cond3A_255 {
        "tpu.region"() ({
          %run_scoped3A = tpu.sem_alloc : memref<!tpu.dma_semaphore, #tpu.memory_space<semaphore_mem>>
          %dma_start3A = arith.constant 0 : i32
          %dma_start3A_261 = arith.constant 0 : i32
          %dma_start3A_262 = tpu.memref_slice %arg12[%dma_start3A, %dma_start3A_261] : memref<128x64xf32, #tpu.memory_space<vmem>> -> memref<79x64xf32, #tpu.memory_space<vmem>>
          %dma_start3A_263 = arith.constant 0 : i32
          %dma_start3A_264 = tpu.memref_slice %arg9[%add3A_77, %dma_start3A_263] : memref<10000x128xf32, #tpu.memory_space<hbm>> -> memref<79x64xf32, #tpu.memory_space<hbm>>
          %dma_start3A_265 = arith.constant 0 : i32
          %dma_start3A_266 = tpu.memref_slice %arg9[%add3A_77, %dma_start3A_265] : memref<10000x128xf32, #tpu.memory_space<hbm>> -> memref<79x64xf32, #tpu.memory_space<hbm>>
          %dma_start3A_267 = arith.constant 0 : i32
          %dma_start3A_268 = arith.constant 0 : i32
          %dma_start3A_269 = tpu.memref_slice %arg12[%dma_start3A_267, %dma_start3A_268] : memref<128x64xf32, #tpu.memory_space<vmem>> -> memref<79x64xf32, #tpu.memory_space<vmem>>
          tpu.enqueue_dma source(%dma_start3A_269 : memref<79x64xf32, #tpu.memory_space<vmem>>) target(%dma_start3A_266 : memref<79x64xf32, #tpu.memory_space<hbm>>) target_semaphore(%run_scoped3A : memref<!tpu.dma_semaphore, #tpu.memory_space<semaphore_mem>>)
          %dma_wait3A = arith.constant 0 : i32
          %dma_wait3A_270 = arith.constant 0 : i32
          %dma_wait3A_271 = tpu.memref_slice %arg12[%dma_wait3A, %dma_wait3A_270] : memref<128x64xf32, #tpu.memory_space<vmem>> -> memref<79x64xf32, #tpu.memory_space<vmem>>
          %dma_wait3A_272 = arith.constant 0 : i32
          %dma_wait3A_273 = tpu.memref_slice %arg9[%add3A_77, %dma_wait3A_272] : memref<10000x128xf32, #tpu.memory_space<hbm>> -> memref<79x64xf32, #tpu.memory_space<hbm>>
          %dma_wait3A_274 = arith.constant 0 : i32
          %dma_wait3A_275 = tpu.memref_slice %arg9[%add3A_77, %dma_wait3A_274] : memref<10000x128xf32, #tpu.memory_space<hbm>> -> memref<79x64xf32, #tpu.memory_space<hbm>>
          %dma_wait3A_276 = arith.constant 0 : i32
          %dma_wait3A_277 = arith.constant 0 : i32
          %dma_wait3A_278 = tpu.memref_slice %arg12[%dma_wait3A_276, %dma_wait3A_277] : memref<128x64xf32, #tpu.memory_space<vmem>> -> memref<79x64xf32, #tpu.memory_space<vmem>>
          tpu.wait_dma2 semaphore(%run_scoped3A : memref<!tpu.dma_semaphore, #tpu.memory_space<semaphore_mem>>) src(%dma_wait3A_278 : memref<79x64xf32, #tpu.memory_space<vmem>>) dst(%dma_wait3A_275 : memref<79x64xf32, #tpu.memory_space<hbm>>)
          tpu.yield
        }) : () -> ()
      } else {
      }
      %eq3A_256 = arith.constant 1 : i32
      %eq3A_257 = arith.cmpi eq, %arg0, %eq3A_256 : i32
      %convert_element_type3A_258 = arith.extui %eq3A_257 : i1 to i32
      %cond3A_259 = arith.constant 0 : i32
      %cond3A_260 = arith.cmpi ne, %convert_element_type3A_258, %cond3A_259 : i32
      scf.if %cond3A_260 {
        "tpu.region"() ({
          %run_scoped3A = tpu.sem_alloc : memref<!tpu.dma_semaphore, #tpu.memory_space<semaphore_mem>>
          %dma_start3A = arith.constant 0 : i32
          %dma_start3A_261 = arith.constant 0 : i32
          %dma_start3A_262 = tpu.memref_slice %arg12[%dma_start3A, %dma_start3A_261] : memref<128x64xf32, #tpu.memory_space<vmem>> -> memref<79x64xf32, #tpu.memory_space<vmem>>
          %dma_start3A_263 = arith.constant 64 : i32
          %dma_start3A_264 = tpu.memref_slice %arg9[%add3A_77, %dma_start3A_263] : memref<10000x128xf32, #tpu.memory_space<hbm>> -> memref<79x64xf32, #tpu.memory_space<hbm>>
          %dma_start3A_265 = arith.constant 64 : i32
          %dma_start3A_266 = tpu.memref_slice %arg9[%add3A_77, %dma_start3A_265] : memref<10000x128xf32, #tpu.memory_space<hbm>> -> memref<79x64xf32, #tpu.memory_space<hbm>>
          %dma_start3A_267 = arith.constant 0 : i32
          %dma_start3A_268 = arith.constant 0 : i32
          %dma_start3A_269 = tpu.memref_slice %arg12[%dma_start3A_267, %dma_start3A_268] : memref<128x64xf32, #tpu.memory_space<vmem>> -> memref<79x64xf32, #tpu.memory_space<vmem>>
          tpu.enqueue_dma source(%dma_start3A_269 : memref<79x64xf32, #tpu.memory_space<vmem>>) target(%dma_start3A_266 : memref<79x64xf32, #tpu.memory_space<hbm>>) target_semaphore(%run_scoped3A : memref<!tpu.dma_semaphore, #tpu.memory_space<semaphore_mem>>)
          %dma_wait3A = arith.constant 0 : i32
          %dma_wait3A_270 = arith.constant 0 : i32
          %dma_wait3A_271 = tpu.memref_slice %arg12[%dma_wait3A, %dma_wait3A_270] : memref<128x64xf32, #tpu.memory_space<vmem>> -> memref<79x64xf32, #tpu.memory_space<vmem>>
          %dma_wait3A_272 = arith.constant 64 : i32
          %dma_wait3A_273 = tpu.memref_slice %arg9[%add3A_77, %dma_wait3A_272] : memref<10000x128xf32, #tpu.memory_space<hbm>> -> memref<79x64xf32, #tpu.memory_space<hbm>>
          %dma_wait3A_274 = arith.constant 64 : i32
          %dma_wait3A_275 = tpu.memref_slice %arg9[%add3A_77, %dma_wait3A_274] : memref<10000x128xf32, #tpu.memory_space<hbm>> -> memref<79x64xf32, #tpu.memory_space<hbm>>
          %dma_wait3A_276 = arith.constant 0 : i32
          %dma_wait3A_277 = arith.constant 0 : i32
          %dma_wait3A_278 = tpu.memref_slice %arg12[%dma_wait3A_276, %dma_wait3A_277] : memref<128x64xf32, #tpu.memory_space<vmem>> -> memref<79x64xf32, #tpu.memory_space<vmem>>
          tpu.wait_dma2 semaphore(%run_scoped3A : memref<!tpu.dma_semaphore, #tpu.memory_space<semaphore_mem>>) src(%dma_wait3A_278 : memref<79x64xf32, #tpu.memory_space<vmem>>) dst(%dma_wait3A_275 : memref<79x64xf32, #tpu.memory_space<hbm>>)
          tpu.yield
        }) : () -> ()
      } else {
      }
    } else {
    }
    %lt3A_91 = arith.constant 10000 : i32
    %lt3A_92 = arith.cmpi slt, %add3A_77, %lt3A_91 : i32
    %add3A_93 = arith.constant 79 : i32
    %add3A_94 = arith.addi %add3A_77, %add3A_93 : i32
    %gt3A_95 = arith.constant 10000 : i32
    %gt3A_96 = arith.cmpi sgt, %add3A_94, %gt3A_95 : i32
    %and3A_97 = arith.andi %lt3A_92, %gt3A_96 : i1
    %convert_element_type3A_98 = arith.extui %and3A_97 : i1 to i32
    %cond3A_99 = arith.constant 0 : i32
    %cond3A_100 = arith.cmpi ne, %convert_element_type3A_98, %cond3A_99 : i32
    scf.if %cond3A_100 {
      %eq3A_251 = arith.constant 0 : i32
      %eq3A_252 = arith.cmpi eq, %arg0, %eq3A_251 : i32
      %convert_element_type3A_253 = arith.extui %eq3A_252 : i1 to i32
      %cond3A_254 = arith.constant 0 : i32
      %cond3A_255 = arith.cmpi ne, %convert_element_type3A_253, %cond3A_254 : i32
      scf.if %cond3A_255 {
        "tpu.region"() ({
          %run_scoped3A = tpu.sem_alloc : memref<!tpu.dma_semaphore, #tpu.memory_space<semaphore_mem>>
          %dma_start3A = arith.constant 0 : i32
          %dma_start3A_261 = arith.constant 0 : i32
          %dma_start3A_262 = tpu.memref_slice %arg12[%dma_start3A, %dma_start3A_261] : memref<128x64xf32, #tpu.memory_space<vmem>> -> memref<46x64xf32, #tpu.memory_space<vmem>>
          %dma_start3A_263 = arith.constant 0 : i32
          %dma_start3A_264 = tpu.memref_slice %arg9[%add3A_77, %dma_start3A_263] : memref<10000x128xf32, #tpu.memory_space<hbm>> -> memref<46x64xf32, #tpu.memory_space<hbm>>
          %dma_start3A_265 = arith.constant 0 : i32
          %dma_start3A_266 = tpu.memref_slice %arg9[%add3A_77, %dma_start3A_265] : memref<10000x128xf32, #tpu.memory_space<hbm>> -> memref<46x64xf32, #tpu.memory_space<hbm>>
          %dma_start3A_267 = arith.constant 0 : i32
          %dma_start3A_268 = arith.constant 0 : i32
          %dma_start3A_269 = tpu.memref_slice %arg12[%dma_start3A_267, %dma_start3A_268] : memref<128x64xf32, #tpu.memory_space<vmem>> -> memref<46x64xf32, #tpu.memory_space<vmem>>
          tpu.enqueue_dma source(%dma_start3A_269 : memref<46x64xf32, #tpu.memory_space<vmem>>) target(%dma_start3A_266 : memref<46x64xf32, #tpu.memory_space<hbm>>) target_semaphore(%run_scoped3A : memref<!tpu.dma_semaphore, #tpu.memory_space<semaphore_mem>>)
          %dma_wait3A = arith.constant 0 : i32
          %dma_wait3A_270 = arith.constant 0 : i32
          %dma_wait3A_271 = tpu.memref_slice %arg12[%dma_wait3A, %dma_wait3A_270] : memref<128x64xf32, #tpu.memory_space<vmem>> -> memref<46x64xf32, #tpu.memory_space<vmem>>
          %dma_wait3A_272 = arith.constant 0 : i32
          %dma_wait3A_273 = tpu.memref_slice %arg9[%add3A_77, %dma_wait3A_272] : memref<10000x128xf32, #tpu.memory_space<hbm>> -> memref<46x64xf32, #tpu.memory_space<hbm>>
          %dma_wait3A_274 = arith.constant 0 : i32
          %dma_wait3A_275 = tpu.memref_slice %arg9[%add3A_77, %dma_wait3A_274] : memref<10000x128xf32, #tpu.memory_space<hbm>> -> memref<46x64xf32, #tpu.memory_space<hbm>>
          %dma_wait3A_276 = arith.constant 0 : i32
          %dma_wait3A_277 = arith.constant 0 : i32
          %dma_wait3A_278 = tpu.memref_slice %arg12[%dma_wait3A_276, %dma_wait3A_277] : memref<128x64xf32, #tpu.memory_space<vmem>> -> memref<46x64xf32, #tpu.memory_space<vmem>>
          tpu.wait_dma2 semaphore(%run_scoped3A : memref<!tpu.dma_semaphore, #tpu.memory_space<semaphore_mem>>) src(%dma_wait3A_278 : memref<46x64xf32, #tpu.memory_space<vmem>>) dst(%dma_wait3A_275 : memref<46x64xf32, #tpu.memory_space<hbm>>)
          tpu.yield
        }) : () -> ()
      } else {
      }
      %eq3A_256 = arith.constant 1 : i32
      %eq3A_257 = arith.cmpi eq, %arg0, %eq3A_256 : i32
      %convert_element_type3A_258 = arith.extui %eq3A_257 : i1 to i32
      %cond3A_259 = arith.constant 0 : i32
      %cond3A_260 = arith.cmpi ne, %convert_element_type3A_258, %cond3A_259 : i32
      scf.if %cond3A_260 {
        "tpu.region"() ({
          %run_scoped3A = tpu.sem_alloc : memref<!tpu.dma_semaphore, #tpu.memory_space<semaphore_mem>>
          %dma_start3A = arith.constant 0 : i32
          %dma_start3A_261 = arith.constant 0 : i32
          %dma_start3A_262 = tpu.memref_slice %arg12[%dma_start3A, %dma_start3A_261] : memref<128x64xf32, #tpu.memory_space<vmem>> -> memref<46x64xf32, #tpu.memory_space<vmem>>
          %dma_start3A_263 = arith.constant 64 : i32
          %dma_start3A_264 = tpu.memref_slice %arg9[%add3A_77, %dma_start3A_263] : memref<10000x128xf32, #tpu.memory_space<hbm>> -> memref<46x64xf32, #tpu.memory_space<hbm>>
          %dma_start3A_265 = arith.constant 64 : i32
          %dma_start3A_266 = tpu.memref_slice %arg9[%add3A_77, %dma_start3A_265] : memref<10000x128xf32, #tpu.memory_space<hbm>> -> memref<46x64xf32, #tpu.memory_space<hbm>>
          %dma_start3A_267 = arith.constant 0 : i32
          %dma_start3A_268 = arith.constant 0 : i32
          %dma_start3A_269 = tpu.memref_slice %arg12[%dma_start3A_267, %dma_start3A_268] : memref<128x64xf32, #tpu.memory_space<vmem>> -> memref<46x64xf32, #tpu.memory_space<vmem>>
          tpu.enqueue_dma source(%dma_start3A_269 : memref<46x64xf32, #tpu.memory_space<vmem>>) target(%dma_start3A_266 : memref<46x64xf32, #tpu.memory_space<hbm>>) target_semaphore(%run_scoped3A : memref<!tpu.dma_semaphore, #tpu.memory_space<semaphore_mem>>)
          %dma_wait3A = arith.constant 0 : i32
          %dma_wait3A_270 = arith.constant 0 : i32
          %dma_wait3A_271 = tpu.memref_slice %arg12[%dma_wait3A, %dma_wait3A_270] : memref<128x64xf32, #tpu.memory_space<vmem>> -> memref<46x64xf32, #tpu.memory_space<vmem>>
          %dma_wait3A_272 = arith.constant 64 : i32
          %dma_wait3A_273 = tpu.memref_slice %arg9[%add3A_77, %dma_wait3A_272] : memref<10000x128xf32, #tpu.memory_space<hbm>> -> memref<46x64xf32, #tpu.memory_space<hbm>>
          %dma_wait3A_274 = arith.constant 64 : i32
          %dma_wait3A_275 = tpu.memref_slice %arg9[%add3A_77, %dma_wait3A_274] : memref<10000x128xf32, #tpu.memory_space<hbm>> -> memref<46x64xf32, #tpu.memory_space<hbm>>
          %dma_wait3A_276 = arith.constant 0 : i32
          %dma_wait3A_277 = arith.constant 0 : i32
          %dma_wait3A_278 = tpu.memref_slice %arg12[%dma_wait3A_276, %dma_wait3A_277] : memref<128x64xf32, #tpu.memory_space<vmem>> -> memref<46x64xf32, #tpu.memory_space<vmem>>
          tpu.wait_dma2 semaphore(%run_scoped3A : memref<!tpu.dma_semaphore, #tpu.memory_space<semaphore_mem>>) src(%dma_wait3A_278 : memref<46x64xf32, #tpu.memory_space<vmem>>) dst(%dma_wait3A_275 : memref<46x64xf32, #tpu.memory_space<hbm>>)
          tpu.yield
        }) : () -> ()
      } else {
      }
    } else {
    }
    %add3A_101 = arith.constant 158 : i32
    %add3A_102 = arith.addi %mul3A_5, %add3A_101 : i32
    "tpu.region"() ({
      %run_scoped3A = tpu.sem_alloc : memref<!tpu.dma_semaphore, #tpu.memory_space<semaphore_mem>>
      %dma_start3A = arith.constant 0 : i32
      %dma_start3A_251 = arith.constant 0 : i32
      %dma_start3A_252 = tpu.memref_slice %arg12[%dma_start3A, %dma_start3A_251] : memref<128x64xf32, #tpu.memory_space<vmem>> -> memref<79x64xf32, #tpu.memory_space<vmem>>
      %dma_start3A_253 = arith.constant 0 : i32
      %dma_start3A_254 = tpu.memref_slice %arg21[%add3A_102, %dma_start3A_253] : memref<10112x64xf32, #tpu.memory_space<vmem_shared>> -> memref<79x64xf32, #tpu.memory_space<vmem_shared>>
      %dma_start3A_255 = arith.constant 0 : i32
      %dma_start3A_256 = arith.constant 0 : i32
      %dma_start3A_257 = tpu.memref_slice %arg12[%dma_start3A_255, %dma_start3A_256] : memref<128x64xf32, #tpu.memory_space<vmem>> -> memref<79x64xf32, #tpu.memory_space<vmem>>
      %dma_start3A_258 = arith.constant 0 : i32
      %dma_start3A_259 = tpu.memref_slice %arg21[%add3A_102, %dma_start3A_258] : memref<10112x64xf32, #tpu.memory_space<vmem_shared>> -> memref<79x64xf32, #tpu.memory_space<vmem_shared>>
      tpu.enqueue_dma source(%dma_start3A_259 : memref<79x64xf32, #tpu.memory_space<vmem_shared>>) target(%dma_start3A_257 : memref<79x64xf32, #tpu.memory_space<vmem>>) target_semaphore(%run_scoped3A : memref<!tpu.dma_semaphore, #tpu.memory_space<semaphore_mem>>)
      %dma_wait3A = arith.constant 0 : i32
      %dma_wait3A_260 = arith.constant 0 : i32
      %dma_wait3A_261 = tpu.memref_slice %arg12[%dma_wait3A, %dma_wait3A_260] : memref<128x64xf32, #tpu.memory_space<vmem>> -> memref<79x64xf32, #tpu.memory_space<vmem>>
      %dma_wait3A_262 = arith.constant 0 : i32
      %dma_wait3A_263 = tpu.memref_slice %arg21[%add3A_102, %dma_wait3A_262] : memref<10112x64xf32, #tpu.memory_space<vmem_shared>> -> memref<79x64xf32, #tpu.memory_space<vmem_shared>>
      %dma_wait3A_264 = arith.constant 0 : i32
      %dma_wait3A_265 = arith.constant 0 : i32
      %dma_wait3A_266 = tpu.memref_slice %arg12[%dma_wait3A_264, %dma_wait3A_265] : memref<128x64xf32, #tpu.memory_space<vmem>> -> memref<79x64xf32, #tpu.memory_space<vmem>>
      %dma_wait3A_267 = arith.constant 0 : i32
      %dma_wait3A_268 = tpu.memref_slice %arg21[%add3A_102, %dma_wait3A_267] : memref<10112x64xf32, #tpu.memory_space<vmem_shared>> -> memref<79x64xf32, #tpu.memory_space<vmem_shared>>
      tpu.wait_dma2 semaphore(%run_scoped3A : memref<!tpu.dma_semaphore, #tpu.memory_space<semaphore_mem>>) src(%dma_wait3A_268 : memref<79x64xf32, #tpu.memory_space<vmem_shared>>) dst(%dma_wait3A_266 : memref<79x64xf32, #tpu.memory_space<vmem>>)
      tpu.yield
    }) : () -> ()
    %scan3A_103 = arith.constant 0 : i32
    %scan3A_104 = arith.constant 0 : i32
    %scan3A_105 = arith.constant 79 : i32
    %scan3A_106 = arith.addi %scan3A_104, %scan3A_105 : i32
    %scan3A_107 = arith.constant 1 : i32
    scf.for %scan3A_251 = %scan3A_104 to %scan3A_106 step %scan3A_107  : i32 {
      %add3A_252 = arith.constant 158 : i32
      %add3A_253 = arith.addi %select_n3A, %add3A_252 : i32
      %broadcast_in_dim3A = vector.broadcast %add3A_253 : i32 to vector<16xi32>
      %add3A_254 = vector.broadcast %scan3A_251 : i32 to vector<16xi32>
      %add3A_255 = arith.addi %broadcast_in_dim3A, %add3A_254 : vector<16xi32>
      %gather3A = tpu.vector_load_idx %arg19[%add3A_255] : memref<640xf32, #tpu.memory_space<vmem>>[vector<16xi32>], vector<16xf32>,
      %get3A_256 = arith.index_cast %scan3A_251 : i32 to index
      %get3A_257 = arith.constant 0 : index
      %get3A_258 = tpu.vector_load %arg12[%get3A_256, %get3A_257] {strides = array<i32>} : memref<128x64xf32, #tpu.memory_space<vmem>>, vector<16xf32>,
      %mul3A_259 = arith.mulf %get3A_258, %gather3A : vector<16xf32>
      %add3A_260 = arith.addf %mul3A_259, %get3A_36 : vector<16xf32>
      %max3A = arith.constant 0.000000e+00 : f32
      %max3A_261 = vector.broadcast %max3A : f32 to vector<16xf32>
      %max3A_262 = arith.maximumf %add3A_260, %max3A_261 : vector<16xf32>
      %swap3A = arith.index_cast %scan3A_251 : i32 to index
      %swap3A_263 = arith.constant 0 : index
      %swap3A_264 = tpu.vector_load %arg12[%swap3A, %swap3A_263] {strides = array<i32>} : memref<128x64xf32, #tpu.memory_space<vmem>>, vector<16xf32>,
      tpu.vector_store %arg12[%swap3A, %swap3A_263], %max3A_262 {strides = array<i32>} : memref<128x64xf32, #tpu.memory_space<vmem>>, vector<16xf32>,
      %get3A_265 = arith.index_cast %scan3A_251 : i32 to index
      %get3A_266 = arith.constant 16 : index
      %get3A_267 = tpu.vector_load %arg12[%get3A_265, %get3A_266] {strides = array<i32>} : memref<128x64xf32, #tpu.memory_space<vmem>>, vector<16xf32>,
      %mul3A_268 = arith.mulf %get3A_267, %gather3A : vector<16xf32>
      %add3A_269 = arith.addf %mul3A_268, %get3A_42 : vector<16xf32>
      %max3A_270 = arith.constant 0.000000e+00 : f32
      %max3A_271 = vector.broadcast %max3A_270 : f32 to vector<16xf32>
      %max3A_272 = arith.maximumf %add3A_269, %max3A_271 : vector<16xf32>
      %swap3A_273 = arith.index_cast %scan3A_251 : i32 to index
      %swap3A_274 = arith.constant 16 : index
      %swap3A_275 = tpu.vector_load %arg12[%swap3A_273, %swap3A_274] {strides = array<i32>} : memref<128x64xf32, #tpu.memory_space<vmem>>, vector<16xf32>,
      tpu.vector_store %arg12[%swap3A_273, %swap3A_274], %max3A_272 {strides = array<i32>} : memref<128x64xf32, #tpu.memory_space<vmem>>, vector<16xf32>,
      %get3A_276 = arith.index_cast %scan3A_251 : i32 to index
      %get3A_277 = arith.constant 32 : index
      %get3A_278 = tpu.vector_load %arg12[%get3A_276, %get3A_277] {strides = array<i32>} : memref<128x64xf32, #tpu.memory_space<vmem>>, vector<16xf32>,
      %mul3A_279 = arith.mulf %get3A_278, %gather3A : vector<16xf32>
      %add3A_280 = arith.addf %mul3A_279, %get3A_48 : vector<16xf32>
      %max3A_281 = arith.constant 0.000000e+00 : f32
      %max3A_282 = vector.broadcast %max3A_281 : f32 to vector<16xf32>
      %max3A_283 = arith.maximumf %add3A_280, %max3A_282 : vector<16xf32>
      %swap3A_284 = arith.index_cast %scan3A_251 : i32 to index
      %swap3A_285 = arith.constant 32 : index
      %swap3A_286 = tpu.vector_load %arg12[%swap3A_284, %swap3A_285] {strides = array<i32>} : memref<128x64xf32, #tpu.memory_space<vmem>>, vector<16xf32>,
      tpu.vector_store %arg12[%swap3A_284, %swap3A_285], %max3A_283 {strides = array<i32>} : memref<128x64xf32, #tpu.memory_space<vmem>>, vector<16xf32>,
      %get3A_287 = arith.index_cast %scan3A_251 : i32 to index
      %get3A_288 = arith.constant 48 : index
      %get3A_289 = tpu.vector_load %arg12[%get3A_287, %get3A_288] {strides = array<i32>} : memref<128x64xf32, #tpu.memory_space<vmem>>, vector<16xf32>,
      %mul3A_290 = arith.mulf %get3A_289, %gather3A : vector<16xf32>
      %add3A_291 = arith.addf %mul3A_290, %get3A_54 : vector<16xf32>
      %max3A_292 = arith.constant 0.000000e+00 : f32
      %max3A_293 = vector.broadcast %max3A_292 : f32 to vector<16xf32>
      %max3A_294 = arith.maximumf %add3A_291, %max3A_293 : vector<16xf32>
      %swap3A_295 = arith.index_cast %scan3A_251 : i32 to index
      %swap3A_296 = arith.constant 48 : index
      %swap3A_297 = tpu.vector_load %arg12[%swap3A_295, %swap3A_296] {strides = array<i32>} : memref<128x64xf32, #tpu.memory_space<vmem>>, vector<16xf32>,
      tpu.vector_store %arg12[%swap3A_295, %swap3A_296], %max3A_294 {strides = array<i32>} : memref<128x64xf32, #tpu.memory_space<vmem>>, vector<16xf32>,
    }
    %scan3A_108 = arith.constant 79 : i32
    %add3A_109 = arith.constant 79 : i32
    %add3A_110 = arith.addi %add3A_102, %add3A_109 : i32
    %le3A_111 = arith.constant 10000 : i32
    %le3A_112 = arith.cmpi sle, %add3A_110, %le3A_111 : i32
    %convert_element_type3A_113 = arith.extui %le3A_112 : i1 to i32
    %cond3A_114 = arith.constant 0 : i32
    %cond3A_115 = arith.cmpi ne, %convert_element_type3A_113, %cond3A_114 : i32
    scf.if %cond3A_115 {
      %eq3A_251 = arith.constant 0 : i32
      %eq3A_252 = arith.cmpi eq, %arg0, %eq3A_251 : i32
      %convert_element_type3A_253 = arith.extui %eq3A_252 : i1 to i32
      %cond3A_254 = arith.constant 0 : i32
      %cond3A_255 = arith.cmpi ne, %convert_element_type3A_253, %cond3A_254 : i32
      scf.if %cond3A_255 {
        "tpu.region"() ({
          %run_scoped3A = tpu.sem_alloc : memref<!tpu.dma_semaphore, #tpu.memory_space<semaphore_mem>>
          %dma_start3A = arith.constant 0 : i32
          %dma_start3A_261 = arith.constant 0 : i32
          %dma_start3A_262 = tpu.memref_slice %arg12[%dma_start3A, %dma_start3A_261] : memref<128x64xf32, #tpu.memory_space<vmem>> -> memref<79x64xf32, #tpu.memory_space<vmem>>
          %dma_start3A_263 = arith.constant 0 : i32
          %dma_start3A_264 = tpu.memref_slice %arg9[%add3A_102, %dma_start3A_263] : memref<10000x128xf32, #tpu.memory_space<hbm>> -> memref<79x64xf32, #tpu.memory_space<hbm>>
          %dma_start3A_265 = arith.constant 0 : i32
          %dma_start3A_266 = tpu.memref_slice %arg9[%add3A_102, %dma_start3A_265] : memref<10000x128xf32, #tpu.memory_space<hbm>> -> memref<79x64xf32, #tpu.memory_space<hbm>>
          %dma_start3A_267 = arith.constant 0 : i32
          %dma_start3A_268 = arith.constant 0 : i32
          %dma_start3A_269 = tpu.memref_slice %arg12[%dma_start3A_267, %dma_start3A_268] : memref<128x64xf32, #tpu.memory_space<vmem>> -> memref<79x64xf32, #tpu.memory_space<vmem>>
          tpu.enqueue_dma source(%dma_start3A_269 : memref<79x64xf32, #tpu.memory_space<vmem>>) target(%dma_start3A_266 : memref<79x64xf32, #tpu.memory_space<hbm>>) target_semaphore(%run_scoped3A : memref<!tpu.dma_semaphore, #tpu.memory_space<semaphore_mem>>)
          %dma_wait3A = arith.constant 0 : i32
          %dma_wait3A_270 = arith.constant 0 : i32
          %dma_wait3A_271 = tpu.memref_slice %arg12[%dma_wait3A, %dma_wait3A_270] : memref<128x64xf32, #tpu.memory_space<vmem>> -> memref<79x64xf32, #tpu.memory_space<vmem>>
          %dma_wait3A_272 = arith.constant 0 : i32
          %dma_wait3A_273 = tpu.memref_slice %arg9[%add3A_102, %dma_wait3A_272] : memref<10000x128xf32, #tpu.memory_space<hbm>> -> memref<79x64xf32, #tpu.memory_space<hbm>>
          %dma_wait3A_274 = arith.constant 0 : i32
          %dma_wait3A_275 = tpu.memref_slice %arg9[%add3A_102, %dma_wait3A_274] : memref<10000x128xf32, #tpu.memory_space<hbm>> -> memref<79x64xf32, #tpu.memory_space<hbm>>
          %dma_wait3A_276 = arith.constant 0 : i32
          %dma_wait3A_277 = arith.constant 0 : i32
          %dma_wait3A_278 = tpu.memref_slice %arg12[%dma_wait3A_276, %dma_wait3A_277] : memref<128x64xf32, #tpu.memory_space<vmem>> -> memref<79x64xf32, #tpu.memory_space<vmem>>
          tpu.wait_dma2 semaphore(%run_scoped3A : memref<!tpu.dma_semaphore, #tpu.memory_space<semaphore_mem>>) src(%dma_wait3A_278 : memref<79x64xf32, #tpu.memory_space<vmem>>) dst(%dma_wait3A_275 : memref<79x64xf32, #tpu.memory_space<hbm>>)
          tpu.yield
        }) : () -> ()
      } else {
      }
      %eq3A_256 = arith.constant 1 : i32
      %eq3A_257 = arith.cmpi eq, %arg0, %eq3A_256 : i32
      %convert_element_type3A_258 = arith.extui %eq3A_257 : i1 to i32
      %cond3A_259 = arith.constant 0 : i32
      %cond3A_260 = arith.cmpi ne, %convert_element_type3A_258, %cond3A_259 : i32
      scf.if %cond3A_260 {
        "tpu.region"() ({
          %run_scoped3A = tpu.sem_alloc : memref<!tpu.dma_semaphore, #tpu.memory_space<semaphore_mem>>
          %dma_start3A = arith.constant 0 : i32
          %dma_start3A_261 = arith.constant 0 : i32
          %dma_start3A_262 = tpu.memref_slice %arg12[%dma_start3A, %dma_start3A_261] : memref<128x64xf32, #tpu.memory_space<vmem>> -> memref<79x64xf32, #tpu.memory_space<vmem>>
          %dma_start3A_263 = arith.constant 64 : i32
          %dma_start3A_264 = tpu.memref_slice %arg9[%add3A_102, %dma_start3A_263] : memref<10000x128xf32, #tpu.memory_space<hbm>> -> memref<79x64xf32, #tpu.memory_space<hbm>>
          %dma_start3A_265 = arith.constant 64 : i32
          %dma_start3A_266 = tpu.memref_slice %arg9[%add3A_102, %dma_start3A_265] : memref<10000x128xf32, #tpu.memory_space<hbm>> -> memref<79x64xf32, #tpu.memory_space<hbm>>
          %dma_start3A_267 = arith.constant 0 : i32
          %dma_start3A_268 = arith.constant 0 : i32
          %dma_start3A_269 = tpu.memref_slice %arg12[%dma_start3A_267, %dma_start3A_268] : memref<128x64xf32, #tpu.memory_space<vmem>> -> memref<79x64xf32, #tpu.memory_space<vmem>>
          tpu.enqueue_dma source(%dma_start3A_269 : memref<79x64xf32, #tpu.memory_space<vmem>>) target(%dma_start3A_266 : memref<79x64xf32, #tpu.memory_space<hbm>>) target_semaphore(%run_scoped3A : memref<!tpu.dma_semaphore, #tpu.memory_space<semaphore_mem>>)
          %dma_wait3A = arith.constant 0 : i32
          %dma_wait3A_270 = arith.constant 0 : i32
          %dma_wait3A_271 = tpu.memref_slice %arg12[%dma_wait3A, %dma_wait3A_270] : memref<128x64xf32, #tpu.memory_space<vmem>> -> memref<79x64xf32, #tpu.memory_space<vmem>>
          %dma_wait3A_272 = arith.constant 64 : i32
          %dma_wait3A_273 = tpu.memref_slice %arg9[%add3A_102, %dma_wait3A_272] : memref<10000x128xf32, #tpu.memory_space<hbm>> -> memref<79x64xf32, #tpu.memory_space<hbm>>
          %dma_wait3A_274 = arith.constant 64 : i32
          %dma_wait3A_275 = tpu.memref_slice %arg9[%add3A_102, %dma_wait3A_274] : memref<10000x128xf32, #tpu.memory_space<hbm>> -> memref<79x64xf32, #tpu.memory_space<hbm>>
          %dma_wait3A_276 = arith.constant 0 : i32
          %dma_wait3A_277 = arith.constant 0 : i32
          %dma_wait3A_278 = tpu.memref_slice %arg12[%dma_wait3A_276, %dma_wait3A_277] : memref<128x64xf32, #tpu.memory_space<vmem>> -> memref<79x64xf32, #tpu.memory_space<vmem>>
          tpu.wait_dma2 semaphore(%run_scoped3A : memref<!tpu.dma_semaphore, #tpu.memory_space<semaphore_mem>>) src(%dma_wait3A_278 : memref<79x64xf32, #tpu.memory_space<vmem>>) dst(%dma_wait3A_275 : memref<79x64xf32, #tpu.memory_space<hbm>>)
          tpu.yield
        }) : () -> ()
      } else {
      }
    } else {
    }
    %lt3A_116 = arith.constant 10000 : i32
    %lt3A_117 = arith.cmpi slt, %add3A_102, %lt3A_116 : i32
    %add3A_118 = arith.constant 79 : i32
    %add3A_119 = arith.addi %add3A_102, %add3A_118 : i32
    %gt3A_120 = arith.constant 10000 : i32
    %gt3A_121 = arith.cmpi sgt, %add3A_119, %gt3A_120 : i32
    %and3A_122 = arith.andi %lt3A_117, %gt3A_121 : i1
    %convert_element_type3A_123 = arith.extui %and3A_122 : i1 to i32
    %cond3A_124 = arith.constant 0 : i32
    %cond3A_125 = arith.cmpi ne, %convert_element_type3A_123, %cond3A_124 : i32
    scf.if %cond3A_125 {
      %eq3A_251 = arith.constant 0 : i32
      %eq3A_252 = arith.cmpi eq, %arg0, %eq3A_251 : i32
      %convert_element_type3A_253 = arith.extui %eq3A_252 : i1 to i32
      %cond3A_254 = arith.constant 0 : i32
      %cond3A_255 = arith.cmpi ne, %convert_element_type3A_253, %cond3A_254 : i32
      scf.if %cond3A_255 {
        "tpu.region"() ({
          %run_scoped3A = tpu.sem_alloc : memref<!tpu.dma_semaphore, #tpu.memory_space<semaphore_mem>>
          %dma_start3A = arith.constant 0 : i32
          %dma_start3A_261 = arith.constant 0 : i32
          %dma_start3A_262 = tpu.memref_slice %arg12[%dma_start3A, %dma_start3A_261] : memref<128x64xf32, #tpu.memory_space<vmem>> -> memref<46x64xf32, #tpu.memory_space<vmem>>
          %dma_start3A_263 = arith.constant 0 : i32
          %dma_start3A_264 = tpu.memref_slice %arg9[%add3A_102, %dma_start3A_263] : memref<10000x128xf32, #tpu.memory_space<hbm>> -> memref<46x64xf32, #tpu.memory_space<hbm>>
          %dma_start3A_265 = arith.constant 0 : i32
          %dma_start3A_266 = tpu.memref_slice %arg9[%add3A_102, %dma_start3A_265] : memref<10000x128xf32, #tpu.memory_space<hbm>> -> memref<46x64xf32, #tpu.memory_space<hbm>>
          %dma_start3A_267 = arith.constant 0 : i32
          %dma_start3A_268 = arith.constant 0 : i32
          %dma_start3A_269 = tpu.memref_slice %arg12[%dma_start3A_267, %dma_start3A_268] : memref<128x64xf32, #tpu.memory_space<vmem>> -> memref<46x64xf32, #tpu.memory_space<vmem>>
          tpu.enqueue_dma source(%dma_start3A_269 : memref<46x64xf32, #tpu.memory_space<vmem>>) target(%dma_start3A_266 : memref<46x64xf32, #tpu.memory_space<hbm>>) target_semaphore(%run_scoped3A : memref<!tpu.dma_semaphore, #tpu.memory_space<semaphore_mem>>)
          %dma_wait3A = arith.constant 0 : i32
          %dma_wait3A_270 = arith.constant 0 : i32
          %dma_wait3A_271 = tpu.memref_slice %arg12[%dma_wait3A, %dma_wait3A_270] : memref<128x64xf32, #tpu.memory_space<vmem>> -> memref<46x64xf32, #tpu.memory_space<vmem>>
          %dma_wait3A_272 = arith.constant 0 : i32
          %dma_wait3A_273 = tpu.memref_slice %arg9[%add3A_102, %dma_wait3A_272] : memref<10000x128xf32, #tpu.memory_space<hbm>> -> memref<46x64xf32, #tpu.memory_space<hbm>>
          %dma_wait3A_274 = arith.constant 0 : i32
          %dma_wait3A_275 = tpu.memref_slice %arg9[%add3A_102, %dma_wait3A_274] : memref<10000x128xf32, #tpu.memory_space<hbm>> -> memref<46x64xf32, #tpu.memory_space<hbm>>
          %dma_wait3A_276 = arith.constant 0 : i32
          %dma_wait3A_277 = arith.constant 0 : i32
          %dma_wait3A_278 = tpu.memref_slice %arg12[%dma_wait3A_276, %dma_wait3A_277] : memref<128x64xf32, #tpu.memory_space<vmem>> -> memref<46x64xf32, #tpu.memory_space<vmem>>
          tpu.wait_dma2 semaphore(%run_scoped3A : memref<!tpu.dma_semaphore, #tpu.memory_space<semaphore_mem>>) src(%dma_wait3A_278 : memref<46x64xf32, #tpu.memory_space<vmem>>) dst(%dma_wait3A_275 : memref<46x64xf32, #tpu.memory_space<hbm>>)
          tpu.yield
        }) : () -> ()
      } else {
      }
      %eq3A_256 = arith.constant 1 : i32
      %eq3A_257 = arith.cmpi eq, %arg0, %eq3A_256 : i32
      %convert_element_type3A_258 = arith.extui %eq3A_257 : i1 to i32
      %cond3A_259 = arith.constant 0 : i32
      %cond3A_260 = arith.cmpi ne, %convert_element_type3A_258, %cond3A_259 : i32
      scf.if %cond3A_260 {
        "tpu.region"() ({
          %run_scoped3A = tpu.sem_alloc : memref<!tpu.dma_semaphore, #tpu.memory_space<semaphore_mem>>
          %dma_start3A = arith.constant 0 : i32
          %dma_start3A_261 = arith.constant 0 : i32
          %dma_start3A_262 = tpu.memref_slice %arg12[%dma_start3A, %dma_start3A_261] : memref<128x64xf32, #tpu.memory_space<vmem>> -> memref<46x64xf32, #tpu.memory_space<vmem>>
          %dma_start3A_263 = arith.constant 64 : i32
          %dma_start3A_264 = tpu.memref_slice %arg9[%add3A_102, %dma_start3A_263] : memref<10000x128xf32, #tpu.memory_space<hbm>> -> memref<46x64xf32, #tpu.memory_space<hbm>>
          %dma_start3A_265 = arith.constant 64 : i32
          %dma_start3A_266 = tpu.memref_slice %arg9[%add3A_102, %dma_start3A_265] : memref<10000x128xf32, #tpu.memory_space<hbm>> -> memref<46x64xf32, #tpu.memory_space<hbm>>
          %dma_start3A_267 = arith.constant 0 : i32
          %dma_start3A_268 = arith.constant 0 : i32
          %dma_start3A_269 = tpu.memref_slice %arg12[%dma_start3A_267, %dma_start3A_268] : memref<128x64xf32, #tpu.memory_space<vmem>> -> memref<46x64xf32, #tpu.memory_space<vmem>>
          tpu.enqueue_dma source(%dma_start3A_269 : memref<46x64xf32, #tpu.memory_space<vmem>>) target(%dma_start3A_266 : memref<46x64xf32, #tpu.memory_space<hbm>>) target_semaphore(%run_scoped3A : memref<!tpu.dma_semaphore, #tpu.memory_space<semaphore_mem>>)
          %dma_wait3A = arith.constant 0 : i32
          %dma_wait3A_270 = arith.constant 0 : i32
          %dma_wait3A_271 = tpu.memref_slice %arg12[%dma_wait3A, %dma_wait3A_270] : memref<128x64xf32, #tpu.memory_space<vmem>> -> memref<46x64xf32, #tpu.memory_space<vmem>>
          %dma_wait3A_272 = arith.constant 64 : i32
          %dma_wait3A_273 = tpu.memref_slice %arg9[%add3A_102, %dma_wait3A_272] : memref<10000x128xf32, #tpu.memory_space<hbm>> -> memref<46x64xf32, #tpu.memory_space<hbm>>
          %dma_wait3A_274 = arith.constant 64 : i32
          %dma_wait3A_275 = tpu.memref_slice %arg9[%add3A_102, %dma_wait3A_274] : memref<10000x128xf32, #tpu.memory_space<hbm>> -> memref<46x64xf32, #tpu.memory_space<hbm>>
          %dma_wait3A_276 = arith.constant 0 : i32
          %dma_wait3A_277 = arith.constant 0 : i32
          %dma_wait3A_278 = tpu.memref_slice %arg12[%dma_wait3A_276, %dma_wait3A_277] : memref<128x64xf32, #tpu.memory_space<vmem>> -> memref<46x64xf32, #tpu.memory_space<vmem>>
          tpu.wait_dma2 semaphore(%run_scoped3A : memref<!tpu.dma_semaphore, #tpu.memory_space<semaphore_mem>>) src(%dma_wait3A_278 : memref<46x64xf32, #tpu.memory_space<vmem>>) dst(%dma_wait3A_275 : memref<46x64xf32, #tpu.memory_space<hbm>>)
          tpu.yield
        }) : () -> ()
      } else {
      }
    } else {
    }
    %add3A_126 = arith.constant 237 : i32
    %add3A_127 = arith.addi %mul3A_5, %add3A_126 : i32
    "tpu.region"() ({
      %run_scoped3A = tpu.sem_alloc : memref<!tpu.dma_semaphore, #tpu.memory_space<semaphore_mem>>
      %dma_start3A = arith.constant 0 : i32
      %dma_start3A_251 = arith.constant 0 : i32
      %dma_start3A_252 = tpu.memref_slice %arg12[%dma_start3A, %dma_start3A_251] : memref<128x64xf32, #tpu.memory_space<vmem>> -> memref<79x64xf32, #tpu.memory_space<vmem>>
      %dma_start3A_253 = arith.constant 0 : i32
      %dma_start3A_254 = tpu.memref_slice %arg21[%add3A_127, %dma_start3A_253] : memref<10112x64xf32, #tpu.memory_space<vmem_shared>> -> memref<79x64xf32, #tpu.memory_space<vmem_shared>>
      %dma_start3A_255 = arith.constant 0 : i32
      %dma_start3A_256 = arith.constant 0 : i32
      %dma_start3A_257 = tpu.memref_slice %arg12[%dma_start3A_255, %dma_start3A_256] : memref<128x64xf32, #tpu.memory_space<vmem>> -> memref<79x64xf32, #tpu.memory_space<vmem>>
      %dma_start3A_258 = arith.constant 0 : i32
      %dma_start3A_259 = tpu.memref_slice %arg21[%add3A_127, %dma_start3A_258] : memref<10112x64xf32, #tpu.memory_space<vmem_shared>> -> memref<79x64xf32, #tpu.memory_space<vmem_shared>>
      tpu.enqueue_dma source(%dma_start3A_259 : memref<79x64xf32, #tpu.memory_space<vmem_shared>>) target(%dma_start3A_257 : memref<79x64xf32, #tpu.memory_space<vmem>>) target_semaphore(%run_scoped3A : memref<!tpu.dma_semaphore, #tpu.memory_space<semaphore_mem>>)
      %dma_wait3A = arith.constant 0 : i32
      %dma_wait3A_260 = arith.constant 0 : i32
      %dma_wait3A_261 = tpu.memref_slice %arg12[%dma_wait3A, %dma_wait3A_260] : memref<128x64xf32, #tpu.memory_space<vmem>> -> memref<79x64xf32, #tpu.memory_space<vmem>>
      %dma_wait3A_262 = arith.constant 0 : i32
      %dma_wait3A_263 = tpu.memref_slice %arg21[%add3A_127, %dma_wait3A_262] : memref<10112x64xf32, #tpu.memory_space<vmem_shared>> -> memref<79x64xf32, #tpu.memory_space<vmem_shared>>
      %dma_wait3A_264 = arith.constant 0 : i32
      %dma_wait3A_265 = arith.constant 0 : i32
      %dma_wait3A_266 = tpu.memref_slice %arg12[%dma_wait3A_264, %dma_wait3A_265] : memref<128x64xf32, #tpu.memory_space<vmem>> -> memref<79x64xf32, #tpu.memory_space<vmem>>
      %dma_wait3A_267 = arith.constant 0 : i32
      %dma_wait3A_268 = tpu.memref_slice %arg21[%add3A_127, %dma_wait3A_267] : memref<10112x64xf32, #tpu.memory_space<vmem_shared>> -> memref<79x64xf32, #tpu.memory_space<vmem_shared>>
      tpu.wait_dma2 semaphore(%run_scoped3A : memref<!tpu.dma_semaphore, #tpu.memory_space<semaphore_mem>>) src(%dma_wait3A_268 : memref<79x64xf32, #tpu.memory_space<vmem_shared>>) dst(%dma_wait3A_266 : memref<79x64xf32, #tpu.memory_space<vmem>>)
      tpu.yield
    }) : () -> ()
    %scan3A_128 = arith.constant 0 : i32
    %scan3A_129 = arith.constant 0 : i32
    %scan3A_130 = arith.constant 79 : i32
    %scan3A_131 = arith.addi %scan3A_129, %scan3A_130 : i32
    %scan3A_132 = arith.constant 1 : i32
    scf.for %scan3A_251 = %scan3A_129 to %scan3A_131 step %scan3A_132  : i32 {
      %add3A_252 = arith.constant 237 : i32
      %add3A_253 = arith.addi %select_n3A, %add3A_252 : i32
      %broadcast_in_dim3A = vector.broadcast %add3A_253 : i32 to vector<16xi32>
      %add3A_254 = vector.broadcast %scan3A_251 : i32 to vector<16xi32>
      %add3A_255 = arith.addi %broadcast_in_dim3A, %add3A_254 : vector<16xi32>
      %gather3A = tpu.vector_load_idx %arg19[%add3A_255] : memref<640xf32, #tpu.memory_space<vmem>>[vector<16xi32>], vector<16xf32>,
      %get3A_256 = arith.index_cast %scan3A_251 : i32 to index
      %get3A_257 = arith.constant 0 : index
      %get3A_258 = tpu.vector_load %arg12[%get3A_256, %get3A_257] {strides = array<i32>} : memref<128x64xf32, #tpu.memory_space<vmem>>, vector<16xf32>,
      %mul3A_259 = arith.mulf %get3A_258, %gather3A : vector<16xf32>
      %add3A_260 = arith.addf %mul3A_259, %get3A_36 : vector<16xf32>
      %max3A = arith.constant 0.000000e+00 : f32
      %max3A_261 = vector.broadcast %max3A : f32 to vector<16xf32>
      %max3A_262 = arith.maximumf %add3A_260, %max3A_261 : vector<16xf32>
      %swap3A = arith.index_cast %scan3A_251 : i32 to index
      %swap3A_263 = arith.constant 0 : index
      %swap3A_264 = tpu.vector_load %arg12[%swap3A, %swap3A_263] {strides = array<i32>} : memref<128x64xf32, #tpu.memory_space<vmem>>, vector<16xf32>,
      tpu.vector_store %arg12[%swap3A, %swap3A_263], %max3A_262 {strides = array<i32>} : memref<128x64xf32, #tpu.memory_space<vmem>>, vector<16xf32>,
      %get3A_265 = arith.index_cast %scan3A_251 : i32 to index
      %get3A_266 = arith.constant 16 : index
      %get3A_267 = tpu.vector_load %arg12[%get3A_265, %get3A_266] {strides = array<i32>} : memref<128x64xf32, #tpu.memory_space<vmem>>, vector<16xf32>,
      %mul3A_268 = arith.mulf %get3A_267, %gather3A : vector<16xf32>
      %add3A_269 = arith.addf %mul3A_268, %get3A_42 : vector<16xf32>
      %max3A_270 = arith.constant 0.000000e+00 : f32
      %max3A_271 = vector.broadcast %max3A_270 : f32 to vector<16xf32>
      %max3A_272 = arith.maximumf %add3A_269, %max3A_271 : vector<16xf32>
      %swap3A_273 = arith.index_cast %scan3A_251 : i32 to index
      %swap3A_274 = arith.constant 16 : index
      %swap3A_275 = tpu.vector_load %arg12[%swap3A_273, %swap3A_274] {strides = array<i32>} : memref<128x64xf32, #tpu.memory_space<vmem>>, vector<16xf32>,
      tpu.vector_store %arg12[%swap3A_273, %swap3A_274], %max3A_272 {strides = array<i32>} : memref<128x64xf32, #tpu.memory_space<vmem>>, vector<16xf32>,
      %get3A_276 = arith.index_cast %scan3A_251 : i32 to index
      %get3A_277 = arith.constant 32 : index
      %get3A_278 = tpu.vector_load %arg12[%get3A_276, %get3A_277] {strides = array<i32>} : memref<128x64xf32, #tpu.memory_space<vmem>>, vector<16xf32>,
      %mul3A_279 = arith.mulf %get3A_278, %gather3A : vector<16xf32>
      %add3A_280 = arith.addf %mul3A_279, %get3A_48 : vector<16xf32>
      %max3A_281 = arith.constant 0.000000e+00 : f32
      %max3A_282 = vector.broadcast %max3A_281 : f32 to vector<16xf32>
      %max3A_283 = arith.maximumf %add3A_280, %max3A_282 : vector<16xf32>
      %swap3A_284 = arith.index_cast %scan3A_251 : i32 to index
      %swap3A_285 = arith.constant 32 : index
      %swap3A_286 = tpu.vector_load %arg12[%swap3A_284, %swap3A_285] {strides = array<i32>} : memref<128x64xf32, #tpu.memory_space<vmem>>, vector<16xf32>,
      tpu.vector_store %arg12[%swap3A_284, %swap3A_285], %max3A_283 {strides = array<i32>} : memref<128x64xf32, #tpu.memory_space<vmem>>, vector<16xf32>,
      %get3A_287 = arith.index_cast %scan3A_251 : i32 to index
      %get3A_288 = arith.constant 48 : index
      %get3A_289 = tpu.vector_load %arg12[%get3A_287, %get3A_288] {strides = array<i32>} : memref<128x64xf32, #tpu.memory_space<vmem>>, vector<16xf32>,
      %mul3A_290 = arith.mulf %get3A_289, %gather3A : vector<16xf32>
      %add3A_291 = arith.addf %mul3A_290, %get3A_54 : vector<16xf32>
      %max3A_292 = arith.constant 0.000000e+00 : f32
      %max3A_293 = vector.broadcast %max3A_292 : f32 to vector<16xf32>
      %max3A_294 = arith.maximumf %add3A_291, %max3A_293 : vector<16xf32>
      %swap3A_295 = arith.index_cast %scan3A_251 : i32 to index
      %swap3A_296 = arith.constant 48 : index
      %swap3A_297 = tpu.vector_load %arg12[%swap3A_295, %swap3A_296] {strides = array<i32>} : memref<128x64xf32, #tpu.memory_space<vmem>>, vector<16xf32>,
      tpu.vector_store %arg12[%swap3A_295, %swap3A_296], %max3A_294 {strides = array<i32>} : memref<128x64xf32, #tpu.memory_space<vmem>>, vector<16xf32>,
    }
    %scan3A_133 = arith.constant 79 : i32
    %add3A_134 = arith.constant 79 : i32
    %add3A_135 = arith.addi %add3A_127, %add3A_134 : i32
    %le3A_136 = arith.constant 10000 : i32
    %le3A_137 = arith.cmpi sle, %add3A_135, %le3A_136 : i32
    %convert_element_type3A_138 = arith.extui %le3A_137 : i1 to i32
    %cond3A_139 = arith.constant 0 : i32
    %cond3A_140 = arith.cmpi ne, %convert_element_type3A_138, %cond3A_139 : i32
    scf.if %cond3A_140 {
      %eq3A_251 = arith.constant 0 : i32
      %eq3A_252 = arith.cmpi eq, %arg0, %eq3A_251 : i32
      %convert_element_type3A_253 = arith.extui %eq3A_252 : i1 to i32
      %cond3A_254 = arith.constant 0 : i32
      %cond3A_255 = arith.cmpi ne, %convert_element_type3A_253, %cond3A_254 : i32
      scf.if %cond3A_255 {
        "tpu.region"() ({
          %run_scoped3A = tpu.sem_alloc : memref<!tpu.dma_semaphore, #tpu.memory_space<semaphore_mem>>
          %dma_start3A = arith.constant 0 : i32
          %dma_start3A_261 = arith.constant 0 : i32
          %dma_start3A_262 = tpu.memref_slice %arg12[%dma_start3A, %dma_start3A_261] : memref<128x64xf32, #tpu.memory_space<vmem>> -> memref<79x64xf32, #tpu.memory_space<vmem>>
          %dma_start3A_263 = arith.constant 0 : i32
          %dma_start3A_264 = tpu.memref_slice %arg9[%add3A_127, %dma_start3A_263] : memref<10000x128xf32, #tpu.memory_space<hbm>> -> memref<79x64xf32, #tpu.memory_space<hbm>>
          %dma_start3A_265 = arith.constant 0 : i32
          %dma_start3A_266 = tpu.memref_slice %arg9[%add3A_127, %dma_start3A_265] : memref<10000x128xf32, #tpu.memory_space<hbm>> -> memref<79x64xf32, #tpu.memory_space<hbm>>
          %dma_start3A_267 = arith.constant 0 : i32
          %dma_start3A_268 = arith.constant 0 : i32
          %dma_start3A_269 = tpu.memref_slice %arg12[%dma_start3A_267, %dma_start3A_268] : memref<128x64xf32, #tpu.memory_space<vmem>> -> memref<79x64xf32, #tpu.memory_space<vmem>>
          tpu.enqueue_dma source(%dma_start3A_269 : memref<79x64xf32, #tpu.memory_space<vmem>>) target(%dma_start3A_266 : memref<79x64xf32, #tpu.memory_space<hbm>>) target_semaphore(%run_scoped3A : memref<!tpu.dma_semaphore, #tpu.memory_space<semaphore_mem>>)
          %dma_wait3A = arith.constant 0 : i32
          %dma_wait3A_270 = arith.constant 0 : i32
          %dma_wait3A_271 = tpu.memref_slice %arg12[%dma_wait3A, %dma_wait3A_270] : memref<128x64xf32, #tpu.memory_space<vmem>> -> memref<79x64xf32, #tpu.memory_space<vmem>>
          %dma_wait3A_272 = arith.constant 0 : i32
          %dma_wait3A_273 = tpu.memref_slice %arg9[%add3A_127, %dma_wait3A_272] : memref<10000x128xf32, #tpu.memory_space<hbm>> -> memref<79x64xf32, #tpu.memory_space<hbm>>
          %dma_wait3A_274 = arith.constant 0 : i32
          %dma_wait3A_275 = tpu.memref_slice %arg9[%add3A_127, %dma_wait3A_274] : memref<10000x128xf32, #tpu.memory_space<hbm>> -> memref<79x64xf32, #tpu.memory_space<hbm>>
          %dma_wait3A_276 = arith.constant 0 : i32
          %dma_wait3A_277 = arith.constant 0 : i32
          %dma_wait3A_278 = tpu.memref_slice %arg12[%dma_wait3A_276, %dma_wait3A_277] : memref<128x64xf32, #tpu.memory_space<vmem>> -> memref<79x64xf32, #tpu.memory_space<vmem>>
          tpu.wait_dma2 semaphore(%run_scoped3A : memref<!tpu.dma_semaphore, #tpu.memory_space<semaphore_mem>>) src(%dma_wait3A_278 : memref<79x64xf32, #tpu.memory_space<vmem>>) dst(%dma_wait3A_275 : memref<79x64xf32, #tpu.memory_space<hbm>>)
          tpu.yield
        }) : () -> ()
      } else {
      }
      %eq3A_256 = arith.constant 1 : i32
      %eq3A_257 = arith.cmpi eq, %arg0, %eq3A_256 : i32
      %convert_element_type3A_258 = arith.extui %eq3A_257 : i1 to i32
      %cond3A_259 = arith.constant 0 : i32
      %cond3A_260 = arith.cmpi ne, %convert_element_type3A_258, %cond3A_259 : i32
      scf.if %cond3A_260 {
        "tpu.region"() ({
          %run_scoped3A = tpu.sem_alloc : memref<!tpu.dma_semaphore, #tpu.memory_space<semaphore_mem>>
          %dma_start3A = arith.constant 0 : i32
          %dma_start3A_261 = arith.constant 0 : i32
          %dma_start3A_262 = tpu.memref_slice %arg12[%dma_start3A, %dma_start3A_261] : memref<128x64xf32, #tpu.memory_space<vmem>> -> memref<79x64xf32, #tpu.memory_space<vmem>>
          %dma_start3A_263 = arith.constant 64 : i32
          %dma_start3A_264 = tpu.memref_slice %arg9[%add3A_127, %dma_start3A_263] : memref<10000x128xf32, #tpu.memory_space<hbm>> -> memref<79x64xf32, #tpu.memory_space<hbm>>
          %dma_start3A_265 = arith.constant 64 : i32
          %dma_start3A_266 = tpu.memref_slice %arg9[%add3A_127, %dma_start3A_265] : memref<10000x128xf32, #tpu.memory_space<hbm>> -> memref<79x64xf32, #tpu.memory_space<hbm>>
          %dma_start3A_267 = arith.constant 0 : i32
          %dma_start3A_268 = arith.constant 0 : i32
          %dma_start3A_269 = tpu.memref_slice %arg12[%dma_start3A_267, %dma_start3A_268] : memref<128x64xf32, #tpu.memory_space<vmem>> -> memref<79x64xf32, #tpu.memory_space<vmem>>
          tpu.enqueue_dma source(%dma_start3A_269 : memref<79x64xf32, #tpu.memory_space<vmem>>) target(%dma_start3A_266 : memref<79x64xf32, #tpu.memory_space<hbm>>) target_semaphore(%run_scoped3A : memref<!tpu.dma_semaphore, #tpu.memory_space<semaphore_mem>>)
          %dma_wait3A = arith.constant 0 : i32
          %dma_wait3A_270 = arith.constant 0 : i32
          %dma_wait3A_271 = tpu.memref_slice %arg12[%dma_wait3A, %dma_wait3A_270] : memref<128x64xf32, #tpu.memory_space<vmem>> -> memref<79x64xf32, #tpu.memory_space<vmem>>
          %dma_wait3A_272 = arith.constant 64 : i32
          %dma_wait3A_273 = tpu.memref_slice %arg9[%add3A_127, %dma_wait3A_272] : memref<10000x128xf32, #tpu.memory_space<hbm>> -> memref<79x64xf32, #tpu.memory_space<hbm>>
          %dma_wait3A_274 = arith.constant 64 : i32
          %dma_wait3A_275 = tpu.memref_slice %arg9[%add3A_127, %dma_wait3A_274] : memref<10000x128xf32, #tpu.memory_space<hbm>> -> memref<79x64xf32, #tpu.memory_space<hbm>>
          %dma_wait3A_276 = arith.constant 0 : i32
          %dma_wait3A_277 = arith.constant 0 : i32
          %dma_wait3A_278 = tpu.memref_slice %arg12[%dma_wait3A_276, %dma_wait3A_277] : memref<128x64xf32, #tpu.memory_space<vmem>> -> memref<79x64xf32, #tpu.memory_space<vmem>>
          tpu.wait_dma2 semaphore(%run_scoped3A : memref<!tpu.dma_semaphore, #tpu.memory_space<semaphore_mem>>) src(%dma_wait3A_278 : memref<79x64xf32, #tpu.memory_space<vmem>>) dst(%dma_wait3A_275 : memref<79x64xf32, #tpu.memory_space<hbm>>)
          tpu.yield
        }) : () -> ()
      } else {
      }
    } else {
    }
    %lt3A_141 = arith.constant 10000 : i32
    %lt3A_142 = arith.cmpi slt, %add3A_127, %lt3A_141 : i32
    %add3A_143 = arith.constant 79 : i32
    %add3A_144 = arith.addi %add3A_127, %add3A_143 : i32
    %gt3A_145 = arith.constant 10000 : i32
    %gt3A_146 = arith.cmpi sgt, %add3A_144, %gt3A_145 : i32
    %and3A_147 = arith.andi %lt3A_142, %gt3A_146 : i1
    %convert_element_type3A_148 = arith.extui %and3A_147 : i1 to i32
    %cond3A_149 = arith.constant 0 : i32
    %cond3A_150 = arith.cmpi ne, %convert_element_type3A_148, %cond3A_149 : i32
    scf.if %cond3A_150 {
      %eq3A_251 = arith.constant 0 : i32
      %eq3A_252 = arith.cmpi eq, %arg0, %eq3A_251 : i32
      %convert_element_type3A_253 = arith.extui %eq3A_252 : i1 to i32
      %cond3A_254 = arith.constant 0 : i32
      %cond3A_255 = arith.cmpi ne, %convert_element_type3A_253, %cond3A_254 : i32
      scf.if %cond3A_255 {
        "tpu.region"() ({
          %run_scoped3A = tpu.sem_alloc : memref<!tpu.dma_semaphore, #tpu.memory_space<semaphore_mem>>
          %dma_start3A = arith.constant 0 : i32
          %dma_start3A_261 = arith.constant 0 : i32
          %dma_start3A_262 = tpu.memref_slice %arg12[%dma_start3A, %dma_start3A_261] : memref<128x64xf32, #tpu.memory_space<vmem>> -> memref<46x64xf32, #tpu.memory_space<vmem>>
          %dma_start3A_263 = arith.constant 0 : i32
          %dma_start3A_264 = tpu.memref_slice %arg9[%add3A_127, %dma_start3A_263] : memref<10000x128xf32, #tpu.memory_space<hbm>> -> memref<46x64xf32, #tpu.memory_space<hbm>>
          %dma_start3A_265 = arith.constant 0 : i32
          %dma_start3A_266 = tpu.memref_slice %arg9[%add3A_127, %dma_start3A_265] : memref<10000x128xf32, #tpu.memory_space<hbm>> -> memref<46x64xf32, #tpu.memory_space<hbm>>
          %dma_start3A_267 = arith.constant 0 : i32
          %dma_start3A_268 = arith.constant 0 : i32
          %dma_start3A_269 = tpu.memref_slice %arg12[%dma_start3A_267, %dma_start3A_268] : memref<128x64xf32, #tpu.memory_space<vmem>> -> memref<46x64xf32, #tpu.memory_space<vmem>>
          tpu.enqueue_dma source(%dma_start3A_269 : memref<46x64xf32, #tpu.memory_space<vmem>>) target(%dma_start3A_266 : memref<46x64xf32, #tpu.memory_space<hbm>>) target_semaphore(%run_scoped3A : memref<!tpu.dma_semaphore, #tpu.memory_space<semaphore_mem>>)
          %dma_wait3A = arith.constant 0 : i32
          %dma_wait3A_270 = arith.constant 0 : i32
          %dma_wait3A_271 = tpu.memref_slice %arg12[%dma_wait3A, %dma_wait3A_270] : memref<128x64xf32, #tpu.memory_space<vmem>> -> memref<46x64xf32, #tpu.memory_space<vmem>>
          %dma_wait3A_272 = arith.constant 0 : i32
          %dma_wait3A_273 = tpu.memref_slice %arg9[%add3A_127, %dma_wait3A_272] : memref<10000x128xf32, #tpu.memory_space<hbm>> -> memref<46x64xf32, #tpu.memory_space<hbm>>
          %dma_wait3A_274 = arith.constant 0 : i32
          %dma_wait3A_275 = tpu.memref_slice %arg9[%add3A_127, %dma_wait3A_274] : memref<10000x128xf32, #tpu.memory_space<hbm>> -> memref<46x64xf32, #tpu.memory_space<hbm>>
          %dma_wait3A_276 = arith.constant 0 : i32
          %dma_wait3A_277 = arith.constant 0 : i32
          %dma_wait3A_278 = tpu.memref_slice %arg12[%dma_wait3A_276, %dma_wait3A_277] : memref<128x64xf32, #tpu.memory_space<vmem>> -> memref<46x64xf32, #tpu.memory_space<vmem>>
          tpu.wait_dma2 semaphore(%run_scoped3A : memref<!tpu.dma_semaphore, #tpu.memory_space<semaphore_mem>>) src(%dma_wait3A_278 : memref<46x64xf32, #tpu.memory_space<vmem>>) dst(%dma_wait3A_275 : memref<46x64xf32, #tpu.memory_space<hbm>>)
          tpu.yield
        }) : () -> ()
      } else {
      }
      %eq3A_256 = arith.constant 1 : i32
      %eq3A_257 = arith.cmpi eq, %arg0, %eq3A_256 : i32
      %convert_element_type3A_258 = arith.extui %eq3A_257 : i1 to i32
      %cond3A_259 = arith.constant 0 : i32
      %cond3A_260 = arith.cmpi ne, %convert_element_type3A_258, %cond3A_259 : i32
      scf.if %cond3A_260 {
        "tpu.region"() ({
          %run_scoped3A = tpu.sem_alloc : memref<!tpu.dma_semaphore, #tpu.memory_space<semaphore_mem>>
          %dma_start3A = arith.constant 0 : i32
          %dma_start3A_261 = arith.constant 0 : i32
          %dma_start3A_262 = tpu.memref_slice %arg12[%dma_start3A, %dma_start3A_261] : memref<128x64xf32, #tpu.memory_space<vmem>> -> memref<46x64xf32, #tpu.memory_space<vmem>>
          %dma_start3A_263 = arith.constant 64 : i32
          %dma_start3A_264 = tpu.memref_slice %arg9[%add3A_127, %dma_start3A_263] : memref<10000x128xf32, #tpu.memory_space<hbm>> -> memref<46x64xf32, #tpu.memory_space<hbm>>
          %dma_start3A_265 = arith.constant 64 : i32
          %dma_start3A_266 = tpu.memref_slice %arg9[%add3A_127, %dma_start3A_265] : memref<10000x128xf32, #tpu.memory_space<hbm>> -> memref<46x64xf32, #tpu.memory_space<hbm>>
          %dma_start3A_267 = arith.constant 0 : i32
          %dma_start3A_268 = arith.constant 0 : i32
          %dma_start3A_269 = tpu.memref_slice %arg12[%dma_start3A_267, %dma_start3A_268] : memref<128x64xf32, #tpu.memory_space<vmem>> -> memref<46x64xf32, #tpu.memory_space<vmem>>
          tpu.enqueue_dma source(%dma_start3A_269 : memref<46x64xf32, #tpu.memory_space<vmem>>) target(%dma_start3A_266 : memref<46x64xf32, #tpu.memory_space<hbm>>) target_semaphore(%run_scoped3A : memref<!tpu.dma_semaphore, #tpu.memory_space<semaphore_mem>>)
          %dma_wait3A = arith.constant 0 : i32
          %dma_wait3A_270 = arith.constant 0 : i32
          %dma_wait3A_271 = tpu.memref_slice %arg12[%dma_wait3A, %dma_wait3A_270] : memref<128x64xf32, #tpu.memory_space<vmem>> -> memref<46x64xf32, #tpu.memory_space<vmem>>
          %dma_wait3A_272 = arith.constant 64 : i32
          %dma_wait3A_273 = tpu.memref_slice %arg9[%add3A_127, %dma_wait3A_272] : memref<10000x128xf32, #tpu.memory_space<hbm>> -> memref<46x64xf32, #tpu.memory_space<hbm>>
          %dma_wait3A_274 = arith.constant 64 : i32
          %dma_wait3A_275 = tpu.memref_slice %arg9[%add3A_127, %dma_wait3A_274] : memref<10000x128xf32, #tpu.memory_space<hbm>> -> memref<46x64xf32, #tpu.memory_space<hbm>>
          %dma_wait3A_276 = arith.constant 0 : i32
          %dma_wait3A_277 = arith.constant 0 : i32
          %dma_wait3A_278 = tpu.memref_slice %arg12[%dma_wait3A_276, %dma_wait3A_277] : memref<128x64xf32, #tpu.memory_space<vmem>> -> memref<46x64xf32, #tpu.memory_space<vmem>>
          tpu.wait_dma2 semaphore(%run_scoped3A : memref<!tpu.dma_semaphore, #tpu.memory_space<semaphore_mem>>) src(%dma_wait3A_278 : memref<46x64xf32, #tpu.memory_space<vmem>>) dst(%dma_wait3A_275 : memref<46x64xf32, #tpu.memory_space<hbm>>)
          tpu.yield
        }) : () -> ()
      } else {
      }
    } else {
    }
    %add3A_151 = arith.constant 316 : i32
    %add3A_152 = arith.addi %mul3A_5, %add3A_151 : i32
    "tpu.region"() ({
      %run_scoped3A = tpu.sem_alloc : memref<!tpu.dma_semaphore, #tpu.memory_space<semaphore_mem>>
      %dma_start3A = arith.constant 0 : i32
      %dma_start3A_251 = arith.constant 0 : i32
      %dma_start3A_252 = tpu.memref_slice %arg12[%dma_start3A, %dma_start3A_251] : memref<128x64xf32, #tpu.memory_space<vmem>> -> memref<79x64xf32, #tpu.memory_space<vmem>>
      %dma_start3A_253 = arith.constant 0 : i32
      %dma_start3A_254 = tpu.memref_slice %arg21[%add3A_152, %dma_start3A_253] : memref<10112x64xf32, #tpu.memory_space<vmem_shared>> -> memref<79x64xf32, #tpu.memory_space<vmem_shared>>
      %dma_start3A_255 = arith.constant 0 : i32
      %dma_start3A_256 = arith.constant 0 : i32
      %dma_start3A_257 = tpu.memref_slice %arg12[%dma_start3A_255, %dma_start3A_256] : memref<128x64xf32, #tpu.memory_space<vmem>> -> memref<79x64xf32, #tpu.memory_space<vmem>>
      %dma_start3A_258 = arith.constant 0 : i32
      %dma_start3A_259 = tpu.memref_slice %arg21[%add3A_152, %dma_start3A_258] : memref<10112x64xf32, #tpu.memory_space<vmem_shared>> -> memref<79x64xf32, #tpu.memory_space<vmem_shared>>
      tpu.enqueue_dma source(%dma_start3A_259 : memref<79x64xf32, #tpu.memory_space<vmem_shared>>) target(%dma_start3A_257 : memref<79x64xf32, #tpu.memory_space<vmem>>) target_semaphore(%run_scoped3A : memref<!tpu.dma_semaphore, #tpu.memory_space<semaphore_mem>>)
      %dma_wait3A = arith.constant 0 : i32
      %dma_wait3A_260 = arith.constant 0 : i32
      %dma_wait3A_261 = tpu.memref_slice %arg12[%dma_wait3A, %dma_wait3A_260] : memref<128x64xf32, #tpu.memory_space<vmem>> -> memref<79x64xf32, #tpu.memory_space<vmem>>
      %dma_wait3A_262 = arith.constant 0 : i32
      %dma_wait3A_263 = tpu.memref_slice %arg21[%add3A_152, %dma_wait3A_262] : memref<10112x64xf32, #tpu.memory_space<vmem_shared>> -> memref<79x64xf32, #tpu.memory_space<vmem_shared>>
      %dma_wait3A_264 = arith.constant 0 : i32
      %dma_wait3A_265 = arith.constant 0 : i32
      %dma_wait3A_266 = tpu.memref_slice %arg12[%dma_wait3A_264, %dma_wait3A_265] : memref<128x64xf32, #tpu.memory_space<vmem>> -> memref<79x64xf32, #tpu.memory_space<vmem>>
      %dma_wait3A_267 = arith.constant 0 : i32
      %dma_wait3A_268 = tpu.memref_slice %arg21[%add3A_152, %dma_wait3A_267] : memref<10112x64xf32, #tpu.memory_space<vmem_shared>> -> memref<79x64xf32, #tpu.memory_space<vmem_shared>>
      tpu.wait_dma2 semaphore(%run_scoped3A : memref<!tpu.dma_semaphore, #tpu.memory_space<semaphore_mem>>) src(%dma_wait3A_268 : memref<79x64xf32, #tpu.memory_space<vmem_shared>>) dst(%dma_wait3A_266 : memref<79x64xf32, #tpu.memory_space<vmem>>)
      tpu.yield
    }) : () -> ()
    %scan3A_153 = arith.constant 0 : i32
    %scan3A_154 = arith.constant 0 : i32
    %scan3A_155 = arith.constant 79 : i32
    %scan3A_156 = arith.addi %scan3A_154, %scan3A_155 : i32
    %scan3A_157 = arith.constant 1 : i32
    scf.for %scan3A_251 = %scan3A_154 to %scan3A_156 step %scan3A_157  : i32 {
      %add3A_252 = arith.constant 316 : i32
      %add3A_253 = arith.addi %select_n3A, %add3A_252 : i32
      %broadcast_in_dim3A = vector.broadcast %add3A_253 : i32 to vector<16xi32>
      %add3A_254 = vector.broadcast %scan3A_251 : i32 to vector<16xi32>
      %add3A_255 = arith.addi %broadcast_in_dim3A, %add3A_254 : vector<16xi32>
      %gather3A = tpu.vector_load_idx %arg19[%add3A_255] : memref<640xf32, #tpu.memory_space<vmem>>[vector<16xi32>], vector<16xf32>,
      %get3A_256 = arith.index_cast %scan3A_251 : i32 to index
      %get3A_257 = arith.constant 0 : index
      %get3A_258 = tpu.vector_load %arg12[%get3A_256, %get3A_257] {strides = array<i32>} : memref<128x64xf32, #tpu.memory_space<vmem>>, vector<16xf32>,
      %mul3A_259 = arith.mulf %get3A_258, %gather3A : vector<16xf32>
      %add3A_260 = arith.addf %mul3A_259, %get3A_36 : vector<16xf32>
      %max3A = arith.constant 0.000000e+00 : f32
      %max3A_261 = vector.broadcast %max3A : f32 to vector<16xf32>
      %max3A_262 = arith.maximumf %add3A_260, %max3A_261 : vector<16xf32>
      %swap3A = arith.index_cast %scan3A_251 : i32 to index
      %swap3A_263 = arith.constant 0 : index
      %swap3A_264 = tpu.vector_load %arg12[%swap3A, %swap3A_263] {strides = array<i32>} : memref<128x64xf32, #tpu.memory_space<vmem>>, vector<16xf32>,
      tpu.vector_store %arg12[%swap3A, %swap3A_263], %max3A_262 {strides = array<i32>} : memref<128x64xf32, #tpu.memory_space<vmem>>, vector<16xf32>,
      %get3A_265 = arith.index_cast %scan3A_251 : i32 to index
      %get3A_266 = arith.constant 16 : index
      %get3A_267 = tpu.vector_load %arg12[%get3A_265, %get3A_266] {strides = array<i32>} : memref<128x64xf32, #tpu.memory_space<vmem>>, vector<16xf32>,
      %mul3A_268 = arith.mulf %get3A_267, %gather3A : vector<16xf32>
      %add3A_269 = arith.addf %mul3A_268, %get3A_42 : vector<16xf32>
      %max3A_270 = arith.constant 0.000000e+00 : f32
      %max3A_271 = vector.broadcast %max3A_270 : f32 to vector<16xf32>
      %max3A_272 = arith.maximumf %add3A_269, %max3A_271 : vector<16xf32>
      %swap3A_273 = arith.index_cast %scan3A_251 : i32 to index
      %swap3A_274 = arith.constant 16 : index
      %swap3A_275 = tpu.vector_load %arg12[%swap3A_273, %swap3A_274] {strides = array<i32>} : memref<128x64xf32, #tpu.memory_space<vmem>>, vector<16xf32>,
      tpu.vector_store %arg12[%swap3A_273, %swap3A_274], %max3A_272 {strides = array<i32>} : memref<128x64xf32, #tpu.memory_space<vmem>>, vector<16xf32>,
      %get3A_276 = arith.index_cast %scan3A_251 : i32 to index
      %get3A_277 = arith.constant 32 : index
      %get3A_278 = tpu.vector_load %arg12[%get3A_276, %get3A_277] {strides = array<i32>} : memref<128x64xf32, #tpu.memory_space<vmem>>, vector<16xf32>,
      %mul3A_279 = arith.mulf %get3A_278, %gather3A : vector<16xf32>
      %add3A_280 = arith.addf %mul3A_279, %get3A_48 : vector<16xf32>
      %max3A_281 = arith.constant 0.000000e+00 : f32
      %max3A_282 = vector.broadcast %max3A_281 : f32 to vector<16xf32>
      %max3A_283 = arith.maximumf %add3A_280, %max3A_282 : vector<16xf32>
      %swap3A_284 = arith.index_cast %scan3A_251 : i32 to index
      %swap3A_285 = arith.constant 32 : index
      %swap3A_286 = tpu.vector_load %arg12[%swap3A_284, %swap3A_285] {strides = array<i32>} : memref<128x64xf32, #tpu.memory_space<vmem>>, vector<16xf32>,
      tpu.vector_store %arg12[%swap3A_284, %swap3A_285], %max3A_283 {strides = array<i32>} : memref<128x64xf32, #tpu.memory_space<vmem>>, vector<16xf32>,
      %get3A_287 = arith.index_cast %scan3A_251 : i32 to index
      %get3A_288 = arith.constant 48 : index
      %get3A_289 = tpu.vector_load %arg12[%get3A_287, %get3A_288] {strides = array<i32>} : memref<128x64xf32, #tpu.memory_space<vmem>>, vector<16xf32>,
      %mul3A_290 = arith.mulf %get3A_289, %gather3A : vector<16xf32>
      %add3A_291 = arith.addf %mul3A_290, %get3A_54 : vector<16xf32>
      %max3A_292 = arith.constant 0.000000e+00 : f32
      %max3A_293 = vector.broadcast %max3A_292 : f32 to vector<16xf32>
      %max3A_294 = arith.maximumf %add3A_291, %max3A_293 : vector<16xf32>
      %swap3A_295 = arith.index_cast %scan3A_251 : i32 to index
      %swap3A_296 = arith.constant 48 : index
      %swap3A_297 = tpu.vector_load %arg12[%swap3A_295, %swap3A_296] {strides = array<i32>} : memref<128x64xf32, #tpu.memory_space<vmem>>, vector<16xf32>,
      tpu.vector_store %arg12[%swap3A_295, %swap3A_296], %max3A_294 {strides = array<i32>} : memref<128x64xf32, #tpu.memory_space<vmem>>, vector<16xf32>,
    }
    %scan3A_158 = arith.constant 79 : i32
    %add3A_159 = arith.constant 79 : i32
    %add3A_160 = arith.addi %add3A_152, %add3A_159 : i32
    %le3A_161 = arith.constant 10000 : i32
    %le3A_162 = arith.cmpi sle, %add3A_160, %le3A_161 : i32
    %convert_element_type3A_163 = arith.extui %le3A_162 : i1 to i32
    %cond3A_164 = arith.constant 0 : i32
    %cond3A_165 = arith.cmpi ne, %convert_element_type3A_163, %cond3A_164 : i32
    scf.if %cond3A_165 {
      %eq3A_251 = arith.constant 0 : i32
      %eq3A_252 = arith.cmpi eq, %arg0, %eq3A_251 : i32
      %convert_element_type3A_253 = arith.extui %eq3A_252 : i1 to i32
      %cond3A_254 = arith.constant 0 : i32
      %cond3A_255 = arith.cmpi ne, %convert_element_type3A_253, %cond3A_254 : i32
      scf.if %cond3A_255 {
        "tpu.region"() ({
          %run_scoped3A = tpu.sem_alloc : memref<!tpu.dma_semaphore, #tpu.memory_space<semaphore_mem>>
          %dma_start3A = arith.constant 0 : i32
          %dma_start3A_261 = arith.constant 0 : i32
          %dma_start3A_262 = tpu.memref_slice %arg12[%dma_start3A, %dma_start3A_261] : memref<128x64xf32, #tpu.memory_space<vmem>> -> memref<79x64xf32, #tpu.memory_space<vmem>>
          %dma_start3A_263 = arith.constant 0 : i32
          %dma_start3A_264 = tpu.memref_slice %arg9[%add3A_152, %dma_start3A_263] : memref<10000x128xf32, #tpu.memory_space<hbm>> -> memref<79x64xf32, #tpu.memory_space<hbm>>
          %dma_start3A_265 = arith.constant 0 : i32
          %dma_start3A_266 = tpu.memref_slice %arg9[%add3A_152, %dma_start3A_265] : memref<10000x128xf32, #tpu.memory_space<hbm>> -> memref<79x64xf32, #tpu.memory_space<hbm>>
          %dma_start3A_267 = arith.constant 0 : i32
          %dma_start3A_268 = arith.constant 0 : i32
          %dma_start3A_269 = tpu.memref_slice %arg12[%dma_start3A_267, %dma_start3A_268] : memref<128x64xf32, #tpu.memory_space<vmem>> -> memref<79x64xf32, #tpu.memory_space<vmem>>
          tpu.enqueue_dma source(%dma_start3A_269 : memref<79x64xf32, #tpu.memory_space<vmem>>) target(%dma_start3A_266 : memref<79x64xf32, #tpu.memory_space<hbm>>) target_semaphore(%run_scoped3A : memref<!tpu.dma_semaphore, #tpu.memory_space<semaphore_mem>>)
          %dma_wait3A = arith.constant 0 : i32
          %dma_wait3A_270 = arith.constant 0 : i32
          %dma_wait3A_271 = tpu.memref_slice %arg12[%dma_wait3A, %dma_wait3A_270] : memref<128x64xf32, #tpu.memory_space<vmem>> -> memref<79x64xf32, #tpu.memory_space<vmem>>
          %dma_wait3A_272 = arith.constant 0 : i32
          %dma_wait3A_273 = tpu.memref_slice %arg9[%add3A_152, %dma_wait3A_272] : memref<10000x128xf32, #tpu.memory_space<hbm>> -> memref<79x64xf32, #tpu.memory_space<hbm>>
          %dma_wait3A_274 = arith.constant 0 : i32
          %dma_wait3A_275 = tpu.memref_slice %arg9[%add3A_152, %dma_wait3A_274] : memref<10000x128xf32, #tpu.memory_space<hbm>> -> memref<79x64xf32, #tpu.memory_space<hbm>>
          %dma_wait3A_276 = arith.constant 0 : i32
          %dma_wait3A_277 = arith.constant 0 : i32
          %dma_wait3A_278 = tpu.memref_slice %arg12[%dma_wait3A_276, %dma_wait3A_277] : memref<128x64xf32, #tpu.memory_space<vmem>> -> memref<79x64xf32, #tpu.memory_space<vmem>>
          tpu.wait_dma2 semaphore(%run_scoped3A : memref<!tpu.dma_semaphore, #tpu.memory_space<semaphore_mem>>) src(%dma_wait3A_278 : memref<79x64xf32, #tpu.memory_space<vmem>>) dst(%dma_wait3A_275 : memref<79x64xf32, #tpu.memory_space<hbm>>)
          tpu.yield
        }) : () -> ()
      } else {
      }
      %eq3A_256 = arith.constant 1 : i32
      %eq3A_257 = arith.cmpi eq, %arg0, %eq3A_256 : i32
      %convert_element_type3A_258 = arith.extui %eq3A_257 : i1 to i32
      %cond3A_259 = arith.constant 0 : i32
      %cond3A_260 = arith.cmpi ne, %convert_element_type3A_258, %cond3A_259 : i32
      scf.if %cond3A_260 {
        "tpu.region"() ({
          %run_scoped3A = tpu.sem_alloc : memref<!tpu.dma_semaphore, #tpu.memory_space<semaphore_mem>>
          %dma_start3A = arith.constant 0 : i32
          %dma_start3A_261 = arith.constant 0 : i32
          %dma_start3A_262 = tpu.memref_slice %arg12[%dma_start3A, %dma_start3A_261] : memref<128x64xf32, #tpu.memory_space<vmem>> -> memref<79x64xf32, #tpu.memory_space<vmem>>
          %dma_start3A_263 = arith.constant 64 : i32
          %dma_start3A_264 = tpu.memref_slice %arg9[%add3A_152, %dma_start3A_263] : memref<10000x128xf32, #tpu.memory_space<hbm>> -> memref<79x64xf32, #tpu.memory_space<hbm>>
          %dma_start3A_265 = arith.constant 64 : i32
          %dma_start3A_266 = tpu.memref_slice %arg9[%add3A_152, %dma_start3A_265] : memref<10000x128xf32, #tpu.memory_space<hbm>> -> memref<79x64xf32, #tpu.memory_space<hbm>>
          %dma_start3A_267 = arith.constant 0 : i32
          %dma_start3A_268 = arith.constant 0 : i32
          %dma_start3A_269 = tpu.memref_slice %arg12[%dma_start3A_267, %dma_start3A_268] : memref<128x64xf32, #tpu.memory_space<vmem>> -> memref<79x64xf32, #tpu.memory_space<vmem>>
          tpu.enqueue_dma source(%dma_start3A_269 : memref<79x64xf32, #tpu.memory_space<vmem>>) target(%dma_start3A_266 : memref<79x64xf32, #tpu.memory_space<hbm>>) target_semaphore(%run_scoped3A : memref<!tpu.dma_semaphore, #tpu.memory_space<semaphore_mem>>)
          %dma_wait3A = arith.constant 0 : i32
          %dma_wait3A_270 = arith.constant 0 : i32
          %dma_wait3A_271 = tpu.memref_slice %arg12[%dma_wait3A, %dma_wait3A_270] : memref<128x64xf32, #tpu.memory_space<vmem>> -> memref<79x64xf32, #tpu.memory_space<vmem>>
          %dma_wait3A_272 = arith.constant 64 : i32
          %dma_wait3A_273 = tpu.memref_slice %arg9[%add3A_152, %dma_wait3A_272] : memref<10000x128xf32, #tpu.memory_space<hbm>> -> memref<79x64xf32, #tpu.memory_space<hbm>>
          %dma_wait3A_274 = arith.constant 64 : i32
          %dma_wait3A_275 = tpu.memref_slice %arg9[%add3A_152, %dma_wait3A_274] : memref<10000x128xf32, #tpu.memory_space<hbm>> -> memref<79x64xf32, #tpu.memory_space<hbm>>
          %dma_wait3A_276 = arith.constant 0 : i32
          %dma_wait3A_277 = arith.constant 0 : i32
          %dma_wait3A_278 = tpu.memref_slice %arg12[%dma_wait3A_276, %dma_wait3A_277] : memref<128x64xf32, #tpu.memory_space<vmem>> -> memref<79x64xf32, #tpu.memory_space<vmem>>
          tpu.wait_dma2 semaphore(%run_scoped3A : memref<!tpu.dma_semaphore, #tpu.memory_space<semaphore_mem>>) src(%dma_wait3A_278 : memref<79x64xf32, #tpu.memory_space<vmem>>) dst(%dma_wait3A_275 : memref<79x64xf32, #tpu.memory_space<hbm>>)
          tpu.yield
        }) : () -> ()
      } else {
      }
    } else {
    }
    %lt3A_166 = arith.constant 10000 : i32
    %lt3A_167 = arith.cmpi slt, %add3A_152, %lt3A_166 : i32
    %add3A_168 = arith.constant 79 : i32
    %add3A_169 = arith.addi %add3A_152, %add3A_168 : i32
    %gt3A_170 = arith.constant 10000 : i32
    %gt3A_171 = arith.cmpi sgt, %add3A_169, %gt3A_170 : i32
    %and3A_172 = arith.andi %lt3A_167, %gt3A_171 : i1
    %convert_element_type3A_173 = arith.extui %and3A_172 : i1 to i32
    %cond3A_174 = arith.constant 0 : i32
    %cond3A_175 = arith.cmpi ne, %convert_element_type3A_173, %cond3A_174 : i32
    scf.if %cond3A_175 {
      %eq3A_251 = arith.constant 0 : i32
      %eq3A_252 = arith.cmpi eq, %arg0, %eq3A_251 : i32
      %convert_element_type3A_253 = arith.extui %eq3A_252 : i1 to i32
      %cond3A_254 = arith.constant 0 : i32
      %cond3A_255 = arith.cmpi ne, %convert_element_type3A_253, %cond3A_254 : i32
      scf.if %cond3A_255 {
        "tpu.region"() ({
          %run_scoped3A = tpu.sem_alloc : memref<!tpu.dma_semaphore, #tpu.memory_space<semaphore_mem>>
          %dma_start3A = arith.constant 0 : i32
          %dma_start3A_261 = arith.constant 0 : i32
          %dma_start3A_262 = tpu.memref_slice %arg12[%dma_start3A, %dma_start3A_261] : memref<128x64xf32, #tpu.memory_space<vmem>> -> memref<46x64xf32, #tpu.memory_space<vmem>>
          %dma_start3A_263 = arith.constant 0 : i32
          %dma_start3A_264 = tpu.memref_slice %arg9[%add3A_152, %dma_start3A_263] : memref<10000x128xf32, #tpu.memory_space<hbm>> -> memref<46x64xf32, #tpu.memory_space<hbm>>
          %dma_start3A_265 = arith.constant 0 : i32
          %dma_start3A_266 = tpu.memref_slice %arg9[%add3A_152, %dma_start3A_265] : memref<10000x128xf32, #tpu.memory_space<hbm>> -> memref<46x64xf32, #tpu.memory_space<hbm>>
          %dma_start3A_267 = arith.constant 0 : i32
          %dma_start3A_268 = arith.constant 0 : i32
          %dma_start3A_269 = tpu.memref_slice %arg12[%dma_start3A_267, %dma_start3A_268] : memref<128x64xf32, #tpu.memory_space<vmem>> -> memref<46x64xf32, #tpu.memory_space<vmem>>
          tpu.enqueue_dma source(%dma_start3A_269 : memref<46x64xf32, #tpu.memory_space<vmem>>) target(%dma_start3A_266 : memref<46x64xf32, #tpu.memory_space<hbm>>) target_semaphore(%run_scoped3A : memref<!tpu.dma_semaphore, #tpu.memory_space<semaphore_mem>>)
          %dma_wait3A = arith.constant 0 : i32
          %dma_wait3A_270 = arith.constant 0 : i32
          %dma_wait3A_271 = tpu.memref_slice %arg12[%dma_wait3A, %dma_wait3A_270] : memref<128x64xf32, #tpu.memory_space<vmem>> -> memref<46x64xf32, #tpu.memory_space<vmem>>
          %dma_wait3A_272 = arith.constant 0 : i32
          %dma_wait3A_273 = tpu.memref_slice %arg9[%add3A_152, %dma_wait3A_272] : memref<10000x128xf32, #tpu.memory_space<hbm>> -> memref<46x64xf32, #tpu.memory_space<hbm>>
          %dma_wait3A_274 = arith.constant 0 : i32
          %dma_wait3A_275 = tpu.memref_slice %arg9[%add3A_152, %dma_wait3A_274] : memref<10000x128xf32, #tpu.memory_space<hbm>> -> memref<46x64xf32, #tpu.memory_space<hbm>>
          %dma_wait3A_276 = arith.constant 0 : i32
          %dma_wait3A_277 = arith.constant 0 : i32
          %dma_wait3A_278 = tpu.memref_slice %arg12[%dma_wait3A_276, %dma_wait3A_277] : memref<128x64xf32, #tpu.memory_space<vmem>> -> memref<46x64xf32, #tpu.memory_space<vmem>>
          tpu.wait_dma2 semaphore(%run_scoped3A : memref<!tpu.dma_semaphore, #tpu.memory_space<semaphore_mem>>) src(%dma_wait3A_278 : memref<46x64xf32, #tpu.memory_space<vmem>>) dst(%dma_wait3A_275 : memref<46x64xf32, #tpu.memory_space<hbm>>)
          tpu.yield
        }) : () -> ()
      } else {
      }
      %eq3A_256 = arith.constant 1 : i32
      %eq3A_257 = arith.cmpi eq, %arg0, %eq3A_256 : i32
      %convert_element_type3A_258 = arith.extui %eq3A_257 : i1 to i32
      %cond3A_259 = arith.constant 0 : i32
      %cond3A_260 = arith.cmpi ne, %convert_element_type3A_258, %cond3A_259 : i32
      scf.if %cond3A_260 {
        "tpu.region"() ({
          %run_scoped3A = tpu.sem_alloc : memref<!tpu.dma_semaphore, #tpu.memory_space<semaphore_mem>>
          %dma_start3A = arith.constant 0 : i32
          %dma_start3A_261 = arith.constant 0 : i32
          %dma_start3A_262 = tpu.memref_slice %arg12[%dma_start3A, %dma_start3A_261] : memref<128x64xf32, #tpu.memory_space<vmem>> -> memref<46x64xf32, #tpu.memory_space<vmem>>
          %dma_start3A_263 = arith.constant 64 : i32
          %dma_start3A_264 = tpu.memref_slice %arg9[%add3A_152, %dma_start3A_263] : memref<10000x128xf32, #tpu.memory_space<hbm>> -> memref<46x64xf32, #tpu.memory_space<hbm>>
          %dma_start3A_265 = arith.constant 64 : i32
          %dma_start3A_266 = tpu.memref_slice %arg9[%add3A_152, %dma_start3A_265] : memref<10000x128xf32, #tpu.memory_space<hbm>> -> memref<46x64xf32, #tpu.memory_space<hbm>>
          %dma_start3A_267 = arith.constant 0 : i32
          %dma_start3A_268 = arith.constant 0 : i32
          %dma_start3A_269 = tpu.memref_slice %arg12[%dma_start3A_267, %dma_start3A_268] : memref<128x64xf32, #tpu.memory_space<vmem>> -> memref<46x64xf32, #tpu.memory_space<vmem>>
          tpu.enqueue_dma source(%dma_start3A_269 : memref<46x64xf32, #tpu.memory_space<vmem>>) target(%dma_start3A_266 : memref<46x64xf32, #tpu.memory_space<hbm>>) target_semaphore(%run_scoped3A : memref<!tpu.dma_semaphore, #tpu.memory_space<semaphore_mem>>)
          %dma_wait3A = arith.constant 0 : i32
          %dma_wait3A_270 = arith.constant 0 : i32
          %dma_wait3A_271 = tpu.memref_slice %arg12[%dma_wait3A, %dma_wait3A_270] : memref<128x64xf32, #tpu.memory_space<vmem>> -> memref<46x64xf32, #tpu.memory_space<vmem>>
          %dma_wait3A_272 = arith.constant 64 : i32
          %dma_wait3A_273 = tpu.memref_slice %arg9[%add3A_152, %dma_wait3A_272] : memref<10000x128xf32, #tpu.memory_space<hbm>> -> memref<46x64xf32, #tpu.memory_space<hbm>>
          %dma_wait3A_274 = arith.constant 64 : i32
          %dma_wait3A_275 = tpu.memref_slice %arg9[%add3A_152, %dma_wait3A_274] : memref<10000x128xf32, #tpu.memory_space<hbm>> -> memref<46x64xf32, #tpu.memory_space<hbm>>
          %dma_wait3A_276 = arith.constant 0 : i32
          %dma_wait3A_277 = arith.constant 0 : i32
          %dma_wait3A_278 = tpu.memref_slice %arg12[%dma_wait3A_276, %dma_wait3A_277] : memref<128x64xf32, #tpu.memory_space<vmem>> -> memref<46x64xf32, #tpu.memory_space<vmem>>
          tpu.wait_dma2 semaphore(%run_scoped3A : memref<!tpu.dma_semaphore, #tpu.memory_space<semaphore_mem>>) src(%dma_wait3A_278 : memref<46x64xf32, #tpu.memory_space<vmem>>) dst(%dma_wait3A_275 : memref<46x64xf32, #tpu.memory_space<hbm>>)
          tpu.yield
        }) : () -> ()
      } else {
      }
    } else {
    }
    %add3A_176 = arith.constant 395 : i32
    %add3A_177 = arith.addi %mul3A_5, %add3A_176 : i32
    "tpu.region"() ({
      %run_scoped3A = tpu.sem_alloc : memref<!tpu.dma_semaphore, #tpu.memory_space<semaphore_mem>>
      %dma_start3A = arith.constant 0 : i32
      %dma_start3A_251 = arith.constant 0 : i32
      %dma_start3A_252 = tpu.memref_slice %arg12[%dma_start3A, %dma_start3A_251] : memref<128x64xf32, #tpu.memory_space<vmem>> -> memref<79x64xf32, #tpu.memory_space<vmem>>
      %dma_start3A_253 = arith.constant 0 : i32
      %dma_start3A_254 = tpu.memref_slice %arg21[%add3A_177, %dma_start3A_253] : memref<10112x64xf32, #tpu.memory_space<vmem_shared>> -> memref<79x64xf32, #tpu.memory_space<vmem_shared>>
      %dma_start3A_255 = arith.constant 0 : i32
      %dma_start3A_256 = arith.constant 0 : i32
      %dma_start3A_257 = tpu.memref_slice %arg12[%dma_start3A_255, %dma_start3A_256] : memref<128x64xf32, #tpu.memory_space<vmem>> -> memref<79x64xf32, #tpu.memory_space<vmem>>
      %dma_start3A_258 = arith.constant 0 : i32
      %dma_start3A_259 = tpu.memref_slice %arg21[%add3A_177, %dma_start3A_258] : memref<10112x64xf32, #tpu.memory_space<vmem_shared>> -> memref<79x64xf32, #tpu.memory_space<vmem_shared>>
      tpu.enqueue_dma source(%dma_start3A_259 : memref<79x64xf32, #tpu.memory_space<vmem_shared>>) target(%dma_start3A_257 : memref<79x64xf32, #tpu.memory_space<vmem>>) target_semaphore(%run_scoped3A : memref<!tpu.dma_semaphore, #tpu.memory_space<semaphore_mem>>)
      %dma_wait3A = arith.constant 0 : i32
      %dma_wait3A_260 = arith.constant 0 : i32
      %dma_wait3A_261 = tpu.memref_slice %arg12[%dma_wait3A, %dma_wait3A_260] : memref<128x64xf32, #tpu.memory_space<vmem>> -> memref<79x64xf32, #tpu.memory_space<vmem>>
      %dma_wait3A_262 = arith.constant 0 : i32
      %dma_wait3A_263 = tpu.memref_slice %arg21[%add3A_177, %dma_wait3A_262] : memref<10112x64xf32, #tpu.memory_space<vmem_shared>> -> memref<79x64xf32, #tpu.memory_space<vmem_shared>>
      %dma_wait3A_264 = arith.constant 0 : i32
      %dma_wait3A_265 = arith.constant 0 : i32
      %dma_wait3A_266 = tpu.memref_slice %arg12[%dma_wait3A_264, %dma_wait3A_265] : memref<128x64xf32, #tpu.memory_space<vmem>> -> memref<79x64xf32, #tpu.memory_space<vmem>>
      %dma_wait3A_267 = arith.constant 0 : i32
      %dma_wait3A_268 = tpu.memref_slice %arg21[%add3A_177, %dma_wait3A_267] : memref<10112x64xf32, #tpu.memory_space<vmem_shared>> -> memref<79x64xf32, #tpu.memory_space<vmem_shared>>
      tpu.wait_dma2 semaphore(%run_scoped3A : memref<!tpu.dma_semaphore, #tpu.memory_space<semaphore_mem>>) src(%dma_wait3A_268 : memref<79x64xf32, #tpu.memory_space<vmem_shared>>) dst(%dma_wait3A_266 : memref<79x64xf32, #tpu.memory_space<vmem>>)
      tpu.yield
    }) : () -> ()
    %scan3A_178 = arith.constant 0 : i32
    %scan3A_179 = arith.constant 0 : i32
    %scan3A_180 = arith.constant 79 : i32
    %scan3A_181 = arith.addi %scan3A_179, %scan3A_180 : i32
    %scan3A_182 = arith.constant 1 : i32
    scf.for %scan3A_251 = %scan3A_179 to %scan3A_181 step %scan3A_182  : i32 {
      %add3A_252 = arith.constant 395 : i32
      %add3A_253 = arith.addi %select_n3A, %add3A_252 : i32
      %broadcast_in_dim3A = vector.broadcast %add3A_253 : i32 to vector<16xi32>
      %add3A_254 = vector.broadcast %scan3A_251 : i32 to vector<16xi32>
      %add3A_255 = arith.addi %broadcast_in_dim3A, %add3A_254 : vector<16xi32>
      %gather3A = tpu.vector_load_idx %arg19[%add3A_255] : memref<640xf32, #tpu.memory_space<vmem>>[vector<16xi32>], vector<16xf32>,
      %get3A_256 = arith.index_cast %scan3A_251 : i32 to index
      %get3A_257 = arith.constant 0 : index
      %get3A_258 = tpu.vector_load %arg12[%get3A_256, %get3A_257] {strides = array<i32>} : memref<128x64xf32, #tpu.memory_space<vmem>>, vector<16xf32>,
      %mul3A_259 = arith.mulf %get3A_258, %gather3A : vector<16xf32>
      %add3A_260 = arith.addf %mul3A_259, %get3A_36 : vector<16xf32>
      %max3A = arith.constant 0.000000e+00 : f32
      %max3A_261 = vector.broadcast %max3A : f32 to vector<16xf32>
      %max3A_262 = arith.maximumf %add3A_260, %max3A_261 : vector<16xf32>
      %swap3A = arith.index_cast %scan3A_251 : i32 to index
      %swap3A_263 = arith.constant 0 : index
      %swap3A_264 = tpu.vector_load %arg12[%swap3A, %swap3A_263] {strides = array<i32>} : memref<128x64xf32, #tpu.memory_space<vmem>>, vector<16xf32>,
      tpu.vector_store %arg12[%swap3A, %swap3A_263], %max3A_262 {strides = array<i32>} : memref<128x64xf32, #tpu.memory_space<vmem>>, vector<16xf32>,
      %get3A_265 = arith.index_cast %scan3A_251 : i32 to index
      %get3A_266 = arith.constant 16 : index
      %get3A_267 = tpu.vector_load %arg12[%get3A_265, %get3A_266] {strides = array<i32>} : memref<128x64xf32, #tpu.memory_space<vmem>>, vector<16xf32>,
      %mul3A_268 = arith.mulf %get3A_267, %gather3A : vector<16xf32>
      %add3A_269 = arith.addf %mul3A_268, %get3A_42 : vector<16xf32>
      %max3A_270 = arith.constant 0.000000e+00 : f32
      %max3A_271 = vector.broadcast %max3A_270 : f32 to vector<16xf32>
      %max3A_272 = arith.maximumf %add3A_269, %max3A_271 : vector<16xf32>
      %swap3A_273 = arith.index_cast %scan3A_251 : i32 to index
      %swap3A_274 = arith.constant 16 : index
      %swap3A_275 = tpu.vector_load %arg12[%swap3A_273, %swap3A_274] {strides = array<i32>} : memref<128x64xf32, #tpu.memory_space<vmem>>, vector<16xf32>,
      tpu.vector_store %arg12[%swap3A_273, %swap3A_274], %max3A_272 {strides = array<i32>} : memref<128x64xf32, #tpu.memory_space<vmem>>, vector<16xf32>,
      %get3A_276 = arith.index_cast %scan3A_251 : i32 to index
      %get3A_277 = arith.constant 32 : index
      %get3A_278 = tpu.vector_load %arg12[%get3A_276, %get3A_277] {strides = array<i32>} : memref<128x64xf32, #tpu.memory_space<vmem>>, vector<16xf32>,
      %mul3A_279 = arith.mulf %get3A_278, %gather3A : vector<16xf32>
      %add3A_280 = arith.addf %mul3A_279, %get3A_48 : vector<16xf32>
      %max3A_281 = arith.constant 0.000000e+00 : f32
      %max3A_282 = vector.broadcast %max3A_281 : f32 to vector<16xf32>
      %max3A_283 = arith.maximumf %add3A_280, %max3A_282 : vector<16xf32>
      %swap3A_284 = arith.index_cast %scan3A_251 : i32 to index
      %swap3A_285 = arith.constant 32 : index
      %swap3A_286 = tpu.vector_load %arg12[%swap3A_284, %swap3A_285] {strides = array<i32>} : memref<128x64xf32, #tpu.memory_space<vmem>>, vector<16xf32>,
      tpu.vector_store %arg12[%swap3A_284, %swap3A_285], %max3A_283 {strides = array<i32>} : memref<128x64xf32, #tpu.memory_space<vmem>>, vector<16xf32>,
      %get3A_287 = arith.index_cast %scan3A_251 : i32 to index
      %get3A_288 = arith.constant 48 : index
      %get3A_289 = tpu.vector_load %arg12[%get3A_287, %get3A_288] {strides = array<i32>} : memref<128x64xf32, #tpu.memory_space<vmem>>, vector<16xf32>,
      %mul3A_290 = arith.mulf %get3A_289, %gather3A : vector<16xf32>
      %add3A_291 = arith.addf %mul3A_290, %get3A_54 : vector<16xf32>
      %max3A_292 = arith.constant 0.000000e+00 : f32
      %max3A_293 = vector.broadcast %max3A_292 : f32 to vector<16xf32>
      %max3A_294 = arith.maximumf %add3A_291, %max3A_293 : vector<16xf32>
      %swap3A_295 = arith.index_cast %scan3A_251 : i32 to index
      %swap3A_296 = arith.constant 48 : index
      %swap3A_297 = tpu.vector_load %arg12[%swap3A_295, %swap3A_296] {strides = array<i32>} : memref<128x64xf32, #tpu.memory_space<vmem>>, vector<16xf32>,
      tpu.vector_store %arg12[%swap3A_295, %swap3A_296], %max3A_294 {strides = array<i32>} : memref<128x64xf32, #tpu.memory_space<vmem>>, vector<16xf32>,
    }
    %scan3A_183 = arith.constant 79 : i32
    %add3A_184 = arith.constant 79 : i32
    %add3A_185 = arith.addi %add3A_177, %add3A_184 : i32
    %le3A_186 = arith.constant 10000 : i32
    %le3A_187 = arith.cmpi sle, %add3A_185, %le3A_186 : i32
    %convert_element_type3A_188 = arith.extui %le3A_187 : i1 to i32
    %cond3A_189 = arith.constant 0 : i32
    %cond3A_190 = arith.cmpi ne, %convert_element_type3A_188, %cond3A_189 : i32
    scf.if %cond3A_190 {
      %eq3A_251 = arith.constant 0 : i32
      %eq3A_252 = arith.cmpi eq, %arg0, %eq3A_251 : i32
      %convert_element_type3A_253 = arith.extui %eq3A_252 : i1 to i32
      %cond3A_254 = arith.constant 0 : i32
      %cond3A_255 = arith.cmpi ne, %convert_element_type3A_253, %cond3A_254 : i32
      scf.if %cond3A_255 {
        "tpu.region"() ({
          %run_scoped3A = tpu.sem_alloc : memref<!tpu.dma_semaphore, #tpu.memory_space<semaphore_mem>>
          %dma_start3A = arith.constant 0 : i32
          %dma_start3A_261 = arith.constant 0 : i32
          %dma_start3A_262 = tpu.memref_slice %arg12[%dma_start3A, %dma_start3A_261] : memref<128x64xf32, #tpu.memory_space<vmem>> -> memref<79x64xf32, #tpu.memory_space<vmem>>
          %dma_start3A_263 = arith.constant 0 : i32
          %dma_start3A_264 = tpu.memref_slice %arg9[%add3A_177, %dma_start3A_263] : memref<10000x128xf32, #tpu.memory_space<hbm>> -> memref<79x64xf32, #tpu.memory_space<hbm>>
          %dma_start3A_265 = arith.constant 0 : i32
          %dma_start3A_266 = tpu.memref_slice %arg9[%add3A_177, %dma_start3A_265] : memref<10000x128xf32, #tpu.memory_space<hbm>> -> memref<79x64xf32, #tpu.memory_space<hbm>>
          %dma_start3A_267 = arith.constant 0 : i32
          %dma_start3A_268 = arith.constant 0 : i32
          %dma_start3A_269 = tpu.memref_slice %arg12[%dma_start3A_267, %dma_start3A_268] : memref<128x64xf32, #tpu.memory_space<vmem>> -> memref<79x64xf32, #tpu.memory_space<vmem>>
          tpu.enqueue_dma source(%dma_start3A_269 : memref<79x64xf32, #tpu.memory_space<vmem>>) target(%dma_start3A_266 : memref<79x64xf32, #tpu.memory_space<hbm>>) target_semaphore(%run_scoped3A : memref<!tpu.dma_semaphore, #tpu.memory_space<semaphore_mem>>)
          %dma_wait3A = arith.constant 0 : i32
          %dma_wait3A_270 = arith.constant 0 : i32
          %dma_wait3A_271 = tpu.memref_slice %arg12[%dma_wait3A, %dma_wait3A_270] : memref<128x64xf32, #tpu.memory_space<vmem>> -> memref<79x64xf32, #tpu.memory_space<vmem>>
          %dma_wait3A_272 = arith.constant 0 : i32
          %dma_wait3A_273 = tpu.memref_slice %arg9[%add3A_177, %dma_wait3A_272] : memref<10000x128xf32, #tpu.memory_space<hbm>> -> memref<79x64xf32, #tpu.memory_space<hbm>>
          %dma_wait3A_274 = arith.constant 0 : i32
          %dma_wait3A_275 = tpu.memref_slice %arg9[%add3A_177, %dma_wait3A_274] : memref<10000x128xf32, #tpu.memory_space<hbm>> -> memref<79x64xf32, #tpu.memory_space<hbm>>
          %dma_wait3A_276 = arith.constant 0 : i32
          %dma_wait3A_277 = arith.constant 0 : i32
          %dma_wait3A_278 = tpu.memref_slice %arg12[%dma_wait3A_276, %dma_wait3A_277] : memref<128x64xf32, #tpu.memory_space<vmem>> -> memref<79x64xf32, #tpu.memory_space<vmem>>
          tpu.wait_dma2 semaphore(%run_scoped3A : memref<!tpu.dma_semaphore, #tpu.memory_space<semaphore_mem>>) src(%dma_wait3A_278 : memref<79x64xf32, #tpu.memory_space<vmem>>) dst(%dma_wait3A_275 : memref<79x64xf32, #tpu.memory_space<hbm>>)
          tpu.yield
        }) : () -> ()
      } else {
      }
      %eq3A_256 = arith.constant 1 : i32
      %eq3A_257 = arith.cmpi eq, %arg0, %eq3A_256 : i32
      %convert_element_type3A_258 = arith.extui %eq3A_257 : i1 to i32
      %cond3A_259 = arith.constant 0 : i32
      %cond3A_260 = arith.cmpi ne, %convert_element_type3A_258, %cond3A_259 : i32
      scf.if %cond3A_260 {
        "tpu.region"() ({
          %run_scoped3A = tpu.sem_alloc : memref<!tpu.dma_semaphore, #tpu.memory_space<semaphore_mem>>
          %dma_start3A = arith.constant 0 : i32
          %dma_start3A_261 = arith.constant 0 : i32
          %dma_start3A_262 = tpu.memref_slice %arg12[%dma_start3A, %dma_start3A_261] : memref<128x64xf32, #tpu.memory_space<vmem>> -> memref<79x64xf32, #tpu.memory_space<vmem>>
          %dma_start3A_263 = arith.constant 64 : i32
          %dma_start3A_264 = tpu.memref_slice %arg9[%add3A_177, %dma_start3A_263] : memref<10000x128xf32, #tpu.memory_space<hbm>> -> memref<79x64xf32, #tpu.memory_space<hbm>>
          %dma_start3A_265 = arith.constant 64 : i32
          %dma_start3A_266 = tpu.memref_slice %arg9[%add3A_177, %dma_start3A_265] : memref<10000x128xf32, #tpu.memory_space<hbm>> -> memref<79x64xf32, #tpu.memory_space<hbm>>
          %dma_start3A_267 = arith.constant 0 : i32
          %dma_start3A_268 = arith.constant 0 : i32
          %dma_start3A_269 = tpu.memref_slice %arg12[%dma_start3A_267, %dma_start3A_268] : memref<128x64xf32, #tpu.memory_space<vmem>> -> memref<79x64xf32, #tpu.memory_space<vmem>>
          tpu.enqueue_dma source(%dma_start3A_269 : memref<79x64xf32, #tpu.memory_space<vmem>>) target(%dma_start3A_266 : memref<79x64xf32, #tpu.memory_space<hbm>>) target_semaphore(%run_scoped3A : memref<!tpu.dma_semaphore, #tpu.memory_space<semaphore_mem>>)
          %dma_wait3A = arith.constant 0 : i32
          %dma_wait3A_270 = arith.constant 0 : i32
          %dma_wait3A_271 = tpu.memref_slice %arg12[%dma_wait3A, %dma_wait3A_270] : memref<128x64xf32, #tpu.memory_space<vmem>> -> memref<79x64xf32, #tpu.memory_space<vmem>>
          %dma_wait3A_272 = arith.constant 64 : i32
          %dma_wait3A_273 = tpu.memref_slice %arg9[%add3A_177, %dma_wait3A_272] : memref<10000x128xf32, #tpu.memory_space<hbm>> -> memref<79x64xf32, #tpu.memory_space<hbm>>
          %dma_wait3A_274 = arith.constant 64 : i32
          %dma_wait3A_275 = tpu.memref_slice %arg9[%add3A_177, %dma_wait3A_274] : memref<10000x128xf32, #tpu.memory_space<hbm>> -> memref<79x64xf32, #tpu.memory_space<hbm>>
          %dma_wait3A_276 = arith.constant 0 : i32
          %dma_wait3A_277 = arith.constant 0 : i32
          %dma_wait3A_278 = tpu.memref_slice %arg12[%dma_wait3A_276, %dma_wait3A_277] : memref<128x64xf32, #tpu.memory_space<vmem>> -> memref<79x64xf32, #tpu.memory_space<vmem>>
          tpu.wait_dma2 semaphore(%run_scoped3A : memref<!tpu.dma_semaphore, #tpu.memory_space<semaphore_mem>>) src(%dma_wait3A_278 : memref<79x64xf32, #tpu.memory_space<vmem>>) dst(%dma_wait3A_275 : memref<79x64xf32, #tpu.memory_space<hbm>>)
          tpu.yield
        }) : () -> ()
      } else {
      }
    } else {
    }
    %lt3A_191 = arith.constant 10000 : i32
    %lt3A_192 = arith.cmpi slt, %add3A_177, %lt3A_191 : i32
    %add3A_193 = arith.constant 79 : i32
    %add3A_194 = arith.addi %add3A_177, %add3A_193 : i32
    %gt3A_195 = arith.constant 10000 : i32
    %gt3A_196 = arith.cmpi sgt, %add3A_194, %gt3A_195 : i32
    %and3A_197 = arith.andi %lt3A_192, %gt3A_196 : i1
    %convert_element_type3A_198 = arith.extui %and3A_197 : i1 to i32
    %cond3A_199 = arith.constant 0 : i32
    %cond3A_200 = arith.cmpi ne, %convert_element_type3A_198, %cond3A_199 : i32
    scf.if %cond3A_200 {
      %eq3A_251 = arith.constant 0 : i32
      %eq3A_252 = arith.cmpi eq, %arg0, %eq3A_251 : i32
      %convert_element_type3A_253 = arith.extui %eq3A_252 : i1 to i32
      %cond3A_254 = arith.constant 0 : i32
      %cond3A_255 = arith.cmpi ne, %convert_element_type3A_253, %cond3A_254 : i32
      scf.if %cond3A_255 {
        "tpu.region"() ({
          %run_scoped3A = tpu.sem_alloc : memref<!tpu.dma_semaphore, #tpu.memory_space<semaphore_mem>>
          %dma_start3A = arith.constant 0 : i32
          %dma_start3A_261 = arith.constant 0 : i32
          %dma_start3A_262 = tpu.memref_slice %arg12[%dma_start3A, %dma_start3A_261] : memref<128x64xf32, #tpu.memory_space<vmem>> -> memref<46x64xf32, #tpu.memory_space<vmem>>
          %dma_start3A_263 = arith.constant 0 : i32
          %dma_start3A_264 = tpu.memref_slice %arg9[%add3A_177, %dma_start3A_263] : memref<10000x128xf32, #tpu.memory_space<hbm>> -> memref<46x64xf32, #tpu.memory_space<hbm>>
          %dma_start3A_265 = arith.constant 0 : i32
          %dma_start3A_266 = tpu.memref_slice %arg9[%add3A_177, %dma_start3A_265] : memref<10000x128xf32, #tpu.memory_space<hbm>> -> memref<46x64xf32, #tpu.memory_space<hbm>>
          %dma_start3A_267 = arith.constant 0 : i32
          %dma_start3A_268 = arith.constant 0 : i32
          %dma_start3A_269 = tpu.memref_slice %arg12[%dma_start3A_267, %dma_start3A_268] : memref<128x64xf32, #tpu.memory_space<vmem>> -> memref<46x64xf32, #tpu.memory_space<vmem>>
          tpu.enqueue_dma source(%dma_start3A_269 : memref<46x64xf32, #tpu.memory_space<vmem>>) target(%dma_start3A_266 : memref<46x64xf32, #tpu.memory_space<hbm>>) target_semaphore(%run_scoped3A : memref<!tpu.dma_semaphore, #tpu.memory_space<semaphore_mem>>)
          %dma_wait3A = arith.constant 0 : i32
          %dma_wait3A_270 = arith.constant 0 : i32
          %dma_wait3A_271 = tpu.memref_slice %arg12[%dma_wait3A, %dma_wait3A_270] : memref<128x64xf32, #tpu.memory_space<vmem>> -> memref<46x64xf32, #tpu.memory_space<vmem>>
          %dma_wait3A_272 = arith.constant 0 : i32
          %dma_wait3A_273 = tpu.memref_slice %arg9[%add3A_177, %dma_wait3A_272] : memref<10000x128xf32, #tpu.memory_space<hbm>> -> memref<46x64xf32, #tpu.memory_space<hbm>>
          %dma_wait3A_274 = arith.constant 0 : i32
          %dma_wait3A_275 = tpu.memref_slice %arg9[%add3A_177, %dma_wait3A_274] : memref<10000x128xf32, #tpu.memory_space<hbm>> -> memref<46x64xf32, #tpu.memory_space<hbm>>
          %dma_wait3A_276 = arith.constant 0 : i32
          %dma_wait3A_277 = arith.constant 0 : i32
          %dma_wait3A_278 = tpu.memref_slice %arg12[%dma_wait3A_276, %dma_wait3A_277] : memref<128x64xf32, #tpu.memory_space<vmem>> -> memref<46x64xf32, #tpu.memory_space<vmem>>
          tpu.wait_dma2 semaphore(%run_scoped3A : memref<!tpu.dma_semaphore, #tpu.memory_space<semaphore_mem>>) src(%dma_wait3A_278 : memref<46x64xf32, #tpu.memory_space<vmem>>) dst(%dma_wait3A_275 : memref<46x64xf32, #tpu.memory_space<hbm>>)
          tpu.yield
        }) : () -> ()
      } else {
      }
      %eq3A_256 = arith.constant 1 : i32
      %eq3A_257 = arith.cmpi eq, %arg0, %eq3A_256 : i32
      %convert_element_type3A_258 = arith.extui %eq3A_257 : i1 to i32
      %cond3A_259 = arith.constant 0 : i32
      %cond3A_260 = arith.cmpi ne, %convert_element_type3A_258, %cond3A_259 : i32
      scf.if %cond3A_260 {
        "tpu.region"() ({
          %run_scoped3A = tpu.sem_alloc : memref<!tpu.dma_semaphore, #tpu.memory_space<semaphore_mem>>
          %dma_start3A = arith.constant 0 : i32
          %dma_start3A_261 = arith.constant 0 : i32
          %dma_start3A_262 = tpu.memref_slice %arg12[%dma_start3A, %dma_start3A_261] : memref<128x64xf32, #tpu.memory_space<vmem>> -> memref<46x64xf32, #tpu.memory_space<vmem>>
          %dma_start3A_263 = arith.constant 64 : i32
          %dma_start3A_264 = tpu.memref_slice %arg9[%add3A_177, %dma_start3A_263] : memref<10000x128xf32, #tpu.memory_space<hbm>> -> memref<46x64xf32, #tpu.memory_space<hbm>>
          %dma_start3A_265 = arith.constant 64 : i32
          %dma_start3A_266 = tpu.memref_slice %arg9[%add3A_177, %dma_start3A_265] : memref<10000x128xf32, #tpu.memory_space<hbm>> -> memref<46x64xf32, #tpu.memory_space<hbm>>
          %dma_start3A_267 = arith.constant 0 : i32
          %dma_start3A_268 = arith.constant 0 : i32
          %dma_start3A_269 = tpu.memref_slice %arg12[%dma_start3A_267, %dma_start3A_268] : memref<128x64xf32, #tpu.memory_space<vmem>> -> memref<46x64xf32, #tpu.memory_space<vmem>>
          tpu.enqueue_dma source(%dma_start3A_269 : memref<46x64xf32, #tpu.memory_space<vmem>>) target(%dma_start3A_266 : memref<46x64xf32, #tpu.memory_space<hbm>>) target_semaphore(%run_scoped3A : memref<!tpu.dma_semaphore, #tpu.memory_space<semaphore_mem>>)
          %dma_wait3A = arith.constant 0 : i32
          %dma_wait3A_270 = arith.constant 0 : i32
          %dma_wait3A_271 = tpu.memref_slice %arg12[%dma_wait3A, %dma_wait3A_270] : memref<128x64xf32, #tpu.memory_space<vmem>> -> memref<46x64xf32, #tpu.memory_space<vmem>>
          %dma_wait3A_272 = arith.constant 64 : i32
          %dma_wait3A_273 = tpu.memref_slice %arg9[%add3A_177, %dma_wait3A_272] : memref<10000x128xf32, #tpu.memory_space<hbm>> -> memref<46x64xf32, #tpu.memory_space<hbm>>
          %dma_wait3A_274 = arith.constant 64 : i32
          %dma_wait3A_275 = tpu.memref_slice %arg9[%add3A_177, %dma_wait3A_274] : memref<10000x128xf32, #tpu.memory_space<hbm>> -> memref<46x64xf32, #tpu.memory_space<hbm>>
          %dma_wait3A_276 = arith.constant 0 : i32
          %dma_wait3A_277 = arith.constant 0 : i32
          %dma_wait3A_278 = tpu.memref_slice %arg12[%dma_wait3A_276, %dma_wait3A_277] : memref<128x64xf32, #tpu.memory_space<vmem>> -> memref<46x64xf32, #tpu.memory_space<vmem>>
          tpu.wait_dma2 semaphore(%run_scoped3A : memref<!tpu.dma_semaphore, #tpu.memory_space<semaphore_mem>>) src(%dma_wait3A_278 : memref<46x64xf32, #tpu.memory_space<vmem>>) dst(%dma_wait3A_275 : memref<46x64xf32, #tpu.memory_space<hbm>>)
          tpu.yield
        }) : () -> ()
      } else {
      }
    } else {
    }
    %add3A_201 = arith.constant 474 : i32
    %add3A_202 = arith.addi %mul3A_5, %add3A_201 : i32
    "tpu.region"() ({
      %run_scoped3A = tpu.sem_alloc : memref<!tpu.dma_semaphore, #tpu.memory_space<semaphore_mem>>
      %dma_start3A = arith.constant 0 : i32
      %dma_start3A_251 = arith.constant 0 : i32
      %dma_start3A_252 = tpu.memref_slice %arg12[%dma_start3A, %dma_start3A_251] : memref<128x64xf32, #tpu.memory_space<vmem>> -> memref<79x64xf32, #tpu.memory_space<vmem>>
      %dma_start3A_253 = arith.constant 0 : i32
      %dma_start3A_254 = tpu.memref_slice %arg21[%add3A_202, %dma_start3A_253] : memref<10112x64xf32, #tpu.memory_space<vmem_shared>> -> memref<79x64xf32, #tpu.memory_space<vmem_shared>>
      %dma_start3A_255 = arith.constant 0 : i32
      %dma_start3A_256 = arith.constant 0 : i32
      %dma_start3A_257 = tpu.memref_slice %arg12[%dma_start3A_255, %dma_start3A_256] : memref<128x64xf32, #tpu.memory_space<vmem>> -> memref<79x64xf32, #tpu.memory_space<vmem>>
      %dma_start3A_258 = arith.constant 0 : i32
      %dma_start3A_259 = tpu.memref_slice %arg21[%add3A_202, %dma_start3A_258] : memref<10112x64xf32, #tpu.memory_space<vmem_shared>> -> memref<79x64xf32, #tpu.memory_space<vmem_shared>>
      tpu.enqueue_dma source(%dma_start3A_259 : memref<79x64xf32, #tpu.memory_space<vmem_shared>>) target(%dma_start3A_257 : memref<79x64xf32, #tpu.memory_space<vmem>>) target_semaphore(%run_scoped3A : memref<!tpu.dma_semaphore, #tpu.memory_space<semaphore_mem>>)
      %dma_wait3A = arith.constant 0 : i32
      %dma_wait3A_260 = arith.constant 0 : i32
      %dma_wait3A_261 = tpu.memref_slice %arg12[%dma_wait3A, %dma_wait3A_260] : memref<128x64xf32, #tpu.memory_space<vmem>> -> memref<79x64xf32, #tpu.memory_space<vmem>>
      %dma_wait3A_262 = arith.constant 0 : i32
      %dma_wait3A_263 = tpu.memref_slice %arg21[%add3A_202, %dma_wait3A_262] : memref<10112x64xf32, #tpu.memory_space<vmem_shared>> -> memref<79x64xf32, #tpu.memory_space<vmem_shared>>
      %dma_wait3A_264 = arith.constant 0 : i32
      %dma_wait3A_265 = arith.constant 0 : i32
      %dma_wait3A_266 = tpu.memref_slice %arg12[%dma_wait3A_264, %dma_wait3A_265] : memref<128x64xf32, #tpu.memory_space<vmem>> -> memref<79x64xf32, #tpu.memory_space<vmem>>
      %dma_wait3A_267 = arith.constant 0 : i32
      %dma_wait3A_268 = tpu.memref_slice %arg21[%add3A_202, %dma_wait3A_267] : memref<10112x64xf32, #tpu.memory_space<vmem_shared>> -> memref<79x64xf32, #tpu.memory_space<vmem_shared>>
      tpu.wait_dma2 semaphore(%run_scoped3A : memref<!tpu.dma_semaphore, #tpu.memory_space<semaphore_mem>>) src(%dma_wait3A_268 : memref<79x64xf32, #tpu.memory_space<vmem_shared>>) dst(%dma_wait3A_266 : memref<79x64xf32, #tpu.memory_space<vmem>>)
      tpu.yield
    }) : () -> ()
    %scan3A_203 = arith.constant 0 : i32
    %scan3A_204 = arith.constant 0 : i32
    %scan3A_205 = arith.constant 79 : i32
    %scan3A_206 = arith.addi %scan3A_204, %scan3A_205 : i32
    %scan3A_207 = arith.constant 1 : i32
    scf.for %scan3A_251 = %scan3A_204 to %scan3A_206 step %scan3A_207  : i32 {
      %add3A_252 = arith.constant 474 : i32
      %add3A_253 = arith.addi %select_n3A, %add3A_252 : i32
      %broadcast_in_dim3A = vector.broadcast %add3A_253 : i32 to vector<16xi32>
      %add3A_254 = vector.broadcast %scan3A_251 : i32 to vector<16xi32>
      %add3A_255 = arith.addi %broadcast_in_dim3A, %add3A_254 : vector<16xi32>
      %gather3A = tpu.vector_load_idx %arg19[%add3A_255] : memref<640xf32, #tpu.memory_space<vmem>>[vector<16xi32>], vector<16xf32>,
      %get3A_256 = arith.index_cast %scan3A_251 : i32 to index
      %get3A_257 = arith.constant 0 : index
      %get3A_258 = tpu.vector_load %arg12[%get3A_256, %get3A_257] {strides = array<i32>} : memref<128x64xf32, #tpu.memory_space<vmem>>, vector<16xf32>,
      %mul3A_259 = arith.mulf %get3A_258, %gather3A : vector<16xf32>
      %add3A_260 = arith.addf %mul3A_259, %get3A_36 : vector<16xf32>
      %max3A = arith.constant 0.000000e+00 : f32
      %max3A_261 = vector.broadcast %max3A : f32 to vector<16xf32>
      %max3A_262 = arith.maximumf %add3A_260, %max3A_261 : vector<16xf32>
      %swap3A = arith.index_cast %scan3A_251 : i32 to index
      %swap3A_263 = arith.constant 0 : index
      %swap3A_264 = tpu.vector_load %arg12[%swap3A, %swap3A_263] {strides = array<i32>} : memref<128x64xf32, #tpu.memory_space<vmem>>, vector<16xf32>,
      tpu.vector_store %arg12[%swap3A, %swap3A_263], %max3A_262 {strides = array<i32>} : memref<128x64xf32, #tpu.memory_space<vmem>>, vector<16xf32>,
      %get3A_265 = arith.index_cast %scan3A_251 : i32 to index
      %get3A_266 = arith.constant 16 : index
      %get3A_267 = tpu.vector_load %arg12[%get3A_265, %get3A_266] {strides = array<i32>} : memref<128x64xf32, #tpu.memory_space<vmem>>, vector<16xf32>,
      %mul3A_268 = arith.mulf %get3A_267, %gather3A : vector<16xf32>
      %add3A_269 = arith.addf %mul3A_268, %get3A_42 : vector<16xf32>
      %max3A_270 = arith.constant 0.000000e+00 : f32
      %max3A_271 = vector.broadcast %max3A_270 : f32 to vector<16xf32>
      %max3A_272 = arith.maximumf %add3A_269, %max3A_271 : vector<16xf32>
      %swap3A_273 = arith.index_cast %scan3A_251 : i32 to index
      %swap3A_274 = arith.constant 16 : index
      %swap3A_275 = tpu.vector_load %arg12[%swap3A_273, %swap3A_274] {strides = array<i32>} : memref<128x64xf32, #tpu.memory_space<vmem>>, vector<16xf32>,
      tpu.vector_store %arg12[%swap3A_273, %swap3A_274], %max3A_272 {strides = array<i32>} : memref<128x64xf32, #tpu.memory_space<vmem>>, vector<16xf32>,
      %get3A_276 = arith.index_cast %scan3A_251 : i32 to index
      %get3A_277 = arith.constant 32 : index
      %get3A_278 = tpu.vector_load %arg12[%get3A_276, %get3A_277] {strides = array<i32>} : memref<128x64xf32, #tpu.memory_space<vmem>>, vector<16xf32>,
      %mul3A_279 = arith.mulf %get3A_278, %gather3A : vector<16xf32>
      %add3A_280 = arith.addf %mul3A_279, %get3A_48 : vector<16xf32>
      %max3A_281 = arith.constant 0.000000e+00 : f32
      %max3A_282 = vector.broadcast %max3A_281 : f32 to vector<16xf32>
      %max3A_283 = arith.maximumf %add3A_280, %max3A_282 : vector<16xf32>
      %swap3A_284 = arith.index_cast %scan3A_251 : i32 to index
      %swap3A_285 = arith.constant 32 : index
      %swap3A_286 = tpu.vector_load %arg12[%swap3A_284, %swap3A_285] {strides = array<i32>} : memref<128x64xf32, #tpu.memory_space<vmem>>, vector<16xf32>,
      tpu.vector_store %arg12[%swap3A_284, %swap3A_285], %max3A_283 {strides = array<i32>} : memref<128x64xf32, #tpu.memory_space<vmem>>, vector<16xf32>,
      %get3A_287 = arith.index_cast %scan3A_251 : i32 to index
      %get3A_288 = arith.constant 48 : index
      %get3A_289 = tpu.vector_load %arg12[%get3A_287, %get3A_288] {strides = array<i32>} : memref<128x64xf32, #tpu.memory_space<vmem>>, vector<16xf32>,
      %mul3A_290 = arith.mulf %get3A_289, %gather3A : vector<16xf32>
      %add3A_291 = arith.addf %mul3A_290, %get3A_54 : vector<16xf32>
      %max3A_292 = arith.constant 0.000000e+00 : f32
      %max3A_293 = vector.broadcast %max3A_292 : f32 to vector<16xf32>
      %max3A_294 = arith.maximumf %add3A_291, %max3A_293 : vector<16xf32>
      %swap3A_295 = arith.index_cast %scan3A_251 : i32 to index
      %swap3A_296 = arith.constant 48 : index
      %swap3A_297 = tpu.vector_load %arg12[%swap3A_295, %swap3A_296] {strides = array<i32>} : memref<128x64xf32, #tpu.memory_space<vmem>>, vector<16xf32>,
      tpu.vector_store %arg12[%swap3A_295, %swap3A_296], %max3A_294 {strides = array<i32>} : memref<128x64xf32, #tpu.memory_space<vmem>>, vector<16xf32>,
    }
    %scan3A_208 = arith.constant 79 : i32
    %add3A_209 = arith.constant 79 : i32
    %add3A_210 = arith.addi %add3A_202, %add3A_209 : i32
    %le3A_211 = arith.constant 10000 : i32
    %le3A_212 = arith.cmpi sle, %add3A_210, %le3A_211 : i32
    %convert_element_type3A_213 = arith.extui %le3A_212 : i1 to i32
    %cond3A_214 = arith.constant 0 : i32
    %cond3A_215 = arith.cmpi ne, %convert_element_type3A_213, %cond3A_214 : i32
    scf.if %cond3A_215 {
      %eq3A_251 = arith.constant 0 : i32
      %eq3A_252 = arith.cmpi eq, %arg0, %eq3A_251 : i32
      %convert_element_type3A_253 = arith.extui %eq3A_252 : i1 to i32
      %cond3A_254 = arith.constant 0 : i32
      %cond3A_255 = arith.cmpi ne, %convert_element_type3A_253, %cond3A_254 : i32
      scf.if %cond3A_255 {
        "tpu.region"() ({
          %run_scoped3A = tpu.sem_alloc : memref<!tpu.dma_semaphore, #tpu.memory_space<semaphore_mem>>
          %dma_start3A = arith.constant 0 : i32
          %dma_start3A_261 = arith.constant 0 : i32
          %dma_start3A_262 = tpu.memref_slice %arg12[%dma_start3A, %dma_start3A_261] : memref<128x64xf32, #tpu.memory_space<vmem>> -> memref<79x64xf32, #tpu.memory_space<vmem>>
          %dma_start3A_263 = arith.constant 0 : i32
          %dma_start3A_264 = tpu.memref_slice %arg9[%add3A_202, %dma_start3A_263] : memref<10000x128xf32, #tpu.memory_space<hbm>> -> memref<79x64xf32, #tpu.memory_space<hbm>>
          %dma_start3A_265 = arith.constant 0 : i32
          %dma_start3A_266 = tpu.memref_slice %arg9[%add3A_202, %dma_start3A_265] : memref<10000x128xf32, #tpu.memory_space<hbm>> -> memref<79x64xf32, #tpu.memory_space<hbm>>
          %dma_start3A_267 = arith.constant 0 : i32
          %dma_start3A_268 = arith.constant 0 : i32
          %dma_start3A_269 = tpu.memref_slice %arg12[%dma_start3A_267, %dma_start3A_268] : memref<128x64xf32, #tpu.memory_space<vmem>> -> memref<79x64xf32, #tpu.memory_space<vmem>>
          tpu.enqueue_dma source(%dma_start3A_269 : memref<79x64xf32, #tpu.memory_space<vmem>>) target(%dma_start3A_266 : memref<79x64xf32, #tpu.memory_space<hbm>>) target_semaphore(%run_scoped3A : memref<!tpu.dma_semaphore, #tpu.memory_space<semaphore_mem>>)
          %dma_wait3A = arith.constant 0 : i32
          %dma_wait3A_270 = arith.constant 0 : i32
          %dma_wait3A_271 = tpu.memref_slice %arg12[%dma_wait3A, %dma_wait3A_270] : memref<128x64xf32, #tpu.memory_space<vmem>> -> memref<79x64xf32, #tpu.memory_space<vmem>>
          %dma_wait3A_272 = arith.constant 0 : i32
          %dma_wait3A_273 = tpu.memref_slice %arg9[%add3A_202, %dma_wait3A_272] : memref<10000x128xf32, #tpu.memory_space<hbm>> -> memref<79x64xf32, #tpu.memory_space<hbm>>
          %dma_wait3A_274 = arith.constant 0 : i32
          %dma_wait3A_275 = tpu.memref_slice %arg9[%add3A_202, %dma_wait3A_274] : memref<10000x128xf32, #tpu.memory_space<hbm>> -> memref<79x64xf32, #tpu.memory_space<hbm>>
          %dma_wait3A_276 = arith.constant 0 : i32
          %dma_wait3A_277 = arith.constant 0 : i32
          %dma_wait3A_278 = tpu.memref_slice %arg12[%dma_wait3A_276, %dma_wait3A_277] : memref<128x64xf32, #tpu.memory_space<vmem>> -> memref<79x64xf32, #tpu.memory_space<vmem>>
          tpu.wait_dma2 semaphore(%run_scoped3A : memref<!tpu.dma_semaphore, #tpu.memory_space<semaphore_mem>>) src(%dma_wait3A_278 : memref<79x64xf32, #tpu.memory_space<vmem>>) dst(%dma_wait3A_275 : memref<79x64xf32, #tpu.memory_space<hbm>>)
          tpu.yield
        }) : () -> ()
      } else {
      }
      %eq3A_256 = arith.constant 1 : i32
      %eq3A_257 = arith.cmpi eq, %arg0, %eq3A_256 : i32
      %convert_element_type3A_258 = arith.extui %eq3A_257 : i1 to i32
      %cond3A_259 = arith.constant 0 : i32
      %cond3A_260 = arith.cmpi ne, %convert_element_type3A_258, %cond3A_259 : i32
      scf.if %cond3A_260 {
        "tpu.region"() ({
          %run_scoped3A = tpu.sem_alloc : memref<!tpu.dma_semaphore, #tpu.memory_space<semaphore_mem>>
          %dma_start3A = arith.constant 0 : i32
          %dma_start3A_261 = arith.constant 0 : i32
          %dma_start3A_262 = tpu.memref_slice %arg12[%dma_start3A, %dma_start3A_261] : memref<128x64xf32, #tpu.memory_space<vmem>> -> memref<79x64xf32, #tpu.memory_space<vmem>>
          %dma_start3A_263 = arith.constant 64 : i32
          %dma_start3A_264 = tpu.memref_slice %arg9[%add3A_202, %dma_start3A_263] : memref<10000x128xf32, #tpu.memory_space<hbm>> -> memref<79x64xf32, #tpu.memory_space<hbm>>
          %dma_start3A_265 = arith.constant 64 : i32
          %dma_start3A_266 = tpu.memref_slice %arg9[%add3A_202, %dma_start3A_265] : memref<10000x128xf32, #tpu.memory_space<hbm>> -> memref<79x64xf32, #tpu.memory_space<hbm>>
          %dma_start3A_267 = arith.constant 0 : i32
          %dma_start3A_268 = arith.constant 0 : i32
          %dma_start3A_269 = tpu.memref_slice %arg12[%dma_start3A_267, %dma_start3A_268] : memref<128x64xf32, #tpu.memory_space<vmem>> -> memref<79x64xf32, #tpu.memory_space<vmem>>
          tpu.enqueue_dma source(%dma_start3A_269 : memref<79x64xf32, #tpu.memory_space<vmem>>) target(%dma_start3A_266 : memref<79x64xf32, #tpu.memory_space<hbm>>) target_semaphore(%run_scoped3A : memref<!tpu.dma_semaphore, #tpu.memory_space<semaphore_mem>>)
          %dma_wait3A = arith.constant 0 : i32
          %dma_wait3A_270 = arith.constant 0 : i32
          %dma_wait3A_271 = tpu.memref_slice %arg12[%dma_wait3A, %dma_wait3A_270] : memref<128x64xf32, #tpu.memory_space<vmem>> -> memref<79x64xf32, #tpu.memory_space<vmem>>
          %dma_wait3A_272 = arith.constant 64 : i32
          %dma_wait3A_273 = tpu.memref_slice %arg9[%add3A_202, %dma_wait3A_272] : memref<10000x128xf32, #tpu.memory_space<hbm>> -> memref<79x64xf32, #tpu.memory_space<hbm>>
          %dma_wait3A_274 = arith.constant 64 : i32
          %dma_wait3A_275 = tpu.memref_slice %arg9[%add3A_202, %dma_wait3A_274] : memref<10000x128xf32, #tpu.memory_space<hbm>> -> memref<79x64xf32, #tpu.memory_space<hbm>>
          %dma_wait3A_276 = arith.constant 0 : i32
          %dma_wait3A_277 = arith.constant 0 : i32
          %dma_wait3A_278 = tpu.memref_slice %arg12[%dma_wait3A_276, %dma_wait3A_277] : memref<128x64xf32, #tpu.memory_space<vmem>> -> memref<79x64xf32, #tpu.memory_space<vmem>>
          tpu.wait_dma2 semaphore(%run_scoped3A : memref<!tpu.dma_semaphore, #tpu.memory_space<semaphore_mem>>) src(%dma_wait3A_278 : memref<79x64xf32, #tpu.memory_space<vmem>>) dst(%dma_wait3A_275 : memref<79x64xf32, #tpu.memory_space<hbm>>)
          tpu.yield
        }) : () -> ()
      } else {
      }
    } else {
    }
    %lt3A_216 = arith.constant 10000 : i32
    %lt3A_217 = arith.cmpi slt, %add3A_202, %lt3A_216 : i32
    %add3A_218 = arith.constant 79 : i32
    %add3A_219 = arith.addi %add3A_202, %add3A_218 : i32
    %gt3A_220 = arith.constant 10000 : i32
    %gt3A_221 = arith.cmpi sgt, %add3A_219, %gt3A_220 : i32
    %and3A_222 = arith.andi %lt3A_217, %gt3A_221 : i1
    %convert_element_type3A_223 = arith.extui %and3A_222 : i1 to i32
    %cond3A_224 = arith.constant 0 : i32
    %cond3A_225 = arith.cmpi ne, %convert_element_type3A_223, %cond3A_224 : i32
    scf.if %cond3A_225 {
      %eq3A_251 = arith.constant 0 : i32
      %eq3A_252 = arith.cmpi eq, %arg0, %eq3A_251 : i32
      %convert_element_type3A_253 = arith.extui %eq3A_252 : i1 to i32
      %cond3A_254 = arith.constant 0 : i32
      %cond3A_255 = arith.cmpi ne, %convert_element_type3A_253, %cond3A_254 : i32
      scf.if %cond3A_255 {
        "tpu.region"() ({
          %run_scoped3A = tpu.sem_alloc : memref<!tpu.dma_semaphore, #tpu.memory_space<semaphore_mem>>
          %dma_start3A = arith.constant 0 : i32
          %dma_start3A_261 = arith.constant 0 : i32
          %dma_start3A_262 = tpu.memref_slice %arg12[%dma_start3A, %dma_start3A_261] : memref<128x64xf32, #tpu.memory_space<vmem>> -> memref<46x64xf32, #tpu.memory_space<vmem>>
          %dma_start3A_263 = arith.constant 0 : i32
          %dma_start3A_264 = tpu.memref_slice %arg9[%add3A_202, %dma_start3A_263] : memref<10000x128xf32, #tpu.memory_space<hbm>> -> memref<46x64xf32, #tpu.memory_space<hbm>>
          %dma_start3A_265 = arith.constant 0 : i32
          %dma_start3A_266 = tpu.memref_slice %arg9[%add3A_202, %dma_start3A_265] : memref<10000x128xf32, #tpu.memory_space<hbm>> -> memref<46x64xf32, #tpu.memory_space<hbm>>
          %dma_start3A_267 = arith.constant 0 : i32
          %dma_start3A_268 = arith.constant 0 : i32
          %dma_start3A_269 = tpu.memref_slice %arg12[%dma_start3A_267, %dma_start3A_268] : memref<128x64xf32, #tpu.memory_space<vmem>> -> memref<46x64xf32, #tpu.memory_space<vmem>>
          tpu.enqueue_dma source(%dma_start3A_269 : memref<46x64xf32, #tpu.memory_space<vmem>>) target(%dma_start3A_266 : memref<46x64xf32, #tpu.memory_space<hbm>>) target_semaphore(%run_scoped3A : memref<!tpu.dma_semaphore, #tpu.memory_space<semaphore_mem>>)
          %dma_wait3A = arith.constant 0 : i32
          %dma_wait3A_270 = arith.constant 0 : i32
          %dma_wait3A_271 = tpu.memref_slice %arg12[%dma_wait3A, %dma_wait3A_270] : memref<128x64xf32, #tpu.memory_space<vmem>> -> memref<46x64xf32, #tpu.memory_space<vmem>>
          %dma_wait3A_272 = arith.constant 0 : i32
          %dma_wait3A_273 = tpu.memref_slice %arg9[%add3A_202, %dma_wait3A_272] : memref<10000x128xf32, #tpu.memory_space<hbm>> -> memref<46x64xf32, #tpu.memory_space<hbm>>
          %dma_wait3A_274 = arith.constant 0 : i32
          %dma_wait3A_275 = tpu.memref_slice %arg9[%add3A_202, %dma_wait3A_274] : memref<10000x128xf32, #tpu.memory_space<hbm>> -> memref<46x64xf32, #tpu.memory_space<hbm>>
          %dma_wait3A_276 = arith.constant 0 : i32
          %dma_wait3A_277 = arith.constant 0 : i32
          %dma_wait3A_278 = tpu.memref_slice %arg12[%dma_wait3A_276, %dma_wait3A_277] : memref<128x64xf32, #tpu.memory_space<vmem>> -> memref<46x64xf32, #tpu.memory_space<vmem>>
          tpu.wait_dma2 semaphore(%run_scoped3A : memref<!tpu.dma_semaphore, #tpu.memory_space<semaphore_mem>>) src(%dma_wait3A_278 : memref<46x64xf32, #tpu.memory_space<vmem>>) dst(%dma_wait3A_275 : memref<46x64xf32, #tpu.memory_space<hbm>>)
          tpu.yield
        }) : () -> ()
      } else {
      }
      %eq3A_256 = arith.constant 1 : i32
      %eq3A_257 = arith.cmpi eq, %arg0, %eq3A_256 : i32
      %convert_element_type3A_258 = arith.extui %eq3A_257 : i1 to i32
      %cond3A_259 = arith.constant 0 : i32
      %cond3A_260 = arith.cmpi ne, %convert_element_type3A_258, %cond3A_259 : i32
      scf.if %cond3A_260 {
        "tpu.region"() ({
          %run_scoped3A = tpu.sem_alloc : memref<!tpu.dma_semaphore, #tpu.memory_space<semaphore_mem>>
          %dma_start3A = arith.constant 0 : i32
          %dma_start3A_261 = arith.constant 0 : i32
          %dma_start3A_262 = tpu.memref_slice %arg12[%dma_start3A, %dma_start3A_261] : memref<128x64xf32, #tpu.memory_space<vmem>> -> memref<46x64xf32, #tpu.memory_space<vmem>>
          %dma_start3A_263 = arith.constant 64 : i32
          %dma_start3A_264 = tpu.memref_slice %arg9[%add3A_202, %dma_start3A_263] : memref<10000x128xf32, #tpu.memory_space<hbm>> -> memref<46x64xf32, #tpu.memory_space<hbm>>
          %dma_start3A_265 = arith.constant 64 : i32
          %dma_start3A_266 = tpu.memref_slice %arg9[%add3A_202, %dma_start3A_265] : memref<10000x128xf32, #tpu.memory_space<hbm>> -> memref<46x64xf32, #tpu.memory_space<hbm>>
          %dma_start3A_267 = arith.constant 0 : i32
          %dma_start3A_268 = arith.constant 0 : i32
          %dma_start3A_269 = tpu.memref_slice %arg12[%dma_start3A_267, %dma_start3A_268] : memref<128x64xf32, #tpu.memory_space<vmem>> -> memref<46x64xf32, #tpu.memory_space<vmem>>
          tpu.enqueue_dma source(%dma_start3A_269 : memref<46x64xf32, #tpu.memory_space<vmem>>) target(%dma_start3A_266 : memref<46x64xf32, #tpu.memory_space<hbm>>) target_semaphore(%run_scoped3A : memref<!tpu.dma_semaphore, #tpu.memory_space<semaphore_mem>>)
          %dma_wait3A = arith.constant 0 : i32
          %dma_wait3A_270 = arith.constant 0 : i32
          %dma_wait3A_271 = tpu.memref_slice %arg12[%dma_wait3A, %dma_wait3A_270] : memref<128x64xf32, #tpu.memory_space<vmem>> -> memref<46x64xf32, #tpu.memory_space<vmem>>
          %dma_wait3A_272 = arith.constant 64 : i32
          %dma_wait3A_273 = tpu.memref_slice %arg9[%add3A_202, %dma_wait3A_272] : memref<10000x128xf32, #tpu.memory_space<hbm>> -> memref<46x64xf32, #tpu.memory_space<hbm>>
          %dma_wait3A_274 = arith.constant 64 : i32
          %dma_wait3A_275 = tpu.memref_slice %arg9[%add3A_202, %dma_wait3A_274] : memref<10000x128xf32, #tpu.memory_space<hbm>> -> memref<46x64xf32, #tpu.memory_space<hbm>>
          %dma_wait3A_276 = arith.constant 0 : i32
          %dma_wait3A_277 = arith.constant 0 : i32
          %dma_wait3A_278 = tpu.memref_slice %arg12[%dma_wait3A_276, %dma_wait3A_277] : memref<128x64xf32, #tpu.memory_space<vmem>> -> memref<46x64xf32, #tpu.memory_space<vmem>>
          tpu.wait_dma2 semaphore(%run_scoped3A : memref<!tpu.dma_semaphore, #tpu.memory_space<semaphore_mem>>) src(%dma_wait3A_278 : memref<46x64xf32, #tpu.memory_space<vmem>>) dst(%dma_wait3A_275 : memref<46x64xf32, #tpu.memory_space<hbm>>)
          tpu.yield
        }) : () -> ()
      } else {
      }
    } else {
    }
    %add3A_226 = arith.constant 553 : i32
    %add3A_227 = arith.addi %mul3A_5, %add3A_226 : i32
    "tpu.region"() ({
      %run_scoped3A = tpu.sem_alloc : memref<!tpu.dma_semaphore, #tpu.memory_space<semaphore_mem>>
      %dma_start3A = arith.constant 0 : i32
      %dma_start3A_251 = arith.constant 0 : i32
      %dma_start3A_252 = tpu.memref_slice %arg12[%dma_start3A, %dma_start3A_251] : memref<128x64xf32, #tpu.memory_space<vmem>> -> memref<79x64xf32, #tpu.memory_space<vmem>>
      %dma_start3A_253 = arith.constant 0 : i32
      %dma_start3A_254 = tpu.memref_slice %arg21[%add3A_227, %dma_start3A_253] : memref<10112x64xf32, #tpu.memory_space<vmem_shared>> -> memref<79x64xf32, #tpu.memory_space<vmem_shared>>
      %dma_start3A_255 = arith.constant 0 : i32
      %dma_start3A_256 = arith.constant 0 : i32
      %dma_start3A_257 = tpu.memref_slice %arg12[%dma_start3A_255, %dma_start3A_256] : memref<128x64xf32, #tpu.memory_space<vmem>> -> memref<79x64xf32, #tpu.memory_space<vmem>>
      %dma_start3A_258 = arith.constant 0 : i32
      %dma_start3A_259 = tpu.memref_slice %arg21[%add3A_227, %dma_start3A_258] : memref<10112x64xf32, #tpu.memory_space<vmem_shared>> -> memref<79x64xf32, #tpu.memory_space<vmem_shared>>
      tpu.enqueue_dma source(%dma_start3A_259 : memref<79x64xf32, #tpu.memory_space<vmem_shared>>) target(%dma_start3A_257 : memref<79x64xf32, #tpu.memory_space<vmem>>) target_semaphore(%run_scoped3A : memref<!tpu.dma_semaphore, #tpu.memory_space<semaphore_mem>>)
      %dma_wait3A = arith.constant 0 : i32
      %dma_wait3A_260 = arith.constant 0 : i32
      %dma_wait3A_261 = tpu.memref_slice %arg12[%dma_wait3A, %dma_wait3A_260] : memref<128x64xf32, #tpu.memory_space<vmem>> -> memref<79x64xf32, #tpu.memory_space<vmem>>
      %dma_wait3A_262 = arith.constant 0 : i32
      %dma_wait3A_263 = tpu.memref_slice %arg21[%add3A_227, %dma_wait3A_262] : memref<10112x64xf32, #tpu.memory_space<vmem_shared>> -> memref<79x64xf32, #tpu.memory_space<vmem_shared>>
      %dma_wait3A_264 = arith.constant 0 : i32
      %dma_wait3A_265 = arith.constant 0 : i32
      %dma_wait3A_266 = tpu.memref_slice %arg12[%dma_wait3A_264, %dma_wait3A_265] : memref<128x64xf32, #tpu.memory_space<vmem>> -> memref<79x64xf32, #tpu.memory_space<vmem>>
      %dma_wait3A_267 = arith.constant 0 : i32
      %dma_wait3A_268 = tpu.memref_slice %arg21[%add3A_227, %dma_wait3A_267] : memref<10112x64xf32, #tpu.memory_space<vmem_shared>> -> memref<79x64xf32, #tpu.memory_space<vmem_shared>>
      tpu.wait_dma2 semaphore(%run_scoped3A : memref<!tpu.dma_semaphore, #tpu.memory_space<semaphore_mem>>) src(%dma_wait3A_268 : memref<79x64xf32, #tpu.memory_space<vmem_shared>>) dst(%dma_wait3A_266 : memref<79x64xf32, #tpu.memory_space<vmem>>)
      tpu.yield
    }) : () -> ()
    %scan3A_228 = arith.constant 0 : i32
    %scan3A_229 = arith.constant 0 : i32
    %scan3A_230 = arith.constant 79 : i32
    %scan3A_231 = arith.addi %scan3A_229, %scan3A_230 : i32
    %scan3A_232 = arith.constant 1 : i32
    scf.for %scan3A_251 = %scan3A_229 to %scan3A_231 step %scan3A_232  : i32 {
      %add3A_252 = arith.constant 553 : i32
      %add3A_253 = arith.addi %select_n3A, %add3A_252 : i32
      %broadcast_in_dim3A = vector.broadcast %add3A_253 : i32 to vector<16xi32>
      %add3A_254 = vector.broadcast %scan3A_251 : i32 to vector<16xi32>
      %add3A_255 = arith.addi %broadcast_in_dim3A, %add3A_254 : vector<16xi32>
      %gather3A = tpu.vector_load_idx %arg19[%add3A_255] : memref<640xf32, #tpu.memory_space<vmem>>[vector<16xi32>], vector<16xf32>,
      %get3A_256 = arith.index_cast %scan3A_251 : i32 to index
      %get3A_257 = arith.constant 0 : index
      %get3A_258 = tpu.vector_load %arg12[%get3A_256, %get3A_257] {strides = array<i32>} : memref<128x64xf32, #tpu.memory_space<vmem>>, vector<16xf32>,
      %mul3A_259 = arith.mulf %get3A_258, %gather3A : vector<16xf32>
      %add3A_260 = arith.addf %mul3A_259, %get3A_36 : vector<16xf32>
      %max3A = arith.constant 0.000000e+00 : f32
      %max3A_261 = vector.broadcast %max3A : f32 to vector<16xf32>
      %max3A_262 = arith.maximumf %add3A_260, %max3A_261 : vector<16xf32>
      %swap3A = arith.index_cast %scan3A_251 : i32 to index
      %swap3A_263 = arith.constant 0 : index
      %swap3A_264 = tpu.vector_load %arg12[%swap3A, %swap3A_263] {strides = array<i32>} : memref<128x64xf32, #tpu.memory_space<vmem>>, vector<16xf32>,
      tpu.vector_store %arg12[%swap3A, %swap3A_263], %max3A_262 {strides = array<i32>} : memref<128x64xf32, #tpu.memory_space<vmem>>, vector<16xf32>,
      %get3A_265 = arith.index_cast %scan3A_251 : i32 to index
      %get3A_266 = arith.constant 16 : index
      %get3A_267 = tpu.vector_load %arg12[%get3A_265, %get3A_266] {strides = array<i32>} : memref<128x64xf32, #tpu.memory_space<vmem>>, vector<16xf32>,
      %mul3A_268 = arith.mulf %get3A_267, %gather3A : vector<16xf32>
      %add3A_269 = arith.addf %mul3A_268, %get3A_42 : vector<16xf32>
      %max3A_270 = arith.constant 0.000000e+00 : f32
      %max3A_271 = vector.broadcast %max3A_270 : f32 to vector<16xf32>
      %max3A_272 = arith.maximumf %add3A_269, %max3A_271 : vector<16xf32>
      %swap3A_273 = arith.index_cast %scan3A_251 : i32 to index
      %swap3A_274 = arith.constant 16 : index
      %swap3A_275 = tpu.vector_load %arg12[%swap3A_273, %swap3A_274] {strides = array<i32>} : memref<128x64xf32, #tpu.memory_space<vmem>>, vector<16xf32>,
      tpu.vector_store %arg12[%swap3A_273, %swap3A_274], %max3A_272 {strides = array<i32>} : memref<128x64xf32, #tpu.memory_space<vmem>>, vector<16xf32>,
      %get3A_276 = arith.index_cast %scan3A_251 : i32 to index
      %get3A_277 = arith.constant 32 : index
      %get3A_278 = tpu.vector_load %arg12[%get3A_276, %get3A_277] {strides = array<i32>} : memref<128x64xf32, #tpu.memory_space<vmem>>, vector<16xf32>,
      %mul3A_279 = arith.mulf %get3A_278, %gather3A : vector<16xf32>
      %add3A_280 = arith.addf %mul3A_279, %get3A_48 : vector<16xf32>
      %max3A_281 = arith.constant 0.000000e+00 : f32
      %max3A_282 = vector.broadcast %max3A_281 : f32 to vector<16xf32>
      %max3A_283 = arith.maximumf %add3A_280, %max3A_282 : vector<16xf32>
      %swap3A_284 = arith.index_cast %scan3A_251 : i32 to index
      %swap3A_285 = arith.constant 32 : index
      %swap3A_286 = tpu.vector_load %arg12[%swap3A_284, %swap3A_285] {strides = array<i32>} : memref<128x64xf32, #tpu.memory_space<vmem>>, vector<16xf32>,
      tpu.vector_store %arg12[%swap3A_284, %swap3A_285], %max3A_283 {strides = array<i32>} : memref<128x64xf32, #tpu.memory_space<vmem>>, vector<16xf32>,
      %get3A_287 = arith.index_cast %scan3A_251 : i32 to index
      %get3A_288 = arith.constant 48 : index
      %get3A_289 = tpu.vector_load %arg12[%get3A_287, %get3A_288] {strides = array<i32>} : memref<128x64xf32, #tpu.memory_space<vmem>>, vector<16xf32>,
      %mul3A_290 = arith.mulf %get3A_289, %gather3A : vector<16xf32>
      %add3A_291 = arith.addf %mul3A_290, %get3A_54 : vector<16xf32>
      %max3A_292 = arith.constant 0.000000e+00 : f32
      %max3A_293 = vector.broadcast %max3A_292 : f32 to vector<16xf32>
      %max3A_294 = arith.maximumf %add3A_291, %max3A_293 : vector<16xf32>
      %swap3A_295 = arith.index_cast %scan3A_251 : i32 to index
      %swap3A_296 = arith.constant 48 : index
      %swap3A_297 = tpu.vector_load %arg12[%swap3A_295, %swap3A_296] {strides = array<i32>} : memref<128x64xf32, #tpu.memory_space<vmem>>, vector<16xf32>,
      tpu.vector_store %arg12[%swap3A_295, %swap3A_296], %max3A_294 {strides = array<i32>} : memref<128x64xf32, #tpu.memory_space<vmem>>, vector<16xf32>,
    }
    %scan3A_233 = arith.constant 79 : i32
    %add3A_234 = arith.constant 79 : i32
    %add3A_235 = arith.addi %add3A_227, %add3A_234 : i32
    %le3A_236 = arith.constant 10000 : i32
    %le3A_237 = arith.cmpi sle, %add3A_235, %le3A_236 : i32
    %convert_element_type3A_238 = arith.extui %le3A_237 : i1 to i32
    %cond3A_239 = arith.constant 0 : i32
    %cond3A_240 = arith.cmpi ne, %convert_element_type3A_238, %cond3A_239 : i32
    scf.if %cond3A_240 {
      %eq3A_251 = arith.constant 0 : i32
      %eq3A_252 = arith.cmpi eq, %arg0, %eq3A_251 : i32
      %convert_element_type3A_253 = arith.extui %eq3A_252 : i1 to i32
      %cond3A_254 = arith.constant 0 : i32
      %cond3A_255 = arith.cmpi ne, %convert_element_type3A_253, %cond3A_254 : i32
      scf.if %cond3A_255 {
        "tpu.region"() ({
          %run_scoped3A = tpu.sem_alloc : memref<!tpu.dma_semaphore, #tpu.memory_space<semaphore_mem>>
          %dma_start3A = arith.constant 0 : i32
          %dma_start3A_261 = arith.constant 0 : i32
          %dma_start3A_262 = tpu.memref_slice %arg12[%dma_start3A, %dma_start3A_261] : memref<128x64xf32, #tpu.memory_space<vmem>> -> memref<79x64xf32, #tpu.memory_space<vmem>>
          %dma_start3A_263 = arith.constant 0 : i32
          %dma_start3A_264 = tpu.memref_slice %arg9[%add3A_227, %dma_start3A_263] : memref<10000x128xf32, #tpu.memory_space<hbm>> -> memref<79x64xf32, #tpu.memory_space<hbm>>
          %dma_start3A_265 = arith.constant 0 : i32
          %dma_start3A_266 = tpu.memref_slice %arg9[%add3A_227, %dma_start3A_265] : memref<10000x128xf32, #tpu.memory_space<hbm>> -> memref<79x64xf32, #tpu.memory_space<hbm>>
          %dma_start3A_267 = arith.constant 0 : i32
          %dma_start3A_268 = arith.constant 0 : i32
          %dma_start3A_269 = tpu.memref_slice %arg12[%dma_start3A_267, %dma_start3A_268] : memref<128x64xf32, #tpu.memory_space<vmem>> -> memref<79x64xf32, #tpu.memory_space<vmem>>
          tpu.enqueue_dma source(%dma_start3A_269 : memref<79x64xf32, #tpu.memory_space<vmem>>) target(%dma_start3A_266 : memref<79x64xf32, #tpu.memory_space<hbm>>) target_semaphore(%run_scoped3A : memref<!tpu.dma_semaphore, #tpu.memory_space<semaphore_mem>>)
          %dma_wait3A = arith.constant 0 : i32
          %dma_wait3A_270 = arith.constant 0 : i32
          %dma_wait3A_271 = tpu.memref_slice %arg12[%dma_wait3A, %dma_wait3A_270] : memref<128x64xf32, #tpu.memory_space<vmem>> -> memref<79x64xf32, #tpu.memory_space<vmem>>
          %dma_wait3A_272 = arith.constant 0 : i32
          %dma_wait3A_273 = tpu.memref_slice %arg9[%add3A_227, %dma_wait3A_272] : memref<10000x128xf32, #tpu.memory_space<hbm>> -> memref<79x64xf32, #tpu.memory_space<hbm>>
          %dma_wait3A_274 = arith.constant 0 : i32
          %dma_wait3A_275 = tpu.memref_slice %arg9[%add3A_227, %dma_wait3A_274] : memref<10000x128xf32, #tpu.memory_space<hbm>> -> memref<79x64xf32, #tpu.memory_space<hbm>>
          %dma_wait3A_276 = arith.constant 0 : i32
          %dma_wait3A_277 = arith.constant 0 : i32
          %dma_wait3A_278 = tpu.memref_slice %arg12[%dma_wait3A_276, %dma_wait3A_277] : memref<128x64xf32, #tpu.memory_space<vmem>> -> memref<79x64xf32, #tpu.memory_space<vmem>>
          tpu.wait_dma2 semaphore(%run_scoped3A : memref<!tpu.dma_semaphore, #tpu.memory_space<semaphore_mem>>) src(%dma_wait3A_278 : memref<79x64xf32, #tpu.memory_space<vmem>>) dst(%dma_wait3A_275 : memref<79x64xf32, #tpu.memory_space<hbm>>)
          tpu.yield
        }) : () -> ()
      } else {
      }
      %eq3A_256 = arith.constant 1 : i32
      %eq3A_257 = arith.cmpi eq, %arg0, %eq3A_256 : i32
      %convert_element_type3A_258 = arith.extui %eq3A_257 : i1 to i32
      %cond3A_259 = arith.constant 0 : i32
      %cond3A_260 = arith.cmpi ne, %convert_element_type3A_258, %cond3A_259 : i32
      scf.if %cond3A_260 {
        "tpu.region"() ({
          %run_scoped3A = tpu.sem_alloc : memref<!tpu.dma_semaphore, #tpu.memory_space<semaphore_mem>>
          %dma_start3A = arith.constant 0 : i32
          %dma_start3A_261 = arith.constant 0 : i32
          %dma_start3A_262 = tpu.memref_slice %arg12[%dma_start3A, %dma_start3A_261] : memref<128x64xf32, #tpu.memory_space<vmem>> -> memref<79x64xf32, #tpu.memory_space<vmem>>
          %dma_start3A_263 = arith.constant 64 : i32
          %dma_start3A_264 = tpu.memref_slice %arg9[%add3A_227, %dma_start3A_263] : memref<10000x128xf32, #tpu.memory_space<hbm>> -> memref<79x64xf32, #tpu.memory_space<hbm>>
          %dma_start3A_265 = arith.constant 64 : i32
          %dma_start3A_266 = tpu.memref_slice %arg9[%add3A_227, %dma_start3A_265] : memref<10000x128xf32, #tpu.memory_space<hbm>> -> memref<79x64xf32, #tpu.memory_space<hbm>>
          %dma_start3A_267 = arith.constant 0 : i32
          %dma_start3A_268 = arith.constant 0 : i32
          %dma_start3A_269 = tpu.memref_slice %arg12[%dma_start3A_267, %dma_start3A_268] : memref<128x64xf32, #tpu.memory_space<vmem>> -> memref<79x64xf32, #tpu.memory_space<vmem>>
          tpu.enqueue_dma source(%dma_start3A_269 : memref<79x64xf32, #tpu.memory_space<vmem>>) target(%dma_start3A_266 : memref<79x64xf32, #tpu.memory_space<hbm>>) target_semaphore(%run_scoped3A : memref<!tpu.dma_semaphore, #tpu.memory_space<semaphore_mem>>)
          %dma_wait3A = arith.constant 0 : i32
          %dma_wait3A_270 = arith.constant 0 : i32
          %dma_wait3A_271 = tpu.memref_slice %arg12[%dma_wait3A, %dma_wait3A_270] : memref<128x64xf32, #tpu.memory_space<vmem>> -> memref<79x64xf32, #tpu.memory_space<vmem>>
          %dma_wait3A_272 = arith.constant 64 : i32
          %dma_wait3A_273 = tpu.memref_slice %arg9[%add3A_227, %dma_wait3A_272] : memref<10000x128xf32, #tpu.memory_space<hbm>> -> memref<79x64xf32, #tpu.memory_space<hbm>>
          %dma_wait3A_274 = arith.constant 64 : i32
          %dma_wait3A_275 = tpu.memref_slice %arg9[%add3A_227, %dma_wait3A_274] : memref<10000x128xf32, #tpu.memory_space<hbm>> -> memref<79x64xf32, #tpu.memory_space<hbm>>
          %dma_wait3A_276 = arith.constant 0 : i32
          %dma_wait3A_277 = arith.constant 0 : i32
          %dma_wait3A_278 = tpu.memref_slice %arg12[%dma_wait3A_276, %dma_wait3A_277] : memref<128x64xf32, #tpu.memory_space<vmem>> -> memref<79x64xf32, #tpu.memory_space<vmem>>
          tpu.wait_dma2 semaphore(%run_scoped3A : memref<!tpu.dma_semaphore, #tpu.memory_space<semaphore_mem>>) src(%dma_wait3A_278 : memref<79x64xf32, #tpu.memory_space<vmem>>) dst(%dma_wait3A_275 : memref<79x64xf32, #tpu.memory_space<hbm>>)
          tpu.yield
        }) : () -> ()
      } else {
      }
    } else {
    }
    %lt3A_241 = arith.constant 10000 : i32
    %lt3A_242 = arith.cmpi slt, %add3A_227, %lt3A_241 : i32
    %add3A_243 = arith.constant 79 : i32
    %add3A_244 = arith.addi %add3A_227, %add3A_243 : i32
    %gt3A_245 = arith.constant 10000 : i32
    %gt3A_246 = arith.cmpi sgt, %add3A_244, %gt3A_245 : i32
    %and3A_247 = arith.andi %lt3A_242, %gt3A_246 : i1
    %convert_element_type3A_248 = arith.extui %and3A_247 : i1 to i32
    %cond3A_249 = arith.constant 0 : i32
    %cond3A_250 = arith.cmpi ne, %convert_element_type3A_248, %cond3A_249 : i32
    scf.if %cond3A_250 {
      %eq3A_251 = arith.constant 0 : i32
      %eq3A_252 = arith.cmpi eq, %arg0, %eq3A_251 : i32
      %convert_element_type3A_253 = arith.extui %eq3A_252 : i1 to i32
      %cond3A_254 = arith.constant 0 : i32
      %cond3A_255 = arith.cmpi ne, %convert_element_type3A_253, %cond3A_254 : i32
      scf.if %cond3A_255 {
        "tpu.region"() ({
          %run_scoped3A = tpu.sem_alloc : memref<!tpu.dma_semaphore, #tpu.memory_space<semaphore_mem>>
          %dma_start3A = arith.constant 0 : i32
          %dma_start3A_261 = arith.constant 0 : i32
          %dma_start3A_262 = tpu.memref_slice %arg12[%dma_start3A, %dma_start3A_261] : memref<128x64xf32, #tpu.memory_space<vmem>> -> memref<46x64xf32, #tpu.memory_space<vmem>>
          %dma_start3A_263 = arith.constant 0 : i32
          %dma_start3A_264 = tpu.memref_slice %arg9[%add3A_227, %dma_start3A_263] : memref<10000x128xf32, #tpu.memory_space<hbm>> -> memref<46x64xf32, #tpu.memory_space<hbm>>
          %dma_start3A_265 = arith.constant 0 : i32
          %dma_start3A_266 = tpu.memref_slice %arg9[%add3A_227, %dma_start3A_265] : memref<10000x128xf32, #tpu.memory_space<hbm>> -> memref<46x64xf32, #tpu.memory_space<hbm>>
          %dma_start3A_267 = arith.constant 0 : i32
          %dma_start3A_268 = arith.constant 0 : i32
          %dma_start3A_269 = tpu.memref_slice %arg12[%dma_start3A_267, %dma_start3A_268] : memref<128x64xf32, #tpu.memory_space<vmem>> -> memref<46x64xf32, #tpu.memory_space<vmem>>
          tpu.enqueue_dma source(%dma_start3A_269 : memref<46x64xf32, #tpu.memory_space<vmem>>) target(%dma_start3A_266 : memref<46x64xf32, #tpu.memory_space<hbm>>) target_semaphore(%run_scoped3A : memref<!tpu.dma_semaphore, #tpu.memory_space<semaphore_mem>>)
          %dma_wait3A = arith.constant 0 : i32
          %dma_wait3A_270 = arith.constant 0 : i32
          %dma_wait3A_271 = tpu.memref_slice %arg12[%dma_wait3A, %dma_wait3A_270] : memref<128x64xf32, #tpu.memory_space<vmem>> -> memref<46x64xf32, #tpu.memory_space<vmem>>
          %dma_wait3A_272 = arith.constant 0 : i32
          %dma_wait3A_273 = tpu.memref_slice %arg9[%add3A_227, %dma_wait3A_272] : memref<10000x128xf32, #tpu.memory_space<hbm>> -> memref<46x64xf32, #tpu.memory_space<hbm>>
          %dma_wait3A_274 = arith.constant 0 : i32
          %dma_wait3A_275 = tpu.memref_slice %arg9[%add3A_227, %dma_wait3A_274] : memref<10000x128xf32, #tpu.memory_space<hbm>> -> memref<46x64xf32, #tpu.memory_space<hbm>>
          %dma_wait3A_276 = arith.constant 0 : i32
          %dma_wait3A_277 = arith.constant 0 : i32
          %dma_wait3A_278 = tpu.memref_slice %arg12[%dma_wait3A_276, %dma_wait3A_277] : memref<128x64xf32, #tpu.memory_space<vmem>> -> memref<46x64xf32, #tpu.memory_space<vmem>>
          tpu.wait_dma2 semaphore(%run_scoped3A : memref<!tpu.dma_semaphore, #tpu.memory_space<semaphore_mem>>) src(%dma_wait3A_278 : memref<46x64xf32, #tpu.memory_space<vmem>>) dst(%dma_wait3A_275 : memref<46x64xf32, #tpu.memory_space<hbm>>)
          tpu.yield
        }) : () -> ()
      } else {
      }
      %eq3A_256 = arith.constant 1 : i32
      %eq3A_257 = arith.cmpi eq, %arg0, %eq3A_256 : i32
      %convert_element_type3A_258 = arith.extui %eq3A_257 : i1 to i32
      %cond3A_259 = arith.constant 0 : i32
      %cond3A_260 = arith.cmpi ne, %convert_element_type3A_258, %cond3A_259 : i32
      scf.if %cond3A_260 {
        "tpu.region"() ({
          %run_scoped3A = tpu.sem_alloc : memref<!tpu.dma_semaphore, #tpu.memory_space<semaphore_mem>>
          %dma_start3A = arith.constant 0 : i32
          %dma_start3A_261 = arith.constant 0 : i32
          %dma_start3A_262 = tpu.memref_slice %arg12[%dma_start3A, %dma_start3A_261] : memref<128x64xf32, #tpu.memory_space<vmem>> -> memref<46x64xf32, #tpu.memory_space<vmem>>
          %dma_start3A_263 = arith.constant 64 : i32
          %dma_start3A_264 = tpu.memref_slice %arg9[%add3A_227, %dma_start3A_263] : memref<10000x128xf32, #tpu.memory_space<hbm>> -> memref<46x64xf32, #tpu.memory_space<hbm>>
          %dma_start3A_265 = arith.constant 64 : i32
          %dma_start3A_266 = tpu.memref_slice %arg9[%add3A_227, %dma_start3A_265] : memref<10000x128xf32, #tpu.memory_space<hbm>> -> memref<46x64xf32, #tpu.memory_space<hbm>>
          %dma_start3A_267 = arith.constant 0 : i32
          %dma_start3A_268 = arith.constant 0 : i32
          %dma_start3A_269 = tpu.memref_slice %arg12[%dma_start3A_267, %dma_start3A_268] : memref<128x64xf32, #tpu.memory_space<vmem>> -> memref<46x64xf32, #tpu.memory_space<vmem>>
          tpu.enqueue_dma source(%dma_start3A_269 : memref<46x64xf32, #tpu.memory_space<vmem>>) target(%dma_start3A_266 : memref<46x64xf32, #tpu.memory_space<hbm>>) target_semaphore(%run_scoped3A : memref<!tpu.dma_semaphore, #tpu.memory_space<semaphore_mem>>)
          %dma_wait3A = arith.constant 0 : i32
          %dma_wait3A_270 = arith.constant 0 : i32
          %dma_wait3A_271 = tpu.memref_slice %arg12[%dma_wait3A, %dma_wait3A_270] : memref<128x64xf32, #tpu.memory_space<vmem>> -> memref<46x64xf32, #tpu.memory_space<vmem>>
          %dma_wait3A_272 = arith.constant 64 : i32
          %dma_wait3A_273 = tpu.memref_slice %arg9[%add3A_227, %dma_wait3A_272] : memref<10000x128xf32, #tpu.memory_space<hbm>> -> memref<46x64xf32, #tpu.memory_space<hbm>>
          %dma_wait3A_274 = arith.constant 64 : i32
          %dma_wait3A_275 = tpu.memref_slice %arg9[%add3A_227, %dma_wait3A_274] : memref<10000x128xf32, #tpu.memory_space<hbm>> -> memref<46x64xf32, #tpu.memory_space<hbm>>
          %dma_wait3A_276 = arith.constant 0 : i32
          %dma_wait3A_277 = arith.constant 0 : i32
          %dma_wait3A_278 = tpu.memref_slice %arg12[%dma_wait3A_276, %dma_wait3A_277] : memref<128x64xf32, #tpu.memory_space<vmem>> -> memref<46x64xf32, #tpu.memory_space<vmem>>
          tpu.wait_dma2 semaphore(%run_scoped3A : memref<!tpu.dma_semaphore, #tpu.memory_space<semaphore_mem>>) src(%dma_wait3A_278 : memref<46x64xf32, #tpu.memory_space<vmem>>) dst(%dma_wait3A_275 : memref<46x64xf32, #tpu.memory_space<hbm>>)
          tpu.yield
        }) : () -> ()
      } else {
      }
    } else {
    }
    return
  }
}

module attributes {stable_mosaic.version = 14 : i64} {
  func.func @_mm_body(%arg0: i32, %arg1: memref<10000x128xf32, #tpu.memory_space<vmem>>, %arg2: memref<128x128xf32, #tpu.memory_space<vmem>>, %arg3: memref<10112xf32, #tpu.memory_space<vmem>>, %arg4: memref<10112xf32, #tpu.memory_space<vmem>>, %arg5: memref<10112x64xf32, #tpu.memory_space<vmem>>, %arg6: memref<10112x64xf32, #tpu.memory_space<vmem>>) attributes {dimension_semantics = [#tpu.dimension_semantics<arbitrary>], iteration_bounds = array<i64: 1>, scalar_prefetch = 0 : i64, scratch_operands = 0 : i64, tpu.core_type = #tpu.core_type<tc>, window_params = [{pipeline_mode = #tpu.pipeline_mode<synchronous>, transform_indices = @transform_0, window_bounds = array<i64: 10000, 128>}, {pipeline_mode = #tpu.pipeline_mode<synchronous>, transform_indices = @transform_1, window_bounds = array<i64: 128, 128>}, {pipeline_mode = #tpu.pipeline_mode<synchronous>, transform_indices = @transform_2, window_bounds = array<i64: 10112>}, {pipeline_mode = #tpu.pipeline_mode<synchronous>, transform_indices = @transform_3, window_bounds = array<i64: 10112>}, {pipeline_mode = #tpu.pipeline_mode<synchronous>, transform_indices = @transform_4, window_bounds = array<i64: 10112, 64>}, {pipeline_mode = #tpu.pipeline_mode<synchronous>, transform_indices = @transform_5, window_bounds = array<i64: 10112, 64>}]} {
    %get3A = arith.constant 0 : index
    %get3A_0 = arith.constant 0 : index
    %get3A_1 = vector.load %arg1[%get3A, %get3A_0] : memref<10000x128xf32, #tpu.memory_space<vmem>>, vector<10000x128xf32>
    %get3A_2 = arith.constant 0 : index
    %get3A_3 = arith.constant 0 : index
    %get3A_4 = vector.load %arg2[%get3A_2, %get3A_3] : memref<128x128xf32, #tpu.memory_space<vmem>>, vector<128x128xf32>
    %dot_general3A = arith.constant dense<0.000000e+00> : vector<10000x128xf32>
    %dot_general3A_5 = tpu.matmul %get3A_1, %get3A_4, %dot_general3A {dimension_numbers = #tpu.dot_dimension_numbers<[1], [0], [0], [1], [0, 0, 1, 1], [], []>, transpose_lhs_hint = false} : vector<10000x128xf32>, vector<128x128xf32>, vector<10000x128xf32> -> vector<10000x128xf32>
    %get3A_6 = arith.constant 0 : index
    %get3A_7 = vector.load %arg3[%get3A_6] : memref<10112xf32, #tpu.memory_space<vmem>>, vector<10000xf32>
    %get3A_8 = arith.constant 0 : index
    %get3A_9 = vector.load %arg4[%get3A_8] : memref<10112xf32, #tpu.memory_space<vmem>>, vector<10000xf32>
    %add3A = arith.addf %get3A_7, %get3A_9 : vector<10000xf32>
    %gt3A = arith.constant 0.000000e+00 : f32
    %gt3A_10 = vector.broadcast %gt3A : f32 to vector<10000xf32>
    %gt3A_11 = arith.cmpf ogt, %add3A, %gt3A_10 : vector<10000xf32>
    %max3A = arith.constant 9.99999996E-13 : f32
    %max3A_12 = vector.broadcast %max3A : f32 to vector<10000xf32>
    %max3A_13 = arith.maximumf %add3A, %max3A_12 : vector<10000xf32>
    %rsqrt3A = math.rsqrt %max3A_13 : vector<10000xf32>
    %jit3A = arith.constant 0.000000e+00 : f32
    %broadcast_in_dim3A = vector.broadcast %jit3A : f32 to vector<10000xf32>
    %select_n3A = arith.select %gt3A_11, %rsqrt3A, %broadcast_in_dim3A : vector<10000xi1>, vector<10000xf32>
    %broadcast_in_dim3A_14 = vector.shape_cast %select_n3A : vector<10000xf32> to vector<10000x1xf32>
    %mul3A = vector.broadcast %broadcast_in_dim3A_14 : vector<10000x1xf32> to vector<10000x128xf32>
    %mul3A_15 = arith.mulf %dot_general3A_5, %mul3A : vector<10000x128xf32>
    %slice3A = vector.extract_strided_slice %mul3A_15 {offsets = [0, 0], sizes = [10000, 64], strides = [1, 1]} : vector<10000x128xf32> to vector<10000x64xf32>
    %swap3A = arith.constant 0 : index
    %swap3A_16 = arith.constant 0 : index
    %swap3A_17 = vector.load %arg5[%swap3A, %swap3A_16] : memref<10112x64xf32, #tpu.memory_space<vmem>>, vector<10000x64xf32>
    tpu.vector_store %arg5[%swap3A, %swap3A_16], %slice3A {strides = array<i32>} : memref<10112x64xf32, #tpu.memory_space<vmem>>, vector<10000x64xf32>,
    %slice3A_18 = vector.extract_strided_slice %mul3A_15 {offsets = [0, 64], sizes = [10000, 64], strides = [1, 1]} : vector<10000x128xf32> to vector<10000x64xf32>
    %swap3A_19 = arith.constant 0 : index
    %swap3A_20 = arith.constant 0 : index
    %swap3A_21 = vector.load %arg6[%swap3A_19, %swap3A_20] : memref<10112x64xf32, #tpu.memory_space<vmem>>, vector<10000x64xf32>
    tpu.vector_store %arg6[%swap3A_19, %swap3A_20], %slice3A_18 {strides = array<i32>} : memref<10112x64xf32, #tpu.memory_space<vmem>>, vector<10000x64xf32>,
    %broadcast_in_dim3A_22 = arith.constant 0.000000e+00 : f32
    %broadcast_in_dim3A_23 = vector.broadcast %broadcast_in_dim3A_22 : f32 to vector<112x64xf32>
    %swap3A_24 = arith.constant 10000 : index
    %swap3A_25 = arith.constant 0 : index
    %swap3A_26 = vector.load %arg5[%swap3A_24, %swap3A_25] : memref<10112x64xf32, #tpu.memory_space<vmem>>, vector<112x64xf32>
    tpu.vector_store %arg5[%swap3A_24, %swap3A_25], %broadcast_in_dim3A_23 {strides = array<i32>} : memref<10112x64xf32, #tpu.memory_space<vmem>>, vector<112x64xf32>,
    %swap3A_27 = arith.constant 10000 : index
    %swap3A_28 = arith.constant 0 : index
    %swap3A_29 = vector.load %arg6[%swap3A_27, %swap3A_28] : memref<10112x64xf32, #tpu.memory_space<vmem>>, vector<112x64xf32>
    tpu.vector_store %arg6[%swap3A_27, %swap3A_28], %broadcast_in_dim3A_23 {strides = array<i32>} : memref<10112x64xf32, #tpu.memory_space<vmem>>, vector<112x64xf32>,
    return
  }
  func.func @transform_0(%arg0: i32) -> (i32, i32) {
    %c0_i32 = arith.constant 0 : i32
    %c0_i32_0 = arith.constant 0 : i32
    %c0_i32_1 = arith.constant 0 : i32
    return %c0_i32, %c0_i32_0 : i32, i32
  }
  func.func @transform_1(%arg0: i32) -> (i32, i32) {
    %c0_i32 = arith.constant 0 : i32
    %c0_i32_0 = arith.constant 0 : i32
    %c0_i32_1 = arith.constant 0 : i32
    return %c0_i32, %c0_i32_0 : i32, i32
  }
  func.func @transform_2(%arg0: i32) -> i32 {
    %c0_i32 = arith.constant 0 : i32
    %c0_i32_0 = arith.constant 0 : i32
    return %c0_i32 : i32
  }
  func.func @transform_3(%arg0: i32) -> i32 {
    %c0_i32 = arith.constant 0 : i32
    %c0_i32_0 = arith.constant 0 : i32
    return %c0_i32 : i32
  }
  func.func @transform_4(%arg0: i32) -> (i32, i32) {
    %c0_i32 = arith.constant 0 : i32
    %c0_i32_0 = arith.constant 0 : i32
    %c0_i32_1 = arith.constant 0 : i32
    return %c0_i32, %c0_i32_0 : i32, i32
  }
  func.func @transform_5(%arg0: i32) -> (i32, i32) {
    %c0_i32 = arith.constant 0 : i32
    %c0_i32_0 = arith.constant 0 : i32
    %c0_i32_1 = arith.constant 0 : i32
    return %c0_i32, %c0_i32_0 : i32, i32
  }
}

</mosaic_0001>

<sc_bundles>
// kernel: kernel.5.cloned.1.call-start
scs
__scs_entry_jumppad:
0x0: {  	(pc) =	sbr.rel $0x88, $3  }
0x1: {  	(tag) =	ssettag $0x0;
	lr =	simm.s32 $0x1  }
0x2: {  	[smem:$0x3F9D] =	sst lr;
	_ =	strace $0xD0000000  }
0x3: {  	_ = 	snop  }
0x4: {  	_ = 	snop  }
0x5: {  	_ = 	snop  }
0x6: {  	_ = 	snop  }
0x7: {  	_ = 	snop  }
__scs_overlays_trampoline_lowered:
0x8: {  	[smem:$0x3FAC] =	sst s0  }
0x9: {  	[smem:$0x3FAD] =	sst s1  }
0xa: {  	[smem:$0x3FAE] =	sst s2  }
0xb: {  	[smem:$0x3FAF] =	sst s3  }
0xc: {  	[smem:$0x3FB0] =	sst s4  }
0xd: {  	[smem:$0x3FB1] =	sst s5  }
0xe: {  	[smem:$0x3FB2] =	sst s6  }
0xf: {  	[smem:$0x3FB3] =	sst s7  }
0x10: {  	[smem:$0x3FB4] =	sst s8  }
0x11: {  	[smem:$0x3FB5] =	sst s9;
	s0 =	simm.s32 @!p0 $0x0  }
0x12: {  	s1 =	sld [smem:$0x3F9B];
	s0 =	simm.s32 @p0 $0x1  }
0x13: {  	[smem:$0x3FB6] =	sst s0;
	s0 =	simm.s32 @!p1 $0x0  }
0x14: {  	s2 =	sld [smem:$0x3F9A];
	s0 =	simm.s32 @p1 $0x1  }
0x15: {  	[smem:$0x3FB7] =	sst s0;
	s0 =	simm.s32 @!p2 $0x0  }
0x16: {  	s3 =	sld [smem:$0x3FDB];
	s0 =	simm.s32 @p2 $0x1  }
0x17: {  	s4 =	simm.s32 $0x1BF5;
	[smem:$0x3FB9] =	sst s0  }
0x18: {  	s0 =	sld [smem:$0x3F9C];
	_ =	swait.ge [sflag:s4], $0x0  }
0x19: {  	s7 =	sld [smem:$0x3F9D]  }
0x1a: {  	s8 =	sadd.s32 $0xFFFFE003, lr  }
0x1b: {  	s9 =	sadd.s32 $0xFFFFFEF7, lr;
	s5 =	simm.s32 $0xFFFFFFFF;
	p2 =	slt.u32 s8, $0xFFFFF086  }
0x1c: {  	p1 =	slt.u32 s9, $0xF7A;
	s5 =	simm.s32 @!p2 $0x0  }
0x1d: {  	s5 =	simm.s32 @p1 $0x1;
	p0 =	seq.s32 s7, s2  }
0x1e: {  	s7 =	smul.u32 @!p0 $0xF7A, s2;
	p2 =	seq.s32 @!p0 s5, $0x0  }
0x1f: {  	s9 =	smul.u32 $0xF7A, s1;
	s8 =	simm.s32 @!p0 $0x1BF5;
	p2 =	por !p2, p0  }
0x20: {  	[sflag:s8] =	ssyncset.s32 @!p0 $0xFFFFF086;
	s6 =	sadd.s32 @!p0 s3, s7;
	s7 =	simm.s32 @!p0 $0x108  }
0x21: {  	s3 =	sadd.s32 s3, s9;
	s6 =	sadd.s32 @!p0 $0x88, s6;
	s7 =	simm.s32 @p2 $0x1082  }
0x22: {  	[simem:s7], [sflag:s8] =	dma.local @!p0 [hbm:s6], $0xF7A  }
0x23: {  	s9 =	sor.u32 $0xD0000000, s2;
	s6 =	simm.s32 $0x108;
	_ =	swait.ge @!p0 [sflag:s8], $0x0  }
0x24: {  	s3 =	sadd.s32 $0x88, s3;
	s6 =	simm.s32 @!p1 $0x1082;
	[sflag:s4] =	ssyncset.s32 $0xFFFFF086  }
0x25: {  	[simem:s6], [sflag:s4] =	dma.local [hbm:s3], $0xF7A  }
0x26: {  	[smem:$0x3F9D] =	sst s1;
	(tag) =	ssettag s2;
	_ =	strace s9  }
0x27: {  	s1 =	sld [smem:$0x3FAD]  }
0x28: {  	s2 =	sld [smem:$0x3FAE]  }
0x29: {  	s4 =	sld [smem:$0x3FB0]  }
0x2a: {  	p0 =	seq.s32 s5, $0x0;
	s5 =	sld [smem:$0x3FB1]  }
0x2b: {  	s6 =	sld [smem:$0x3FB2]  }
0x2c: {  	s7 =	sld [smem:$0x3FB3]  }
0x2d: {  	s3 =	simm.s32 $0x108;
	s8 =	sld [smem:$0x3FB4]  }
0x2e: {  	s3 =	simm.s32 @!p0 $0x1082;
	s9 =	sld [smem:$0x3FB5]  }
0x2f: {  	lr =	sadd.s32 s0, s3;
	s0 =	sld [smem:$0x3FAC]  }
0x30: {  	s3 =	sld [smem:$0x3FAF]  }
0x31: {  	[smem:$0x3FB8] =	sst s10  }
0x32: {  	s10 =	sld [smem:$0x3FB6];
	_ =	sdelay $0x3  }
0x33: {  	p0 =	seq.s32 s10, $0x1;
	s10 =	sld [smem:$0x3FB8];
	_ =	sdelay $0x3  }
0x34: {  	[smem:$0x3FB8] =	sst s10  }
0x35: {  	s10 =	sld [smem:$0x3FB7];
	_ =	sdelay $0x3  }
0x36: {  	p1 =	seq.s32 s10, $0x1;
	s10 =	sld [smem:$0x3FB8];
	_ =	sdelay $0x3  }
0x37: {  	[smem:$0x3FB8] =	sst s10  }
0x38: {  	s10 =	sld [smem:$0x3FB9]  }
0x39: {  	_ = 	snop;
	(pc) =	sbr.ind lr, $3  }
0x3a: {  	_ = 	snop  }
0x3b: {  	_ = 	snop  }
0x3c: {  	p2 =	seq.s32 s10, $0x1;
	s10 =	sld [smem:$0x3FB8]  }
0x3d: {  	_ =	shalt  }
0x3e: {  	_ =	shalt  }
0x3f: {  	_ =	shalt  }
0x40: {  	_ =	shalt  }
0x41: {  	_ =	shalt  }
0x42: {  	_ =	shalt  }
0x43: {  	_ =	shalt  }
0x44: {  	_ =	shalt  }
0x45: {  	_ =	shalt  }
0x46: {  	_ =	shalt  }
0x47: {  	_ =	shalt  }
0x48: {  	_ =	shalt  }
0x49: {  	_ =	shalt  }
0x4a: {  	_ =	shalt  }
0x4b: {  	_ =	shalt  }
0x4c: {  	_ =	shalt  }
0x4d: {  	_ =	shalt  }
0x4e: {  	_ =	shalt  }
0x4f: {  	_ =	shalt  }
0x50: {  	_ =	shalt  }
0x51: {  	_ =	shalt  }
0x52: {  	_ =	shalt  }
0x53: {  	_ =	shalt  }
0x54: {  	_ =	shalt  }
0x55: {  	_ =	shalt  }
0x56: {  	_ =	shalt  }
0x57: {  	_ =	shalt  }
0x58: {  	_ =	shalt  }
0x59: {  	_ =	shalt  }
0x5a: {  	_ =	shalt  }
0x5b: {  	_ =	shalt  }
0x5c: {  	_ =	shalt  }
0x5d: {  	_ =	shalt  }
0x5e: {  	_ =	shalt  }
0x5f: {  	_ =	shalt  }
0x60: {  	_ =	shalt  }
0x61: {  	_ =	shalt  }
0x62: {  	_ =	shalt  }
0x63: {  	_ =	shalt  }
0x64: {  	_ =	shalt  }
0x65: {  	_ =	shalt  }
0x66: {  	_ =	shalt  }
0x67: {  	_ =	shalt  }
0x68: {  	_ =	shalt  }
0x69: {  	_ =	shalt  }
0x6a: {  	_ =	shalt  }
0x6b: {  	_ =	shalt  }
0x6c: {  	_ =	shalt  }
0x6d: {  	_ =	shalt  }
0x6e: {  	_ =	shalt  }
0x6f: {  	_ =	shalt  }
0x70: {  	_ =	shalt  }
0x71: {  	_ =	shalt  }
0x72: {  	_ =	shalt  }
0x73: {  	_ =	shalt  }
0x74: {  	_ =	shalt  }
0x75: {  	_ =	shalt  }
0x76: {  	_ =	shalt  }
0x77: {  	_ =	shalt  }
0x78: {  	_ =	shalt  }
0x79: {  	_ =	shalt  }
0x7a: {  	_ =	shalt  }
0x7b: {  	_ =	shalt  }
0x7c: {  	_ =	shalt  }
0x7d: {  	_ =	shalt  }
0x7e: {  	_ =	shalt  }
0x7f: {  	_ =	shalt  }
0x80: {  	_ =	shalt  }
0x81: {  	_ =	shalt  }
0x82: {  	_ =	shalt  }
0x83: {  	_ =	shalt  }
0x84: {  	_ =	shalt  }
0x85: {  	_ =	shalt  }
0x86: {  	_ =	shalt  }
0x87: {  	_ =	shalt  }
.Lfunc_end0:
.L_simem_size_0:
called_computation_lowered:
.L_overlay_start_0:
0x88: {  	s2 =	sld [smem:$0x3FD9]  }
0x89: {  	s3 =	sld [smem:$0x3FFE];
	_ =	sdelay $0x1  }
0x8a: {  	s1 =	srdreg.scid  }
0x8b: {  	s0 =	sand.u32 $0x1, s1  }
0x8c: {  	s17 =	sshll.u32 s0, $0xA;
	s2 =	sadd.s32 s3, s2  }
0x8d: {  	s2 =	sadd.s32 s2, s17  }
0x8e: {  	[smem:$0x3FC4] =	sst s2  }
0x8f: {  	_ = 	snop  }
0x90: {  	s2 =	sld [smem:$0x3FD0];
	(tm) =	ssettm $0x1  }
0x91: {  	s18 =	sld [smem:$0x3FFB];
	_ =	sdelay $0x3  }
0x92: {  	_ =	strace s18  }
0x93: {  	s3 =	sld [smem:$0x3FFC];
	_ =	sdelay $0x3  }
0x94: {  	_ =	strace s3  }
0x95: {  	s3 =	sld [smem:$0x3FFD];
	_ =	sdelay $0x3  }
0x96: {  	_ =	strace s3  }
0x97: {  	_ =	strace $0x8FFFFFFF  }
0x98: {  	s19 =	sld [smem:$0x3FDB];
	_ =	sdelay $0x1  }
0x99: {  	s4 =	simm.s32 $_scs_section_size  }
0x9a: {  	s5 =	simm.s32 $_size__tile_overlayer_lowered;
	s6 =	simm.s32 $_tile_overlayer_lowered  }
0x9b: {  	s22 =	simm.s32 $0x1BFF;
	s21 =	sshll.u32 s6, $0x1;
	s3 =	sadd.s32 s4, s19  }
0x9c: {  	s7 =	simm.s32 $0x0;
	s20 =	sshll.u32 s5, $0x1;
	s5 =	sadd.s32 s21, s3  }
0x9d: {  	[timem:s7], [sflag:s22] =	dma.local [hbm:s5], s20  }
0x9e: {  	_ =	swait.ge [sflag:s22], s20  }
0x9f: {  	s4 =	ssub.s32 $0x0, s20;
	[sflag:s22] =	ssyncset.done $0x0  }
0xa0: {  	[sflag:s22] =	ssyncadd.s32 s4;
	_ =	sdelay $0x1  }
0xa1: {  	s23 =	simm.s32 $0x1B8B  }
0xa2: {  	_ =	swait.ge [sflag:s23], $0x1  }
0xa3: {  	[sflag:s23] =	ssyncset.done $0x0  }
0xa4: {  	s25 =	simm.s32 $0x1B8E;
	s24 =	sld [smem:$0x3FFE];
	[sflag:s23] =	ssyncadd.s32 $0xFFFFFFFF  }
0xa5: {  	s26 =	simm.s32 $execute0_lowered;
	[smem:$0x3FD2] =	sst s25  }
0xa6: {  	s5 =	sshll.u32 s26, $0x1;
	_ =	strace $0x80000046;
	[dreg:$0x1] =	wrdreg $0xFFFFFFFF  }
0xa7: {  	s28 =	simm.s32 $_size_execute0_lowered;
	s3 =	sadd.s32 s3, s5;
	[dreg:$0x0] =	wrdreg $0x0  }
0xa8: {  	s5 =	sshll.u32 s28, $0x1;
	[dreg:$0x2] =	wrdreg s3  }
0xa9: {  	[dreg:$0x3] =	wrdreg s5  }
0xaa: {  	[dreg:$0x4] =	wrdreg $0xC0  }
0xab: {  	_ =	task [dreg:s7], $0x5FFFF  }
0xac: {  	[dreg:$0x1] =	wrdreg $0xFFFFFFFF  }
0xad: {  	[dreg:$0x0] =	wrdreg $0x60  }
0xae: {  	[dreg:$0x2] =	wrdreg s24  }
0xaf: {  	[dreg:$0x3] =	wrdreg s2  }
0xb0: {  	[dreg:$0x4] =	wrdreg $0x28800  }
0xb1: {  	[dreg:$0x5] =	wrdreg $0x9  }
0xb2: {  	_ =	task.clear_ibuf [dreg:s7], $0x6FFFF;
	_ =	strace $0x90000046  }
0xb3: {  	s29 =	simm.s32 $0x9;
	_ =	strace $0x80000048  }
0xb4: {  	_ =	swait.ge [sflag:s29], $0x1  }
0xb5: {  	[sflag:s29] =	ssyncadd.s32 $0xFFFFFFFF  }
0xb6: {  	_ =	strace $0x90000048  }
0xb7: {  	_ =	sfence  }
0xb8: {  	s30 =	sld [smem:$0x0];
	_ =	sdelay $0x2  }
0xb9: {  	s31 =	sshll.u32 s1, $0xD;
	s1 =	sshrl.u32 s1, $0x2  }
0xba: {  	s3 =	sand.u32 $0x4000, s31;
	s1 =	sadd.s32 s1, s30  }
0xbb: {  	s0 =	sor.u32 s3, s0;
	s1 =	sshll.u32 s1, $0x11  }
0xbc: {  	s0 =	sor.u32 s1, s0  }
0xbd: {  	s0 =	sadd.s32 $0x8F2B, s0  }
0xbe: {  	[sflag:s0] =	ssyncadd.remote.s32 $0x1  }
0xbf: {  	_ =	sfence.sel $0xFFFF  }
0xc0: {  	[dreg:$0x0] =	wrdreg $0xFFFFFFFF;
	(pc) =	sbr.abs _section_cstart, $3  }
0xc1: {  	[dreg:$0x1] =	wrdreg $0xFFFFFFFF  }
0xc2: {  	_ =	task.clear_ibuf [dreg:s7], $0x2FFFF;
	_ =	strace $0x9FFFFFFF  }
0xc3: {  	(tm) =	ssettm $0x7FFFFFFF  }
tec
execute0_lowered:
.L_overlay_start_1:
0x0: {  	(tag) =	ssettag $0x1  }
0x1: {  	s13 =	rddreg [dreg:$0x0]  }
0x2: {  	s8 =	rddreg [dreg:$0x1]  }
0x3: {  	s0 =	srdreg.scid;
	s2 =	rddreg [dreg:$0x2]  }
0x4: {  	s3 =	simm.s32 $0x0;
	s18 =	simm.s32 $0x2800;
	s19 =	simm.s32 $0x2  }
0x5: {  	s20 =	simm.s32 $0x80;
	s21 =	simm.s32 $0x1;
	s23 =	simm.s32 $0x0  }
0x6: {  	s10 =	sand.u32 $0x1, s0;
	s0 =	stileid.u32;
	[smem:$0x7FF] =	sst s3  }
0x7: {  	s1 =	sshll.u32 s10, $0x4;
	s5 =	smul.u32 $0x280, s0;
	s6 =	ssub.s32 $0x2, s10  }
0x8: {  	p4 =	seq.s32 s10, $0x1;
	p0 =	seq.s32 s0, $0xF;
	s4 =	sor.u32 s0, s1  }
0x9: {  	s1 =	rddreg [dreg:$0x3];
	_ =	strace $0x80000047;
	s11 =	sshrl.u32 s6, $0x1  }
0xa: {  	s16 =	sshll.u32 @!p0 s0, $0x6;
	p2 =	seq.s32 @p4 s0, $0xF;
	p5 =	seq.s32 @!p4 s0, $0xF  }
0xb: {  	s4 =	smul.u32 $0x500, s4;
	s7 =	sshrl.u32 s5, $0x3;
	s14 =	ssub.s32 s6, s11  }
0xc: {  	s5 =	sadd.s32 s5, s2;
	s11 =	sadd.s32 $0x15CB0, s13;
	s16 =	sor.u32 @!p0 $0x1C02, s16  }
0xd: {  	p1 =	por !p2, !p4;
	p2 =	por p2, !p4;
	p3 =	por !p5, p4  }
0xe: {  	p4 =	por p5, p4;
	s12 =	sadd.s32 s7, s13;
	s6 =	sadd.s32 s8, s7  }
0xf: {  	s7 =	sadd.s32 $0x2580, s2;
	s8 =	sadd.s32 $0x4B0, s8;
	s14 =	smax.u32 s14, $0x1  }
0x10: {  	s17 =	sshrl.u32 @!p0 s5, $0x3;
	s9 =	sadd.s32 s4, s13;
	s4 =	sadd.s32 $0x15600, s13  }
0x11: {  	s10 =	sadd.s32 $0x15800, s12;
	s12 =	sadd.s32 $0x15E00, s12;
	s13 =	sadd.s32 $0x162B0, s13  }
0x12: {  	s15 =	sshrl.u32 @p0 s7, $0x3;
	s22 =	sshrl.u32 @!p1 s7, $0x3;
	s9 =	sadd.s32 $0xB600, s9  }
.LBB2_1:
0x13: {  	s24 =	simm.s32 @p0 $0x1FC2  }
0x14: {  	[spmem:s15], [sflag:s24] =	dma.local @p0 [hbm:s8], $0x40  }
0x15: {  	s24 =	simm.s32 @p0 $0x2  }
0x16: {  	_ =	swait.ge @p0 [sflag:s24], $0x40  }
0x17: {  	[sflag:s24] =	ssyncset.done @p0 $0x0  }
0x18: {  	[sflag:s24] =	ssyncadd.s32 @p0 $0xFFFFFFC0;
	s24 =	simm.s32 @!p0 $0x2  }
0x19: {  	[spmem:s17], [sflag:s16] =	dma.local @!p0 [hbm:s6], $0x50  }
0x1a: {  	_ =	swait.ge @!p0 [sflag:s24], $0x50  }
0x1b: {  	[sflag:s24] =	ssyncset.done @!p0 $0x0  }
0x1c: {  	[sflag:s24] =	ssyncadd.s32 @!p0 $0xFFFFFFB0  }
0x1d: {  	[tilespmem:s18], [sflag:$0x2] =	stream.linear.gather [hbm4b:s4+s3], $0x80, $0x38;
	[tilespmem:$0x2AF8] =	vst v63  }
0x1e: {  	_ =	swait.ge [sflag:s19], $0x80  }
0x1f: {  	[sflag:s19] =	ssyncset.done $0x0  }
0x20: {  	[sflag:s19] =	ssyncadd.s32 $0xFFFFFF80  }
0x21: {  	[tilespmem:s3], [sflag:$0x2] =	stream.linear.gather [hbm4b:s9+s3], $0x2800, $0x38;
	[tilespmem:$0x2AF8] =	vst v63  }
0x22: {  	_ =	swait.ge [sflag:s19], $0x2800  }
0x23: {  	[sflag:s19] =	ssyncset.done $0x0  }
0x24: {  	[sflag:s19] =	ssyncadd.s32 $0xFFFFD800  }
0x25: {  	s24 =	simm.s32 $0x0;
	[bflag:$0x0] =	sbarrier.arrive $0xFFFF  }
.LBB2_2:
0x26: {  	p5 =	sne.s32 s24, $0x9E00  }
.Ltmp0:
0x27: {  	_ = 	snop;
	(pc) =	sbr.rel @p5 .LBB2_2-.Ltmp0, $3  }
0x28: {  	_ =	sdelay $0x1  }
0x29: {  	s25 =	sshra.s32 s24, $0x2;
	s24 =	sadd.s32 $0x200, s24  }
0x2a: {  	[spmem:s2] =	stream.indirect.scatter.add.f32 [tilespmem:s18], [sflag:$0x1], $0x1, s25, s20, $0xb8;
	[tilespmem:$0x2AF8] =	vst v63  }
0x2b: {  	_ =	swait.ge [sflag:s21], $0x80  }
0x2c: {  	s24 =	simm.s32 $0x4F;
	[sflag:s21] =	ssyncset.done $0x0  }
.LBB2_4:
0x2d: {  	p5 =	sne.s32 s24, $0x1;
	s24 =	sadd.s32 $0xFFFFFFFF, s24;
	[sflag:s21] =	ssyncadd.s32 $0xFFFFFF80  }
.Ltmp1:
0x2e: {  	(pc) =	sbr.rel @p5 .LBB2_4-.Ltmp1, $3  }
0x2f: {  	_ =	sdelay $0x1  }
0x30: {  	_ =	swait.ge [sflag:s21], $0x80  }
0x31: {  	[sflag:s21] =	ssyncset.done $0x0  }
0x32: {  	[sflag:s21] =	ssyncadd.s32 $0xFFFFFF80  }
0x33: {  	s24 =	simm.s32 @!p1 $0x1FC2;
	[bflag:$0x0] =	sbarrier.arrive $0xFFFF  }
0x34: {  	[hbm:s13], [sflag:s24] =	dma.local @!p1 [spmem:s22], $0x40  }
0x35: {  	s24 =	simm.s32 @!p1 $0x2  }
0x36: {  	_ =	swait.ge @!p1 [sflag:s24], $0x40  }
0x37: {  	s25 =	sshll.u32 @!p2 s0, $0x6;
	[sflag:s24] =	ssyncset.done @!p1 $0x0  }
0x38: {  	[sflag:s24] =	ssyncadd.s32 @!p1 $0xFFFFFFC0;
	s24 =	sor.u32 @!p2 $0x1C02, s25;
	s25 =	sshrl.u32 @!p2 s5, $0x3  }
0x39: {  	[hbm:s12], [sflag:s24] =	dma.local @!p2 [spmem:s25], $0x50  }
0x3a: {  	s24 =	simm.s32 @!p2 $0x2  }
0x3b: {  	_ =	swait.ge @!p2 [sflag:s24], $0x50  }
0x3c: {  	[sflag:s24] =	ssyncset.done @!p2 $0x0  }
0x3d: {  	s25 =	simm.s32 @!p3 $0x1FC2;
	[sflag:s24] =	ssyncadd.s32 @!p2 $0xFFFFFFB0;
	s24 =	sshrl.u32 @!p3 s7, $0x3  }
0x3e: {  	[hbm:s11], [sflag:s25] =	dma.local @!p3 [spmem:s24], $0x40  }
0x3f: {  	s24 =	simm.s32 @!p3 $0x2  }
0x40: {  	s23 =	sadd.s32 $0x1, s23;
	_ =	swait.ge @!p3 [sflag:s24], $0x40  }
0x41: {  	p5 =	sne.s32 s23, s14;
	s25 =	sshll.u32 @!p4 s0, $0x6;
	[sflag:s24] =	ssyncset.done @!p3 $0x0  }
0x42: {  	[sflag:s24] =	ssyncadd.s32 @!p3 $0xFFFFFFC0;
	s24 =	sor.u32 @!p4 $0x1C02, s25;
	s25 =	sshrl.u32 @!p4 s5, $0x3  }
0x43: {  	[hbm:s10], [sflag:s24] =	dma.local @!p4 [spmem:s25], $0x50  }
.Ltmp2:
0x44: {  	_ = 	snop;
	(pc) =	sbr.rel @p5 .LBB2_1-.Ltmp2, $4  }
0x45: {  	s24 =	simm.s32 @!p4 $0x2  }
0x46: {  	_ =	swait.ge @!p4 [sflag:s24], $0x50  }
0x47: {  	[sflag:s24] =	ssyncset.done @!p4 $0x0  }
0x48: {  	[sflag:s24] =	ssyncadd.s32 @!p4 $0xFFFFFFB0  }
0x49: {  	_ =	sfence.sel $0x180000  }
0x4a: {  	[bflag:$0x0] =	sbarrier.arrive $0xFFFF  }
0x4b: {  	p0 =	sne.s32 s0, $0x0;
	_ =	strace $0x90000047  }
0x4c: {  	s0 =	sadd.s32 @!p0 $0x100000, s1;
	[bflag:$0x2] =	sbarrier.arrive $0xFFFF  }
0x4d: {  	[sflag:s0] =	ssyncadd.tile.s32 @!p0 $0x1;
	_ =	shalt  }
.Lfunc_end2:
_tile_overlayer_lowered:
.L_overlay_start_2:
0x4e: {  	(tag) =	ssettag $0x2  }
0x4f: {  	s0 =	rddreg [dreg:$0x0];
	s2 =	stileid.u32  }
0x50: {  	s1 =	rddreg [dreg:$0x1];
	p0 =	sne.s32 s2, $0x0  }
0x51: {  	s3 =	rddreg [dreg:$0x2];
	[bflag:$0x3] =	sbarrier.arrive $0xFFFF;
	s2 =	simm.s32 @!p0 $0x1C02  }
0x52: {  	[timem:s3], [sflag:s2] =	dma.local @!p0 [hbm:s0], s1  }
0x53: {  	s0 =	simm.s32 @!p0 $0x2  }
0x54: {  	_ =	swait.ge @!p0 [sflag:s0], s1  }
0x55: {  	s1 =	ssub.s32 @!p0 $0x0, s1;
	[sflag:s0] =	ssyncset.done @!p0 $0x0  }
0x56: {  	[sflag:s0] =	ssyncadd.s32 @!p0 s1  }
0x57: {  	[bflag:$0x3] =	sbarrier.arrive $0xFFFF  }
0x58: {  	_ =	shalt  }

// kernel: kernel.8.cloned.1.call-start
scs
__scs_entry_jumppad:
0x0: {  	(pc) =	sbr.rel $0x88, $3  }
0x1: {  	(tag) =	ssettag $0x0;
	lr =	simm.s32 $0x1  }
0x2: {  	[smem:$0x3F9D] =	sst lr;
	_ =	strace $0xD0000000  }
0x3: {  	_ = 	snop  }
0x4: {  	_ = 	snop  }
0x5: {  	_ = 	snop  }
0x6: {  	_ = 	snop  }
0x7: {  	_ = 	snop  }
__scs_overlays_trampoline_lowered:
0x8: {  	[smem:$0x3FAC] =	sst s0  }
0x9: {  	[smem:$0x3FAD] =	sst s1  }
0xa: {  	[smem:$0x3FAE] =	sst s2  }
0xb: {  	[smem:$0x3FAF] =	sst s3  }
0xc: {  	[smem:$0x3FB0] =	sst s4  }
0xd: {  	[smem:$0x3FB1] =	sst s5  }
0xe: {  	[smem:$0x3FB2] =	sst s6  }
0xf: {  	[smem:$0x3FB3] =	sst s7  }
0x10: {  	[smem:$0x3FB4] =	sst s8  }
0x11: {  	[smem:$0x3FB5] =	sst s9;
	s0 =	simm.s32 @!p0 $0x0  }
0x12: {  	s1 =	sld [smem:$0x3F9B];
	s0 =	simm.s32 @p0 $0x1  }
0x13: {  	[smem:$0x3FB6] =	sst s0;
	s0 =	simm.s32 @!p1 $0x0  }
0x14: {  	s2 =	sld [smem:$0x3F9A];
	s0 =	simm.s32 @p1 $0x1  }
0x15: {  	[smem:$0x3FB7] =	sst s0;
	s0 =	simm.s32 @!p2 $0x0  }
0x16: {  	s3 =	sld [smem:$0x3FDB];
	s0 =	simm.s32 @p2 $0x1  }
0x17: {  	s4 =	simm.s32 $0x1BF5;
	[smem:$0x3FB9] =	sst s0  }
0x18: {  	s0 =	sld [smem:$0x3F9C];
	_ =	swait.ge [sflag:s4], $0x0  }
0x19: {  	s7 =	sld [smem:$0x3F9D]  }
0x1a: {  	s8 =	sadd.s32 $0xFFFFE003, lr  }
0x1b: {  	s9 =	sadd.s32 $0xFFFFFEF7, lr;
	s5 =	simm.s32 $0xFFFFFFFF;
	p2 =	slt.u32 s8, $0xFFFFF086  }
0x1c: {  	p1 =	slt.u32 s9, $0xF7A;
	s5 =	simm.s32 @!p2 $0x0  }
0x1d: {  	s5 =	simm.s32 @p1 $0x1;
	p0 =	seq.s32 s7, s2  }
0x1e: {  	s7 =	smul.u32 @!p0 $0xF7A, s2;
	p2 =	seq.s32 @!p0 s5, $0x0  }
0x1f: {  	s9 =	smul.u32 $0xF7A, s1;
	s8 =	simm.s32 @!p0 $0x1BF5;
	p2 =	por !p2, p0  }
0x20: {  	[sflag:s8] =	ssyncset.s32 @!p0 $0xFFFFF086;
	s6 =	sadd.s32 @!p0 s3, s7;
	s7 =	simm.s32 @!p0 $0x108  }
0x21: {  	s3 =	sadd.s32 s3, s9;
	s6 =	sadd.s32 @!p0 $0x88, s6;
	s7 =	simm.s32 @p2 $0x1082  }
0x22: {  	[simem:s7], [sflag:s8] =	dma.local @!p0 [hbm:s6], $0xF7A  }
0x23: {  	s9 =	sor.u32 $0xD0000000, s2;
	s6 =	simm.s32 $0x108;
	_ =	swait.ge @!p0 [sflag:s8], $0x0  }
0x24: {  	s3 =	sadd.s32 $0x88, s3;
	s6 =	simm.s32 @!p1 $0x1082;
	[sflag:s4] =	ssyncset.s32 $0xFFFFF086  }
0x25: {  	[simem:s6], [sflag:s4] =	dma.local [hbm:s3], $0xF7A  }
0x26: {  	[smem:$0x3F9D] =	sst s1;
	(tag) =	ssettag s2;
	_ =	strace s9  }
0x27: {  	s1 =	sld [smem:$0x3FAD]  }
0x28: {  	s2 =	sld [smem:$0x3FAE]  }
0x29: {  	s4 =	sld [smem:$0x3FB0]  }
0x2a: {  	p0 =	seq.s32 s5, $0x0;
	s5 =	sld [smem:$0x3FB1]  }
0x2b: {  	s6 =	sld [smem:$0x3FB2]  }
0x2c: {  	s7 =	sld [smem:$0x3FB3]  }
0x2d: {  	s3 =	simm.s32 $0x108;
	s8 =	sld [smem:$0x3FB4]  }
0x2e: {  	s3 =	simm.s32 @!p0 $0x1082;
	s9 =	sld [smem:$0x3FB5]  }
0x2f: {  	lr =	sadd.s32 s0, s3;
	s0 =	sld [smem:$0x3FAC]  }
0x30: {  	s3 =	sld [smem:$0x3FAF]  }
0x31: {  	[smem:$0x3FB8] =	sst s10  }
0x32: {  	s10 =	sld [smem:$0x3FB6];
	_ =	sdelay $0x3  }
0x33: {  	p0 =	seq.s32 s10, $0x1;
	s10 =	sld [smem:$0x3FB8];
	_ =	sdelay $0x3  }
0x34: {  	[smem:$0x3FB8] =	sst s10  }
0x35: {  	s10 =	sld [smem:$0x3FB7];
	_ =	sdelay $0x3  }
0x36: {  	p1 =	seq.s32 s10, $0x1;
	s10 =	sld [smem:$0x3FB8];
	_ =	sdelay $0x3  }
0x37: {  	[smem:$0x3FB8] =	sst s10  }
0x38: {  	s10 =	sld [smem:$0x3FB9]  }
0x39: {  	_ = 	snop;
	(pc) =	sbr.ind lr, $3  }
0x3a: {  	_ = 	snop  }
0x3b: {  	_ = 	snop  }
0x3c: {  	p2 =	seq.s32 s10, $0x1;
	s10 =	sld [smem:$0x3FB8]  }
0x3d: {  	_ =	shalt  }
0x3e: {  	_ =	shalt  }
0x3f: {  	_ =	shalt  }
0x40: {  	_ =	shalt  }
0x41: {  	_ =	shalt  }
0x42: {  	_ =	shalt  }
0x43: {  	_ =	shalt  }
0x44: {  	_ =	shalt  }
0x45: {  	_ =	shalt  }
0x46: {  	_ =	shalt  }
0x47: {  	_ =	shalt  }
0x48: {  	_ =	shalt  }
0x49: {  	_ =	shalt  }
0x4a: {  	_ =	shalt  }
0x4b: {  	_ =	shalt  }
0x4c: {  	_ =	shalt  }
0x4d: {  	_ =	shalt  }
0x4e: {  	_ =	shalt  }
0x4f: {  	_ =	shalt  }
0x50: {  	_ =	shalt  }
0x51: {  	_ =	shalt  }
0x52: {  	_ =	shalt  }
0x53: {  	_ =	shalt  }
0x54: {  	_ =	shalt  }
0x55: {  	_ =	shalt  }
0x56: {  	_ =	shalt  }
0x57: {  	_ =	shalt  }
0x58: {  	_ =	shalt  }
0x59: {  	_ =	shalt  }
0x5a: {  	_ =	shalt  }
0x5b: {  	_ =	shalt  }
0x5c: {  	_ =	shalt  }
0x5d: {  	_ =	shalt  }
0x5e: {  	_ =	shalt  }
0x5f: {  	_ =	shalt  }
0x60: {  	_ =	shalt  }
0x61: {  	_ =	shalt  }
0x62: {  	_ =	shalt  }
0x63: {  	_ =	shalt  }
0x64: {  	_ =	shalt  }
0x65: {  	_ =	shalt  }
0x66: {  	_ =	shalt  }
0x67: {  	_ =	shalt  }
0x68: {  	_ =	shalt  }
0x69: {  	_ =	shalt  }
0x6a: {  	_ =	shalt  }
0x6b: {  	_ =	shalt  }
0x6c: {  	_ =	shalt  }
0x6d: {  	_ =	shalt  }
0x6e: {  	_ =	shalt  }
0x6f: {  	_ =	shalt  }
0x70: {  	_ =	shalt  }
0x71: {  	_ =	shalt  }
0x72: {  	_ =	shalt  }
0x73: {  	_ =	shalt  }
0x74: {  	_ =	shalt  }
0x75: {  	_ =	shalt  }
0x76: {  	_ =	shalt  }
0x77: {  	_ =	shalt  }
0x78: {  	_ =	shalt  }
0x79: {  	_ =	shalt  }
0x7a: {  	_ =	shalt  }
0x7b: {  	_ =	shalt  }
0x7c: {  	_ =	shalt  }
0x7d: {  	_ =	shalt  }
0x7e: {  	_ =	shalt  }
0x7f: {  	_ =	shalt  }
0x80: {  	_ =	shalt  }
0x81: {  	_ =	shalt  }
0x82: {  	_ =	shalt  }
0x83: {  	_ =	shalt  }
0x84: {  	_ =	shalt  }
0x85: {  	_ =	shalt  }
0x86: {  	_ =	shalt  }
0x87: {  	_ =	shalt  }
.Lfunc_end0:
.L_simem_size_0:
called_computation.1_lowered:
.L_overlay_start_0:
0x88: {  	s2 =	sld [smem:$0x3FD9]  }
0x89: {  	s3 =	sld [smem:$0x3FFE];
	_ =	sdelay $0x1  }
0x8a: {  	s1 =	srdreg.scid  }
0x8b: {  	s0 =	sand.u32 $0x1, s1  }
0x8c: {  	s17 =	sshll.u32 s0, $0xA;
	s2 =	sadd.s32 s3, s2  }
0x8d: {  	s2 =	sadd.s32 s2, s17  }
0x8e: {  	[smem:$0x3FC4] =	sst s2  }
0x8f: {  	_ = 	snop  }
0x90: {  	s2 =	sld [smem:$0x3FC6]  }
0x91: {  	s18 =	sld [smem:$0x3FD0];
	(tm) =	ssettm $0x1  }
0x92: {  	s4 =	sld [smem:$0x3FFB];
	_ =	sdelay $0x3  }
0x93: {  	_ =	strace s4  }
0x94: {  	s4 =	sld [smem:$0x3FFC];
	_ =	sdelay $0x3  }
0x95: {  	_ =	strace s4  }
0x96: {  	s4 =	sld [smem:$0x3FFD];
	_ =	sdelay $0x3  }
0x97: {  	_ =	strace s4  }
0x98: {  	_ =	strace $0x8FFFFFFF  }
0x99: {  	s19 =	sld [smem:$0x3FDB];
	_ =	sdelay $0x1  }
0x9a: {  	s5 =	simm.s32 $_scs_section_size  }
0x9b: {  	s6 =	simm.s32 $_size__tile_overlayer_lowered;
	s7 =	simm.s32 $_tile_overlayer_lowered  }
0x9c: {  	s22 =	simm.s32 $0x1BFF;
	s21 =	sshll.u32 s7, $0x1;
	s4 =	sadd.s32 s5, s19  }
0x9d: {  	s8 =	simm.s32 $0x0;
	s20 =	sshll.u32 s6, $0x1;
	s6 =	sadd.s32 s21, s4  }
0x9e: {  	[timem:s8], [sflag:s22] =	dma.local [hbm:s6], s20  }
0x9f: {  	_ =	swait.ge [sflag:s22], s20  }
0xa0: {  	s5 =	ssub.s32 $0x0, s20;
	[sflag:s22] =	ssyncset.done $0x0  }
0xa1: {  	[sflag:s22] =	ssyncadd.s32 s5;
	_ =	sdelay $0x1  }
0xa2: {  	s23 =	simm.s32 $0x1B8B  }
0xa3: {  	_ =	swait.ge [sflag:s23], $0x1  }
0xa4: {  	[sflag:s23] =	ssyncset.done $0x0  }
0xa5: {  	s25 =	simm.s32 $0x1B8E;
	s24 =	sld [smem:$0x3FFE];
	[sflag:s23] =	ssyncadd.s32 $0xFFFFFFFF  }
0xa6: {  	s26 =	simm.s32 $execute0_lowered;
	[smem:$0x3FD2] =	sst s25  }
0xa7: {  	s6 =	sshll.u32 s26, $0x1;
	_ =	strace $0x80000049;
	[dreg:$0x1] =	wrdreg $0xFFFFFFFF  }
0xa8: {  	s28 =	simm.s32 $_size_execute0_lowered;
	s4 =	sadd.s32 s4, s6;
	[dreg:$0x0] =	wrdreg $0x0  }
0xa9: {  	s6 =	sshll.u32 s28, $0x1;
	[dreg:$0x2] =	wrdreg s4  }
0xaa: {  	[dreg:$0x3] =	wrdreg s6  }
0xab: {  	[dreg:$0x4] =	wrdreg $0xC0  }
0xac: {  	_ =	task [dreg:s8], $0x5FFFF  }
0xad: {  	[dreg:$0x1] =	wrdreg $0xFFFFFFFF  }
0xae: {  	[dreg:$0x0] =	wrdreg $0x60  }
0xaf: {  	[dreg:$0x2] =	wrdreg s24  }
0xb0: {  	[dreg:$0x3] =	wrdreg s2  }
0xb1: {  	[dreg:$0x4] =	wrdreg s18  }
0xb2: {  	[dreg:$0x5] =	wrdreg $0x148000  }
0xb3: {  	[dreg:$0x6] =	wrdreg $0x9  }
0xb4: {  	_ =	task.clear_ibuf [dreg:s8], $0x7FFFF;
	_ =	strace $0x90000049  }
0xb5: {  	s29 =	simm.s32 $0x9;
	_ =	strace $0x8000004B  }
0xb6: {  	_ =	swait.ge [sflag:s29], $0x1  }
0xb7: {  	[sflag:s29] =	ssyncadd.s32 $0xFFFFFFFF  }
0xb8: {  	_ =	strace $0x9000004B  }
0xb9: {  	_ =	sfence  }
0xba: {  	s30 =	sld [smem:$0x0];
	_ =	sdelay $0x2  }
0xbb: {  	s31 =	sshll.u32 s1, $0xD;
	s1 =	sshrl.u32 s1, $0x2  }
0xbc: {  	s3 =	sand.u32 $0x4000, s31;
	s1 =	sadd.s32 s1, s30  }
0xbd: {  	s0 =	sor.u32 s3, s0;
	s1 =	sshll.u32 s1, $0x11  }
0xbe: {  	s0 =	sor.u32 s1, s0  }
0xbf: {  	s0 =	sadd.s32 $0x8F2B, s0  }
0xc0: {  	[sflag:s0] =	ssyncadd.remote.s32 $0x1  }
0xc1: {  	_ =	sfence.sel $0xFFFF  }
0xc2: {  	[dreg:$0x0] =	wrdreg $0xFFFFFFFF;
	(pc) =	sbr.abs _section_cstart, $3  }
0xc3: {  	[dreg:$0x1] =	wrdreg $0xFFFFFFFF  }
0xc4: {  	_ =	task.clear_ibuf [dreg:s8], $0x2FFFF;
	_ =	strace $0x9FFFFFFF  }
0xc5: {  	(tm) =	ssettm $0x7FFFFFFF  }
tec
execute0_lowered:
.L_overlay_start_1:
0x0: {  	(tag) =	ssettag $0x1  }
0x1: {  	s0 =	srdreg.scid;
	s3 =	rddreg [dreg:$0x0]  }
0x2: {  	s21 =	stileid.u32;
	s22 =	simm.s32 $0x0;
	s28 =	simm.s32 $0x10000  }
0x3: {  	s29 =	simm.s32 $0x12000;
	s31 =	simm.s32 $0x3;
	s30 =	simm.s32 $0x5  }
0x4: {  	s2 =	sand.u32 $0x1, s0;
	s4 =	smul.u32 $0x278, s21;
	s0 =	rddreg [dreg:$0x2]  }
0x5: {  	s6 =	smul.u32 $0x2780, s21;
	[smem:$0x7FF] =	sst s22;
	s1 =	ssub.s32 $0x2, s2  }
0x6: {  	p0 =	seq.s32 s2, $0x0;
	s7 =	sadd.s32 $0x8, s0;
	p3 =	sne.s32 s2, $0x0  }
0x7: {  	s5 =	sshrl.u32 s1, $0x1;
	s8 =	sadd.s32 $0x9E, s4;
	s10 =	sadd.s32 $0xED, s4  }
0x8: {  	s11 =	sadd.s32 $0x1DA, s4;
	s12 =	sadd.s32 $0x229, s4;
	s18 =	sadd.s32 $0x13C, s4  }
0x9: {  	s19 =	sadd.s32 $0x18B, s4;
	s1 =	ssub.s32 s1, s5;
	s5 =	sadd.s32 $0x4F, s4  }
0xa: {  	s13 =	sshll.u32 s8, $0x4;
	s16 =	sshll.u32 s11, $0x4;
	s17 =	sshll.u32 s12, $0x4  }
0xb: {  	s24 =	sshll.u32 s10, $0x4;
	s15 =	sshll.u32 s18, $0x4;
	s14 =	sadd.s32 s16, s7  }
0xc: {  	s23 =	sadd.s32 s17, s7;
	s7 =	smov.u32 @p0 s0;
	[dreg:$0x5] =	wrdreg s14  }
0xd: {  	s9 =	sshll.u32 s5, $0x4;
	[dreg:$0x6] =	wrdreg s23;
	s6 =	sadd.s32 s7, s6  }
0xe: {  	s20 =	sshll.u32 s19, $0x4;
	s25 =	sadd.s32 s7, s9;
	[dreg:$0x7] =	wrdreg s6  }
0xf: {  	p0 =	seq.s32 s21, $0xF;
	s26 =	sadd.s32 s7, s13;
	[dreg:$0x8] =	wrdreg s25  }
0x10: {  	s9 =	sadd.s32 s7, s24;
	s13 =	sadd.s32 s7, s15;
	[dreg:$0x9] =	wrdreg s26  }
0x11: {  	s14 =	sadd.s32 s7, s20;
	s15 =	sadd.s32 $0xFFFFDB66, s4;
	[dreg:$0xa] =	wrdreg s9  }
0x12: {  	s20 =	simm.s32 $0x8;
	s23 =	smul.u32 $0xA00, s21;
	[dreg:$0xb] =	wrdreg s13  }
0x13: {  	s24 =	smul.u32 $0x27800, s21;
	p2 =	sne.s32 @p0 s2, $0x0;
	[dreg:$0xc] =	wrdreg s14  }
0x14: {  	p1 =	slt.u32 s15, $0x4E;
	s20 =	simm.s32 @!p0 $0x0;
	s13 =	rddreg [dreg:$0x3]  }
0x15: {  	s14 =	sadd.s32 $0x16400, s3;
	p4 =	por !p2, !p0;
	p5 =	por p2, !p0  }
0x16: {  	s7 =	simm.s32 @!p1 $0x0;
	[dreg:$0xd] =	wrdreg s20;
	s4 =	ssub.s32 s4, s20  }
0x17: {  	s25 =	sshrl.u32 s24, $0x2;
	s24 =	sshll.u32 s8, $0x6;
	s7 =	simm.s32 @p1 $0x1  }
0x18: {  	p1 =	sgt.u32 s15, $0x4D;
	s4 =	sshrl.u32 s4, $0x3;
	s15 =	sadd.s32 $0x2A000, s3  }
0x19: {  	s21 =	sadd.s32 s25, s13;
	s25 =	sshll.u32 s10, $0x6;
	s6 =	simm.s32 @!p1 $0x0  }
0x1a: {  	[smem:$0x7F5] =	sst s7;
	s4 =	sadd.s32 s4, s3;
	s6 =	simm.s32 @p1 $0x1  }
0x1b: {  	s10 =	sshll.u32 s12, $0x6;
	s9 =	sadd.s32 $0x15800, s4;
	[smem:$0x7F6] =	sst s6  }
0x1c: {  	s22 =	sadd.s32 $0x15E00, s4;
	_ =	strace $0x8000004A;
	[dreg:$0x11] =	wrdreg s9  }
0x1d: {  	p1 =	sne.s32 @!p0 s2, $0x0;
	s2 =	sshll.u32 s2, $0x6;
	[dreg:$0x12] =	wrdreg s22  }
0x1e: {  	s6 =	sadd.s32 s23, s3;
	s3 =	sadd.s32 s25, s13;
	[dreg:$0x13] =	wrdreg s2  }
0x1f: {  	s12 =	sadd.s32 $0x26E28, s0;
	s4 =	sshll.u32 s18, $0x6;
	[dreg:$0x16] =	wrdreg s3  }
0x20: {  	s18 =	sadd.s32 $0x2000, s21;
	s23 =	sshll.u32 s5, $0x6;
	[dreg:$0x1c] =	wrdreg s12  }
0x21: {  	s5 =	sshll.u32 s19, $0x6;
	s19 =	sadd.s32 $0x4000, s21;
	[smem:$0x7F7] =	sst s18  }
0x22: {  	p6 =	por !p1, p0;
	s25 =	sadd.s32 $0x9E, s20;
	[smem:$0x7F8] =	sst s19  }
0x23: {  	p1 =	por p1, p0;
	s26 =	sadd.s32 $0x1600, s6;
	[smem:$0x7FC] =	sst s25  }
0x24: {  	s7 =	sadd.s32 $0xB600, s6;
	s2 =	sadd.s32 s23, s13;
	[dreg:$0xe] =	wrdreg s21  }
0x25: {  	s6 =	sshll.u32 s11, $0x6;
	s9 =	sadd.s32 s0, s16;
	[dreg:$0xf] =	wrdreg s26  }
0x26: {  	s11 =	sadd.s32 s0, s17;
	s0 =	sadd.s32 $0x26E20, s0;
	[dreg:$0x10] =	wrdreg s7  }
0x27: {  	s16 =	sadd.s32 s10, s13;
	s17 =	smax.u32 s1, $0x1;
	[dreg:$0x14] =	wrdreg s2  }
0x28: {  	s22 =	sadd.s32 $0x6000, s21;
	s23 =	sadd.s32 $0x8000, s21;
	[dreg:$0x1a] =	wrdreg s9  }
0x29: {  	s10 =	sadd.s32 $0x18B, s20;
	s18 =	sadd.s32 $0x229, s20;
	[dreg:$0x1b] =	wrdreg s11  }
0x2a: {  	s19 =	simm.s32 $0xA000;
	s25 =	simm.s32 $0xE000;
	[dreg:$0x1d] =	wrdreg s0  }
0x2b: {  	s12 =	simm.s32 $0x6;
	s1 =	simm.s32 $0x7;
	[dreg:$0x1e] =	wrdreg s16  }
0x2c: {  	s3 =	simm.s32 $0xA;
	s26 =	sadd.s32 s24, s13;
	[dreg:$0x1f] =	wrdreg s17  }
0x2d: {  	s2 =	sadd.s32 s4, s13;
	s7 =	sadd.s32 s5, s13;
	[smem:$0x7F9] =	sst s22  }
0x2e: {  	s8 =	sadd.s32 s6, s13;
	s4 =	simm.s32 $0x8;
	[smem:$0x7FA] =	sst s23  }
0x2f: {  	s24 =	sadd.s32 $0x4F, s20;
	s9 =	sadd.s32 $0x13C, s20;
	[dreg:$0x15] =	wrdreg s26  }
0x30: {  	s17 =	sadd.s32 $0x1DA, s20;
	s11 =	simm.s32 $0x5000;
	[dreg:$0x17] =	wrdreg s2  }
.Ltmp0:
0x31: {  	s23 =	simm.s32 $0x80;
	[dreg:$0x18] =	wrdreg s7;
	(pc) =	sbr.rel .LBB2_1-.Ltmp0, $4  }
0x32: {  	s22 =	simm.s32 $0x2;
	s0 =	simm.s32 $0x4;
	[dreg:$0x19] =	wrdreg s8  }
0x33: {  	s5 =	simm.s32 $0x14500;
	[smem:$0x7FB] =	sst s24;
	s26 =	sadd.s32 $0xED, s20  }
0x34: {  	s20 =	simm.s32 $0xB;
	s24 =	simm.s32 $0xC000;
	s2 =	simm.s32 $0x9  }
0x35: {  	v0 =	vimm.f32 $0.0e+00;
	s8 =	simm.s32 $0x0;
	[smem:$0x7FD] =	sst s26;
	s26 =	simm.s32 $0x1  }
.LBB2_32:
0x36: {  	s7 =	simm.s32 $0x40  }
0x37: {  	[hbm4b:s6+s7] =	stream.strided.scatter [tilespmem:s19], [sflag:$0xB], $0xB80, s23, s7, $0x38;
	[tilespmem:$0x1E600] =	vst v63  }
0x38: {  	_ =	swait.ge [sflag:s20], $0xB80  }
0x39: {  	[sflag:s20] =	ssyncset.done $0x0  }
0x3a: {  	[sflag:s20] =	ssyncadd.s32 $0xFFFFF480  }
.LBB2_33:
0x3b: {  	s8 =	sadd.s32 $0x1, s8;
	s6 =	rddreg [dreg:$0x1f]  }
0x3c: {  	p2 =	sne.s32 s8, s6  }
.Ltmp1:
0x3d: {  	_ = 	snop;
	(pc) =	sbr.rel @!p2 .LBB2_34-.Ltmp1, $1  }
0x3e: {  	_ =	sdelay $0x3  }
.LBB2_1:
0x3f: {  	[smem:$0x7F4] =	sst s8;
	s7 =	simm.s32 $0x100;
	s6 =	simm.s32 $0x0  }
.LBB2_2:
0x40: {  	p2 =	sne.s32 s7, $0x7F00;
	[tilespmem:s6+$0xA030] =	vst v0;
	s8 =	smov.u32 s7;
	s7 =	sadd.s32 $0x100, s7  }
.Ltmp2:
0x41: {  	[tilespmem:s6+$0xA020] =	vst v0;
	(pc) =	sbr.rel @p2 .LBB2_2-.Ltmp2, $3  }
0x42: {  	[tilespmem:s6+$0xA000] =	vst v0  }
0x43: {  	[tilespmem:s6+$0xA010] =	vst v0;
	_ =	sdelay $0x1  }
0x44: {  	s6 =	sshra.s32 s8, $0x2  }
0x45: {  	[tilespmem:s6+$0xA030] =	vst v0  }
0x46: {  	[tilespmem:s6+$0xA020] =	vst v0  }
0x47: {  	[tilespmem:s6+$0xA000] =	vst v0  }
0x48: {  	[tilespmem:s6+$0xA010] =	vst v0  }
0x49: {  	[spmem:s21] =	stream.linear.scatter [tilespmem:s19], [sflag:$0xB], $0x2000, $0x38;
	[tilespmem:$0x1E600] =	vst v63  }
0x4a: {  	_ =	swait.ge [sflag:s20], $0x2000  }
0x4b: {  	s16 =	sld [smem:$0x7F7]  }
0x4c: {  	[sflag:s20] =	ssyncset.done $0x0  }
0x4d: {  	[sflag:s20] =	ssyncadd.s32 $0xFFFFE000  }
0x4e: {  	[spmem:s16] =	stream.linear.scatter [tilespmem:s19], [sflag:$0xB], $0x2000, $0x38;
	[tilespmem:$0x1E600] =	vst v63  }
0x4f: {  	_ =	swait.ge [sflag:s20], $0x2000  }
0x50: {  	s21 =	sld [smem:$0x7F8]  }
0x51: {  	[sflag:s20] =	ssyncset.done $0x0  }
0x52: {  	[sflag:s20] =	ssyncadd.s32 $0xFFFFE000  }
0x53: {  	[spmem:s21] =	stream.linear.scatter [tilespmem:s19], [sflag:$0xB], $0x2000, $0x38;
	[tilespmem:$0x1E600] =	vst v63  }
0x54: {  	_ =	swait.ge [sflag:s20], $0x2000  }
0x55: {  	s7 =	sld [smem:$0x7F9]  }
0x56: {  	[sflag:s20] =	ssyncset.done $0x0  }
0x57: {  	[sflag:s20] =	ssyncadd.s32 $0xFFFFE000  }
0x58: {  	[spmem:s7] =	stream.linear.scatter [tilespmem:s19], [sflag:$0xB], $0x2000, $0x38;
	[tilespmem:$0x1E600] =	vst v63  }
0x59: {  	_ =	swait.ge [sflag:s20], $0x2000  }
0x5a: {  	s8 =	sld [smem:$0x7FA]  }
0x5b: {  	[sflag:s20] =	ssyncset.done $0x0  }
0x5c: {  	[sflag:s20] =	ssyncadd.s32 $0xFFFFE000  }
0x5d: {  	[spmem:s8] =	stream.linear.scatter [tilespmem:s19], [sflag:$0xB], $0x1E00, $0x38;
	[tilespmem:$0x1E600] =	vst v63  }
0x5e: {  	_ =	swait.ge [sflag:s20], $0x1E00  }
0x5f: {  	[sflag:s20] =	ssyncset.done $0x0  }
0x60: {  	s16 =	simm.s32 $0x0;
	s7 =	rddreg [dreg:$0xf];
	[sflag:s20] =	ssyncadd.s32 $0xFFFFE200  }
0x61: {  	[tilespmem:s16], [sflag:$0xB] =	stream.linear.gather [hbm4b:s7+s16], $0x5000, $0x38;
	[tilespmem:$0x1E600] =	vst v63  }
0x62: {  	_ =	swait.ge [sflag:s20], $0x5000  }
0x63: {  	[sflag:s20] =	ssyncset.done $0x0  }
0x64: {  	s21 =	rddreg [dreg:$0x10];
	[sflag:s20] =	ssyncadd.s32 $0xFFFFB000  }
0x65: {  	[tilespmem:s11], [sflag:$0xB] =	stream.linear.gather [hbm4b:s21+s16], $0x5000, $0x38;
	[tilespmem:$0x1E600] =	vst v63  }
.Ltmp3:
0x66: {  	_ =	swait.ge [sflag:s20], $0x5000;
	(pc) =	sbr.rel @p3 .LBB2_7-.Ltmp3, $4  }
0x67: {  	[sflag:s20] =	ssyncset.done $0x0  }
0x68: {  	[sflag:s20] =	ssyncadd.s32 $0xFFFFB000  }
0x69: {  	[bflag:$0x0] =	sbarrier.arrive $0xFFFF  }
0x6a: {  	s6 =	simm.s32 $0x0  }
0x6b: {  	[tilespmem:s19], [sflag:$0x1] =	stream.indirect.gather [hbm4b:s14+s23], $0x40, s6, s23, $0xb8;
	[tilespmem:$0x1E600] =	vst v63  }
0x6c: {  	_ = 	snop  }
0x6d: {  	[tilespmem:s24], [sflag:$0x2] =	stream.indirect.gather [hbm4b:s14+s23], $0x40, s23, s23, $0xb8;
	[tilespmem:$0x1E600] =	vst v63  }
0x6e: {  	s8 =	simm.s32 $0x100  }
0x6f: {  	[tilespmem:s25], [sflag:$0x3] =	stream.indirect.gather [hbm4b:s14+s23], $0x40, s8, s23, $0xb8;
	[tilespmem:$0x1E600] =	vst v63  }
0x70: {  	_ =	swait.ge [sflag:s26], $0x2000  }
0x71: {  	[sflag:s26] =	ssyncset.done $0x0  }
0x72: {  	[sflag:s26] =	ssyncadd.s32 $0xFFFFE000  }
0x73: {  	[spmem:s13] =	stream.indirect.scatter.add.f32 [tilespmem:s19], [sflag:$0x6], $0x40, s11, s23, $0xb8;
	[tilespmem:$0x1E600] =	vst v63  }
0x74: {  	s11 =	simm.s32 $0x180  }
0x75: {  	[tilespmem:s28], [sflag:$0x4] =	stream.indirect.gather [hbm4b:s14+s23], $0x40, s11, s23, $0xb8;
	[tilespmem:$0x1E600] =	vst v63  }
0x76: {  	_ =	swait.ge [sflag:s22], $0x2000  }
0x77: {  	[sflag:s22] =	ssyncset.done $0x0  }
0x78: {  	s16 =	simm.s32 $0x5080;
	[sflag:s22] =	ssyncadd.s32 $0xFFFFE000  }
0x79: {  	[spmem:s13] =	stream.indirect.scatter.add.f32 [tilespmem:s24], [sflag:$0x7], $0x40, s16, s23, $0xb8;
	[tilespmem:$0x1E600] =	vst v63  }
0x7a: {  	s21 =	simm.s32 $0x200  }
0x7b: {  	[tilespmem:s29], [sflag:$0x5] =	stream.indirect.gather [hbm4b:s14+s23], $0x40, s21, s23, $0xb8;
	[tilespmem:$0x1E600] =	vst v63  }
0x7c: {  	_ =	swait.ge [sflag:s31], $0x2000  }
0x7d: {  	[sflag:s31] =	ssyncset.done $0x0  }
0x7e: {  	s7 =	simm.s32 $0x5100;
	[sflag:s31] =	ssyncadd.s32 $0xFFFFE000  }
0x7f: {  	[spmem:s13] =	stream.indirect.scatter.add.f32 [tilespmem:s25], [sflag:$0x8], $0x40, s7, s23, $0xb8;
	[tilespmem:$0x1E600] =	vst v63  }
0x80: {  	_ =	swait.ge [sflag:s12], $0x2000  }
0x81: {  	[sflag:s12] =	ssyncset.done $0x0  }
0x82: {  	s8 =	simm.s32 $0x280;
	[sflag:s12] =	ssyncadd.s32 $0xFFFFE000  }
0x83: {  	[tilespmem:s19], [sflag:$0x1] =	stream.indirect.gather [hbm4b:s14+s23], $0x40, s8, s23, $0xb8;
	[tilespmem:$0x1E600] =	vst v63  }
0x84: {  	_ =	swait.ge [sflag:s0], $0x2000  }
0x85: {  	[sflag:s0] =	ssyncset.done $0x0  }
0x86: {  	s11 =	simm.s32 $0x5180;
	[sflag:s0] =	ssyncadd.s32 $0xFFFFE000  }
0x87: {  	[spmem:s13] =	stream.indirect.scatter.add.f32 [tilespmem:s28], [sflag:$0x9], $0x40, s11, s23, $0xb8;
	[tilespmem:$0x1E600] =	vst v63  }
0x88: {  	_ =	swait.ge [sflag:s1], $0x2000  }
0x89: {  	[sflag:s1] =	ssyncset.done $0x0  }
0x8a: {  	s16 =	simm.s32 $0x300;
	[sflag:s1] =	ssyncadd.s32 $0xFFFFE000  }
0x8b: {  	[tilespmem:s24], [sflag:$0x2] =	stream.indirect.gather [hbm4b:s14+s23], $0x40, s16, s23, $0xb8;
	[tilespmem:$0x1E600] =	vst v63  }
0x8c: {  	_ =	swait.ge [sflag:s30], $0x2000  }
0x8d: {  	[sflag:s30] =	ssyncset.done $0x0  }
0x8e: {  	s21 =	simm.s32 $0x5200;
	[sflag:s30] =	ssyncadd.s32 $0xFFFFE000  }
0x8f: {  	[spmem:s13] =	stream.indirect.scatter.add.f32 [tilespmem:s29], [sflag:$0xA], $0x40, s21, s23, $0xb8;
	[tilespmem:$0x1E600] =	vst v63  }
0x90: {  	_ =	swait.ge [sflag:s4], $0x2000  }
0x91: {  	[sflag:s4] =	ssyncset.done $0x0  }
0x92: {  	s7 =	simm.s32 $0x380;
	[sflag:s4] =	ssyncadd.s32 $0xFFFFE000  }
0x93: {  	[tilespmem:s25], [sflag:$0x3] =	stream.indirect.gather [hbm4b:s14+s23], $0x40, s7, s23, $0xb8;
	[tilespmem:$0x1E600] =	vst v63  }
0x94: {  	_ =	swait.ge [sflag:s26], $0x2000  }
0x95: {  	[sflag:s26] =	ssyncset.done $0x0  }
0x96: {  	s8 =	simm.s32 $0x5280;
	[sflag:s26] =	ssyncadd.s32 $0xFFFFE000  }
0x97: {  	[spmem:s13] =	stream.indirect.scatter.add.f32 [tilespmem:s19], [sflag:$0x6], $0x40, s8, s23, $0xb8;
	[tilespmem:$0x1E600] =	vst v63  }
0x98: {  	_ =	swait.ge [sflag:s2], $0x2000  }
0x99: {  	[sflag:s2] =	ssyncset.done $0x0  }
0x9a: {  	s11 =	simm.s32 $0x400;
	[sflag:s2] =	ssyncadd.s32 $0xFFFFE000  }
0x9b: {  	[tilespmem:s28], [sflag:$0x4] =	stream.indirect.gather [hbm4b:s14+s23], $0x40, s11, s23, $0xb8;
	[tilespmem:$0x1E600] =	vst v63  }
0x9c: {  	_ =	swait.ge [sflag:s22], $0x2000  }
0x9d: {  	[sflag:s22] =	ssyncset.done $0x0  }
0x9e: {  	s16 =	simm.s32 $0x5300;
	[sflag:s22] =	ssyncadd.s32 $0xFFFFE000  }
0x9f: {  	[spmem:s13] =	stream.indirect.scatter.add.f32 [tilespmem:s24], [sflag:$0x7], $0x40, s16, s23, $0xb8;
	[tilespmem:$0x1E600] =	vst v63  }
0xa0: {  	_ =	swait.ge [sflag:s3], $0x2000  }
0xa1: {  	[sflag:s3] =	ssyncset.done $0x0  }
0xa2: {  	s21 =	simm.s32 $0x480;
	[sflag:s3] =	ssyncadd.s32 $0xFFFFE000  }
0xa3: {  	[tilespmem:s29], [sflag:$0x5] =	stream.indirect.gather [hbm4b:s14+s23], $0x40, s21, s23, $0xb8;
	[tilespmem:$0x1E600] =	vst v63  }
0xa4: {  	_ =	swait.ge [sflag:s31], $0x2000  }
0xa5: {  	[sflag:s31] =	ssyncset.done $0x0  }
0xa6: {  	s7 =	simm.s32 $0x5380;
	[sflag:s31] =	ssyncadd.s32 $0xFFFFE000  }
0xa7: {  	[spmem:s13] =	stream.indirect.scatter.add.f32 [tilespmem:s25], [sflag:$0x8], $0x40, s7, s23, $0xb8;
	[tilespmem:$0x1E600] =	vst v63  }
0xa8: {  	_ =	swait.ge [sflag:s12], $0x2000  }
0xa9: {  	[sflag:s12] =	ssyncset.done $0x0  }
0xaa: {  	s8 =	simm.s32 $0x500;
	[sflag:s12] =	ssyncadd.s32 $0xFFFFE000  }
0xab: {  	[tilespmem:s19], [sflag:$0x1] =	stream.indirect.gather [hbm4b:s14+s23], $0x40, s8, s23, $0xb8;
	[tilespmem:$0x1E600] =	vst v63  }
0xac: {  	_ =	swait.ge [sflag:s0], $0x2000  }
0xad: {  	[sflag:s0] =	ssyncset.done $0x0  }
0xae: {  	s11 =	simm.s32 $0x5400;
	[sflag:s0] =	ssyncadd.s32 $0xFFFFE000  }
0xaf: {  	[spmem:s13] =	stream.indirect.scatter.add.f32 [tilespmem:s28], [sflag:$0x9], $0x40, s11, s23, $0xb8;
	[tilespmem:$0x1E600] =	vst v63  }
0xb0: {  	_ =	swait.ge [sflag:s1], $0x2000  }
0xb1: {  	[sflag:s1] =	ssyncset.done $0x0  }
0xb2: {  	s16 =	simm.s32 $0x580;
	[sflag:s1] =	ssyncadd.s32 $0xFFFFE000  }
0xb3: {  	[tilespmem:s24], [sflag:$0x2] =	stream.indirect.gather [hbm4b:s14+s23], $0x40, s16, s23, $0xb8;
	[tilespmem:$0x1E600] =	vst v63  }
0xb4: {  	_ =	swait.ge [sflag:s30], $0x2000  }
0xb5: {  	[sflag:s30] =	ssyncset.done $0x0  }
0xb6: {  	s21 =	simm.s32 $0x5480;
	[sflag:s30] =	ssyncadd.s32 $0xFFFFE000  }
0xb7: {  	[spmem:s13] =	stream.indirect.scatter.add.f32 [tilespmem:s29], [sflag:$0xA], $0x40, s21, s23, $0xb8;
	[tilespmem:$0x1E600] =	vst v63  }
0xb8: {  	_ =	swait.ge [sflag:s4], $0x2000  }
0xb9: {  	[sflag:s4] =	ssyncset.done $0x0  }
0xba: {  	s6 =	simm.s32 $0xA00;
	s7 =	simm.s32 $0x600;
	[sflag:s4] =	ssyncadd.s32 $0xFFFFE000  }
.LBB2_5:
0xbb: {  	[tilespmem:s25], [sflag:$0x3] =	stream.indirect.gather [hbm4b:s14+s23], $0x40, s7, s23, $0xb8;
	[tilespmem:$0x1E600] =	vst v63  }
0xbc: {  	s7 =	smov.u32 s6  }
0xbd: {  	p2 =	seq.s32 s6, $0x12200;
	s6 =	sadd.s32 $0xA00, s6;
	_ =	swait.ge [sflag:s26], $0x2000  }
0xbe: {  	s7 =	sshra.s32 s7, $0x2;
	[sflag:s26] =	ssyncset.done $0x0  }
0xbf: {  	s8 =	sadd.s32 $0x5280, s7;
	[sflag:s26] =	ssyncadd.s32 $0xFFFFE000  }
0xc0: {  	[spmem:s13] =	stream.indirect.scatter.add.f32 [tilespmem:s19], [sflag:$0x6], $0x40, s8, s23, $0xb8;
	[tilespmem:$0x1E600] =	vst v63  }
0xc1: {  	_ =	swait.ge [sflag:s2], $0x2000  }
0xc2: {  	[sflag:s2] =	ssyncset.done $0x0  }
0xc3: {  	s8 =	sadd.s32 $0x400, s7;
	[sflag:s2] =	ssyncadd.s32 $0xFFFFE000  }
0xc4: {  	[tilespmem:s28], [sflag:$0x4] =	stream.indirect.gather [hbm4b:s14+s23], $0x40, s8, s23, $0xb8;
	[tilespmem:$0x1E600] =	vst v63  }
0xc5: {  	_ =	swait.ge [sflag:s22], $0x2000  }
0xc6: {  	[sflag:s22] =	ssyncset.done $0x0  }
0xc7: {  	s8 =	sadd.s32 $0x5300, s7;
	[sflag:s22] =	ssyncadd.s32 $0xFFFFE000  }
0xc8: {  	[spmem:s13] =	stream.indirect.scatter.add.f32 [tilespmem:s24], [sflag:$0x7], $0x40, s8, s23, $0xb8;
	[tilespmem:$0x1E600] =	vst v63  }
0xc9: {  	_ =	swait.ge [sflag:s3], $0x2000  }
0xca: {  	[sflag:s3] =	ssyncset.done $0x0  }
0xcb: {  	s8 =	sadd.s32 $0x480, s7;
	[sflag:s3] =	ssyncadd.s32 $0xFFFFE000  }
0xcc: {  	[tilespmem:s29], [sflag:$0x5] =	stream.indirect.gather [hbm4b:s14+s23], $0x40, s8, s23, $0xb8;
	[tilespmem:$0x1E600] =	vst v63  }
0xcd: {  	_ =	swait.ge [sflag:s31], $0x2000  }
0xce: {  	[sflag:s31] =	ssyncset.done $0x0  }
0xcf: {  	s8 =	sadd.s32 $0x5380, s7;
	[sflag:s31] =	ssyncadd.s32 $0xFFFFE000  }
0xd0: {  	[spmem:s13] =	stream.indirect.scatter.add.f32 [tilespmem:s25], [sflag:$0x8], $0x40, s8, s23, $0xb8;
	[tilespmem:$0x1E600] =	vst v63  }
0xd1: {  	_ =	swait.ge [sflag:s12], $0x2000  }
0xd2: {  	[sflag:s12] =	ssyncset.done $0x0  }
0xd3: {  	s8 =	sadd.s32 $0x500, s7;
	[sflag:s12] =	ssyncadd.s32 $0xFFFFE000  }
0xd4: {  	[tilespmem:s19], [sflag:$0x1] =	stream.indirect.gather [hbm4b:s14+s23], $0x40, s8, s23, $0xb8;
	[tilespmem:$0x1E600] =	vst v63  }
0xd5: {  	_ =	swait.ge [sflag:s0], $0x2000  }
0xd6: {  	[sflag:s0] =	ssyncset.done $0x0  }
0xd7: {  	s8 =	sadd.s32 $0x5400, s7;
	[sflag:s0] =	ssyncadd.s32 $0xFFFFE000  }
0xd8: {  	[spmem:s13] =	stream.indirect.scatter.add.f32 [tilespmem:s28], [sflag:$0x9], $0x40, s8, s23, $0xb8;
	[tilespmem:$0x1E600] =	vst v63  }
0xd9: {  	_ =	swait.ge [sflag:s1], $0x2000  }
0xda: {  	[sflag:s1] =	ssyncset.done $0x0  }
0xdb: {  	s8 =	sadd.s32 $0x580, s7;
	[sflag:s1] =	ssyncadd.s32 $0xFFFFE000  }
0xdc: {  	[tilespmem:s24], [sflag:$0x2] =	stream.indirect.gather [hbm4b:s14+s23], $0x40, s8, s23, $0xb8;
	[tilespmem:$0x1E600] =	vst v63  }
0xdd: {  	_ =	swait.ge [sflag:s30], $0x2000  }
0xde: {  	[sflag:s30] =	ssyncset.done $0x0  }
.Ltmp4:
0xdf: {  	s8 =	sadd.s32 $0x5480, s7;
	[sflag:s30] =	ssyncadd.s32 $0xFFFFE000;
	(pc) =	sbr.rel @!p2 .LBB2_5-.Ltmp4, $4  }
0xe0: {  	[spmem:s13] =	stream.indirect.scatter.add.f32 [tilespmem:s29], [sflag:$0xA], $0x40, s8, s23, $0xb8;
	[tilespmem:$0x1E600] =	vst v63  }
0xe1: {  	_ =	swait.ge [sflag:s4], $0x2000  }
0xe2: {  	[sflag:s4] =	ssyncset.done $0x0  }
0xe3: {  	s7 =	sadd.s32 $0x600, s7;
	[sflag:s4] =	ssyncadd.s32 $0xFFFFE000  }
.Ltmp5:
0xe4: {  	(pc) =	sbr.rel .LBB2_10-.Ltmp5, $3  }
0xe5: {  	_ =	sdelay $0x1  }
0xe6: {  	[tilespmem:s25], [sflag:$0x3] =	stream.indirect.gather [hbm4b:s14+s23], $0x40, s7, s23, $0xb8;
	[tilespmem:$0x1E600] =	vst v63  }
0xe7: {  	s6 =	smov.u32 s14  }
.LBB2_7:
0xe8: {  	[tilespmem:s19], [sflag:$0x1] =	stream.indirect.gather [hbm4b:s15+s23], $0x40, s6, s23, $0xb8;
	[tilespmem:$0x1E600] =	vst v63  }
0xe9: {  	_ = 	snop  }
0xea: {  	[tilespmem:s24], [sflag:$0x2] =	stream.indirect.gather [hbm4b:s15+s23], $0x40, s23, s23, $0xb8;
	[tilespmem:$0x1E600] =	vst v63  }
0xeb: {  	s8 =	simm.s32 $0x100  }
0xec: {  	[tilespmem:s25], [sflag:$0x3] =	stream.indirect.gather [hbm4b:s15+s23], $0x40, s8, s23, $0xb8;
	[tilespmem:$0x1E600] =	vst v63  }
0xed: {  	_ =	swait.ge [sflag:s26], $0x2000  }
0xee: {  	[sflag:s26] =	ssyncset.done $0x0  }
0xef: {  	[sflag:s26] =	ssyncadd.s32 $0xFFFFE000  }
0xf0: {  	[spmem:s13] =	stream.indirect.scatter.add.f32 [tilespmem:s19], [sflag:$0x6], $0x40, s11, s23, $0xb8;
	[tilespmem:$0x1E600] =	vst v63  }
0xf1: {  	s11 =	simm.s32 $0x180  }
0xf2: {  	[tilespmem:s28], [sflag:$0x4] =	stream.indirect.gather [hbm4b:s15+s23], $0x40, s11, s23, $0xb8;
	[tilespmem:$0x1E600] =	vst v63  }
0xf3: {  	_ =	swait.ge [sflag:s22], $0x2000  }
0xf4: {  	[sflag:s22] =	ssyncset.done $0x0  }
0xf5: {  	s16 =	simm.s32 $0x5080;
	[sflag:s22] =	ssyncadd.s32 $0xFFFFE000  }
0xf6: {  	[spmem:s13] =	stream.indirect.scatter.add.f32 [tilespmem:s24], [sflag:$0x7], $0x40, s16, s23, $0xb8;
	[tilespmem:$0x1E600] =	vst v63  }
0xf7: {  	s21 =	simm.s32 $0x200  }
0xf8: {  	[tilespmem:s29], [sflag:$0x5] =	stream.indirect.gather [hbm4b:s15+s23], $0x40, s21, s23, $0xb8;
	[tilespmem:$0x1E600] =	vst v63  }
0xf9: {  	_ =	swait.ge [sflag:s31], $0x2000  }
0xfa: {  	[sflag:s31] =	ssyncset.done $0x0  }
0xfb: {  	s7 =	simm.s32 $0x5100;
	[sflag:s31] =	ssyncadd.s32 $0xFFFFE000  }
0xfc: {  	[spmem:s13] =	stream.indirect.scatter.add.f32 [tilespmem:s25], [sflag:$0x8], $0x40, s7, s23, $0xb8;
	[tilespmem:$0x1E600] =	vst v63  }
0xfd: {  	_ =	swait.ge [sflag:s12], $0x2000  }
0xfe: {  	[sflag:s12] =	ssyncset.done $0x0  }
0xff: {  	s8 =	simm.s32 $0x280;
	[sflag:s12] =	ssyncadd.s32 $0xFFFFE000  }
0x100: {  	[tilespmem:s19], [sflag:$0x1] =	stream.indirect.gather [hbm4b:s15+s23], $0x40, s8, s23, $0xb8;
	[tilespmem:$0x1E600] =	vst v63  }
0x101: {  	_ =	swait.ge [sflag:s0], $0x2000  }
0x102: {  	[sflag:s0] =	ssyncset.done $0x0  }
0x103: {  	s11 =	simm.s32 $0x5180;
	[sflag:s0] =	ssyncadd.s32 $0xFFFFE000  }
0x104: {  	[spmem:s13] =	stream.indirect.scatter.add.f32 [tilespmem:s28], [sflag:$0x9], $0x40, s11, s23, $0xb8;
	[tilespmem:$0x1E600] =	vst v63  }
0x105: {  	_ =	swait.ge [sflag:s1], $0x2000  }
0x106: {  	[sflag:s1] =	ssyncset.done $0x0  }
0x107: {  	s16 =	simm.s32 $0x300;
	[sflag:s1] =	ssyncadd.s32 $0xFFFFE000  }
0x108: {  	[tilespmem:s24], [sflag:$0x2] =	stream.indirect.gather [hbm4b:s15+s23], $0x40, s16, s23, $0xb8;
	[tilespmem:$0x1E600] =	vst v63  }
0x109: {  	_ =	swait.ge [sflag:s30], $0x2000  }
0x10a: {  	[sflag:s30] =	ssyncset.done $0x0  }
0x10b: {  	s21 =	simm.s32 $0x5200;
	[sflag:s30] =	ssyncadd.s32 $0xFFFFE000  }
0x10c: {  	[spmem:s13] =	stream.indirect.scatter.add.f32 [tilespmem:s29], [sflag:$0xA], $0x40, s21, s23, $0xb8;
	[tilespmem:$0x1E600] =	vst v63  }
0x10d: {  	_ =	swait.ge [sflag:s4], $0x2000  }
0x10e: {  	[sflag:s4] =	ssyncset.done $0x0  }
0x10f: {  	s7 =	simm.s32 $0x380;
	[sflag:s4] =	ssyncadd.s32 $0xFFFFE000  }
0x110: {  	[tilespmem:s25], [sflag:$0x3] =	stream.indirect.gather [hbm4b:s15+s23], $0x40, s7, s23, $0xb8;
	[tilespmem:$0x1E600] =	vst v63  }
0x111: {  	_ =	swait.ge [sflag:s26], $0x2000  }
0x112: {  	[sflag:s26] =	ssyncset.done $0x0  }
0x113: {  	s8 =	simm.s32 $0x5280;
	[sflag:s26] =	ssyncadd.s32 $0xFFFFE000  }
0x114: {  	[spmem:s13] =	stream.indirect.scatter.add.f32 [tilespmem:s19], [sflag:$0x6], $0x40, s8, s23, $0xb8;
	[tilespmem:$0x1E600] =	vst v63  }
0x115: {  	_ =	swait.ge [sflag:s2], $0x2000  }
0x116: {  	[sflag:s2] =	ssyncset.done $0x0  }
0x117: {  	s11 =	simm.s32 $0x400;
	[sflag:s2] =	ssyncadd.s32 $0xFFFFE000  }
0x118: {  	[tilespmem:s28], [sflag:$0x4] =	stream.indirect.gather [hbm4b:s15+s23], $0x40, s11, s23, $0xb8;
	[tilespmem:$0x1E600] =	vst v63  }
0x119: {  	_ =	swait.ge [sflag:s22], $0x2000  }
0x11a: {  	[sflag:s22] =	ssyncset.done $0x0  }
0x11b: {  	s16 =	simm.s32 $0x5300;
	[sflag:s22] =	ssyncadd.s32 $0xFFFFE000  }
0x11c: {  	[spmem:s13] =	stream.indirect.scatter.add.f32 [tilespmem:s24], [sflag:$0x7], $0x40, s16, s23, $0xb8;
	[tilespmem:$0x1E600] =	vst v63  }
0x11d: {  	_ =	swait.ge [sflag:s3], $0x2000  }
0x11e: {  	[sflag:s3] =	ssyncset.done $0x0  }
0x11f: {  	s21 =	simm.s32 $0x480;
	[sflag:s3] =	ssyncadd.s32 $0xFFFFE000  }
0x120: {  	[tilespmem:s29], [sflag:$0x5] =	stream.indirect.gather [hbm4b:s15+s23], $0x40, s21, s23, $0xb8;
	[tilespmem:$0x1E600] =	vst v63  }
0x121: {  	_ =	swait.ge [sflag:s31], $0x2000  }
0x122: {  	[sflag:s31] =	ssyncset.done $0x0  }
0x123: {  	s7 =	simm.s32 $0x5380;
	[sflag:s31] =	ssyncadd.s32 $0xFFFFE000  }
0x124: {  	[spmem:s13] =	stream.indirect.scatter.add.f32 [tilespmem:s25], [sflag:$0x8], $0x40, s7, s23, $0xb8;
	[tilespmem:$0x1E600] =	vst v63  }
0x125: {  	_ =	swait.ge [sflag:s12], $0x2000  }
0x126: {  	[sflag:s12] =	ssyncset.done $0x0  }
0x127: {  	s8 =	simm.s32 $0x500;
	[sflag:s12] =	ssyncadd.s32 $0xFFFFE000  }
0x128: {  	[tilespmem:s19], [sflag:$0x1] =	stream.indirect.gather [hbm4b:s15+s23], $0x40, s8, s23, $0xb8;
	[tilespmem:$0x1E600] =	vst v63  }
0x129: {  	_ =	swait.ge [sflag:s0], $0x2000  }
0x12a: {  	[sflag:s0] =	ssyncset.done $0x0  }
0x12b: {  	s11 =	simm.s32 $0x5400;
	[sflag:s0] =	ssyncadd.s32 $0xFFFFE000  }
0x12c: {  	[spmem:s13] =	stream.indirect.scatter.add.f32 [tilespmem:s28], [sflag:$0x9], $0x40, s11, s23, $0xb8;
	[tilespmem:$0x1E600] =	vst v63  }
0x12d: {  	_ =	swait.ge [sflag:s1], $0x2000  }
0x12e: {  	[sflag:s1] =	ssyncset.done $0x0  }
0x12f: {  	s16 =	simm.s32 $0x580;
	[sflag:s1] =	ssyncadd.s32 $0xFFFFE000  }
0x130: {  	[tilespmem:s24], [sflag:$0x2] =	stream.indirect.gather [hbm4b:s15+s23], $0x40, s16, s23, $0xb8;
	[tilespmem:$0x1E600] =	vst v63  }
0x131: {  	_ =	swait.ge [sflag:s30], $0x2000  }
0x132: {  	[sflag:s30] =	ssyncset.done $0x0  }
0x133: {  	s21 =	simm.s32 $0x5480;
	[sflag:s30] =	ssyncadd.s32 $0xFFFFE000  }
0x134: {  	[spmem:s13] =	stream.indirect.scatter.add.f32 [tilespmem:s29], [sflag:$0xA], $0x40, s21, s23, $0xb8;
	[tilespmem:$0x1E600] =	vst v63  }
0x135: {  	_ =	swait.ge [sflag:s4], $0x2000  }
0x136: {  	[sflag:s4] =	ssyncset.done $0x0  }
0x137: {  	s6 =	simm.s32 $0xA00;
	s7 =	simm.s32 $0x600;
	[sflag:s4] =	ssyncadd.s32 $0xFFFFE000  }
.LBB2_8:
0x138: {  	[tilespmem:s25], [sflag:$0x3] =	stream.indirect.gather [hbm4b:s15+s23], $0x40, s7, s23, $0xb8;
	[tilespmem:$0x1E600] =	vst v63  }
0x139: {  	s7 =	smov.u32 s6  }
0x13a: {  	p2 =	sne.s32 s6, $0x12200;
	s6 =	sadd.s32 $0xA00, s6;
	_ =	swait.ge [sflag:s26], $0x2000  }
0x13b: {  	s7 =	sshra.s32 s7, $0x2;
	[sflag:s26] =	ssyncset.done $0x0  }
0x13c: {  	s8 =	sadd.s32 $0x5280, s7;
	[sflag:s26] =	ssyncadd.s32 $0xFFFFE000  }
0x13d: {  	[spmem:s13] =	stream.indirect.scatter.add.f32 [tilespmem:s19], [sflag:$0x6], $0x40, s8, s23, $0xb8;
	[tilespmem:$0x1E600] =	vst v63  }
0x13e: {  	_ =	swait.ge [sflag:s2], $0x2000  }
0x13f: {  	[sflag:s2] =	ssyncset.done $0x0  }
0x140: {  	s8 =	sadd.s32 $0x400, s7;
	[sflag:s2] =	ssyncadd.s32 $0xFFFFE000  }
0x141: {  	[tilespmem:s28], [sflag:$0x4] =	stream.indirect.gather [hbm4b:s15+s23], $0x40, s8, s23, $0xb8;
	[tilespmem:$0x1E600] =	vst v63  }
0x142: {  	_ =	swait.ge [sflag:s22], $0x2000  }
0x143: {  	[sflag:s22] =	ssyncset.done $0x0  }
0x144: {  	s8 =	sadd.s32 $0x5300, s7;
	[sflag:s22] =	ssyncadd.s32 $0xFFFFE000  }
0x145: {  	[spmem:s13] =	stream.indirect.scatter.add.f32 [tilespmem:s24], [sflag:$0x7], $0x40, s8, s23, $0xb8;
	[tilespmem:$0x1E600] =	vst v63  }
0x146: {  	_ =	swait.ge [sflag:s3], $0x2000  }
0x147: {  	[sflag:s3] =	ssyncset.done $0x0  }
0x148: {  	s8 =	sadd.s32 $0x480, s7;
	[sflag:s3] =	ssyncadd.s32 $0xFFFFE000  }
0x149: {  	[tilespmem:s29], [sflag:$0x5] =	stream.indirect.gather [hbm4b:s15+s23], $0x40, s8, s23, $0xb8;
	[tilespmem:$0x1E600] =	vst v63  }
0x14a: {  	_ =	swait.ge [sflag:s31], $0x2000  }
0x14b: {  	[sflag:s31] =	ssyncset.done $0x0  }
0x14c: {  	s8 =	sadd.s32 $0x5380, s7;
	[sflag:s31] =	ssyncadd.s32 $0xFFFFE000  }
0x14d: {  	[spmem:s13] =	stream.indirect.scatter.add.f32 [tilespmem:s25], [sflag:$0x8], $0x40, s8, s23, $0xb8;
	[tilespmem:$0x1E600] =	vst v63  }
0x14e: {  	_ =	swait.ge [sflag:s12], $0x2000  }
0x14f: {  	[sflag:s12] =	ssyncset.done $0x0  }
0x150: {  	s8 =	sadd.s32 $0x500, s7;
	[sflag:s12] =	ssyncadd.s32 $0xFFFFE000  }
0x151: {  	[tilespmem:s19], [sflag:$0x1] =	stream.indirect.gather [hbm4b:s15+s23], $0x40, s8, s23, $0xb8;
	[tilespmem:$0x1E600] =	vst v63  }
0x152: {  	_ =	swait.ge [sflag:s0], $0x2000  }
0x153: {  	[sflag:s0] =	ssyncset.done $0x0  }
0x154: {  	s8 =	sadd.s32 $0x5400, s7;
	[sflag:s0] =	ssyncadd.s32 $0xFFFFE000  }
0x155: {  	[spmem:s13] =	stream.indirect.scatter.add.f32 [tilespmem:s28], [sflag:$0x9], $0x40, s8, s23, $0xb8;
	[tilespmem:$0x1E600] =	vst v63  }
0x156: {  	_ =	swait.ge [sflag:s1], $0x2000  }
0x157: {  	[sflag:s1] =	ssyncset.done $0x0  }
0x158: {  	s8 =	sadd.s32 $0x580, s7;
	[sflag:s1] =	ssyncadd.s32 $0xFFFFE000  }
0x159: {  	[tilespmem:s24], [sflag:$0x2] =	stream.indirect.gather [hbm4b:s15+s23], $0x40, s8, s23, $0xb8;
	[tilespmem:$0x1E600] =	vst v63  }
0x15a: {  	_ =	swait.ge [sflag:s30], $0x2000  }
0x15b: {  	[sflag:s30] =	ssyncset.done $0x0  }
.Ltmp6:
0x15c: {  	s8 =	sadd.s32 $0x5480, s7;
	[sflag:s30] =	ssyncadd.s32 $0xFFFFE000;
	(pc) =	sbr.rel @p2 .LBB2_8-.Ltmp6, $4  }
0x15d: {  	[spmem:s13] =	stream.indirect.scatter.add.f32 [tilespmem:s29], [sflag:$0xA], $0x40, s8, s23, $0xb8;
	[tilespmem:$0x1E600] =	vst v63  }
0x15e: {  	_ =	swait.ge [sflag:s4], $0x2000  }
0x15f: {  	[sflag:s4] =	ssyncset.done $0x0  }
0x160: {  	s7 =	sadd.s32 $0x600, s7;
	[sflag:s4] =	ssyncadd.s32 $0xFFFFE000  }
0x161: {  	[tilespmem:s25], [sflag:$0x3] =	stream.indirect.gather [hbm4b:s15+s23], $0x40, s7, s23, $0xb8;
	[tilespmem:$0x1E600] =	vst v63  }
0x162: {  	s6 =	smov.u32 s15  }
.LBB2_10:
0x163: {  	_ =	swait.ge [sflag:s26], $0x2000  }
0x164: {  	[sflag:s26] =	ssyncset.done $0x0  }
0x165: {  	s7 =	simm.s32 $0x9D80;
	[sflag:s26] =	ssyncadd.s32 $0xFFFFE000  }
0x166: {  	[spmem:s13] =	stream.indirect.scatter.add.f32 [tilespmem:s19], [sflag:$0x6], $0x40, s7, s23, $0xb8;
	[tilespmem:$0x1E600] =	vst v63  }
0x167: {  	_ =	swait.ge [sflag:s2], $0x2000  }
0x168: {  	[sflag:s2] =	ssyncset.done $0x0  }
0x169: {  	s11 =	simm.s32 $0x4F00;
	[sflag:s2] =	ssyncadd.s32 $0xFFFFE000  }
0x16a: {  	[tilespmem:s28], [sflag:$0x4] =	stream.indirect.gather [hbm4b:s6+s23], $0x40, s11, s23, $0xb8;
	[tilespmem:$0x1E600] =	vst v63  }
0x16b: {  	_ =	swait.ge [sflag:s22], $0x2000  }
0x16c: {  	[sflag:s22] =	ssyncset.done $0x0  }
0x16d: {  	s16 =	simm.s32 $0x9E00;
	[sflag:s22] =	ssyncadd.s32 $0xFFFFE000  }
0x16e: {  	[spmem:s13] =	stream.indirect.scatter.add.f32 [tilespmem:s24], [sflag:$0x7], $0x40, s16, s23, $0xb8;
	[tilespmem:$0x1E600] =	vst v63  }
0x16f: {  	_ =	swait.ge [sflag:s3], $0x2000  }
0x170: {  	[sflag:s3] =	ssyncset.done $0x0  }
0x171: {  	s21 =	simm.s32 $0x4F80;
	[sflag:s3] =	ssyncadd.s32 $0xFFFFE000  }
0x172: {  	[tilespmem:s29], [sflag:$0x5] =	stream.indirect.gather [hbm4b:s6+s23], $0x40, s21, s23, $0xb8;
	[tilespmem:$0x1E600] =	vst v63  }
0x173: {  	_ =	swait.ge [sflag:s31], $0x2000  }
0x174: {  	[sflag:s31] =	ssyncset.done $0x0  }
0x175: {  	s8 =	simm.s32 $0x9E80;
	[sflag:s31] =	ssyncadd.s32 $0xFFFFE000  }
0x176: {  	[spmem:s13] =	stream.indirect.scatter.add.f32 [tilespmem:s25], [sflag:$0x8], $0x40, s8, s23, $0xb8;
	[tilespmem:$0x1E600] =	vst v63  }
0x177: {  	_ =	swait.ge [sflag:s12], $0x2000  }
0x178: {  	[sflag:s12] =	ssyncset.done $0x0  }
0x179: {  	[sflag:s12] =	ssyncadd.s32 $0xFFFFE000  }
0x17a: {  	_ =	swait.ge [sflag:s0], $0x2000  }
0x17b: {  	[sflag:s0] =	ssyncset.done $0x0  }
0x17c: {  	s11 =	simm.s32 $0x9F00;
	[sflag:s0] =	ssyncadd.s32 $0xFFFFE000  }
0x17d: {  	[spmem:s13] =	stream.indirect.scatter.add.f32 [tilespmem:s28], [sflag:$0x9], $0x40, s11, s23, $0xb8;
	[tilespmem:$0x1E600] =	vst v63  }
0x17e: {  	_ =	swait.ge [sflag:s1], $0x2000  }
0x17f: {  	[sflag:s1] =	ssyncset.done $0x0  }
0x180: {  	[sflag:s1] =	ssyncadd.s32 $0xFFFFE000  }
0x181: {  	_ =	swait.ge [sflag:s30], $0x2000  }
0x182: {  	[sflag:s30] =	ssyncset.done $0x0  }
0x183: {  	s16 =	simm.s32 $0x9F80;
	[sflag:s30] =	ssyncadd.s32 $0xFFFFE000  }
0x184: {  	[spmem:s13] =	stream.indirect.scatter.add.f32 [tilespmem:s29], [sflag:$0xA], $0x40, s16, s23, $0xb8;
	[tilespmem:$0x1E600] =	vst v63  }
0x185: {  	_ =	swait.ge [sflag:s4], $0x2000  }
0x186: {  	[sflag:s4] =	ssyncset.done $0x0  }
0x187: {  	[sflag:s4] =	ssyncadd.s32 $0xFFFFE000  }
0x188: {  	_ =	swait.ge [sflag:s2], $0x2000  }
0x189: {  	[sflag:s2] =	ssyncset.done $0x0  }
0x18a: {  	[sflag:s2] =	ssyncadd.s32 $0xFFFFE000  }
0x18b: {  	_ =	swait.ge [sflag:s3], $0x2000  }
0x18c: {  	[sflag:s3] =	ssyncset.done $0x0  }
0x18d: {  	[sflag:s3] =	ssyncadd.s32 $0xFFFFE000  }
0x18e: {  	[bflag:$0x0] =	sbarrier.arrive $0xFFFF  }
0x18f: {  	s6 =	simm.s32 $0x0;
	s8 =	simm.s32 $0x14000;
	s21 =	rddreg [dreg:$0x11]  }
0x190: {  	[tilespmem:s8], [sflag:$0xB] =	stream.linear.gather [hbm4b:s21+s6], $0x280, $0x38;
	[tilespmem:$0x1E600] =	vst v63  }
0x191: {  	_ =	swait.ge [sflag:s20], $0x280  }
0x192: {  	[sflag:s20] =	ssyncset.done $0x0  }
0x193: {  	s11 =	simm.s32 $0x14280;
	s8 =	rddreg [dreg:$0x12];
	[sflag:s20] =	ssyncadd.s32 $0xFFFFFD80  }
0x194: {  	[tilespmem:s11], [sflag:$0xB] =	stream.linear.gather [hbm4b:s8+s6], $0x280, $0x38;
	[tilespmem:$0x1E600] =	vst v63  }
0x195: {  	_ =	swait.ge [sflag:s20], $0x280  }
0x196: {  	[sflag:s20] =	ssyncset.done $0x0  }
0x197: {  	[sflag:s20] =	ssyncadd.s32 $0xFFFFFD80  }
0x198: {  	s21 =	simm.s32 $0x14780;
	s16 =	rddreg [dreg:$0x1]  }
0x199: {  	[tilespmem:s21], [sflag:$0xB] =	stream.linear.gather [hbm4b:s16+s6], $0x80, $0x38;
	[tilespmem:$0x1E600] =	vst v63  }
0x19a: {  	_ =	swait.ge [sflag:s20], $0x80  }
0x19b: {  	[sflag:s20] =	ssyncset.done $0x0  }
0x19c: {  	s16 =	simm.s32 $0x0;
	[sflag:s20] =	ssyncadd.s32 $0xFFFFFF80  }
0x19d: {  	v1 =	vld [tilespmem:s16+$0x14000]  }
0x19e: {  	v2 =	vld [tilespmem:s16+$0x14280];
	_ =	sdelay $0x4  }
0x19f: {  	v2 =	vadd.f32 v2, v1  }
0x1a0: {  	s21 =	simm.s32 $0x10  }
0x1a1: {  	v4 =	vld [tilespmem:s21+$0x14280];
	v7 =	vmul.f32 $5.000000000e-01, v2;
	v3 =	vshrl.u32 v2, $0x1  }
0x1a2: {  	v1 =	vld [tilespmem:s21+$0x14000];
	v3 =	vsub.s32 $0x5F3759DF, v3  }
0x1a3: {  	v5 =	vmul.f32 v3, v7;
	_ =	sdelay $0x1  }
0x1a4: {  	v5 =	vmul.f32 v3, v5;
	_ =	sdelay $0x1  }
0x1a5: {  	s20 =	simm.s32 $0x20;
	v1 =	vadd.f32 v4, v1;
	v4 =	vsub.f32 $1.500000000e+00, v5  }
0x1a6: {  	v6 =	vld [tilespmem:s20+$0x14000]  }
0x1a7: {  	v8 =	vld [tilespmem:s20+$0x14280];
	v9 =	vshrl.u32 v1, $0x1;
	v5 =	vmul.f32 $5.000000000e-01, v1;
	v4 =	vmul.f32 v3, v4  }
0x1a8: {  	v9 =	vsub.s32 $0x5F3759DF, v9  }
0x1a9: {  	v3 =	vmul.f32 v9, v5;
	v10 =	vmul.f32 v4, v7;
	_ =	sdelay $0x1  }
0x1aa: {  	v11 =	vmul.f32 v9, v3;
	v10 =	vmul.f32 v10, v4  }
0x1ab: {  	v3 =	vadd.f32 v8, v6  }
0x1ac: {  	s11 =	simm.s32 $0x30;
	v8 =	vsub.f32 $1.500000000e+00, v11;
	v10 =	vsub.f32 $1.500000000e+00, v10  }
0x1ad: {  	v13 =	vld [tilespmem:s11+$0x14280];
	v6 =	vmul.f32 $5.000000000e-01, v3;
	v12 =	vshrl.u32 v3, $0x1  }
0x1ae: {  	v11 =	vld [tilespmem:s11+$0x14000];
	v12 =	vsub.s32 $0x5F3759DF, v12;
	v9 =	vmul.f32 v9, v8;
	v10 =	vmul.f32 v10, v4  }
0x1af: {  	v4 =	vmul.f32 v12, v6  }
0x1b0: {  	v8 =	vmul.f32 v9, v5;
	v14 =	vmul.f32 v10, v7  }
0x1b1: {  	v15 =	vmul.f32 v12, v4  }
0x1b2: {  	v8 =	vmul.f32 v8, v9;
	v14 =	vmul.f32 v14, v10  }
0x1b3: {  	s6 =	simm.s32 $0x40;
	v4 =	vadd.f32 v13, v11;
	v11 =	vsub.f32 $1.500000000e+00, v15  }
0x1b4: {  	v16 =	vld [tilespmem:s6+$0x14280];
	v13 =	vsub.f32 $1.500000000e+00, v8;
	v14 =	vsub.f32 $1.500000000e+00, v14  }
0x1b5: {  	v15 =	vld [tilespmem:s6+$0x14000];
	v8 =	vmul.f32 $5.000000000e-01, v4;
	v17 =	vshrl.u32 v4, $0x1;
	v11 =	vmul.f32 v12, v11  }
0x1b6: {  	v9 =	vmul.f32 v13, v9;
	v12 =	vsub.s32 $0x5F3759DF, v17;
	v13 =	vmul.f32 v14, v10  }
0x1b7: {  	v10 =	vmul.f32 v12, v8;
	v14 =	vmul.f32 v11, v6  }
0x1b8: {  	v17 =	vmul.f32 v9, v5;
	v18 =	vmul.f32 v13, v7  }
0x1b9: {  	v10 =	vmul.f32 v12, v10;
	v14 =	vmul.f32 v14, v11  }
0x1ba: {  	v7 =	vadd.f32 v16, v15;
	v15 =	vmul.f32 v17, v9;
	v16 =	vmul.f32 v18, v13  }
0x1bb: {  	s7 =	simm.s32 $0x50;
	v17 =	vsub.f32 $1.500000000e+00, v10;
	v14 =	vsub.f32 $1.500000000e+00, v14  }
0x1bc: {  	v10 =	vmul.f32 $5.000000000e-01, v7;
	v18 =	vsub.f32 $1.500000000e+00, v15;
	v15 =	vld [tilespmem:s7+$0x14000];
	v19 =	vsub.f32 $1.500000000e+00, v16  }
0x1bd: {  	v20 =	vshrl.u32 v7, $0x1;
	v12 =	vmul.f32 v12, v17;
	v11 =	vmul.f32 v14, v11;
	v16 =	vld [tilespmem:s7+$0x14280]  }
0x1be: {  	s8 =	simm.s32 $0x180;
	v14 =	vsub.s32 $0x5F3759DF, v20;
	v9 =	vmul.f32 v18, v9;
	v13 =	vmul.f32 v19, v13  }
.LBB2_11:
0x1bf: {  	p2 =	sne.s32 s8, $0x9C0;
	v17 =	vmul.f32 v14, v10;
	v18 =	vmul.f32 v12, v8;
	vm0 =	vgt.f32 v2, $0.0e+00;
	v2 =	vmovc v1;
	v1 =	vmovc v3  }
0x1c0: {  	v22 =	vmul.f32 v11, v6;
	v3 =	vmovc v4;
	v4 =	vmovc v7;
	v20 =	vmul.f32 v9, v5;
	v21 =	vnsel vm0, $0x0, v13  }
0x1c1: {  	v5 =	vmovc v6;
	v6 =	vmov v8;
	v13 =	vmul.f32 v14, v17;
	v17 =	vmul.f32 v18, v12;
	[tilespmem:s16+$0x14500] =	vst v21;
	s16 =	smov.u32 s21;
	s21 =	smov.u32 s20;
	s20 =	smov.u32 s11  }
.Ltmp7:
0x1c2: {  	v8 =	vmovc v10;
	s11 =	smov.u32 s6;
	s6 =	smov.u32 s7;
	v7 =	vadd.f32 v16, v15;
	v16 =	vmul.f32 v22, v11;
	v18 =	vmul.f32 v20, v9;
	(pc) =	sbr.rel @p2 .LBB2_11-.Ltmp7, $4  }
0x1c3: {  	v19 =	vmov v11;
	s7 =	sshra.s32 s8, $0x2;
	v13 =	vsub.f32 $1.500000000e+00, v13;
	v17 =	vsub.f32 $1.500000000e+00, v17  }
0x1c4: {  	v15 =	vld [tilespmem:s7+$0x14000];
	v10 =	vmul.f32 $5.000000000e-01, v7;
	v20 =	vsub.f32 $1.500000000e+00, v16;
	v18 =	vsub.f32 $1.500000000e+00, v18  }
0x1c5: {  	v21 =	vshrl.u32 v7, $0x1;
	v16 =	vld [tilespmem:s7+$0x14280];
	v11 =	vmul.f32 v17, v12;
	v12 =	vmul.f32 v14, v13  }
0x1c6: {  	s8 =	sadd.s32 $0x40, s8;
	v14 =	vsub.s32 $0x5F3759DF, v21;
	v13 =	vmul.f32 v18, v9;
	v9 =	vmul.f32 v20, v19  }
0x1c7: {  	_ =	sdelay $0x2  }
0x1c8: {  	v15 =	vadd.f32 v16, v15;
	_ =	sdelay $0x1  }
0x1c9: {  	v17 =	vmul.f32 $5.000000000e-01, v15;
	v18 =	vshrl.u32 v15, $0x1  }
0x1ca: {  	v48 =	vmul.f32 v14, v10;
	v18 =	vsub.s32 $0x5F3759DF, v18  }
0x1cb: {  	v19 =	vmul.f32 v18, v17  }
0x1cc: {  	v16 =	vmul.f32 v14, v48  }
0x1cd: {  	v19 =	vmul.f32 v18, v19  }
0x1ce: {  	v16 =	vsub.f32 $1.500000000e+00, v16  }
0x1cf: {  	v50 =	vsub.f32 $1.500000000e+00, v19  }
0x1d0: {  	v49 =	vmul.f32 v14, v16  }
0x1d1: {  	v51 =	vmul.f32 v12, v8;
	v16 =	vmul.f32 v18, v50  }
0x1d2: {  	v20 =	vmul.f32 v49, v10  }
0x1d3: {  	v52 =	vmul.f32 v51, v12;
	v54 =	vmul.f32 v16, v17  }
0x1d4: {  	v53 =	vmul.f32 v20, v49  }
0x1d5: {  	v18 =	vsub.f32 $1.500000000e+00, v52;
	v20 =	vmul.f32 v54, v16  }
0x1d6: {  	v19 =	vsub.f32 $1.500000000e+00, v53  }
0x1d7: {  	v55 =	vmul.f32 v18, v12;
	v56 =	vsub.f32 $1.500000000e+00, v20  }
0x1d8: {  	v57 =	vmul.f32 v11, v6;
	v14 =	vmul.f32 v19, v49  }
0x1d9: {  	v58 =	vmul.f32 v55, v8;
	v16 =	vmul.f32 v56, v16  }
0x1da: {  	v59 =	vmul.f32 v57, v11;
	v21 =	vmul.f32 v14, v10  }
0x1db: {  	v60 =	vmul.f32 v58, v55;
	v62 =	vmul.f32 v16, v17  }
0x1dc: {  	v18 =	vsub.f32 $1.500000000e+00, v59;
	v61 =	vmul.f32 v21, v14  }
0x1dd: {  	v5 =	vmul.f32 v9, v5;
	v19 =	vsub.f32 $1.500000000e+00, v60;
	v21 =	vmul.f32 v62, v16  }
0x1de: {  	v11 =	vmul.f32 v18, v11;
	v20 =	vsub.f32 $1.500000000e+00, v61  }
0x1df: {  	v5 =	vmul.f32 v5, v9;
	v12 =	vmul.f32 v19, v55;
	v63 =	vsub.f32 $1.500000000e+00, v21  }
0x1e0: {  	v6 =	vmul.f32 v11, v6;
	v14 =	vmul.f32 v20, v14  }
0x1e1: {  	vm0 =	vgt.f32 v2, $0.0e+00;
	v2 =	vmul.f32 v12, v8;
	v8 =	vmul.f32 v63, v16  }
0x1e2: {  	v5 =	vsub.f32 $1.500000000e+00, v5;
	v6 =	vmul.f32 v6, v11;
	v10 =	vmul.f32 v14, v10  }
0x1e3: {  	vm11 =	vgt.f32 v1, $0.0e+00;
	v2 =	vmul.f32 v2, v12;
	v16 =	vmul.f32 v8, v17  }
0x1e4: {  	v5 =	vmul.f32 v5, v9;
	v6 =	vsub.f32 $1.500000000e+00, v6;
	v9 =	vmul.f32 v10, v14  }
0x1e5: {  	vm12 =	vgt.f32 v3, $0.0e+00;
	v1 =	vsub.f32 $1.500000000e+00, v2;
	v2 =	vmul.f32 v16, v8  }
0x1e6: {  	v13 =	vnsel vm0, $0x0, v13;
	v6 =	vmul.f32 v6, v11;
	v9 =	vsub.f32 $1.500000000e+00, v9  }
0x1e7: {  	[tilespmem:s16+$0x14500] =	vst v13;
	v5 =	vnsel vm11, $0x0, v5;
	v1 =	vmul.f32 v1, v12;
	v2 =	vsub.f32 $1.500000000e+00, v2  }
0x1e8: {  	vm13 =	vgt.f32 v4, $0.0e+00;
	[tilespmem:s21+$0x14500] =	vst v5;
	v3 =	vnsel vm12, $0x0, v6;
	v4 =	vmul.f32 v9, v14  }
0x1e9: {  	vm14 =	vgt.f32 v7, $0.0e+00;
	[tilespmem:s20+$0x14500] =	vst v3;
	v1 =	vnsel vm13, $0x0, v1;
	v2 =	vmul.f32 v2, v8  }
0x1ea: {  	vm15 =	vgt.f32 v15, $0.0e+00;
	[tilespmem:s11+$0x14500] =	vst v1;
	v1 =	vnsel vm14, $0x0, v4  }
0x1eb: {  	[tilespmem:s6+$0x14500] =	vst v1;
	v1 =	vnsel vm15, $0x0, v2  }
0x1ec: {  	s8 =	rddreg [dreg:$0x13];
	[tilespmem:s7+$0x14500] =	vst v1  }
0x1ed: {  	v2 =	vld [tilespmem:s8+$0x14780]  }
0x1ee: {  	s16 =	rddreg [dreg:$0xd];
	v3 =	vld [tilespmem:s8+$0x14790]  }
0x1ef: {  	s21 =	rddreg [dreg:$0xe];
	s20 =	simm.s32 $0xB;
	s11 =	sadd.s32 $0x0, s16;
	v1 =	vld [tilespmem:s8+$0x147A0]  }
0x1f0: {  	v4 =	vld [tilespmem:s8+$0x147B0];
	[tilespmem:s19], [sflag:$0xB] =	stream.linear.gather [spmem:s21], $0x13C0, $0x38  }
0x1f1: {  	v5 =	vmov s11;
	_ =	swait.ge [sflag:s20], $0x13C0  }
0x1f2: {  	[sflag:s20] =	ssyncset.done $0x0  }
0x1f3: {  	s6 =	simm.s32 $0xA020;
	[sflag:s20] =	ssyncadd.s32 $0xFFFFEC40  }
0x1f4: {  	v6 =	vld [tilespmem:s6+$0xFFFFFFF0]  }
0x1f5: {  	v7 =	vld [tilespmem:s6+$0x10]  }
0x1f6: {  	v5 =	vld.idx.msk [tilespmem:v5+s5+$0x0], $0xffff  }
0x1f7: {  	v8 =	vld [tilespmem:s6+$0xFFFFFFE0]  }
0x1f8: {  	v9 =	vld [tilespmem:s6+$0x0];
	_ =	sdelay $0x3  }
0x1f9: {  	v8 =	vmul.f32 v8, v5;
	v7 =	vmul.f32 v7, v5  }
0x1fa: {  	v6 =	vmul.f32 v6, v5;
	v5 =	vmul.f32 v9, v5  }
0x1fb: {  	v8 =	vadd.f32 v8, v2;
	v9 =	vadd.f32 v7, v4  }
0x1fc: {  	s8 =	sadd.s32 $0x1, s16;
	v7 =	vadd.f32 v6, v3;
	v6 =	vadd.f32 v5, v1  }
0x1fd: {  	s7 =	simm.s32 $0x2;
	v5 =	vmov s8;
	s8 =	simm.s32 $0xA020;
	v8 =	vmax.f32 v8, $0.0e+00;
	v9 =	vmax.f32 v9, $0.0e+00  }
.LBB2_13:
0x1fe: {  	p2 =	sne.s32 s7, $0x4E  }
0x1ff: {  	v7 =	vmax.f32 v7, $0.0e+00;
	v6 =	vmax.f32 v6, $0.0e+00;
	[tilespmem:s6+$0x10] =	vst v9;
	s8 =	sadd.s32 $0x40, s8;
	s11 =	smov.u32 s7;
	s7 =	sadd.s32 $0x1, s7  }
0x200: {  	[tilespmem:s6+$0xFFFFFFE0] =	vst v8  }
0x201: {  	v8 =	vld [tilespmem:s8+$0xFFFFFFF0];
	[tilespmem:s6+$0xFFFFFFF0] =	vst v7  }
0x202: {  	v7 =	vld [tilespmem:s8+$0x10];
	[tilespmem:s6+$0x0] =	vst v6;
	s6 =	smov.u32 s8  }
0x203: {  	v5 =	vld.idx.msk [tilespmem:v5+s5+$0x0], $0xffff  }
0x204: {  	v6 =	vld [tilespmem:s8+$0xFFFFFFE0]  }
0x205: {  	v9 =	vld [tilespmem:s8+$0x0];
	_ =	sdelay $0x3  }
.Ltmp8:
0x206: {  	v7 =	vmul.f32 v7, v5;
	v6 =	vmul.f32 v6, v5;
	(pc) =	sbr.rel @p2 .LBB2_13-.Ltmp8, $4  }
0x207: {  	v8 =	vmul.f32 v8, v5;
	v5 =	vmul.f32 v9, v5  }
0x208: {  	v10 =	vadd.f32 v7, v4;
	v9 =	vadd.f32 v6, v2  }
0x209: {  	s11 =	sadd.s32 s16, s11;
	v7 =	vadd.f32 v8, v3;
	v6 =	vadd.f32 v5, v1  }
0x20a: {  	v5 =	vmov s11;
	v8 =	vmax.f32 v9, $0.0e+00;
	v9 =	vmax.f32 v10, $0.0e+00  }
0x20b: {  	[tilespmem:s6+$0x10] =	vst v9  }
0x20c: {  	s7 =	sadd.s32 $0x40, s8;
	[tilespmem:s6+$0xFFFFFFE0] =	vst v8;
	v7 =	vmax.f32 v7, $0.0e+00  }
0x20d: {  	v6 =	vmax.f32 v6, $0.0e+00;
	v8 =	vld [tilespmem:s7+$0xFFFFFFF0];
	[tilespmem:s6+$0xFFFFFFF0] =	vst v7  }
0x20e: {  	v7 =	vld [tilespmem:s7+$0x10];
	[tilespmem:s6+$0x0] =	vst v6  }
0x20f: {  	v5 =	vld.idx.msk [tilespmem:v5+s5+$0x0], $0xffff  }
0x210: {  	v6 =	vld [tilespmem:s7+$0xFFFFFFE0]  }
0x211: {  	v9 =	vld [tilespmem:s7+$0x0];
	_ =	sdelay $0x2  }
0x212: {  	v7 =	vmul.f32 v7, v5  }
0x213: {  	v6 =	vmul.f32 v6, v5  }
0x214: {  	v8 =	vmul.f32 v8, v5;
	v5 =	vmul.f32 v9, v5;
	v7 =	vadd.f32 v7, v4  }
0x215: {  	v6 =	vadd.f32 v6, v2  }
0x216: {  	v5 =	vadd.f32 v5, v1;
	v7 =	vmax.f32 v7, $0.0e+00  }
0x217: {  	v8 =	vadd.f32 v8, v3;
	v6 =	vmax.f32 v6, $0.0e+00;
	[tilespmem:s7+$0x10] =	vst v7  }
0x218: {  	v5 =	vmax.f32 v5, $0.0e+00;
	[tilespmem:s7+$0xFFFFFFE0] =	vst v6  }
0x219: {  	v7 =	vmax.f32 v8, $0.0e+00;
	[tilespmem:s7+$0x0] =	vst v5  }
0x21a: {  	s11 =	rddreg [dreg:$0x7];
	s16 =	simm.s32 $0x40;
	[tilespmem:s7+$0xFFFFFFF0] =	vst v7  }
0x21b: {  	[hbm4b:s11+s16] =	stream.strided.scatter [tilespmem:s19], [sflag:$0xB], $0x13C0, s23, s16, $0x38;
	[tilespmem:$0x1E600] =	vst v63  }
0x21c: {  	_ =	swait.ge [sflag:s20], $0x13C0  }
0x21d: {  	[sflag:s20] =	ssyncset.done $0x0;
	s16 =	sld [smem:$0x7FB]  }
0x21e: {  	s7 =	rddreg [dreg:$0x14];
	[sflag:s20] =	ssyncadd.s32 $0xFFFFEC40  }
0x21f: {  	[tilespmem:s19], [sflag:$0xB] =	stream.linear.gather [spmem:s7], $0x13C0, $0x38;
	[tilespmem:$0x1E600] =	vst v63  }
0x220: {  	s8 =	sadd.s32 $0x0, s16;
	_ =	swait.ge [sflag:s20], $0x13C0  }
0x221: {  	v5 =	vmov s8;
	[sflag:s20] =	ssyncset.done $0x0  }
0x222: {  	s6 =	simm.s32 $0xA020;
	[sflag:s20] =	ssyncadd.s32 $0xFFFFEC40  }
0x223: {  	v6 =	vld [tilespmem:s6+$0xFFFFFFF0]  }
0x224: {  	v7 =	vld [tilespmem:s6+$0x10]  }
0x225: {  	v8 =	vld [tilespmem:s6+$0xFFFFFFE0]  }
0x226: {  	v5 =	vld.idx.msk [tilespmem:v5+s5+$0x0], $0xffff  }
0x227: {  	v9 =	vld [tilespmem:s6+$0x0];
	_ =	sdelay $0x3  }
0x228: {  	v8 =	vmul.f32 v8, v5;
	v7 =	vmul.f32 v7, v5  }
0x229: {  	v6 =	vmul.f32 v6, v5;
	v5 =	vmul.f32 v9, v5  }
0x22a: {  	v8 =	vadd.f32 v8, v2;
	v9 =	vadd.f32 v7, v4  }
0x22b: {  	s11 =	sadd.s32 $0x1, s16;
	v7 =	vadd.f32 v6, v3;
	v6 =	vadd.f32 v5, v1  }
0x22c: {  	s7 =	simm.s32 $0x2;
	s8 =	simm.s32 $0xA020;
	v5 =	vmov s11;
	v8 =	vmax.f32 v8, $0.0e+00;
	v9 =	vmax.f32 v9, $0.0e+00  }
.LBB2_15:
0x22d: {  	p2 =	sne.s32 s7, $0x4E  }
0x22e: {  	v7 =	vmax.f32 v7, $0.0e+00;
	v6 =	vmax.f32 v6, $0.0e+00;
	[tilespmem:s6+$0x10] =	vst v9;
	s8 =	sadd.s32 $0x40, s8;
	s11 =	smov.u32 s7;
	s7 =	sadd.s32 $0x1, s7  }
0x22f: {  	[tilespmem:s6+$0xFFFFFFE0] =	vst v8  }
0x230: {  	v8 =	vld [tilespmem:s8+$0xFFFFFFF0];
	[tilespmem:s6+$0xFFFFFFF0] =	vst v7  }
0x231: {  	v7 =	vld [tilespmem:s8+$0x10];
	[tilespmem:s6+$0x0] =	vst v6;
	s6 =	smov.u32 s8  }
0x232: {  	v5 =	vld.idx.msk [tilespmem:v5+s5+$0x0], $0xffff  }
0x233: {  	v6 =	vld [tilespmem:s8+$0xFFFFFFE0]  }
0x234: {  	v9 =	vld [tilespmem:s8+$0x0];
	_ =	sdelay $0x3  }
.Ltmp9:
0x235: {  	v7 =	vmul.f32 v7, v5;
	v6 =	vmul.f32 v6, v5;
	(pc) =	sbr.rel @p2 .LBB2_15-.Ltmp9, $4  }
0x236: {  	v8 =	vmul.f32 v8, v5;
	v5 =	vmul.f32 v9, v5  }
0x237: {  	v10 =	vadd.f32 v7, v4;
	v9 =	vadd.f32 v6, v2  }
0x238: {  	s11 =	sadd.s32 s16, s11;
	v7 =	vadd.f32 v8, v3;
	v6 =	vadd.f32 v5, v1  }
0x239: {  	v5 =	vmov s11;
	v8 =	vmax.f32 v9, $0.0e+00;
	v9 =	vmax.f32 v10, $0.0e+00  }
0x23a: {  	[tilespmem:s6+$0x10] =	vst v9  }
0x23b: {  	s7 =	sadd.s32 $0x40, s8;
	[tilespmem:s6+$0xFFFFFFE0] =	vst v8;
	v7 =	vmax.f32 v7, $0.0e+00  }
0x23c: {  	v6 =	vmax.f32 v6, $0.0e+00;
	v8 =	vld [tilespmem:s7+$0xFFFFFFF0];
	[tilespmem:s6+$0xFFFFFFF0] =	vst v7  }
0x23d: {  	v7 =	vld [tilespmem:s7+$0x10];
	[tilespmem:s6+$0x0] =	vst v6  }
0x23e: {  	v5 =	vld.idx.msk [tilespmem:v5+s5+$0x0], $0xffff  }
0x23f: {  	v6 =	vld [tilespmem:s7+$0xFFFFFFE0]  }
0x240: {  	v9 =	vld [tilespmem:s7+$0x0];
	_ =	sdelay $0x2  }
0x241: {  	v7 =	vmul.f32 v7, v5  }
0x242: {  	v6 =	vmul.f32 v6, v5  }
0x243: {  	v8 =	vmul.f32 v8, v5;
	v5 =	vmul.f32 v9, v5;
	v7 =	vadd.f32 v7, v4  }
0x244: {  	v6 =	vadd.f32 v6, v2  }
0x245: {  	v5 =	vadd.f32 v5, v1;
	v7 =	vmax.f32 v7, $0.0e+00  }
0x246: {  	v8 =	vadd.f32 v8, v3;
	v6 =	vmax.f32 v6, $0.0e+00;
	[tilespmem:s7+$0x10] =	vst v7  }
0x247: {  	v5 =	vmax.f32 v5, $0.0e+00;
	[tilespmem:s7+$0xFFFFFFE0] =	vst v6  }
0x248: {  	v7 =	vmax.f32 v8, $0.0e+00;
	[tilespmem:s7+$0x0] =	vst v5  }
0x249: {  	s11 =	rddreg [dreg:$0x8];
	s16 =	simm.s32 $0x40;
	[tilespmem:s7+$0xFFFFFFF0] =	vst v7  }
0x24a: {  	[hbm4b:s11+s16] =	stream.strided.scatter [tilespmem:s19], [sflag:$0xB], $0x13C0, s23, s16, $0x38;
	[tilespmem:$0x1E600] =	vst v63  }
0x24b: {  	_ =	swait.ge [sflag:s20], $0x13C0  }
0x24c: {  	[sflag:s20] =	ssyncset.done $0x0;
	s16 =	sld [smem:$0x7FC]  }
0x24d: {  	s7 =	rddreg [dreg:$0x15];
	[sflag:s20] =	ssyncadd.s32 $0xFFFFEC40  }
0x24e: {  	[tilespmem:s19], [sflag:$0xB] =	stream.linear.gather [spmem:s7], $0x13C0, $0x38;
	[tilespmem:$0x1E600] =	vst v63  }
0x24f: {  	s8 =	sadd.s32 $0x0, s16;
	_ =	swait.ge [sflag:s20], $0x13C0  }
0x250: {  	v5 =	vmov s8;
	[sflag:s20] =	ssyncset.done $0x0  }
0x251: {  	s6 =	simm.s32 $0xA020;
	[sflag:s20] =	ssyncadd.s32 $0xFFFFEC40  }
0x252: {  	v6 =	vld [tilespmem:s6+$0xFFFFFFF0]  }
0x253: {  	v7 =	vld [tilespmem:s6+$0x10]  }
0x254: {  	v8 =	vld [tilespmem:s6+$0xFFFFFFE0]  }
0x255: {  	v5 =	vld.idx.msk [tilespmem:v5+s5+$0x0], $0xffff  }
0x256: {  	v9 =	vld [tilespmem:s6+$0x0];
	_ =	sdelay $0x3  }
0x257: {  	v8 =	vmul.f32 v8, v5;
	v7 =	vmul.f32 v7, v5  }
0x258: {  	v6 =	vmul.f32 v6, v5;
	v5 =	vmul.f32 v9, v5  }
0x259: {  	v8 =	vadd.f32 v8, v2;
	v9 =	vadd.f32 v7, v4  }
0x25a: {  	s11 =	sadd.s32 $0x1, s16;
	v7 =	vadd.f32 v6, v3;
	v6 =	vadd.f32 v5, v1  }
0x25b: {  	s7 =	simm.s32 $0x2;
	s8 =	simm.s32 $0xA020;
	v5 =	vmov s11;
	v8 =	vmax.f32 v8, $0.0e+00;
	v9 =	vmax.f32 v9, $0.0e+00  }
.LBB2_17:
0x25c: {  	p2 =	sne.s32 s7, $0x4E  }
0x25d: {  	v7 =	vmax.f32 v7, $0.0e+00;
	v6 =	vmax.f32 v6, $0.0e+00;
	[tilespmem:s6+$0x10] =	vst v9;
	s8 =	sadd.s32 $0x40, s8;
	s11 =	smov.u32 s7;
	s7 =	sadd.s32 $0x1, s7  }
0x25e: {  	[tilespmem:s6+$0xFFFFFFE0] =	vst v8  }
0x25f: {  	v8 =	vld [tilespmem:s8+$0xFFFFFFF0];
	[tilespmem:s6+$0xFFFFFFF0] =	vst v7  }
0x260: {  	v7 =	vld [tilespmem:s8+$0x10];
	[tilespmem:s6+$0x0] =	vst v6;
	s6 =	smov.u32 s8  }
0x261: {  	v5 =	vld.idx.msk [tilespmem:v5+s5+$0x0], $0xffff  }
0x262: {  	v6 =	vld [tilespmem:s8+$0xFFFFFFE0]  }
0x263: {  	v9 =	vld [tilespmem:s8+$0x0];
	_ =	sdelay $0x3  }
.Ltmp10:
0x264: {  	v7 =	vmul.f32 v7, v5;
	v6 =	vmul.f32 v6, v5;
	(pc) =	sbr.rel @p2 .LBB2_17-.Ltmp10, $4  }
0x265: {  	v8 =	vmul.f32 v8, v5;
	v5 =	vmul.f32 v9, v5  }
0x266: {  	v10 =	vadd.f32 v7, v4;
	v9 =	vadd.f32 v6, v2  }
0x267: {  	s11 =	sadd.s32 s16, s11;
	v7 =	vadd.f32 v8, v3;
	v6 =	vadd.f32 v5, v1  }
0x268: {  	v5 =	vmov s11;
	v8 =	vmax.f32 v9, $0.0e+00;
	v9 =	vmax.f32 v10, $0.0e+00  }
0x269: {  	[tilespmem:s6+$0x10] =	vst v9  }
0x26a: {  	s7 =	sadd.s32 $0x40, s8;
	[tilespmem:s6+$0xFFFFFFE0] =	vst v8;
	v7 =	vmax.f32 v7, $0.0e+00  }
0x26b: {  	v6 =	vmax.f32 v6, $0.0e+00;
	v8 =	vld [tilespmem:s7+$0xFFFFFFF0];
	[tilespmem:s6+$0xFFFFFFF0] =	vst v7  }
0x26c: {  	v7 =	vld [tilespmem:s7+$0x10];
	[tilespmem:s6+$0x0] =	vst v6  }
0x26d: {  	v5 =	vld.idx.msk [tilespmem:v5+s5+$0x0], $0xffff  }
0x26e: {  	v6 =	vld [tilespmem:s7+$0xFFFFFFE0]  }
0x26f: {  	v9 =	vld [tilespmem:s7+$0x0];
	_ =	sdelay $0x2  }
0x270: {  	v7 =	vmul.f32 v7, v5  }
0x271: {  	v6 =	vmul.f32 v6, v5  }
0x272: {  	v8 =	vmul.f32 v8, v5;
	v5 =	vmul.f32 v9, v5;
	v7 =	vadd.f32 v7, v4  }
0x273: {  	v6 =	vadd.f32 v6, v2  }
0x274: {  	v5 =	vadd.f32 v5, v1;
	v7 =	vmax.f32 v7, $0.0e+00  }
0x275: {  	v8 =	vadd.f32 v8, v3;
	v6 =	vmax.f32 v6, $0.0e+00;
	[tilespmem:s7+$0x10] =	vst v7  }
0x276: {  	v5 =	vmax.f32 v5, $0.0e+00;
	[tilespmem:s7+$0xFFFFFFE0] =	vst v6  }
0x277: {  	v7 =	vmax.f32 v8, $0.0e+00;
	[tilespmem:s7+$0x0] =	vst v5  }
0x278: {  	s11 =	rddreg [dreg:$0x9];
	s16 =	simm.s32 $0x40;
	[tilespmem:s7+$0xFFFFFFF0] =	vst v7  }
0x279: {  	[hbm4b:s11+s16] =	stream.strided.scatter [tilespmem:s19], [sflag:$0xB], $0x13C0, s23, s16, $0x38;
	[tilespmem:$0x1E600] =	vst v63  }
0x27a: {  	_ =	swait.ge [sflag:s20], $0x13C0  }
0x27b: {  	[sflag:s20] =	ssyncset.done $0x0;
	s16 =	sld [smem:$0x7FD]  }
0x27c: {  	s7 =	rddreg [dreg:$0x16];
	[sflag:s20] =	ssyncadd.s32 $0xFFFFEC40  }
0x27d: {  	[tilespmem:s19], [sflag:$0xB] =	stream.linear.gather [spmem:s7], $0x13C0, $0x38;
	[tilespmem:$0x1E600] =	vst v63  }
0x27e: {  	s8 =	sadd.s32 $0x0, s16;
	_ =	swait.ge [sflag:s20], $0x13C0  }
0x27f: {  	v5 =	vmov s8;
	[sflag:s20] =	ssyncset.done $0x0  }
0x280: {  	s6 =	simm.s32 $0xA020;
	[sflag:s20] =	ssyncadd.s32 $0xFFFFEC40  }
0x281: {  	v6 =	vld [tilespmem:s6+$0xFFFFFFF0]  }
0x282: {  	v7 =	vld [tilespmem:s6+$0x10]  }
0x283: {  	v8 =	vld [tilespmem:s6+$0xFFFFFFE0]  }
0x284: {  	v5 =	vld.idx.msk [tilespmem:v5+s5+$0x0], $0xffff  }
0x285: {  	v9 =	vld [tilespmem:s6+$0x0];
	_ =	sdelay $0x3  }
0x286: {  	v8 =	vmul.f32 v8, v5;
	v7 =	vmul.f32 v7, v5  }
0x287: {  	v6 =	vmul.f32 v6, v5;
	v5 =	vmul.f32 v9, v5  }
0x288: {  	v8 =	vadd.f32 v8, v2;
	v9 =	vadd.f32 v7, v4  }
0x289: {  	s11 =	sadd.s32 $0x1, s16;
	v7 =	vadd.f32 v6, v3;
	v6 =	vadd.f32 v5, v1  }
0x28a: {  	s7 =	simm.s32 $0x2;
	s8 =	simm.s32 $0xA020;
	v5 =	vmov s11;
	v8 =	vmax.f32 v8, $0.0e+00;
	v9 =	vmax.f32 v9, $0.0e+00  }
.LBB2_19:
0x28b: {  	p2 =	sne.s32 s7, $0x4E  }
0x28c: {  	v7 =	vmax.f32 v7, $0.0e+00;
	v6 =	vmax.f32 v6, $0.0e+00;
	[tilespmem:s6+$0x10] =	vst v9;
	s8 =	sadd.s32 $0x40, s8;
	s11 =	smov.u32 s7;
	s7 =	sadd.s32 $0x1, s7  }
0x28d: {  	[tilespmem:s6+$0xFFFFFFE0] =	vst v8  }
0x28e: {  	v8 =	vld [tilespmem:s8+$0xFFFFFFF0];
	[tilespmem:s6+$0xFFFFFFF0] =	vst v7  }
0x28f: {  	v7 =	vld [tilespmem:s8+$0x10];
	[tilespmem:s6+$0x0] =	vst v6;
	s6 =	smov.u32 s8  }
0x290: {  	v5 =	vld.idx.msk [tilespmem:v5+s5+$0x0], $0xffff  }
0x291: {  	v6 =	vld [tilespmem:s8+$0xFFFFFFE0]  }
0x292: {  	v9 =	vld [tilespmem:s8+$0x0];
	_ =	sdelay $0x3  }
.Ltmp11:
0x293: {  	v7 =	vmul.f32 v7, v5;
	v6 =	vmul.f32 v6, v5;
	(pc) =	sbr.rel @p2 .LBB2_19-.Ltmp11, $4  }
0x294: {  	v8 =	vmul.f32 v8, v5;
	v5 =	vmul.f32 v9, v5  }
0x295: {  	v10 =	vadd.f32 v7, v4;
	v9 =	vadd.f32 v6, v2  }
0x296: {  	s11 =	sadd.s32 s16, s11;
	v7 =	vadd.f32 v8, v3;
	v6 =	vadd.f32 v5, v1  }
0x297: {  	v5 =	vmov s11;
	v8 =	vmax.f32 v9, $0.0e+00;
	v9 =	vmax.f32 v10, $0.0e+00  }
0x298: {  	[tilespmem:s6+$0x10] =	vst v9  }
0x299: {  	s7 =	sadd.s32 $0x40, s8;
	[tilespmem:s6+$0xFFFFFFE0] =	vst v8;
	v7 =	vmax.f32 v7, $0.0e+00  }
0x29a: {  	v6 =	vmax.f32 v6, $0.0e+00;
	v8 =	vld [tilespmem:s7+$0xFFFFFFF0];
	[tilespmem:s6+$0xFFFFFFF0] =	vst v7  }
0x29b: {  	v7 =	vld [tilespmem:s7+$0x10];
	[tilespmem:s6+$0x0] =	vst v6  }
0x29c: {  	v5 =	vld.idx.msk [tilespmem:v5+s5+$0x0], $0xffff  }
0x29d: {  	v6 =	vld [tilespmem:s7+$0xFFFFFFE0]  }
0x29e: {  	v9 =	vld [tilespmem:s7+$0x0];
	_ =	sdelay $0x2  }
0x29f: {  	v7 =	vmul.f32 v7, v5  }
0x2a0: {  	v6 =	vmul.f32 v6, v5  }
0x2a1: {  	v8 =	vmul.f32 v8, v5;
	v5 =	vmul.f32 v9, v5;
	v7 =	vadd.f32 v7, v4  }
0x2a2: {  	v6 =	vadd.f32 v6, v2  }
0x2a3: {  	v5 =	vadd.f32 v5, v1;
	v7 =	vmax.f32 v7, $0.0e+00  }
0x2a4: {  	v8 =	vadd.f32 v8, v3;
	v6 =	vmax.f32 v6, $0.0e+00;
	[tilespmem:s7+$0x10] =	vst v7  }
0x2a5: {  	v5 =	vmax.f32 v5, $0.0e+00;
	[tilespmem:s7+$0xFFFFFFE0] =	vst v6  }
0x2a6: {  	v7 =	vmax.f32 v8, $0.0e+00;
	[tilespmem:s7+$0x0] =	vst v5  }
0x2a7: {  	s11 =	rddreg [dreg:$0xa];
	s16 =	simm.s32 $0x40;
	[tilespmem:s7+$0xFFFFFFF0] =	vst v7  }
0x2a8: {  	[hbm4b:s11+s16] =	stream.strided.scatter [tilespmem:s19], [sflag:$0xB], $0x13C0, s23, s16, $0x38;
	[tilespmem:$0x1E600] =	vst v63  }
0x2a9: {  	_ =	swait.ge [sflag:s20], $0x13C0  }
0x2aa: {  	[sflag:s20] =	ssyncset.done $0x0  }
0x2ab: {  	s11 =	sadd.s32 $0x0, s9;
	s8 =	rddreg [dreg:$0x17];
	[sflag:s20] =	ssyncadd.s32 $0xFFFFEC40  }
0x2ac: {  	[tilespmem:s19], [sflag:$0xB] =	stream.linear.gather [spmem:s8], $0x13C0, $0x38;
	[tilespmem:$0x1E600] =	vst v63  }
0x2ad: {  	v5 =	vmov s11;
	_ =	swait.ge [sflag:s20], $0x13C0  }
0x2ae: {  	[sflag:s20] =	ssyncset.done $0x0  }
0x2af: {  	s6 =	simm.s32 $0xA020;
	[sflag:s20] =	ssyncadd.s32 $0xFFFFEC40  }
0x2b0: {  	v6 =	vld [tilespmem:s6+$0xFFFFFFF0]  }
0x2b1: {  	v7 =	vld [tilespmem:s6+$0x10]  }
0x2b2: {  	v5 =	vld.idx.msk [tilespmem:v5+s5+$0x0], $0xffff  }
0x2b3: {  	v8 =	vld [tilespmem:s6+$0xFFFFFFE0]  }
0x2b4: {  	v9 =	vld [tilespmem:s6+$0x0];
	_ =	sdelay $0x3  }
0x2b5: {  	v8 =	vmul.f32 v8, v5;
	v7 =	vmul.f32 v7, v5  }
0x2b6: {  	v6 =	vmul.f32 v6, v5;
	v5 =	vmul.f32 v9, v5  }
0x2b7: {  	v8 =	vadd.f32 v8, v2;
	v9 =	vadd.f32 v7, v4  }
0x2b8: {  	s16 =	sadd.s32 $0x1, s9;
	v7 =	vadd.f32 v6, v3;
	v6 =	vadd.f32 v5, v1  }
0x2b9: {  	s7 =	simm.s32 $0x2;
	s8 =	simm.s32 $0xA020;
	v5 =	vmov s16;
	v8 =	vmax.f32 v8, $0.0e+00;
	v9 =	vmax.f32 v9, $0.0e+00  }
.LBB2_21:
0x2ba: {  	p2 =	sne.s32 s7, $0x4E  }
0x2bb: {  	v7 =	vmax.f32 v7, $0.0e+00;
	v6 =	vmax.f32 v6, $0.0e+00;
	[tilespmem:s6+$0x10] =	vst v9;
	s8 =	sadd.s32 $0x40, s8;
	s11 =	smov.u32 s7;
	s7 =	sadd.s32 $0x1, s7  }
0x2bc: {  	[tilespmem:s6+$0xFFFFFFE0] =	vst v8  }
0x2bd: {  	v8 =	vld [tilespmem:s8+$0xFFFFFFF0];
	[tilespmem:s6+$0xFFFFFFF0] =	vst v7  }
0x2be: {  	v7 =	vld [tilespmem:s8+$0x10];
	[tilespmem:s6+$0x0] =	vst v6;
	s6 =	smov.u32 s8  }
0x2bf: {  	v5 =	vld.idx.msk [tilespmem:v5+s5+$0x0], $0xffff  }
0x2c0: {  	v6 =	vld [tilespmem:s8+$0xFFFFFFE0]  }
0x2c1: {  	v9 =	vld [tilespmem:s8+$0x0];
	_ =	sdelay $0x3  }
.Ltmp12:
0x2c2: {  	v7 =	vmul.f32 v7, v5;
	v6 =	vmul.f32 v6, v5;
	(pc) =	sbr.rel @p2 .LBB2_21-.Ltmp12, $4  }
0x2c3: {  	v8 =	vmul.f32 v8, v5;
	v5 =	vmul.f32 v9, v5  }
0x2c4: {  	v10 =	vadd.f32 v7, v4;
	v9 =	vadd.f32 v6, v2  }
0x2c5: {  	s11 =	sadd.s32 s9, s11;
	v7 =	vadd.f32 v8, v3;
	v6 =	vadd.f32 v5, v1  }
0x2c6: {  	v5 =	vmov s11;
	v8 =	vmax.f32 v9, $0.0e+00;
	v9 =	vmax.f32 v10, $0.0e+00  }
0x2c7: {  	[tilespmem:s6+$0x10] =	vst v9  }
0x2c8: {  	s7 =	sadd.s32 $0x40, s8;
	[tilespmem:s6+$0xFFFFFFE0] =	vst v8;
	v7 =	vmax.f32 v7, $0.0e+00  }
0x2c9: {  	v6 =	vmax.f32 v6, $0.0e+00;
	v8 =	vld [tilespmem:s7+$0xFFFFFFF0];
	[tilespmem:s6+$0xFFFFFFF0] =	vst v7  }
0x2ca: {  	v7 =	vld [tilespmem:s7+$0x10];
	[tilespmem:s6+$0x0] =	vst v6  }
0x2cb: {  	v5 =	vld.idx.msk [tilespmem:v5+s5+$0x0], $0xffff  }
0x2cc: {  	v6 =	vld [tilespmem:s7+$0xFFFFFFE0]  }
0x2cd: {  	v9 =	vld [tilespmem:s7+$0x0];
	_ =	sdelay $0x2  }
0x2ce: {  	v7 =	vmul.f32 v7, v5  }
0x2cf: {  	v6 =	vmul.f32 v6, v5  }
0x2d0: {  	v8 =	vmul.f32 v8, v5;
	v5 =	vmul.f32 v9, v5;
	v7 =	vadd.f32 v7, v4  }
0x2d1: {  	v6 =	vadd.f32 v6, v2  }
0x2d2: {  	v5 =	vadd.f32 v5, v1;
	v7 =	vmax.f32 v7, $0.0e+00  }
0x2d3: {  	v8 =	vadd.f32 v8, v3;
	v6 =	vmax.f32 v6, $0.0e+00;
	[tilespmem:s7+$0x10] =	vst v7  }
0x2d4: {  	v5 =	vmax.f32 v5, $0.0e+00;
	[tilespmem:s7+$0xFFFFFFE0] =	vst v6  }
0x2d5: {  	v7 =	vmax.f32 v8, $0.0e+00;
	[tilespmem:s7+$0x0] =	vst v5  }
0x2d6: {  	s11 =	rddreg [dreg:$0xb];
	s16 =	simm.s32 $0x40;
	[tilespmem:s7+$0xFFFFFFF0] =	vst v7  }
0x2d7: {  	[hbm4b:s11+s16] =	stream.strided.scatter [tilespmem:s19], [sflag:$0xB], $0x13C0, s23, s16, $0x38;
	[tilespmem:$0x1E600] =	vst v63  }
0x2d8: {  	_ =	swait.ge [sflag:s20], $0x13C0  }
0x2d9: {  	[sflag:s20] =	ssyncset.done $0x0  }
0x2da: {  	s11 =	sadd.s32 $0x0, s10;
	s8 =	rddreg [dreg:$0x18];
	[sflag:s20] =	ssyncadd.s32 $0xFFFFEC40  }
0x2db: {  	[tilespmem:s19], [sflag:$0xB] =	stream.linear.gather [spmem:s8], $0x13C0, $0x38;
	[tilespmem:$0x1E600] =	vst v63  }
0x2dc: {  	v5 =	vmov s11;
	_ =	swait.ge [sflag:s20], $0x13C0  }
0x2dd: {  	[sflag:s20] =	ssyncset.done $0x0  }
0x2de: {  	s6 =	simm.s32 $0xA020;
	[sflag:s20] =	ssyncadd.s32 $0xFFFFEC40  }
0x2df: {  	v6 =	vld [tilespmem:s6+$0xFFFFFFF0]  }
0x2e0: {  	v7 =	vld [tilespmem:s6+$0x10]  }
0x2e1: {  	v5 =	vld.idx.msk [tilespmem:v5+s5+$0x0], $0xffff  }
0x2e2: {  	v8 =	vld [tilespmem:s6+$0xFFFFFFE0]  }
0x2e3: {  	v9 =	vld [tilespmem:s6+$0x0];
	_ =	sdelay $0x3  }
0x2e4: {  	v8 =	vmul.f32 v8, v5;
	v7 =	vmul.f32 v7, v5  }
0x2e5: {  	v6 =	vmul.f32 v6, v5;
	v5 =	vmul.f32 v9, v5  }
0x2e6: {  	v8 =	vadd.f32 v8, v2;
	v9 =	vadd.f32 v7, v4  }
0x2e7: {  	s16 =	sadd.s32 $0x1, s10;
	v7 =	vadd.f32 v6, v3;
	v6 =	vadd.f32 v5, v1  }
0x2e8: {  	s7 =	simm.s32 $0x2;
	s8 =	simm.s32 $0xA020;
	v5 =	vmov s16;
	v8 =	vmax.f32 v8, $0.0e+00;
	v9 =	vmax.f32 v9, $0.0e+00  }
.LBB2_23:
0x2e9: {  	p2 =	sne.s32 s7, $0x4E  }
0x2ea: {  	v7 =	vmax.f32 v7, $0.0e+00;
	v6 =	vmax.f32 v6, $0.0e+00;
	[tilespmem:s6+$0x10] =	vst v9;
	s8 =	sadd.s32 $0x40, s8;
	s11 =	smov.u32 s7;
	s7 =	sadd.s32 $0x1, s7  }
0x2eb: {  	[tilespmem:s6+$0xFFFFFFE0] =	vst v8  }
0x2ec: {  	v8 =	vld [tilespmem:s8+$0xFFFFFFF0];
	[tilespmem:s6+$0xFFFFFFF0] =	vst v7  }
0x2ed: {  	v7 =	vld [tilespmem:s8+$0x10];
	[tilespmem:s6+$0x0] =	vst v6;
	s6 =	smov.u32 s8  }
0x2ee: {  	v5 =	vld.idx.msk [tilespmem:v5+s5+$0x0], $0xffff  }
0x2ef: {  	v6 =	vld [tilespmem:s8+$0xFFFFFFE0]  }
0x2f0: {  	v9 =	vld [tilespmem:s8+$0x0];
	_ =	sdelay $0x3  }
.Ltmp13:
0x2f1: {  	v7 =	vmul.f32 v7, v5;
	v6 =	vmul.f32 v6, v5;
	(pc) =	sbr.rel @p2 .LBB2_23-.Ltmp13, $4  }
0x2f2: {  	v8 =	vmul.f32 v8, v5;
	v5 =	vmul.f32 v9, v5  }
0x2f3: {  	v10 =	vadd.f32 v7, v4;
	v9 =	vadd.f32 v6, v2  }
0x2f4: {  	s11 =	sadd.s32 s10, s11;
	v7 =	vadd.f32 v8, v3;
	v6 =	vadd.f32 v5, v1  }
0x2f5: {  	v5 =	vmov s11;
	v8 =	vmax.f32 v9, $0.0e+00;
	v9 =	vmax.f32 v10, $0.0e+00  }
0x2f6: {  	[tilespmem:s6+$0x10] =	vst v9  }
0x2f7: {  	s7 =	sadd.s32 $0x40, s8;
	[tilespmem:s6+$0xFFFFFFE0] =	vst v8;
	v7 =	vmax.f32 v7, $0.0e+00  }
0x2f8: {  	v6 =	vmax.f32 v6, $0.0e+00;
	v8 =	vld [tilespmem:s7+$0xFFFFFFF0];
	[tilespmem:s6+$0xFFFFFFF0] =	vst v7  }
0x2f9: {  	v7 =	vld [tilespmem:s7+$0x10];
	[tilespmem:s6+$0x0] =	vst v6  }
0x2fa: {  	v5 =	vld.idx.msk [tilespmem:v5+s5+$0x0], $0xffff  }
0x2fb: {  	v6 =	vld [tilespmem:s7+$0xFFFFFFE0]  }
0x2fc: {  	v9 =	vld [tilespmem:s7+$0x0];
	_ =	sdelay $0x2  }
0x2fd: {  	v7 =	vmul.f32 v7, v5  }
0x2fe: {  	v6 =	vmul.f32 v6, v5  }
0x2ff: {  	v8 =	vmul.f32 v8, v5;
	v5 =	vmul.f32 v9, v5;
	v7 =	vadd.f32 v7, v4  }
0x300: {  	v6 =	vadd.f32 v6, v2  }
0x301: {  	v5 =	vadd.f32 v5, v1;
	v7 =	vmax.f32 v7, $0.0e+00  }
0x302: {  	v8 =	vadd.f32 v8, v3;
	v6 =	vmax.f32 v6, $0.0e+00;
	[tilespmem:s7+$0x10] =	vst v7  }
0x303: {  	v5 =	vmax.f32 v5, $0.0e+00;
	[tilespmem:s7+$0xFFFFFFE0] =	vst v6  }
0x304: {  	v7 =	vmax.f32 v8, $0.0e+00;
	[tilespmem:s7+$0x0] =	vst v5  }
0x305: {  	s11 =	rddreg [dreg:$0xc];
	s16 =	simm.s32 $0x40;
	[tilespmem:s7+$0xFFFFFFF0] =	vst v7  }
0x306: {  	[hbm4b:s11+s16] =	stream.strided.scatter [tilespmem:s19], [sflag:$0xB], $0x13C0, s23, s16, $0x38;
	[tilespmem:$0x1E600] =	vst v63  }
0x307: {  	_ =	swait.ge [sflag:s20], $0x13C0  }
0x308: {  	[sflag:s20] =	ssyncset.done $0x0  }
0x309: {  	s11 =	sadd.s32 $0x0, s17;
	s8 =	rddreg [dreg:$0x19];
	[sflag:s20] =	ssyncadd.s32 $0xFFFFEC40  }
0x30a: {  	[tilespmem:s19], [sflag:$0xB] =	stream.linear.gather [spmem:s8], $0x13C0, $0x38;
	[tilespmem:$0x1E600] =	vst v63  }
0x30b: {  	v5 =	vmov s11;
	_ =	swait.ge [sflag:s20], $0x13C0  }
0x30c: {  	[sflag:s20] =	ssyncset.done $0x0  }
0x30d: {  	s6 =	simm.s32 $0xA020;
	[sflag:s20] =	ssyncadd.s32 $0xFFFFEC40  }
0x30e: {  	v6 =	vld [tilespmem:s6+$0xFFFFFFF0]  }
0x30f: {  	v7 =	vld [tilespmem:s6+$0x10]  }
0x310: {  	v5 =	vld.idx.msk [tilespmem:v5+s5+$0x0], $0xffff  }
0x311: {  	v8 =	vld [tilespmem:s6+$0xFFFFFFE0]  }
0x312: {  	v9 =	vld [tilespmem:s6+$0x0];
	_ =	sdelay $0x3  }
0x313: {  	v8 =	vmul.f32 v8, v5;
	v7 =	vmul.f32 v7, v5  }
0x314: {  	v6 =	vmul.f32 v6, v5;
	v5 =	vmul.f32 v9, v5  }
0x315: {  	v8 =	vadd.f32 v8, v2;
	v9 =	vadd.f32 v7, v4  }
0x316: {  	s16 =	sadd.s32 $0x1, s17;
	v7 =	vadd.f32 v6, v3;
	v6 =	vadd.f32 v5, v1  }
0x317: {  	s7 =	simm.s32 $0x2;
	s8 =	simm.s32 $0xA020;
	v5 =	vmov s16;
	v8 =	vmax.f32 v8, $0.0e+00;
	v9 =	vmax.f32 v9, $0.0e+00  }
.LBB2_25:
0x318: {  	p2 =	sne.s32 s7, $0x4E  }
0x319: {  	v7 =	vmax.f32 v7, $0.0e+00;
	v6 =	vmax.f32 v6, $0.0e+00;
	[tilespmem:s6+$0x10] =	vst v9;
	s8 =	sadd.s32 $0x40, s8;
	s11 =	smov.u32 s7;
	s7 =	sadd.s32 $0x1, s7  }
0x31a: {  	[tilespmem:s6+$0xFFFFFFE0] =	vst v8  }
0x31b: {  	v8 =	vld [tilespmem:s8+$0xFFFFFFF0];
	[tilespmem:s6+$0xFFFFFFF0] =	vst v7  }
0x31c: {  	v7 =	vld [tilespmem:s8+$0x10];
	[tilespmem:s6+$0x0] =	vst v6;
	s6 =	smov.u32 s8  }
0x31d: {  	v5 =	vld.idx.msk [tilespmem:v5+s5+$0x0], $0xffff  }
0x31e: {  	v6 =	vld [tilespmem:s8+$0xFFFFFFE0]  }
0x31f: {  	v9 =	vld [tilespmem:s8+$0x0];
	_ =	sdelay $0x3  }
.Ltmp14:
0x320: {  	v7 =	vmul.f32 v7, v5;
	v6 =	vmul.f32 v6, v5;
	(pc) =	sbr.rel @p2 .LBB2_25-.Ltmp14, $4  }
0x321: {  	v8 =	vmul.f32 v8, v5;
	v5 =	vmul.f32 v9, v5  }
0x322: {  	v10 =	vadd.f32 v7, v4;
	v9 =	vadd.f32 v6, v2  }
0x323: {  	s11 =	sadd.s32 s17, s11;
	v7 =	vadd.f32 v8, v3;
	v6 =	vadd.f32 v5, v1  }
0x324: {  	v5 =	vmov s11;
	v8 =	vmax.f32 v9, $0.0e+00;
	v9 =	vmax.f32 v10, $0.0e+00  }
0x325: {  	[tilespmem:s6+$0x10] =	vst v9  }
0x326: {  	s7 =	sadd.s32 $0x40, s8;
	[tilespmem:s6+$0xFFFFFFE0] =	vst v8;
	v7 =	vmax.f32 v7, $0.0e+00  }
0x327: {  	v6 =	vmax.f32 v6, $0.0e+00;
	v8 =	vld [tilespmem:s7+$0xFFFFFFF0];
	[tilespmem:s6+$0xFFFFFFF0] =	vst v7  }
0x328: {  	v7 =	vld [tilespmem:s7+$0x10];
	[tilespmem:s6+$0x0] =	vst v6  }
0x329: {  	v5 =	vld.idx.msk [tilespmem:v5+s5+$0x0], $0xffff  }
0x32a: {  	v6 =	vld [tilespmem:s7+$0xFFFFFFE0]  }
0x32b: {  	v9 =	vld [tilespmem:s7+$0x0];
	_ =	sdelay $0x2  }
0x32c: {  	v7 =	vmul.f32 v7, v5  }
0x32d: {  	v6 =	vmul.f32 v6, v5  }
0x32e: {  	v8 =	vmul.f32 v8, v5;
	v5 =	vmul.f32 v9, v5;
	v7 =	vadd.f32 v7, v4  }
0x32f: {  	v6 =	vadd.f32 v6, v2  }
0x330: {  	v5 =	vadd.f32 v5, v1;
	v7 =	vmax.f32 v7, $0.0e+00  }
0x331: {  	v8 =	vadd.f32 v8, v3;
	v6 =	vmax.f32 v6, $0.0e+00;
	[tilespmem:s7+$0x10] =	vst v7  }
0x332: {  	v5 =	vmax.f32 v5, $0.0e+00;
	[tilespmem:s7+$0xFFFFFFE0] =	vst v6  }
0x333: {  	s8 =	simm.s32 @!p4 $0xA000;
	v7 =	vmax.f32 v8, $0.0e+00;
	[tilespmem:s7+$0x0] =	vst v5  }
0x334: {  	s11 =	rddreg [dreg:$0x1c];
	s6 =	simm.s32 @!p4 $0x40;
	[tilespmem:s7+$0xFFFFFFF0] =	vst v7;
	s7 =	simm.s32 @!p4 $0x80  }
0x335: {  	[hbm4b:s11+s6] =	stream.strided.scatter @!p4 [tilespmem:s8], [sflag:$0xB], $0xB80, s7, s6, $0x38;
	[tilespmem:$0x1E600] =	vst v63  }
0x336: {  	s6 =	simm.s32 @!p4 $0xB  }
0x337: {  	_ =	swait.ge @!p4 [sflag:s6], $0xB80  }
0x338: {  	s7 =	simm.s32 @!p5 $0x80;
	s8 =	simm.s32 @!p5 $0xA000;
	[sflag:s6] =	ssyncset.done @!p4 $0x0  }
0x339: {  	s11 =	rddreg [dreg:$0x1d];
	[sflag:s6] =	ssyncadd.s32 @!p4 $0xFFFFF480;
	s6 =	simm.s32 @!p5 $0x40  }
0x33a: {  	[hbm4b:s11+s6] =	stream.strided.scatter @!p5 [tilespmem:s8], [sflag:$0xB], $0xB80, s7, s6, $0x38;
	[tilespmem:$0x1E600] =	vst v63  }
0x33b: {  	s6 =	simm.s32 @!p5 $0xB  }
0x33c: {  	_ =	swait.ge @!p5 [sflag:s6], $0xB80  }
0x33d: {  	s7 =	simm.s32 @!p6 $0x80;
	s8 =	simm.s32 @!p6 $0xA000;
	[sflag:s6] =	ssyncset.done @!p5 $0x0  }
0x33e: {  	s11 =	rddreg [dreg:$0x5];
	[sflag:s6] =	ssyncadd.s32 @!p5 $0xFFFFF480;
	s6 =	simm.s32 @!p6 $0x40  }
0x33f: {  	[hbm4b:s11+s6] =	stream.strided.scatter @!p6 [tilespmem:s8], [sflag:$0xB], $0x13C0, s7, s6, $0x38;
	[tilespmem:$0x1E600] =	vst v63  }
0x340: {  	s6 =	simm.s32 @!p6 $0xB  }
0x341: {  	_ =	swait.ge @!p6 [sflag:s6], $0x13C0  }
0x342: {  	s7 =	simm.s32 @!p1 $0x80;
	s8 =	simm.s32 @!p1 $0xA000;
	[sflag:s6] =	ssyncset.done @!p6 $0x0  }
0x343: {  	s11 =	rddreg [dreg:$0x1a];
	[sflag:s6] =	ssyncadd.s32 @!p6 $0xFFFFEC40;
	s6 =	simm.s32 @!p1 $0x40  }
0x344: {  	[hbm4b:s11+s6] =	stream.strided.scatter @!p1 [tilespmem:s8], [sflag:$0xB], $0x13C0, s7, s6, $0x38;
	[tilespmem:$0x1E600] =	vst v63  }
0x345: {  	s6 =	simm.s32 @!p1 $0xB  }
0x346: {  	_ =	swait.ge @!p1 [sflag:s6], $0x13C0  }
0x347: {  	[sflag:s6] =	ssyncset.done @!p1 $0x0  }
0x348: {  	s11 =	sadd.s32 $0x0, s18;
	s8 =	rddreg [dreg:$0x1e];
	[sflag:s6] =	ssyncadd.s32 @!p1 $0xFFFFEC40  }
0x349: {  	[tilespmem:s19], [sflag:$0xB] =	stream.linear.gather [spmem:s8], $0x13C0, $0x38;
	[tilespmem:$0x1E600] =	vst v63  }
0x34a: {  	v5 =	vmov s11;
	_ =	swait.ge [sflag:s20], $0x13C0  }
0x34b: {  	[sflag:s20] =	ssyncset.done $0x0  }
0x34c: {  	s6 =	simm.s32 $0xA020;
	[sflag:s20] =	ssyncadd.s32 $0xFFFFEC40  }
0x34d: {  	v6 =	vld [tilespmem:s6+$0xFFFFFFF0]  }
0x34e: {  	v7 =	vld [tilespmem:s6+$0x10]  }
0x34f: {  	v5 =	vld.idx.msk [tilespmem:v5+s5+$0x0], $0xffff  }
0x350: {  	v8 =	vld [tilespmem:s6+$0xFFFFFFE0]  }
0x351: {  	v9 =	vld [tilespmem:s6+$0x0];
	_ =	sdelay $0x3  }
0x352: {  	v8 =	vmul.f32 v8, v5;
	v7 =	vmul.f32 v7, v5  }
0x353: {  	v6 =	vmul.f32 v6, v5;
	v5 =	vmul.f32 v9, v5  }
0x354: {  	v8 =	vadd.f32 v8, v2;
	v9 =	vadd.f32 v7, v4  }
0x355: {  	s16 =	sadd.s32 $0x1, s18;
	v7 =	vadd.f32 v6, v3;
	v6 =	vadd.f32 v5, v1  }
0x356: {  	s7 =	simm.s32 $0x2;
	s8 =	simm.s32 $0xA020;
	v5 =	vmov s16;
	v8 =	vmax.f32 v8, $0.0e+00;
	v9 =	vmax.f32 v9, $0.0e+00  }
.LBB2_27:
0x357: {  	p2 =	sne.s32 s7, $0x4E  }
0x358: {  	v7 =	vmax.f32 v7, $0.0e+00;
	v6 =	vmax.f32 v6, $0.0e+00;
	[tilespmem:s6+$0x10] =	vst v9;
	s8 =	sadd.s32 $0x40, s8;
	s11 =	smov.u32 s7;
	s7 =	sadd.s32 $0x1, s7  }
0x359: {  	[tilespmem:s6+$0xFFFFFFE0] =	vst v8  }
0x35a: {  	v8 =	vld [tilespmem:s8+$0xFFFFFFF0];
	[tilespmem:s6+$0xFFFFFFF0] =	vst v7  }
0x35b: {  	v7 =	vld [tilespmem:s8+$0x10];
	[tilespmem:s6+$0x0] =	vst v6;
	s6 =	smov.u32 s8  }
0x35c: {  	v5 =	vld.idx.msk [tilespmem:v5+s5+$0x0], $0xffff  }
0x35d: {  	v6 =	vld [tilespmem:s8+$0xFFFFFFE0]  }
0x35e: {  	v9 =	vld [tilespmem:s8+$0x0];
	_ =	sdelay $0x3  }
.Ltmp15:
0x35f: {  	v7 =	vmul.f32 v7, v5;
	v6 =	vmul.f32 v6, v5;
	(pc) =	sbr.rel @p2 .LBB2_27-.Ltmp15, $4  }
0x360: {  	v8 =	vmul.f32 v8, v5;
	v5 =	vmul.f32 v9, v5  }
0x361: {  	v10 =	vadd.f32 v7, v4;
	v9 =	vadd.f32 v6, v2  }
0x362: {  	s11 =	sadd.s32 s18, s11;
	v7 =	vadd.f32 v8, v3;
	v6 =	vadd.f32 v5, v1  }
0x363: {  	v5 =	vmov s11;
	v8 =	vmax.f32 v9, $0.0e+00;
	v9 =	vmax.f32 v10, $0.0e+00  }
0x364: {  	[tilespmem:s6+$0x10] =	vst v9  }
0x365: {  	s7 =	sadd.s32 $0x40, s8;
	[tilespmem:s6+$0xFFFFFFE0] =	vst v8;
	v7 =	vmax.f32 v7, $0.0e+00  }
0x366: {  	v6 =	vmax.f32 v6, $0.0e+00;
	v8 =	vld [tilespmem:s7+$0xFFFFFFF0];
	[tilespmem:s6+$0xFFFFFFF0] =	vst v7  }
0x367: {  	v7 =	vld [tilespmem:s7+$0x10];
	[tilespmem:s6+$0x0] =	vst v6  }
0x368: {  	v5 =	vld.idx.msk [tilespmem:v5+s5+$0x0], $0xffff  }
0x369: {  	v6 =	vld [tilespmem:s7+$0xFFFFFFE0];
	_ =	sdelay $0x1  }
0x36a: {  	v9 =	vld [tilespmem:s7+$0x0];
	_ =	sdelay $0x1  }
0x36b: {  	v7 =	vmul.f32 v7, v5  }
0x36c: {  	v6 =	vmul.f32 v6, v5  }
0x36d: {  	v8 =	vmul.f32 v8, v5;
	v4 =	vadd.f32 v7, v4  }
0x36e: {  	v5 =	vmul.f32 v9, v5;
	v2 =	vadd.f32 v6, v2  }
.Ltmp16:
0x36f: {  	v3 =	vadd.f32 v8, v3;
	v4 =	vmax.f32 v4, $0.0e+00;
	(pc) =	sbr.rel @p0 .LBB2_33-.Ltmp16, $4  }
0x370: {  	v1 =	vadd.f32 v5, v1;
	v2 =	vmax.f32 v2, $0.0e+00;
	[tilespmem:s7+$0x10] =	vst v4  }
0x371: {  	s8 =	sld [smem:$0x7F4];
	v3 =	vmax.f32 v3, $0.0e+00;
	[tilespmem:s7+$0xFFFFFFE0] =	vst v2  }
0x372: {  	v1 =	vmax.f32 v1, $0.0e+00;
	[tilespmem:s7+$0xFFFFFFF0] =	vst v3  }
0x373: {  	s11 =	simm.s32 $0x5000;
	[tilespmem:s7+$0x0] =	vst v1  }
.Ltmp17:
0x374: {  	(pc) =	sbr.rel @p3 .LBB2_31-.Ltmp17, $1  }
0x375: {  	_ =	sdelay $0x3  }
0x376: {  	s6 =	rddreg [dreg:$0x1b];
	s7 =	simm.s32 $0x40  }
0x377: {  	[hbm4b:s6+s7] =	stream.strided.scatter [tilespmem:s19], [sflag:$0xB], $0x13C0, s23, s7, $0x38;
	[tilespmem:$0x1E600] =	vst v63  }
0x378: {  	_ =	swait.ge [sflag:s20], $0x13C0  }
0x379: {  	s16 =	sld [smem:$0x7F5];
	_ =	sdelay $0x2  }
0x37a: {  	p2 =	seq.s32 s16, $0x1  }
.Ltmp18:
0x37b: {  	_ = 	snop;
	(pc) =	sbr.rel @p2 .LBB2_32-.Ltmp18, $4  }
.Ltmp19:
0x37c: {  	_ = 	snop;
	(pc) =	sbr.rel @!p2 .LBB2_33-.Ltmp19, $4  }
0x37d: {  	_ = 	snop  }
0x37e: {  	[sflag:s20] =	ssyncset.done $0x0;
	s8 =	sld [smem:$0x7F4]  }
0x37f: {  	[sflag:s20] =	ssyncadd.s32 $0xFFFFEC40  }
0x380: {  	_ = 	snop  }
.LBB2_31:
0x381: {  	s6 =	rddreg [dreg:$0x6];
	s7 =	simm.s32 $0x40  }
0x382: {  	[hbm4b:s6+s7] =	stream.strided.scatter [tilespmem:s19], [sflag:$0xB], $0x13C0, s23, s7, $0x38;
	[tilespmem:$0x1E600] =	vst v63  }
0x383: {  	_ =	swait.ge [sflag:s20], $0x13C0  }
0x384: {  	s16 =	sld [smem:$0x7F6];
	_ =	sdelay $0x2  }
0x385: {  	p2 =	seq.s32 s16, $0x1  }
.Ltmp20:
0x386: {  	_ = 	snop;
	(pc) =	sbr.rel @p2 .LBB2_33-.Ltmp20, $4  }
.Ltmp21:
0x387: {  	_ = 	snop;
	(pc) =	sbr.rel @!p2 .LBB2_32-.Ltmp21, $4  }
0x388: {  	_ = 	snop  }
0x389: {  	[sflag:s20] =	ssyncset.done $0x0;
	s8 =	sld [smem:$0x7F4]  }
0x38a: {  	[sflag:s20] =	ssyncadd.s32 $0xFFFFEC40  }
0x38b: {  	_ = 	snop  }
.LBB2_34:
0x38c: {  	_ =	sfence.sel $0x180000  }
0x38d: {  	[bflag:$0x0] =	sbarrier.arrive $0xFFFF  }
0x38e: {  	_ =	strace $0x9000004A  }
0x38f: {  	s0 =	stileid.u32;
	[bflag:$0x2] =	sbarrier.arrive $0xFFFF  }
0x390: {  	p0 =	sne.s32 s0, $0x0;
	s0 =	rddreg [dreg:$0x4]  }
0x391: {  	s0 =	sadd.s32 @!p0 $0x100000, s0  }
0x392: {  	[sflag:s0] =	ssyncadd.tile.s32 @!p0 $0x1;
	_ =	shalt  }
.Lfunc_end2:
_tile_overlayer_lowered:
.L_overlay_start_2:
0x393: {  	(tag) =	ssettag $0x2  }
0x394: {  	s0 =	rddreg [dreg:$0x0];
	s2 =	stileid.u32  }
0x395: {  	s1 =	rddreg [dreg:$0x1];
	p0 =	sne.s32 s2, $0x0  }
0x396: {  	s3 =	rddreg [dreg:$0x2];
	[bflag:$0x3] =	sbarrier.arrive $0xFFFF;
	s2 =	simm.s32 @!p0 $0x1C0B  }
0x397: {  	[timem:s3], [sflag:s2] =	dma.local @!p0 [hbm:s0], s1  }
0x398: {  	s0 =	simm.s32 @!p0 $0xB  }
0x399: {  	_ =	swait.ge @!p0 [sflag:s0], s1  }
0x39a: {  	s1 =	ssub.s32 @!p0 $0x0, s1;
	[sflag:s0] =	ssyncset.done @!p0 $0x0  }
0x39b: {  	[sflag:s0] =	ssyncadd.s32 @!p0 s1  }
0x39c: {  	[bflag:$0x3] =	sbarrier.arrive $0xFFFF  }
0x39d: {  	_ =	shalt  }

</sc_bundles>
